<compile_context>
chip_gen: v7x
topology: tpu7x:2x2x1
jax: 0.10.2.dev20260603
libtpu: 0.0.44.dev20260713+nightly
codegen_flags: <defaults>
</compile_context>

<pallas_src>
import functools

import jax
import jax.numpy as jnp
from jax import lax
from jax.experimental import pallas as pl
from jax.experimental.pallas import tpu as pltpu
from jax.experimental.pallas import tpu_sc as plsc

_N = 10000
_E = 160000
_NP = 10240
_G = 80
_EP = 163840
_EF = _EP + _NP
_ER = _EP // _G
_EFR = _EF // _G
_RPT = _ER // 16
_FRPT = _EFR // 16
_NT = _NP // 16


def _rsqrt_nr(v):
    i = lax.bitcast_convert_type(v, jnp.int32)
    i = jnp.int32(0x5F3759DF) - lax.shift_right_arithmetic(i, jnp.int32(1))
    y = lax.bitcast_convert_type(i, jnp.float32)
    for _ in range(3):
        y = y * (1.5 - 0.5 * v * y * y)
    return y


def _prep_body(row2d, col2d, ew2d, norm_out,
               row_v, col_v, ew_v, norm_v, dinv_v, slice_v, zbuf,
               deg_sh, dinv_sh):
    c = lax.axis_index("c")
    s = lax.axis_index("s")

    def _z(i, _):
        zbuf[pl.ds(i * 16, 16)] = jnp.zeros((16,), jnp.float32)
        return _
    lax.fori_loop(0, _NP // 16, _z, None)

    @pl.when(s == 0)
    def _():
        pltpu.sync_copy(zbuf, deg_sh)
    plsc.subcore_barrier()

    r0 = pl.multiple_of(s * _RPT, 1)
    pltpu.sync_copy(row2d.at[pl.ds(r0, _RPT)], row_v)
    pltpu.sync_copy(col2d.at[pl.ds(r0, _RPT)], col_v)
    pltpu.sync_copy(ew2d.at[pl.ds(r0, _RPT)], ew_v)

    def _deg(j, _):
        pltpu.sync_copy(ew_v.at[j], deg_sh.at[col_v.at[j]], add=True)
        return _
    lax.fori_loop(0, _RPT, _deg, None)
    plsc.subcore_barrier()

    n0 = pl.multiple_of(s * _NT, 8)
    pltpu.sync_copy(deg_sh.at[pl.ds(n0, _NT)], slice_v)

    def _dv(i, _):
        d = slice_v[pl.ds(i * 16, 16)] + 1.0
        slice_v[pl.ds(i * 16, 16)] = _rsqrt_nr(d)
        return _
    lax.fori_loop(0, _NT // 16, _dv, None)
    pltpu.sync_copy(slice_v, dinv_sh.at[pl.ds(n0, _NT)])
    plsc.subcore_barrier()

    pltpu.sync_copy(dinv_sh, dinv_v)

    @pl.when(c == 0)
    def _():
        def _nm(j, _):
            for q in range(_G // 16):
                sl = pl.ds(q * 16, 16)
                rv = row_v[j, sl]
                cv = col_v[j, sl]
                wv = ew_v[j, sl]
                dr = plsc.load_gather(dinv_v, [rv])
                dc = plsc.load_gather(dinv_v, [cv])
                norm_v[j, sl] = dr * wv * dc
            return _
        lax.fori_loop(0, _RPT, _nm, None)
        pltpu.sync_copy(norm_v, norm_out.at[pl.ds(r0, _RPT)])

    @pl.when(c == 1)
    def _():
        for rr in range(_NT // _G):
            for q in range(_G // 16):
                dv = slice_v[pl.ds(rr * _G + q * 16, 16)]
                norm_v[rr, pl.ds(q * 16, 16)] = dv * dv
        pltpu.sync_copy(norm_v.at[pl.ds(0, _NT // _G)],
                        norm_out.at[pl.ds(_ER + s * (_NT // _G), _NT // _G)])


def _sc_prep(row2d, col2d, ew2d):
    mesh = plsc.VectorSubcoreMesh(core_axis_name="c", subcore_axis_name="s")
    f = functools.partial(
        pl.kernel, _prep_body, mesh=mesh,
        compiler_params=pltpu.CompilerParams(needs_layout_passes=False),
        out_type=jax.ShapeDtypeStruct((_EFR, _G), jnp.float32),
        scratch_types=[
            pltpu.VMEM((_RPT, _G), jnp.int32),
            pltpu.VMEM((_RPT, _G), jnp.int32),
            pltpu.VMEM((_RPT, _G), jnp.float32),
            pltpu.VMEM((_RPT, _G), jnp.float32),
            pltpu.VMEM((_NP,), jnp.float32),
            pltpu.VMEM((_NT,), jnp.float32),
            pltpu.VMEM((_NP,), jnp.float32),
            pltpu.VMEM_SHARED((_NP,), jnp.float32),
            pltpu.VMEM_SHARED((_NP,), jnp.float32),
        ],
    )
    return f()(row2d, col2d, ew2d)


def _conv_body(hview, row2d, col2d, norm2d, out,
               row_v, col_v, norm_v, gidx_a, gidx_b, rows_a, rows_b,
               sem_a, sem_b, acc_sh):
    c = lax.axis_index("c")
    s = lax.axis_index("s")

    def _z(i, _):
        for q in range(8):
            rows_a[i, pl.ds(q * 16, 16)] = jnp.zeros((16,), jnp.float32)
        return _
    lax.fori_loop(0, _G, _z, None)
    n0 = pl.multiple_of(s * _NT, 8)
    for m in range(_NT // _G):
        pltpu.sync_copy(rows_a, acc_sh.at[pl.ds(n0 + m * _G, _G)])
    plsc.subcore_barrier()

    r0 = pl.multiple_of(s * _FRPT, 8)
    bufs = [(gidx_a, rows_a, sem_a), (gidx_b, rows_b, sem_b)]

    def _gidx(k, g):
        for q in range(_G // 16):
            sl = pl.ds(q * 16, 16)
            g[sl] = row_v[k, sl] * 2 + c

    def _scale(k, r):
        def _sc(j, _):
            sp = plsc.load_gather(
                norm_v, [jnp.full((16,), k, jnp.int32),
                         jnp.full((16,), j, jnp.int32)])
            for q in range(8):
                sl = pl.ds(q * 16, 16)
                r[j, sl] = r[j, sl] * sp
            return _
        lax.fori_loop(0, _G, _sc, None)

    def _block(b, _):
        rb = pl.multiple_of(r0 + b * 8, 8)
        pltpu.sync_copy(row2d.at[pl.ds(rb, 8)], row_v)
        pltpu.sync_copy(col2d.at[pl.ds(rb, 8)], col_v)
        pltpu.sync_copy(norm2d.at[pl.ds(rb, 8)], norm_v)

        _gidx(0, bufs[0][0])
        cp = pltpu.async_copy(hview.at[bufs[0][0]], bufs[0][1], bufs[0][2])
        for k in range(8):
            g, r, se = bufs[k % 2]
            cp.wait()
            if k < 7:
                ng, nr, nse = bufs[(k + 1) % 2]
                _gidx(k + 1, ng)
                cp = pltpu.async_copy(hview.at[ng], nr, nse)
            _scale(k, r)
            pltpu.sync_copy(r, acc_sh.at[col_v.at[k]], add=True)
        return _
    lax.fori_loop(0, _FRPT // 8, _block, None)
    plsc.subcore_barrier()

    pltpu.sync_copy(acc_sh.at[pl.ds(n0, _NT)],
                    out.at[pl.ds(n0, _NT), pl.ds(c * 128, 128)])


def _sc_conv(hview, row2d, col2d, norm2d):
    mesh = plsc.VectorSubcoreMesh(core_axis_name="c", subcore_axis_name="s")
    f = functools.partial(
        pl.kernel, _conv_body, mesh=mesh,
        compiler_params=pltpu.CompilerParams(needs_layout_passes=False),
        out_type=jax.ShapeDtypeStruct((_NP, 256), jnp.float32),
        scratch_types=[
            pltpu.VMEM((8, _G), jnp.int32),
            pltpu.VMEM((8, _G), jnp.int32),
            pltpu.VMEM((8, _G), jnp.float32),
            pltpu.VMEM((_G,), jnp.int32),
            pltpu.VMEM((_G,), jnp.int32),
            pltpu.VMEM((_G, 128), jnp.float32),
            pltpu.VMEM((_G, 128), jnp.float32),
            pltpu.SemaphoreType.DMA,
            pltpu.SemaphoreType.DMA,
            pltpu.VMEM_SHARED((_NP, 128), jnp.float32),
        ],
    )
    return f()(hview, row2d, col2d, norm2d)



_BM = 1000


def _mm_body(x_ref, w_ref, o_ref):
    o_ref[...] = jnp.dot(x_ref[...], w_ref[...],
                         preferred_element_type=jnp.float32)


def _tc_matmul(x, w):
    n, kdim = x.shape
    m = w.shape[1]
    return pl.pallas_call(
        _mm_body,
        grid=(n // _BM,),
        in_specs=[
            pl.BlockSpec((_BM, kdim), lambda i: (i, 0)),
            pl.BlockSpec((kdim, m), lambda i: (0, 0)),
        ],
        out_specs=pl.BlockSpec((_BM, m), lambda i: (i, 0)),
        out_shape=jax.ShapeDtypeStruct((n, m), jnp.float32),
    )(x, w)


def _fuse_body(msg_ref, b_ref, w_ref, o_ref):
    t = jnp.maximum(msg_ref[...] + b_ref[...], 0.0)
    o_ref[...] = jnp.dot(t, w_ref[...], preferred_element_type=jnp.float32)


def _tc_fuse(msg, b, w):
    return pl.pallas_call(
        _fuse_body,
        grid=(_N // _BM,),
        in_specs=[
            pl.BlockSpec((_BM, 256), lambda i: (i, 0)),
            pl.BlockSpec((1, 256), lambda i: (0, 0)),
            pl.BlockSpec((256, 256), lambda i: (0, 0)),
        ],
        out_specs=pl.BlockSpec((_BM, 256), lambda i: (i, 0)),
        out_shape=jax.ShapeDtypeStruct((_N, 256), jnp.float32),
    )(msg, b.reshape(1, 256), w)


def _final_body(msg_ref, b_ref, wm1_ref, bm1_ref, wm2_ref, bm2_ref,
                ss_ref, cs_ref):
    i = pl.program_id(0)
    t = jnp.maximum(msg_ref[...] + b_ref[...], 0.0)
    z = jnp.dot(t, wm1_ref[...], preferred_element_type=jnp.float32)
    z = z + bm1_ref[...]
    z = jnp.dot(z, wm2_ref[...], preferred_element_type=jnp.float32)
    z = z + bm2_ref[...]
    z = z - jnp.max(z, axis=-1, keepdims=True)
    ez = jnp.exp(z)
    sm = ez / jnp.sum(ez, axis=-1, keepdims=True)

    @pl.when(i == 0)
    def _():
        ss_ref[...] = jnp.zeros_like(ss_ref)
        cs_ref[...] = jnp.zeros_like(cs_ref)

    ss_ref[...] += lax.dot_general(
        sm, sm, (((0,), (0,)), ((), ())), preferred_element_type=jnp.float32)
    cs_ref[...] += jnp.sum(sm, axis=0, keepdims=True)


def _tc_final(msg, b, wm1, bm1, wm2, bm2):
    return pl.pallas_call(
        _final_body,
        grid=(_N // _BM,),
        in_specs=[
            pl.BlockSpec((_BM, 256), lambda i: (i, 0)),
            pl.BlockSpec((1, 256), lambda i: (0, 0)),
            pl.BlockSpec((256, 256), lambda i: (0, 0)),
            pl.BlockSpec((1, 256), lambda i: (0, 0)),
            pl.BlockSpec((256, 16), lambda i: (0, 0)),
            pl.BlockSpec((1, 16), lambda i: (0, 0)),
        ],
        out_specs=[
            pl.BlockSpec((16, 16), lambda i: (0, 0)),
            pl.BlockSpec((1, 16), lambda i: (0, 0)),
        ],
        out_shape=[
            jax.ShapeDtypeStruct((16, 16), jnp.float32),
            jax.ShapeDtypeStruct((1, 16), jnp.float32),
        ],
    )(msg, b.reshape(1, 256), wm1, bm1.reshape(1, 256), wm2,
      bm2.reshape(1, 16))


def kernel(x, edge_index, edge_weight, W1, b1, W2, b2, Wm1, bm1, Wm2, bm2):
    epad = jnp.zeros((_EP - _E,), jnp.int32)
    row = jnp.concatenate([edge_index[0], epad])
    col = jnp.concatenate([edge_index[1], epad])
    ew = jnp.concatenate([edge_weight, epad.astype(jnp.float32)])

    row2d = row.reshape(_ER, _G)
    col2d = col.reshape(_ER, _G)
    ew2d = ew.reshape(_ER, _G)

    self_row = jnp.concatenate(
        [jnp.arange(_N, dtype=jnp.int32),
         jnp.zeros((_NP - _N,), jnp.int32)])
    self_col = jnp.arange(_NP, dtype=jnp.int32)
    row_f = jnp.concatenate([row, self_row]).reshape(_EFR, _G)
    col_f = jnp.concatenate([col, self_col]).reshape(_EFR, _G)

    norm2d = _sc_prep(row2d, col2d, ew2d)

    h1 = _tc_matmul(x, W1)
    msg1 = _sc_conv(h1.reshape(2 * _N, 128), row_f, col_f, norm2d)
    h2 = _tc_fuse(msg1, b1, W2)
    msg2 = _sc_conv(h2.reshape(2 * _N, 128), row_f, col_f, norm2d)
    ss, cs = _tc_final(msg2, b2, Wm1, bm1, Wm2, bm2)

    ssn = ss / jnp.sqrt(jnp.sum(ss * ss))
    ortho = jnp.sqrt(jnp.sum((ssn - jnp.eye(16, dtype=jnp.float32) / 4.0) ** 2))
    cluster = jnp.sqrt(jnp.sum(cs * cs)) / jnp.float32(_N) * 4.0 - 1.0
    return ortho + cluster

# --- scband reference (transcript-rebuilt; emitter-appended) ---
"""Pipeline reference for scband-dmo-nnet-90374701842970 (READ-ONLY COPY).

The authoritative reference and input builder live on the scoring server;
editing this copy changes nothing except your own understanding.
"""

import jax, jax.numpy as jnp
import numpy as np

N = 10000
E = 160000
IN_C = 128
HID = 256
K = 16
EPS = 1e-15


def setup_inputs(seed: int = 0):
    key = jax.random.key(seed)
    ks = jax.random.split(key, 11)
    x = jax.random.normal(ks[0], (N, IN_C), dtype=jnp.float32)
    edge_index = jax.random.randint(ks[1], (2, E), 0, N, dtype=jnp.int32)
    edge_weight = jax.random.uniform(ks[2], (E,), dtype=jnp.float32)
    W1 = jax.random.normal(ks[3], (IN_C, HID), dtype=jnp.float32) / np.sqrt(IN_C)
    b1 = jnp.zeros((HID,), dtype=jnp.float32)
    W2 = jax.random.normal(ks[4], (HID, HID), dtype=jnp.float32) / np.sqrt(HID)
    b2 = jnp.zeros((HID,), dtype=jnp.float32)
    Wm1 = jax.random.normal(ks[5], (HID, HID), dtype=jnp.float32) / np.sqrt(HID)
    bm1 = jnp.zeros((HID,), dtype=jnp.float32)
    Wm2 = jax.random.normal(ks[6], (HID, K), dtype=jnp.float32) / np.sqrt(HID)
    bm2 = jnp.zeros((K,), dtype=jnp.float32)
    return {"x": x, "edge_index": edge_index, "edge_weight": edge_weight,
            "W1": W1, "b1": b1, "W2": W2, "b2": b2,
            "Wm1": Wm1, "bm1": bm1, "Wm2": Wm2, "bm2": bm2}


def gcn_conv(x, edge_index, edge_weight, W, b):
    # PyG GCNConv with gcn_norm: add self-loops (weight 1), symmetric normalization
    row = edge_index[0]
    col = edge_index[1]
    loop = jnp.arange(N, dtype=edge_index.dtype)
    row_f = jnp.concatenate([row, loop])
    col_f = jnp.concatenate([col, loop])
    ew_f = jnp.concatenate([edge_weight, jnp.ones((N,), dtype=edge_weight.dtype)])
    deg = jax.ops.segment_sum(ew_f, col_f, num_segments=N)
    dinv = jnp.where(deg > 0, deg ** -0.5, 0.0)
    norm = dinv[row_f] * ew_f * dinv[col_f]
    h = x @ W
    out = jax.ops.segment_sum(h[row_f] * norm[:, None], col_f, num_segments=N)
    return out + b


def dmon_pool(x, adj, Wm1, bm1, Wm2, bm2):
    # x: [B, N, H], adj: [B, N, N]; faithful port of torch_geometric DMoNPooling (dropout=0)
    s = (x @ Wm1 + bm1) @ Wm2 + bm2  # MLP([HID, HID] + [K], act=None)
    s = jax.nn.softmax(s, axis=-1)
    C = s.shape[-1]
    st = jnp.swapaxes(s, 1, 2)
    out = jax.nn.selu(st @ x)
    out_adj = st @ adj @ s
    degrees = jnp.einsum('ijk->ik', adj)[..., None]  # B x N x 1
    m = jnp.einsum('ijk->i', degrees) / 2.0  # B
    ca = st @ degrees  # B x C x 1
    cb = jnp.swapaxes(degrees, 1, 2) @ s  # B x 1 x C
    normalizer = (ca @ cb) / 2.0 / m[:, None, None]
    decompose = out_adj - normalizer
    spectral_loss = (-jnp.trace(decompose, axis1=1, axis2=2) / 2.0 / m).mean()
    ss = st @ s
    i_s = jnp.eye(C, dtype=ss.dtype)
    ss_norm = jnp.sqrt(jnp.sum(ss * ss, axis=(-2, -1), keepdims=True))
    i_norm = jnp.sqrt(jnp.asarray(C, dtype=jnp.float32))
    ortho_loss = jnp.sqrt(jnp.sum((ss / ss_norm - i_s / i_norm) ** 2, axis=(-2, -1))).mean()
    cluster_size = jnp.einsum('ijk->ik', s)  # B x C
    n_nodes = jnp.asarray(x.shape[1], dtype=jnp.float32)
    cluster_loss = (jnp.sqrt(jnp.sum(cluster_size ** 2, axis=1)) / n_nodes * i_norm - 1.0).mean()
    ind = jnp.arange(C)
    out_adj = out_adj.at[:, ind, ind].set(0.0)
    d = jnp.sqrt(jnp.einsum('ijk->ij', out_adj))[:, None] + EPS
    out_adj = (out_adj / d) / jnp.swapaxes(d, 1, 2)
    return s, out, out_adj, spectral_loss, ortho_loss, cluster_loss


def reference(x, edge_index, edge_weight, W1, b1, W2, b2, Wm1, bm1, Wm2, bm2):
    h = jax.nn.relu(gcn_conv(x, edge_index, edge_weight, W1, b1))
    h = jax.nn.relu(gcn_conv(h, edge_index, edge_weight, W2, b2))
    # to_dense_adj(edge_index, edge_attr=edge_weight): scatter-add duplicates into dense N x N
    adj = jnp.zeros((N, N), dtype=h.dtype).at[edge_index[0], edge_index[1]].add(edge_weight)
    s, out, out_adj, spectral_loss, ortho_loss, cluster_loss = dmon_pool(
        h[None], adj[None], Wm1, bm1, Wm2, bm2)
    # original unpacks positions 5 and 6 of DMoNPooling's return and sums them
    return ortho_loss + cluster_loss

if __name__ == "__main__":
    import jax
    _d = setup_inputs()
    print(jax.jit(kernel)(*tuple(_d.values())))

</pallas_src>

<mosaic_0001>
#map = affine_map<(d0, d1) -> (0, 0)>
module attributes {stable_mosaic.version = 14 : i64} {
  func.func @_prep_body(%arg0: i32, %arg1: i32, %arg2: memref<2048x80xi32, #tpu.memory_space<hbm>>, %arg3: memref<2048x80xi32, #tpu.memory_space<hbm>>, %arg4: memref<2048x80xf32, #tpu.memory_space<hbm>>, %arg5: memref<2176x80xf32, #tpu.memory_space<hbm>>, %arg6: memref<128x80xi32, #tpu.memory_space<vmem>>, %arg7: memref<128x80xi32, #tpu.memory_space<vmem>>, %arg8: memref<128x80xf32, #tpu.memory_space<vmem>>, %arg9: memref<128x80xf32, #tpu.memory_space<vmem>>, %arg10: memref<10240xf32, #tpu.memory_space<vmem>>, %arg11: memref<640xf32, #tpu.memory_space<vmem>>, %arg12: memref<10240xf32, #tpu.memory_space<vmem>>, %arg13: memref<10240xf32, #tpu.memory_space<vmem_shared>>, %arg14: memref<10240xf32, #tpu.memory_space<vmem_shared>>) attributes {dimension_semantics = [#tpu.dimension_semantics<core_parallel>, #tpu.dimension_semantics<subcore_parallel>], iteration_bounds = array<i64: 2, 16>, scalar_prefetch = 0 : i64, scratch_operands = 9 : i64, tpu.core_type = #tpu.core_type<sc_vector_subcore>, window_params = [{transform_indices = #map}, {transform_indices = #map}, {transform_indices = #map}, {transform_indices = #map}]} {
    %scan3A = arith.constant 0 : i32
    %scan3A_0 = arith.constant 640 : i32
    %scan3A_1 = arith.addi %scan3A, %scan3A_0 : i32
    %scan3A_2 = arith.constant 1 : i32
    scf.for %scan3A_32 = %scan3A to %scan3A_1 step %scan3A_2  : i32 {
      %broadcast_in_dim3A = arith.constant 0.000000e+00 : f32
      %broadcast_in_dim3A_33 = vector.broadcast %broadcast_in_dim3A : f32 to vector<16xf32>
      %mul3A_34 = arith.constant 16 : i32
      %mul3A_35 = arith.muli %scan3A_32, %mul3A_34 : i32
      %swap3A = arith.index_cast %mul3A_35 : i32 to index
      %swap3A_36 = tpu.vector_load %arg12[%swap3A] {strides = array<i32>} : memref<10240xf32, #tpu.memory_space<vmem>>, vector<16xf32>,
      tpu.vector_store %arg12[%swap3A], %broadcast_in_dim3A_33 {strides = array<i32>} : memref<10240xf32, #tpu.memory_space<vmem>>, vector<16xf32>,
    }
    %scan3A_3 = arith.constant 640 : i32
    %eq3A = arith.constant 0 : i32
    %eq3A_4 = arith.cmpi eq, %arg1, %eq3A : i32
    %convert_element_type3A = arith.extui %eq3A_4 : i1 to i32
    %cond3A = arith.constant 0 : i32
    %cond3A_5 = arith.cmpi ne, %convert_element_type3A, %cond3A : i32
    scf.if %cond3A_5 {
      "tpu.region"() ({
        %run_scoped3A = tpu.sem_alloc : memref<!tpu.dma_semaphore, #tpu.memory_space<semaphore_mem>>
        tpu.enqueue_dma source(%arg12 : memref<10240xf32, #tpu.memory_space<vmem>>) target(%arg13 : memref<10240xf32, #tpu.memory_space<vmem_shared>>) target_semaphore(%run_scoped3A : memref<!tpu.dma_semaphore, #tpu.memory_space<semaphore_mem>>)
        tpu.wait_dma2 semaphore(%run_scoped3A : memref<!tpu.dma_semaphore, #tpu.memory_space<semaphore_mem>>) src(%arg12 : memref<10240xf32, #tpu.memory_space<vmem>>) dst(%arg13 : memref<10240xf32, #tpu.memory_space<vmem_shared>>)
        tpu.yield
      }) : () -> ()
    } else {
    }
    %barrier3A = arith.constant 0 : index
    tpu.barrier barrier_id(%barrier3A)
    %mul3A = arith.constant 128 : i32
    %mul3A_6 = arith.muli %arg1, %mul3A : i32
    %multiple_of3A = tpu.assume_multiple %mul3A_6, 1 : i32
    "tpu.region"() ({
      %run_scoped3A = tpu.sem_alloc : memref<!tpu.dma_semaphore, #tpu.memory_space<semaphore_mem>>
      %dma_start3A = arith.constant 0 : i32
      %dma_start3A_32 = tpu.memref_slice %arg2[%multiple_of3A, %dma_start3A] : memref<2048x80xi32, #tpu.memory_space<hbm>> -> memref<128x80xi32, #tpu.memory_space<hbm>>
      %dma_start3A_33 = arith.constant 0 : i32
      %dma_start3A_34 = tpu.memref_slice %arg2[%multiple_of3A, %dma_start3A_33] : memref<2048x80xi32, #tpu.memory_space<hbm>> -> memref<128x80xi32, #tpu.memory_space<hbm>>
      tpu.enqueue_dma source(%dma_start3A_34 : memref<128x80xi32, #tpu.memory_space<hbm>>) target(%arg6 : memref<128x80xi32, #tpu.memory_space<vmem>>) target_semaphore(%run_scoped3A : memref<!tpu.dma_semaphore, #tpu.memory_space<semaphore_mem>>)
      %dma_wait3A = arith.constant 0 : i32
      %dma_wait3A_35 = tpu.memref_slice %arg2[%multiple_of3A, %dma_wait3A] : memref<2048x80xi32, #tpu.memory_space<hbm>> -> memref<128x80xi32, #tpu.memory_space<hbm>>
      %dma_wait3A_36 = arith.constant 0 : i32
      %dma_wait3A_37 = tpu.memref_slice %arg2[%multiple_of3A, %dma_wait3A_36] : memref<2048x80xi32, #tpu.memory_space<hbm>> -> memref<128x80xi32, #tpu.memory_space<hbm>>
      tpu.wait_dma2 semaphore(%run_scoped3A : memref<!tpu.dma_semaphore, #tpu.memory_space<semaphore_mem>>) src(%dma_wait3A_37 : memref<128x80xi32, #tpu.memory_space<hbm>>) dst(%arg6 : memref<128x80xi32, #tpu.memory_space<vmem>>)
      tpu.yield
    }) : () -> ()
    "tpu.region"() ({
      %run_scoped3A = tpu.sem_alloc : memref<!tpu.dma_semaphore, #tpu.memory_space<semaphore_mem>>
      %dma_start3A = arith.constant 0 : i32
      %dma_start3A_32 = tpu.memref_slice %arg3[%multiple_of3A, %dma_start3A] : memref<2048x80xi32, #tpu.memory_space<hbm>> -> memref<128x80xi32, #tpu.memory_space<hbm>>
      %dma_start3A_33 = arith.constant 0 : i32
      %dma_start3A_34 = tpu.memref_slice %arg3[%multiple_of3A, %dma_start3A_33] : memref<2048x80xi32, #tpu.memory_space<hbm>> -> memref<128x80xi32, #tpu.memory_space<hbm>>
      tpu.enqueue_dma source(%dma_start3A_34 : memref<128x80xi32, #tpu.memory_space<hbm>>) target(%arg7 : memref<128x80xi32, #tpu.memory_space<vmem>>) target_semaphore(%run_scoped3A : memref<!tpu.dma_semaphore, #tpu.memory_space<semaphore_mem>>)
      %dma_wait3A = arith.constant 0 : i32
      %dma_wait3A_35 = tpu.memref_slice %arg3[%multiple_of3A, %dma_wait3A] : memref<2048x80xi32, #tpu.memory_space<hbm>> -> memref<128x80xi32, #tpu.memory_space<hbm>>
      %dma_wait3A_36 = arith.constant 0 : i32
      %dma_wait3A_37 = tpu.memref_slice %arg3[%multiple_of3A, %dma_wait3A_36] : memref<2048x80xi32, #tpu.memory_space<hbm>> -> memref<128x80xi32, #tpu.memory_space<hbm>>
      tpu.wait_dma2 semaphore(%run_scoped3A : memref<!tpu.dma_semaphore, #tpu.memory_space<semaphore_mem>>) src(%dma_wait3A_37 : memref<128x80xi32, #tpu.memory_space<hbm>>) dst(%arg7 : memref<128x80xi32, #tpu.memory_space<vmem>>)
      tpu.yield
    }) : () -> ()
    "tpu.region"() ({
      %run_scoped3A = tpu.sem_alloc : memref<!tpu.dma_semaphore, #tpu.memory_space<semaphore_mem>>
      %dma_start3A = arith.constant 0 : i32
      %dma_start3A_32 = tpu.memref_slice %arg4[%multiple_of3A, %dma_start3A] : memref<2048x80xf32, #tpu.memory_space<hbm>> -> memref<128x80xf32, #tpu.memory_space<hbm>>
      %dma_start3A_33 = arith.constant 0 : i32
      %dma_start3A_34 = tpu.memref_slice %arg4[%multiple_of3A, %dma_start3A_33] : memref<2048x80xf32, #tpu.memory_space<hbm>> -> memref<128x80xf32, #tpu.memory_space<hbm>>
      tpu.enqueue_dma source(%dma_start3A_34 : memref<128x80xf32, #tpu.memory_space<hbm>>) target(%arg8 : memref<128x80xf32, #tpu.memory_space<vmem>>) target_semaphore(%run_scoped3A : memref<!tpu.dma_semaphore, #tpu.memory_space<semaphore_mem>>)
      %dma_wait3A = arith.constant 0 : i32
      %dma_wait3A_35 = tpu.memref_slice %arg4[%multiple_of3A, %dma_wait3A] : memref<2048x80xf32, #tpu.memory_space<hbm>> -> memref<128x80xf32, #tpu.memory_space<hbm>>
      %dma_wait3A_36 = arith.constant 0 : i32
      %dma_wait3A_37 = tpu.memref_slice %arg4[%multiple_of3A, %dma_wait3A_36] : memref<2048x80xf32, #tpu.memory_space<hbm>> -> memref<128x80xf32, #tpu.memory_space<hbm>>
      tpu.wait_dma2 semaphore(%run_scoped3A : memref<!tpu.dma_semaphore, #tpu.memory_space<semaphore_mem>>) src(%dma_wait3A_37 : memref<128x80xf32, #tpu.memory_space<hbm>>) dst(%arg8 : memref<128x80xf32, #tpu.memory_space<vmem>>)
      tpu.yield
    }) : () -> ()
    %scan3A_7 = arith.constant 0 : i32
    %scan3A_8 = arith.constant 128 : i32
    %scan3A_9 = arith.addi %scan3A_7, %scan3A_8 : i32
    %scan3A_10 = arith.constant 1 : i32
    scf.for %scan3A_32 = %scan3A_7 to %scan3A_9 step %scan3A_10  : i32 {
      "tpu.region"() ({
        %run_scoped3A = tpu.sem_alloc : memref<!tpu.dma_semaphore, #tpu.memory_space<semaphore_mem>>
        %dma_start3A = arith.constant 0 : i32
        %dma_start3A_33 = tpu.memref_slice %arg8[%scan3A_32, %dma_start3A] : memref<128x80xf32, #tpu.memory_space<vmem>> -> memref<1x80xf32, #tpu.memory_space<vmem>>
        %dma_start3A_34 = tpu.memref_squeeze %dma_start3A_33 : memref<1x80xf32, #tpu.memory_space<vmem>> -> memref<80xf32, #tpu.memory_space<vmem>>
        %dma_start3A_35 = arith.constant 0 : i32
        %dma_start3A_36 = tpu.memref_slice %arg7[%scan3A_32, %dma_start3A_35] : memref<128x80xi32, #tpu.memory_space<vmem>> -> memref<1x80xi32, #tpu.memory_space<vmem>>
        %dma_start3A_37 = tpu.memref_squeeze %dma_start3A_36 : memref<1x80xi32, #tpu.memory_space<vmem>> -> memref<80xi32, #tpu.memory_space<vmem>>
        %dma_start3A_38 = arith.constant 0 : i32
        %dma_start3A_39 = tpu.memref_slice %arg13[%dma_start3A_38] : memref<10240xf32, #tpu.memory_space<vmem_shared>> -> memref<10240xf32, #tpu.memory_space<vmem_shared>>
        tpu.enqueue_indirect_dma source(%dma_start3A_34 : memref<80xf32, #tpu.memory_space<vmem>>) target(%dma_start3A_39 : memref<10240xf32, #tpu.memory_space<vmem_shared>>) offsets(%dma_start3A_37 : memref<80xi32, #tpu.memory_space<vmem>>) semaphore(%run_scoped3A : memref<!tpu.dma_semaphore, #tpu.memory_space<semaphore_mem>>) {add = true}
        %dma_wait3A = arith.constant 0 : i32
        %dma_wait3A_40 = tpu.memref_slice %arg8[%scan3A_32, %dma_wait3A] : memref<128x80xf32, #tpu.memory_space<vmem>> -> memref<1x80xf32, #tpu.memory_space<vmem>>
        %dma_wait3A_41 = tpu.memref_squeeze %dma_wait3A_40 : memref<1x80xf32, #tpu.memory_space<vmem>> -> memref<80xf32, #tpu.memory_space<vmem>>
        %dma_wait3A_42 = arith.constant 0 : i32
        %dma_wait3A_43 = tpu.memref_slice %arg7[%scan3A_32, %dma_wait3A_42] : memref<128x80xi32, #tpu.memory_space<vmem>> -> memref<1x80xi32, #tpu.memory_space<vmem>>
        %dma_wait3A_44 = tpu.memref_squeeze %dma_wait3A_43 : memref<1x80xi32, #tpu.memory_space<vmem>> -> memref<80xi32, #tpu.memory_space<vmem>>
        %dma_wait3A_45 = arith.constant 0 : i32
        %dma_wait3A_46 = tpu.memref_slice %arg13[%dma_wait3A_45] : memref<10240xf32, #tpu.memory_space<vmem_shared>> -> memref<10240xf32, #tpu.memory_space<vmem_shared>>
        tpu.wait_indirect_dma semaphore(%run_scoped3A : memref<!tpu.dma_semaphore, #tpu.memory_space<semaphore_mem>>) src(%dma_wait3A_41 : memref<80xf32, #tpu.memory_space<vmem>>) dst(%dma_wait3A_46 : memref<10240xf32, #tpu.memory_space<vmem_shared>>)
        tpu.yield
      }) : () -> ()
    }
    %scan3A_11 = arith.constant 128 : i32
    %barrier3A_12 = arith.constant 0 : index
    tpu.barrier barrier_id(%barrier3A_12)
    %mul3A_13 = arith.constant 640 : i32
    %mul3A_14 = arith.muli %arg1, %mul3A_13 : i32
    %multiple_of3A_15 = tpu.assume_multiple %mul3A_14, 8 : i32
    "tpu.region"() ({
      %run_scoped3A = tpu.sem_alloc : memref<!tpu.dma_semaphore, #tpu.memory_space<semaphore_mem>>
      %dma_start3A = tpu.memref_slice %arg13[%multiple_of3A_15] : memref<10240xf32, #tpu.memory_space<vmem_shared>> -> memref<640xf32, #tpu.memory_space<vmem_shared>>
      %dma_start3A_32 = tpu.memref_slice %arg13[%multiple_of3A_15] : memref<10240xf32, #tpu.memory_space<vmem_shared>> -> memref<640xf32, #tpu.memory_space<vmem_shared>>
      tpu.enqueue_dma source(%dma_start3A_32 : memref<640xf32, #tpu.memory_space<vmem_shared>>) target(%arg11 : memref<640xf32, #tpu.memory_space<vmem>>) target_semaphore(%run_scoped3A : memref<!tpu.dma_semaphore, #tpu.memory_space<semaphore_mem>>)
      %dma_wait3A = tpu.memref_slice %arg13[%multiple_of3A_15] : memref<10240xf32, #tpu.memory_space<vmem_shared>> -> memref<640xf32, #tpu.memory_space<vmem_shared>>
      %dma_wait3A_33 = tpu.memref_slice %arg13[%multiple_of3A_15] : memref<10240xf32, #tpu.memory_space<vmem_shared>> -> memref<640xf32, #tpu.memory_space<vmem_shared>>
      tpu.wait_dma2 semaphore(%run_scoped3A : memref<!tpu.dma_semaphore, #tpu.memory_space<semaphore_mem>>) src(%dma_wait3A_33 : memref<640xf32, #tpu.memory_space<vmem_shared>>) dst(%arg11 : memref<640xf32, #tpu.memory_space<vmem>>)
      tpu.yield
    }) : () -> ()
    %scan3A_16 = arith.constant 0 : i32
    %scan3A_17 = arith.constant 40 : i32
    %scan3A_18 = arith.addi %scan3A_16, %scan3A_17 : i32
    %scan3A_19 = arith.constant 1 : i32
    scf.for %scan3A_32 = %scan3A_16 to %scan3A_18 step %scan3A_19  : i32 {
      %mul3A_33 = arith.constant 16 : i32
      %mul3A_34 = arith.muli %scan3A_32, %mul3A_33 : i32
      %get3A = arith.index_cast %mul3A_34 : i32 to index
      %get3A_35 = tpu.vector_load %arg11[%get3A] {strides = array<i32>} : memref<640xf32, #tpu.memory_space<vmem>>, vector<16xf32>,
      %add3A = arith.constant 1.000000e+00 : f32
      %add3A_36 = vector.broadcast %add3A : f32 to vector<16xf32>
      %add3A_37 = arith.addf %get3A_35, %add3A_36 : vector<16xf32>
      %bitcast_convert_type3A = tpu.bitcast %add3A_37 : vector<16xf32> -> vector<16xi32>
      %shift_right_arithmetic3A = arith.constant 1 : i32
      %shift_right_arithmetic3A_38 = vector.broadcast %shift_right_arithmetic3A : i32 to vector<16xi32>
      %shift_right_arithmetic3A_39 = arith.shrsi %bitcast_convert_type3A, %shift_right_arithmetic3A_38 : vector<16xi32>
      %sub3A = arith.constant 1597463007 : i32
      %sub3A_40 = vector.broadcast %sub3A : i32 to vector<16xi32>
      %sub3A_41 = arith.subi %sub3A_40, %shift_right_arithmetic3A_39 : vector<16xi32>
      %bitcast_convert_type3A_42 = tpu.bitcast %sub3A_41 : vector<16xi32> -> vector<16xf32>
      %mul3A_43 = arith.constant 5.000000e-01 : f32
      %mul3A_44 = vector.broadcast %mul3A_43 : f32 to vector<16xf32>
      %mul3A_45 = arith.mulf %mul3A_44, %add3A_37 : vector<16xf32>
      %mul3A_46 = arith.mulf %mul3A_45, %bitcast_convert_type3A_42 : vector<16xf32>
      %mul3A_47 = arith.mulf %mul3A_46, %bitcast_convert_type3A_42 : vector<16xf32>
      %sub3A_48 = arith.constant 1.500000e+00 : f32
      %sub3A_49 = vector.broadcast %sub3A_48 : f32 to vector<16xf32>
      %sub3A_50 = arith.subf %sub3A_49, %mul3A_47 : vector<16xf32>
      %mul3A_51 = arith.mulf %bitcast_convert_type3A_42, %sub3A_50 : vector<16xf32>
      %mul3A_52 = arith.constant 5.000000e-01 : f32
      %mul3A_53 = vector.broadcast %mul3A_52 : f32 to vector<16xf32>
      %mul3A_54 = arith.mulf %mul3A_53, %add3A_37 : vector<16xf32>
      %mul3A_55 = arith.mulf %mul3A_54, %mul3A_51 : vector<16xf32>
      %mul3A_56 = arith.mulf %mul3A_55, %mul3A_51 : vector<16xf32>
      %sub3A_57 = arith.constant 1.500000e+00 : f32
      %sub3A_58 = vector.broadcast %sub3A_57 : f32 to vector<16xf32>
      %sub3A_59 = arith.subf %sub3A_58, %mul3A_56 : vector<16xf32>
      %mul3A_60 = arith.mulf %mul3A_51, %sub3A_59 : vector<16xf32>
      %mul3A_61 = arith.constant 5.000000e-01 : f32
      %mul3A_62 = vector.broadcast %mul3A_61 : f32 to vector<16xf32>
      %mul3A_63 = arith.mulf %mul3A_62, %add3A_37 : vector<16xf32>
      %mul3A_64 = arith.mulf %mul3A_63, %mul3A_60 : vector<16xf32>
      %mul3A_65 = arith.mulf %mul3A_64, %mul3A_60 : vector<16xf32>
      %sub3A_66 = arith.constant 1.500000e+00 : f32
      %sub3A_67 = vector.broadcast %sub3A_66 : f32 to vector<16xf32>
      %sub3A_68 = arith.subf %sub3A_67, %mul3A_65 : vector<16xf32>
      %mul3A_69 = arith.mulf %mul3A_60, %sub3A_68 : vector<16xf32>
      %mul3A_70 = arith.constant 16 : i32
      %mul3A_71 = arith.muli %scan3A_32, %mul3A_70 : i32
      %swap3A = arith.index_cast %mul3A_71 : i32 to index
      %swap3A_72 = tpu.vector_load %arg11[%swap3A] {strides = array<i32>} : memref<640xf32, #tpu.memory_space<vmem>>, vector<16xf32>,
      tpu.vector_store %arg11[%swap3A], %mul3A_69 {strides = array<i32>} : memref<640xf32, #tpu.memory_space<vmem>>, vector<16xf32>,
    }
    %scan3A_20 = arith.constant 40 : i32
    "tpu.region"() ({
      %run_scoped3A = tpu.sem_alloc : memref<!tpu.dma_semaphore, #tpu.memory_space<semaphore_mem>>
      %dma_start3A = tpu.memref_slice %arg14[%multiple_of3A_15] : memref<10240xf32, #tpu.memory_space<vmem_shared>> -> memref<640xf32, #tpu.memory_space<vmem_shared>>
      %dma_start3A_32 = tpu.memref_slice %arg14[%multiple_of3A_15] : memref<10240xf32, #tpu.memory_space<vmem_shared>> -> memref<640xf32, #tpu.memory_space<vmem_shared>>
      tpu.enqueue_dma source(%arg11 : memref<640xf32, #tpu.memory_space<vmem>>) target(%dma_start3A_32 : memref<640xf32, #tpu.memory_space<vmem_shared>>) target_semaphore(%run_scoped3A : memref<!tpu.dma_semaphore, #tpu.memory_space<semaphore_mem>>)
      %dma_wait3A = tpu.memref_slice %arg14[%multiple_of3A_15] : memref<10240xf32, #tpu.memory_space<vmem_shared>> -> memref<640xf32, #tpu.memory_space<vmem_shared>>
      %dma_wait3A_33 = tpu.memref_slice %arg14[%multiple_of3A_15] : memref<10240xf32, #tpu.memory_space<vmem_shared>> -> memref<640xf32, #tpu.memory_space<vmem_shared>>
      tpu.wait_dma2 semaphore(%run_scoped3A : memref<!tpu.dma_semaphore, #tpu.memory_space<semaphore_mem>>) src(%arg11 : memref<640xf32, #tpu.memory_space<vmem>>) dst(%dma_wait3A_33 : memref<640xf32, #tpu.memory_space<vmem_shared>>)
      tpu.yield
    }) : () -> ()
    %barrier3A_21 = arith.constant 0 : index
    tpu.barrier barrier_id(%barrier3A_21)
    "tpu.region"() ({
      %run_scoped3A = tpu.sem_alloc : memref<!tpu.dma_semaphore, #tpu.memory_space<semaphore_mem>>
      tpu.enqueue_dma source(%arg14 : memref<10240xf32, #tpu.memory_space<vmem_shared>>) target(%arg10 : memref<10240xf32, #tpu.memory_space<vmem>>) target_semaphore(%run_scoped3A : memref<!tpu.dma_semaphore, #tpu.memory_space<semaphore_mem>>)
      tpu.wait_dma2 semaphore(%run_scoped3A : memref<!tpu.dma_semaphore, #tpu.memory_space<semaphore_mem>>) src(%arg14 : memref<10240xf32, #tpu.memory_space<vmem_shared>>) dst(%arg10 : memref<10240xf32, #tpu.memory_space<vmem>>)
      tpu.yield
    }) : () -> ()
    %eq3A_22 = arith.constant 0 : i32
    %eq3A_23 = arith.cmpi eq, %arg0, %eq3A_22 : i32
    %convert_element_type3A_24 = arith.extui %eq3A_23 : i1 to i32
    %cond3A_25 = arith.constant 0 : i32
    %cond3A_26 = arith.cmpi ne, %convert_element_type3A_24, %cond3A_25 : i32
    scf.if %cond3A_26 {
      %scan3A_32 = arith.constant 0 : i32
      %scan3A_33 = arith.constant 128 : i32
      %scan3A_34 = arith.addi %scan3A_32, %scan3A_33 : i32
      %scan3A_35 = arith.constant 1 : i32
      scf.for %scan3A_37 = %scan3A_32 to %scan3A_34 step %scan3A_35  : i32 {
        %get3A = arith.index_cast %scan3A_37 : i32 to index
        %get3A_38 = arith.constant 0 : index
        %get3A_39 = tpu.vector_load %arg6[%get3A, %get3A_38] {strides = array<i32>} : memref<128x80xi32, #tpu.memory_space<vmem>>, vector<16xi32>,
        %get3A_40 = arith.index_cast %scan3A_37 : i32 to index
        %get3A_41 = arith.constant 0 : index
        %get3A_42 = tpu.vector_load %arg7[%get3A_40, %get3A_41] {strides = array<i32>} : memref<128x80xi32, #tpu.memory_space<vmem>>, vector<16xi32>,
        %get3A_43 = arith.index_cast %scan3A_37 : i32 to index
        %get3A_44 = arith.constant 0 : index
        %get3A_45 = tpu.vector_load %arg8[%get3A_43, %get3A_44] {strides = array<i32>} : memref<128x80xf32, #tpu.memory_space<vmem>>, vector<16xf32>,
        %gather3A = tpu.vector_load_idx %arg10[%get3A_39] : memref<10240xf32, #tpu.memory_space<vmem>>[vector<16xi32>], vector<16xf32>,
        %gather3A_46 = tpu.vector_load_idx %arg10[%get3A_42] : memref<10240xf32, #tpu.memory_space<vmem>>[vector<16xi32>], vector<16xf32>,
        %mul3A_47 = arith.mulf %gather3A, %get3A_45 : vector<16xf32>
        %mul3A_48 = arith.mulf %mul3A_47, %gather3A_46 : vector<16xf32>
        %swap3A = arith.index_cast %scan3A_37 : i32 to index
        %swap3A_49 = arith.constant 0 : index
        %swap3A_50 = tpu.vector_load %arg9[%swap3A, %swap3A_49] {strides = array<i32>} : memref<128x80xf32, #tpu.memory_space<vmem>>, vector<16xf32>,
        tpu.vector_store %arg9[%swap3A, %swap3A_49], %mul3A_48 {strides = array<i32>} : memref<128x80xf32, #tpu.memory_space<vmem>>, vector<16xf32>,
        %get3A_51 = arith.index_cast %scan3A_37 : i32 to index
        %get3A_52 = arith.constant 16 : index
        %get3A_53 = tpu.vector_load %arg6[%get3A_51, %get3A_52] {strides = array<i32>} : memref<128x80xi32, #tpu.memory_space<vmem>>, vector<16xi32>,
        %get3A_54 = arith.index_cast %scan3A_37 : i32 to index
        %get3A_55 = arith.constant 16 : index
        %get3A_56 = tpu.vector_load %arg7[%get3A_54, %get3A_55] {strides = array<i32>} : memref<128x80xi32, #tpu.memory_space<vmem>>, vector<16xi32>,
        %get3A_57 = arith.index_cast %scan3A_37 : i32 to index
        %get3A_58 = arith.constant 16 : index
        %get3A_59 = tpu.vector_load %arg8[%get3A_57, %get3A_58] {strides = array<i32>} : memref<128x80xf32, #tpu.memory_space<vmem>>, vector<16xf32>,
        %gather3A_60 = tpu.vector_load_idx %arg10[%get3A_53] : memref<10240xf32, #tpu.memory_space<vmem>>[vector<16xi32>], vector<16xf32>,
        %gather3A_61 = tpu.vector_load_idx %arg10[%get3A_56] : memref<10240xf32, #tpu.memory_space<vmem>>[vector<16xi32>], vector<16xf32>,
        %mul3A_62 = arith.mulf %gather3A_60, %get3A_59 : vector<16xf32>
        %mul3A_63 = arith.mulf %mul3A_62, %gather3A_61 : vector<16xf32>
        %swap3A_64 = arith.index_cast %scan3A_37 : i32 to index
        %swap3A_65 = arith.constant 16 : index
        %swap3A_66 = tpu.vector_load %arg9[%swap3A_64, %swap3A_65] {strides = array<i32>} : memref<128x80xf32, #tpu.memory_space<vmem>>, vector<16xf32>,
        tpu.vector_store %arg9[%swap3A_64, %swap3A_65], %mul3A_63 {strides = array<i32>} : memref<128x80xf32, #tpu.memory_space<vmem>>, vector<16xf32>,
        %get3A_67 = arith.index_cast %scan3A_37 : i32 to index
        %get3A_68 = arith.constant 32 : index
        %get3A_69 = tpu.vector_load %arg6[%get3A_67, %get3A_68] {strides = array<i32>} : memref<128x80xi32, #tpu.memory_space<vmem>>, vector<16xi32>,
        %get3A_70 = arith.index_cast %scan3A_37 : i32 to index
        %get3A_71 = arith.constant 32 : index
        %get3A_72 = tpu.vector_load %arg7[%get3A_70, %get3A_71] {strides = array<i32>} : memref<128x80xi32, #tpu.memory_space<vmem>>, vector<16xi32>,
        %get3A_73 = arith.index_cast %scan3A_37 : i32 to index
        %get3A_74 = arith.constant 32 : index
        %get3A_75 = tpu.vector_load %arg8[%get3A_73, %get3A_74] {strides = array<i32>} : memref<128x80xf32, #tpu.memory_space<vmem>>, vector<16xf32>,
        %gather3A_76 = tpu.vector_load_idx %arg10[%get3A_69] : memref<10240xf32, #tpu.memory_space<vmem>>[vector<16xi32>], vector<16xf32>,
        %gather3A_77 = tpu.vector_load_idx %arg10[%get3A_72] : memref<10240xf32, #tpu.memory_space<vmem>>[vector<16xi32>], vector<16xf32>,
        %mul3A_78 = arith.mulf %gather3A_76, %get3A_75 : vector<16xf32>
        %mul3A_79 = arith.mulf %mul3A_78, %gather3A_77 : vector<16xf32>
        %swap3A_80 = arith.index_cast %scan3A_37 : i32 to index
        %swap3A_81 = arith.constant 32 : index
        %swap3A_82 = tpu.vector_load %arg9[%swap3A_80, %swap3A_81] {strides = array<i32>} : memref<128x80xf32, #tpu.memory_space<vmem>>, vector<16xf32>,
        tpu.vector_store %arg9[%swap3A_80, %swap3A_81], %mul3A_79 {strides = array<i32>} : memref<128x80xf32, #tpu.memory_space<vmem>>, vector<16xf32>,
        %get3A_83 = arith.index_cast %scan3A_37 : i32 to index
        %get3A_84 = arith.constant 48 : index
        %get3A_85 = tpu.vector_load %arg6[%get3A_83, %get3A_84] {strides = array<i32>} : memref<128x80xi32, #tpu.memory_space<vmem>>, vector<16xi32>,
        %get3A_86 = arith.index_cast %scan3A_37 : i32 to index
        %get3A_87 = arith.constant 48 : index
        %get3A_88 = tpu.vector_load %arg7[%get3A_86, %get3A_87] {strides = array<i32>} : memref<128x80xi32, #tpu.memory_space<vmem>>, vector<16xi32>,
        %get3A_89 = arith.index_cast %scan3A_37 : i32 to index
        %get3A_90 = arith.constant 48 : index
        %get3A_91 = tpu.vector_load %arg8[%get3A_89, %get3A_90] {strides = array<i32>} : memref<128x80xf32, #tpu.memory_space<vmem>>, vector<16xf32>,
        %gather3A_92 = tpu.vector_load_idx %arg10[%get3A_85] : memref<10240xf32, #tpu.memory_space<vmem>>[vector<16xi32>], vector<16xf32>,
        %gather3A_93 = tpu.vector_load_idx %arg10[%get3A_88] : memref<10240xf32, #tpu.memory_space<vmem>>[vector<16xi32>], vector<16xf32>,
        %mul3A_94 = arith.mulf %gather3A_92, %get3A_91 : vector<16xf32>
        %mul3A_95 = arith.mulf %mul3A_94, %gather3A_93 : vector<16xf32>
        %swap3A_96 = arith.index_cast %scan3A_37 : i32 to index
        %swap3A_97 = arith.constant 48 : index
        %swap3A_98 = tpu.vector_load %arg9[%swap3A_96, %swap3A_97] {strides = array<i32>} : memref<128x80xf32, #tpu.memory_space<vmem>>, vector<16xf32>,
        tpu.vector_store %arg9[%swap3A_96, %swap3A_97], %mul3A_95 {strides = array<i32>} : memref<128x80xf32, #tpu.memory_space<vmem>>, vector<16xf32>,
        %get3A_99 = arith.index_cast %scan3A_37 : i32 to index
        %get3A_100 = arith.constant 64 : index
        %get3A_101 = tpu.vector_load %arg6[%get3A_99, %get3A_100] {strides = array<i32>} : memref<128x80xi32, #tpu.memory_space<vmem>>, vector<16xi32>,
        %get3A_102 = arith.index_cast %scan3A_37 : i32 to index
        %get3A_103 = arith.constant 64 : index
        %get3A_104 = tpu.vector_load %arg7[%get3A_102, %get3A_103] {strides = array<i32>} : memref<128x80xi32, #tpu.memory_space<vmem>>, vector<16xi32>,
        %get3A_105 = arith.index_cast %scan3A_37 : i32 to index
        %get3A_106 = arith.constant 64 : index
        %get3A_107 = tpu.vector_load %arg8[%get3A_105, %get3A_106] {strides = array<i32>} : memref<128x80xf32, #tpu.memory_space<vmem>>, vector<16xf32>,
        %gather3A_108 = tpu.vector_load_idx %arg10[%get3A_101] : memref<10240xf32, #tpu.memory_space<vmem>>[vector<16xi32>], vector<16xf32>,
        %gather3A_109 = tpu.vector_load_idx %arg10[%get3A_104] : memref<10240xf32, #tpu.memory_space<vmem>>[vector<16xi32>], vector<16xf32>,
        %mul3A_110 = arith.mulf %gather3A_108, %get3A_107 : vector<16xf32>
        %mul3A_111 = arith.mulf %mul3A_110, %gather3A_109 : vector<16xf32>
        %swap3A_112 = arith.index_cast %scan3A_37 : i32 to index
        %swap3A_113 = arith.constant 64 : index
        %swap3A_114 = tpu.vector_load %arg9[%swap3A_112, %swap3A_113] {strides = array<i32>} : memref<128x80xf32, #tpu.memory_space<vmem>>, vector<16xf32>,
        tpu.vector_store %arg9[%swap3A_112, %swap3A_113], %mul3A_111 {strides = array<i32>} : memref<128x80xf32, #tpu.memory_space<vmem>>, vector<16xf32>,
      }
      %scan3A_36 = arith.constant 128 : i32
      "tpu.region"() ({
        %run_scoped3A = tpu.sem_alloc : memref<!tpu.dma_semaphore, #tpu.memory_space<semaphore_mem>>
        %dma_start3A = arith.constant 0 : i32
        %dma_start3A_37 = tpu.memref_slice %arg5[%multiple_of3A, %dma_start3A] : memref<2176x80xf32, #tpu.memory_space<hbm>> -> memref<128x80xf32, #tpu.memory_space<hbm>>
        %dma_start3A_38 = arith.constant 0 : i32
        %dma_start3A_39 = tpu.memref_slice %arg5[%multiple_of3A, %dma_start3A_38] : memref<2176x80xf32, #tpu.memory_space<hbm>> -> memref<128x80xf32, #tpu.memory_space<hbm>>
        tpu.enqueue_dma source(%arg9 : memref<128x80xf32, #tpu.memory_space<vmem>>) target(%dma_start3A_39 : memref<128x80xf32, #tpu.memory_space<hbm>>) target_semaphore(%run_scoped3A : memref<!tpu.dma_semaphore, #tpu.memory_space<semaphore_mem>>)
        %dma_wait3A = arith.constant 0 : i32
        %dma_wait3A_40 = tpu.memref_slice %arg5[%multiple_of3A, %dma_wait3A] : memref<2176x80xf32, #tpu.memory_space<hbm>> -> memref<128x80xf32, #tpu.memory_space<hbm>>
        %dma_wait3A_41 = arith.constant 0 : i32
        %dma_wait3A_42 = tpu.memref_slice %arg5[%multiple_of3A, %dma_wait3A_41] : memref<2176x80xf32, #tpu.memory_space<hbm>> -> memref<128x80xf32, #tpu.memory_space<hbm>>
        tpu.wait_dma2 semaphore(%run_scoped3A : memref<!tpu.dma_semaphore, #tpu.memory_space<semaphore_mem>>) src(%arg9 : memref<128x80xf32, #tpu.memory_space<vmem>>) dst(%dma_wait3A_42 : memref<128x80xf32, #tpu.memory_space<hbm>>)
        tpu.yield
      }) : () -> ()
    } else {
    }
    %eq3A_27 = arith.constant 1 : i32
    %eq3A_28 = arith.cmpi eq, %arg0, %eq3A_27 : i32
    %convert_element_type3A_29 = arith.extui %eq3A_28 : i1 to i32
    %cond3A_30 = arith.constant 0 : i32
    %cond3A_31 = arith.cmpi ne, %convert_element_type3A_29, %cond3A_30 : i32
    scf.if %cond3A_31 {
      %get3A = arith.constant 0 : index
      %get3A_32 = tpu.vector_load %arg11[%get3A] {strides = array<i32>} : memref<640xf32, #tpu.memory_space<vmem>>, vector<16xf32>,
      %mul3A_33 = arith.mulf %get3A_32, %get3A_32 : vector<16xf32>
      %swap3A = arith.constant 0 : i32
      %swap3A_34 = arith.index_cast %swap3A : i32 to index
      %swap3A_35 = arith.constant 0 : index
      %swap3A_36 = tpu.vector_load %arg9[%swap3A_34, %swap3A_35] {strides = array<i32>} : memref<128x80xf32, #tpu.memory_space<vmem>>, vector<16xf32>,
      tpu.vector_store %arg9[%swap3A_34, %swap3A_35], %mul3A_33 {strides = array<i32>} : memref<128x80xf32, #tpu.memory_space<vmem>>, vector<16xf32>,
      %get3A_37 = arith.constant 16 : index
      %get3A_38 = tpu.vector_load %arg11[%get3A_37] {strides = array<i32>} : memref<640xf32, #tpu.memory_space<vmem>>, vector<16xf32>,
      %mul3A_39 = arith.mulf %get3A_38, %get3A_38 : vector<16xf32>
      %swap3A_40 = arith.constant 0 : i32
      %swap3A_41 = arith.index_cast %swap3A_40 : i32 to index
      %swap3A_42 = arith.constant 16 : index
      %swap3A_43 = tpu.vector_load %arg9[%swap3A_41, %swap3A_42] {strides = array<i32>} : memref<128x80xf32, #tpu.memory_space<vmem>>, vector<16xf32>,
      tpu.vector_store %arg9[%swap3A_41, %swap3A_42], %mul3A_39 {strides = array<i32>} : memref<128x80xf32, #tpu.memory_space<vmem>>, vector<16xf32>,
      %get3A_44 = arith.constant 32 : index
      %get3A_45 = tpu.vector_load %arg11[%get3A_44] {strides = array<i32>} : memref<640xf32, #tpu.memory_space<vmem>>, vector<16xf32>,
      %mul3A_46 = arith.mulf %get3A_45, %get3A_45 : vector<16xf32>
      %swap3A_47 = arith.constant 0 : i32
      %swap3A_48 = arith.index_cast %swap3A_47 : i32 to index
      %swap3A_49 = arith.constant 32 : index
      %swap3A_50 = tpu.vector_load %arg9[%swap3A_48, %swap3A_49] {strides = array<i32>} : memref<128x80xf32, #tpu.memory_space<vmem>>, vector<16xf32>,
      tpu.vector_store %arg9[%swap3A_48, %swap3A_49], %mul3A_46 {strides = array<i32>} : memref<128x80xf32, #tpu.memory_space<vmem>>, vector<16xf32>,
      %get3A_51 = arith.constant 48 : index
      %get3A_52 = tpu.vector_load %arg11[%get3A_51] {strides = array<i32>} : memref<640xf32, #tpu.memory_space<vmem>>, vector<16xf32>,
      %mul3A_53 = arith.mulf %get3A_52, %get3A_52 : vector<16xf32>
      %swap3A_54 = arith.constant 0 : i32
      %swap3A_55 = arith.index_cast %swap3A_54 : i32 to index
      %swap3A_56 = arith.constant 48 : index
      %swap3A_57 = tpu.vector_load %arg9[%swap3A_55, %swap3A_56] {strides = array<i32>} : memref<128x80xf32, #tpu.memory_space<vmem>>, vector<16xf32>,
      tpu.vector_store %arg9[%swap3A_55, %swap3A_56], %mul3A_53 {strides = array<i32>} : memref<128x80xf32, #tpu.memory_space<vmem>>, vector<16xf32>,
      %get3A_58 = arith.constant 64 : index
      %get3A_59 = tpu.vector_load %arg11[%get3A_58] {strides = array<i32>} : memref<640xf32, #tpu.memory_space<vmem>>, vector<16xf32>,
      %mul3A_60 = arith.mulf %get3A_59, %get3A_59 : vector<16xf32>
      %swap3A_61 = arith.constant 0 : i32
      %swap3A_62 = arith.index_cast %swap3A_61 : i32 to index
      %swap3A_63 = arith.constant 64 : index
      %swap3A_64 = tpu.vector_load %arg9[%swap3A_62, %swap3A_63] {strides = array<i32>} : memref<128x80xf32, #tpu.memory_space<vmem>>, vector<16xf32>,
      tpu.vector_store %arg9[%swap3A_62, %swap3A_63], %mul3A_60 {strides = array<i32>} : memref<128x80xf32, #tpu.memory_space<vmem>>, vector<16xf32>,
      %get3A_65 = arith.constant 80 : index
      %get3A_66 = tpu.vector_load %arg11[%get3A_65] {strides = array<i32>} : memref<640xf32, #tpu.memory_space<vmem>>, vector<16xf32>,
      %mul3A_67 = arith.mulf %get3A_66, %get3A_66 : vector<16xf32>
      %swap3A_68 = arith.constant 1 : i32
      %swap3A_69 = arith.index_cast %swap3A_68 : i32 to index
      %swap3A_70 = arith.constant 0 : index
      %swap3A_71 = tpu.vector_load %arg9[%swap3A_69, %swap3A_70] {strides = array<i32>} : memref<128x80xf32, #tpu.memory_space<vmem>>, vector<16xf32>,
      tpu.vector_store %arg9[%swap3A_69, %swap3A_70], %mul3A_67 {strides = array<i32>} : memref<128x80xf32, #tpu.memory_space<vmem>>, vector<16xf32>,
      %get3A_72 = arith.constant 96 : index
      %get3A_73 = tpu.vector_load %arg11[%get3A_72] {strides = array<i32>} : memref<640xf32, #tpu.memory_space<vmem>>, vector<16xf32>,
      %mul3A_74 = arith.mulf %get3A_73, %get3A_73 : vector<16xf32>
      %swap3A_75 = arith.constant 1 : i32
      %swap3A_76 = arith.index_cast %swap3A_75 : i32 to index
      %swap3A_77 = arith.constant 16 : index
      %swap3A_78 = tpu.vector_load %arg9[%swap3A_76, %swap3A_77] {strides = array<i32>} : memref<128x80xf32, #tpu.memory_space<vmem>>, vector<16xf32>,
      tpu.vector_store %arg9[%swap3A_76, %swap3A_77], %mul3A_74 {strides = array<i32>} : memref<128x80xf32, #tpu.memory_space<vmem>>, vector<16xf32>,
      %get3A_79 = arith.constant 112 : index
      %get3A_80 = tpu.vector_load %arg11[%get3A_79] {strides = array<i32>} : memref<640xf32, #tpu.memory_space<vmem>>, vector<16xf32>,
      %mul3A_81 = arith.mulf %get3A_80, %get3A_80 : vector<16xf32>
      %swap3A_82 = arith.constant 1 : i32
      %swap3A_83 = arith.index_cast %swap3A_82 : i32 to index
      %swap3A_84 = arith.constant 32 : index
      %swap3A_85 = tpu.vector_load %arg9[%swap3A_83, %swap3A_84] {strides = array<i32>} : memref<128x80xf32, #tpu.memory_space<vmem>>, vector<16xf32>,
      tpu.vector_store %arg9[%swap3A_83, %swap3A_84], %mul3A_81 {strides = array<i32>} : memref<128x80xf32, #tpu.memory_space<vmem>>, vector<16xf32>,
      %get3A_86 = arith.constant 128 : index
      %get3A_87 = tpu.vector_load %arg11[%get3A_86] {strides = array<i32>} : memref<640xf32, #tpu.memory_space<vmem>>, vector<16xf32>,
      %mul3A_88 = arith.mulf %get3A_87, %get3A_87 : vector<16xf32>
      %swap3A_89 = arith.constant 1 : i32
      %swap3A_90 = arith.index_cast %swap3A_89 : i32 to index
      %swap3A_91 = arith.constant 48 : index
      %swap3A_92 = tpu.vector_load %arg9[%swap3A_90, %swap3A_91] {strides = array<i32>} : memref<128x80xf32, #tpu.memory_space<vmem>>, vector<16xf32>,
      tpu.vector_store %arg9[%swap3A_90, %swap3A_91], %mul3A_88 {strides = array<i32>} : memref<128x80xf32, #tpu.memory_space<vmem>>, vector<16xf32>,
      %get3A_93 = arith.constant 144 : index
      %get3A_94 = tpu.vector_load %arg11[%get3A_93] {strides = array<i32>} : memref<640xf32, #tpu.memory_space<vmem>>, vector<16xf32>,
      %mul3A_95 = arith.mulf %get3A_94, %get3A_94 : vector<16xf32>
      %swap3A_96 = arith.constant 1 : i32
      %swap3A_97 = arith.index_cast %swap3A_96 : i32 to index
      %swap3A_98 = arith.constant 64 : index
      %swap3A_99 = tpu.vector_load %arg9[%swap3A_97, %swap3A_98] {strides = array<i32>} : memref<128x80xf32, #tpu.memory_space<vmem>>, vector<16xf32>,
      tpu.vector_store %arg9[%swap3A_97, %swap3A_98], %mul3A_95 {strides = array<i32>} : memref<128x80xf32, #tpu.memory_space<vmem>>, vector<16xf32>,
      %get3A_100 = arith.constant 160 : index
      %get3A_101 = tpu.vector_load %arg11[%get3A_100] {strides = array<i32>} : memref<640xf32, #tpu.memory_space<vmem>>, vector<16xf32>,
      %mul3A_102 = arith.mulf %get3A_101, %get3A_101 : vector<16xf32>
      %swap3A_103 = arith.constant 2 : i32
      %swap3A_104 = arith.index_cast %swap3A_103 : i32 to index
      %swap3A_105 = arith.constant 0 : index
      %swap3A_106 = tpu.vector_load %arg9[%swap3A_104, %swap3A_105] {strides = array<i32>} : memref<128x80xf32, #tpu.memory_space<vmem>>, vector<16xf32>,
      tpu.vector_store %arg9[%swap3A_104, %swap3A_105], %mul3A_102 {strides = array<i32>} : memref<128x80xf32, #tpu.memory_space<vmem>>, vector<16xf32>,
      %get3A_107 = arith.constant 176 : index
      %get3A_108 = tpu.vector_load %arg11[%get3A_107] {strides = array<i32>} : memref<640xf32, #tpu.memory_space<vmem>>, vector<16xf32>,
      %mul3A_109 = arith.mulf %get3A_108, %get3A_108 : vector<16xf32>
      %swap3A_110 = arith.constant 2 : i32
      %swap3A_111 = arith.index_cast %swap3A_110 : i32 to index
      %swap3A_112 = arith.constant 16 : index
      %swap3A_113 = tpu.vector_load %arg9[%swap3A_111, %swap3A_112] {strides = array<i32>} : memref<128x80xf32, #tpu.memory_space<vmem>>, vector<16xf32>,
      tpu.vector_store %arg9[%swap3A_111, %swap3A_112], %mul3A_109 {strides = array<i32>} : memref<128x80xf32, #tpu.memory_space<vmem>>, vector<16xf32>,
      %get3A_114 = arith.constant 192 : index
      %get3A_115 = tpu.vector_load %arg11[%get3A_114] {strides = array<i32>} : memref<640xf32, #tpu.memory_space<vmem>>, vector<16xf32>,
      %mul3A_116 = arith.mulf %get3A_115, %get3A_115 : vector<16xf32>
      %swap3A_117 = arith.constant 2 : i32
      %swap3A_118 = arith.index_cast %swap3A_117 : i32 to index
      %swap3A_119 = arith.constant 32 : index
      %swap3A_120 = tpu.vector_load %arg9[%swap3A_118, %swap3A_119] {strides = array<i32>} : memref<128x80xf32, #tpu.memory_space<vmem>>, vector<16xf32>,
      tpu.vector_store %arg9[%swap3A_118, %swap3A_119], %mul3A_116 {strides = array<i32>} : memref<128x80xf32, #tpu.memory_space<vmem>>, vector<16xf32>,
      %get3A_121 = arith.constant 208 : index
      %get3A_122 = tpu.vector_load %arg11[%get3A_121] {strides = array<i32>} : memref<640xf32, #tpu.memory_space<vmem>>, vector<16xf32>,
      %mul3A_123 = arith.mulf %get3A_122, %get3A_122 : vector<16xf32>
      %swap3A_124 = arith.constant 2 : i32
      %swap3A_125 = arith.index_cast %swap3A_124 : i32 to index
      %swap3A_126 = arith.constant 48 : index
      %swap3A_127 = tpu.vector_load %arg9[%swap3A_125, %swap3A_126] {strides = array<i32>} : memref<128x80xf32, #tpu.memory_space<vmem>>, vector<16xf32>,
      tpu.vector_store %arg9[%swap3A_125, %swap3A_126], %mul3A_123 {strides = array<i32>} : memref<128x80xf32, #tpu.memory_space<vmem>>, vector<16xf32>,
      %get3A_128 = arith.constant 224 : index
      %get3A_129 = tpu.vector_load %arg11[%get3A_128] {strides = array<i32>} : memref<640xf32, #tpu.memory_space<vmem>>, vector<16xf32>,
      %mul3A_130 = arith.mulf %get3A_129, %get3A_129 : vector<16xf32>
      %swap3A_131 = arith.constant 2 : i32
      %swap3A_132 = arith.index_cast %swap3A_131 : i32 to index
      %swap3A_133 = arith.constant 64 : index
      %swap3A_134 = tpu.vector_load %arg9[%swap3A_132, %swap3A_133] {strides = array<i32>} : memref<128x80xf32, #tpu.memory_space<vmem>>, vector<16xf32>,
      tpu.vector_store %arg9[%swap3A_132, %swap3A_133], %mul3A_130 {strides = array<i32>} : memref<128x80xf32, #tpu.memory_space<vmem>>, vector<16xf32>,
      %get3A_135 = arith.constant 240 : index
      %get3A_136 = tpu.vector_load %arg11[%get3A_135] {strides = array<i32>} : memref<640xf32, #tpu.memory_space<vmem>>, vector<16xf32>,
      %mul3A_137 = arith.mulf %get3A_136, %get3A_136 : vector<16xf32>
      %swap3A_138 = arith.constant 3 : i32
      %swap3A_139 = arith.index_cast %swap3A_138 : i32 to index
      %swap3A_140 = arith.constant 0 : index
      %swap3A_141 = tpu.vector_load %arg9[%swap3A_139, %swap3A_140] {strides = array<i32>} : memref<128x80xf32, #tpu.memory_space<vmem>>, vector<16xf32>,
      tpu.vector_store %arg9[%swap3A_139, %swap3A_140], %mul3A_137 {strides = array<i32>} : memref<128x80xf32, #tpu.memory_space<vmem>>, vector<16xf32>,
      %get3A_142 = arith.constant 256 : index
      %get3A_143 = tpu.vector_load %arg11[%get3A_142] {strides = array<i32>} : memref<640xf32, #tpu.memory_space<vmem>>, vector<16xf32>,
      %mul3A_144 = arith.mulf %get3A_143, %get3A_143 : vector<16xf32>
      %swap3A_145 = arith.constant 3 : i32
      %swap3A_146 = arith.index_cast %swap3A_145 : i32 to index
      %swap3A_147 = arith.constant 16 : index
      %swap3A_148 = tpu.vector_load %arg9[%swap3A_146, %swap3A_147] {strides = array<i32>} : memref<128x80xf32, #tpu.memory_space<vmem>>, vector<16xf32>,
      tpu.vector_store %arg9[%swap3A_146, %swap3A_147], %mul3A_144 {strides = array<i32>} : memref<128x80xf32, #tpu.memory_space<vmem>>, vector<16xf32>,
      %get3A_149 = arith.constant 272 : index
      %get3A_150 = tpu.vector_load %arg11[%get3A_149] {strides = array<i32>} : memref<640xf32, #tpu.memory_space<vmem>>, vector<16xf32>,
      %mul3A_151 = arith.mulf %get3A_150, %get3A_150 : vector<16xf32>
      %swap3A_152 = arith.constant 3 : i32
      %swap3A_153 = arith.index_cast %swap3A_152 : i32 to index
      %swap3A_154 = arith.constant 32 : index
      %swap3A_155 = tpu.vector_load %arg9[%swap3A_153, %swap3A_154] {strides = array<i32>} : memref<128x80xf32, #tpu.memory_space<vmem>>, vector<16xf32>,
      tpu.vector_store %arg9[%swap3A_153, %swap3A_154], %mul3A_151 {strides = array<i32>} : memref<128x80xf32, #tpu.memory_space<vmem>>, vector<16xf32>,
      %get3A_156 = arith.constant 288 : index
      %get3A_157 = tpu.vector_load %arg11[%get3A_156] {strides = array<i32>} : memref<640xf32, #tpu.memory_space<vmem>>, vector<16xf32>,
      %mul3A_158 = arith.mulf %get3A_157, %get3A_157 : vector<16xf32>
      %swap3A_159 = arith.constant 3 : i32
      %swap3A_160 = arith.index_cast %swap3A_159 : i32 to index
      %swap3A_161 = arith.constant 48 : index
      %swap3A_162 = tpu.vector_load %arg9[%swap3A_160, %swap3A_161] {strides = array<i32>} : memref<128x80xf32, #tpu.memory_space<vmem>>, vector<16xf32>,
      tpu.vector_store %arg9[%swap3A_160, %swap3A_161], %mul3A_158 {strides = array<i32>} : memref<128x80xf32, #tpu.memory_space<vmem>>, vector<16xf32>,
      %get3A_163 = arith.constant 304 : index
      %get3A_164 = tpu.vector_load %arg11[%get3A_163] {strides = array<i32>} : memref<640xf32, #tpu.memory_space<vmem>>, vector<16xf32>,
      %mul3A_165 = arith.mulf %get3A_164, %get3A_164 : vector<16xf32>
      %swap3A_166 = arith.constant 3 : i32
      %swap3A_167 = arith.index_cast %swap3A_166 : i32 to index
      %swap3A_168 = arith.constant 64 : index
      %swap3A_169 = tpu.vector_load %arg9[%swap3A_167, %swap3A_168] {strides = array<i32>} : memref<128x80xf32, #tpu.memory_space<vmem>>, vector<16xf32>,
      tpu.vector_store %arg9[%swap3A_167, %swap3A_168], %mul3A_165 {strides = array<i32>} : memref<128x80xf32, #tpu.memory_space<vmem>>, vector<16xf32>,
      %get3A_170 = arith.constant 320 : index
      %get3A_171 = tpu.vector_load %arg11[%get3A_170] {strides = array<i32>} : memref<640xf32, #tpu.memory_space<vmem>>, vector<16xf32>,
      %mul3A_172 = arith.mulf %get3A_171, %get3A_171 : vector<16xf32>
      %swap3A_173 = arith.constant 4 : i32
      %swap3A_174 = arith.index_cast %swap3A_173 : i32 to index
      %swap3A_175 = arith.constant 0 : index
      %swap3A_176 = tpu.vector_load %arg9[%swap3A_174, %swap3A_175] {strides = array<i32>} : memref<128x80xf32, #tpu.memory_space<vmem>>, vector<16xf32>,
      tpu.vector_store %arg9[%swap3A_174, %swap3A_175], %mul3A_172 {strides = array<i32>} : memref<128x80xf32, #tpu.memory_space<vmem>>, vector<16xf32>,
      %get3A_177 = arith.constant 336 : index
      %get3A_178 = tpu.vector_load %arg11[%get3A_177] {strides = array<i32>} : memref<640xf32, #tpu.memory_space<vmem>>, vector<16xf32>,
      %mul3A_179 = arith.mulf %get3A_178, %get3A_178 : vector<16xf32>
      %swap3A_180 = arith.constant 4 : i32
      %swap3A_181 = arith.index_cast %swap3A_180 : i32 to index
      %swap3A_182 = arith.constant 16 : index
      %swap3A_183 = tpu.vector_load %arg9[%swap3A_181, %swap3A_182] {strides = array<i32>} : memref<128x80xf32, #tpu.memory_space<vmem>>, vector<16xf32>,
      tpu.vector_store %arg9[%swap3A_181, %swap3A_182], %mul3A_179 {strides = array<i32>} : memref<128x80xf32, #tpu.memory_space<vmem>>, vector<16xf32>,
      %get3A_184 = arith.constant 352 : index
      %get3A_185 = tpu.vector_load %arg11[%get3A_184] {strides = array<i32>} : memref<640xf32, #tpu.memory_space<vmem>>, vector<16xf32>,
      %mul3A_186 = arith.mulf %get3A_185, %get3A_185 : vector<16xf32>
      %swap3A_187 = arith.constant 4 : i32
      %swap3A_188 = arith.index_cast %swap3A_187 : i32 to index
      %swap3A_189 = arith.constant 32 : index
      %swap3A_190 = tpu.vector_load %arg9[%swap3A_188, %swap3A_189] {strides = array<i32>} : memref<128x80xf32, #tpu.memory_space<vmem>>, vector<16xf32>,
      tpu.vector_store %arg9[%swap3A_188, %swap3A_189], %mul3A_186 {strides = array<i32>} : memref<128x80xf32, #tpu.memory_space<vmem>>, vector<16xf32>,
      %get3A_191 = arith.constant 368 : index
      %get3A_192 = tpu.vector_load %arg11[%get3A_191] {strides = array<i32>} : memref<640xf32, #tpu.memory_space<vmem>>, vector<16xf32>,
      %mul3A_193 = arith.mulf %get3A_192, %get3A_192 : vector<16xf32>
      %swap3A_194 = arith.constant 4 : i32
      %swap3A_195 = arith.index_cast %swap3A_194 : i32 to index
      %swap3A_196 = arith.constant 48 : index
      %swap3A_197 = tpu.vector_load %arg9[%swap3A_195, %swap3A_196] {strides = array<i32>} : memref<128x80xf32, #tpu.memory_space<vmem>>, vector<16xf32>,
      tpu.vector_store %arg9[%swap3A_195, %swap3A_196], %mul3A_193 {strides = array<i32>} : memref<128x80xf32, #tpu.memory_space<vmem>>, vector<16xf32>,
      %get3A_198 = arith.constant 384 : index
      %get3A_199 = tpu.vector_load %arg11[%get3A_198] {strides = array<i32>} : memref<640xf32, #tpu.memory_space<vmem>>, vector<16xf32>,
      %mul3A_200 = arith.mulf %get3A_199, %get3A_199 : vector<16xf32>
      %swap3A_201 = arith.constant 4 : i32
      %swap3A_202 = arith.index_cast %swap3A_201 : i32 to index
      %swap3A_203 = arith.constant 64 : index
      %swap3A_204 = tpu.vector_load %arg9[%swap3A_202, %swap3A_203] {strides = array<i32>} : memref<128x80xf32, #tpu.memory_space<vmem>>, vector<16xf32>,
      tpu.vector_store %arg9[%swap3A_202, %swap3A_203], %mul3A_200 {strides = array<i32>} : memref<128x80xf32, #tpu.memory_space<vmem>>, vector<16xf32>,
      %get3A_205 = arith.constant 400 : index
      %get3A_206 = tpu.vector_load %arg11[%get3A_205] {strides = array<i32>} : memref<640xf32, #tpu.memory_space<vmem>>, vector<16xf32>,
      %mul3A_207 = arith.mulf %get3A_206, %get3A_206 : vector<16xf32>
      %swap3A_208 = arith.constant 5 : i32
      %swap3A_209 = arith.index_cast %swap3A_208 : i32 to index
      %swap3A_210 = arith.constant 0 : index
      %swap3A_211 = tpu.vector_load %arg9[%swap3A_209, %swap3A_210] {strides = array<i32>} : memref<128x80xf32, #tpu.memory_space<vmem>>, vector<16xf32>,
      tpu.vector_store %arg9[%swap3A_209, %swap3A_210], %mul3A_207 {strides = array<i32>} : memref<128x80xf32, #tpu.memory_space<vmem>>, vector<16xf32>,
      %get3A_212 = arith.constant 416 : index
      %get3A_213 = tpu.vector_load %arg11[%get3A_212] {strides = array<i32>} : memref<640xf32, #tpu.memory_space<vmem>>, vector<16xf32>,
      %mul3A_214 = arith.mulf %get3A_213, %get3A_213 : vector<16xf32>
      %swap3A_215 = arith.constant 5 : i32
      %swap3A_216 = arith.index_cast %swap3A_215 : i32 to index
      %swap3A_217 = arith.constant 16 : index
      %swap3A_218 = tpu.vector_load %arg9[%swap3A_216, %swap3A_217] {strides = array<i32>} : memref<128x80xf32, #tpu.memory_space<vmem>>, vector<16xf32>,
      tpu.vector_store %arg9[%swap3A_216, %swap3A_217], %mul3A_214 {strides = array<i32>} : memref<128x80xf32, #tpu.memory_space<vmem>>, vector<16xf32>,
      %get3A_219 = arith.constant 432 : index
      %get3A_220 = tpu.vector_load %arg11[%get3A_219] {strides = array<i32>} : memref<640xf32, #tpu.memory_space<vmem>>, vector<16xf32>,
      %mul3A_221 = arith.mulf %get3A_220, %get3A_220 : vector<16xf32>
      %swap3A_222 = arith.constant 5 : i32
      %swap3A_223 = arith.index_cast %swap3A_222 : i32 to index
      %swap3A_224 = arith.constant 32 : index
      %swap3A_225 = tpu.vector_load %arg9[%swap3A_223, %swap3A_224] {strides = array<i32>} : memref<128x80xf32, #tpu.memory_space<vmem>>, vector<16xf32>,
      tpu.vector_store %arg9[%swap3A_223, %swap3A_224], %mul3A_221 {strides = array<i32>} : memref<128x80xf32, #tpu.memory_space<vmem>>, vector<16xf32>,
      %get3A_226 = arith.constant 448 : index
      %get3A_227 = tpu.vector_load %arg11[%get3A_226] {strides = array<i32>} : memref<640xf32, #tpu.memory_space<vmem>>, vector<16xf32>,
      %mul3A_228 = arith.mulf %get3A_227, %get3A_227 : vector<16xf32>
      %swap3A_229 = arith.constant 5 : i32
      %swap3A_230 = arith.index_cast %swap3A_229 : i32 to index
      %swap3A_231 = arith.constant 48 : index
      %swap3A_232 = tpu.vector_load %arg9[%swap3A_230, %swap3A_231] {strides = array<i32>} : memref<128x80xf32, #tpu.memory_space<vmem>>, vector<16xf32>,
      tpu.vector_store %arg9[%swap3A_230, %swap3A_231], %mul3A_228 {strides = array<i32>} : memref<128x80xf32, #tpu.memory_space<vmem>>, vector<16xf32>,
      %get3A_233 = arith.constant 464 : index
      %get3A_234 = tpu.vector_load %arg11[%get3A_233] {strides = array<i32>} : memref<640xf32, #tpu.memory_space<vmem>>, vector<16xf32>,
      %mul3A_235 = arith.mulf %get3A_234, %get3A_234 : vector<16xf32>
      %swap3A_236 = arith.constant 5 : i32
      %swap3A_237 = arith.index_cast %swap3A_236 : i32 to index
      %swap3A_238 = arith.constant 64 : index
      %swap3A_239 = tpu.vector_load %arg9[%swap3A_237, %swap3A_238] {strides = array<i32>} : memref<128x80xf32, #tpu.memory_space<vmem>>, vector<16xf32>,
      tpu.vector_store %arg9[%swap3A_237, %swap3A_238], %mul3A_235 {strides = array<i32>} : memref<128x80xf32, #tpu.memory_space<vmem>>, vector<16xf32>,
      %get3A_240 = arith.constant 480 : index
      %get3A_241 = tpu.vector_load %arg11[%get3A_240] {strides = array<i32>} : memref<640xf32, #tpu.memory_space<vmem>>, vector<16xf32>,
      %mul3A_242 = arith.mulf %get3A_241, %get3A_241 : vector<16xf32>
      %swap3A_243 = arith.constant 6 : i32
      %swap3A_244 = arith.index_cast %swap3A_243 : i32 to index
      %swap3A_245 = arith.constant 0 : index
      %swap3A_246 = tpu.vector_load %arg9[%swap3A_244, %swap3A_245] {strides = array<i32>} : memref<128x80xf32, #tpu.memory_space<vmem>>, vector<16xf32>,
      tpu.vector_store %arg9[%swap3A_244, %swap3A_245], %mul3A_242 {strides = array<i32>} : memref<128x80xf32, #tpu.memory_space<vmem>>, vector<16xf32>,
      %get3A_247 = arith.constant 496 : index
      %get3A_248 = tpu.vector_load %arg11[%get3A_247] {strides = array<i32>} : memref<640xf32, #tpu.memory_space<vmem>>, vector<16xf32>,
      %mul3A_249 = arith.mulf %get3A_248, %get3A_248 : vector<16xf32>
      %swap3A_250 = arith.constant 6 : i32
      %swap3A_251 = arith.index_cast %swap3A_250 : i32 to index
      %swap3A_252 = arith.constant 16 : index
      %swap3A_253 = tpu.vector_load %arg9[%swap3A_251, %swap3A_252] {strides = array<i32>} : memref<128x80xf32, #tpu.memory_space<vmem>>, vector<16xf32>,
      tpu.vector_store %arg9[%swap3A_251, %swap3A_252], %mul3A_249 {strides = array<i32>} : memref<128x80xf32, #tpu.memory_space<vmem>>, vector<16xf32>,
      %get3A_254 = arith.constant 512 : index
      %get3A_255 = tpu.vector_load %arg11[%get3A_254] {strides = array<i32>} : memref<640xf32, #tpu.memory_space<vmem>>, vector<16xf32>,
      %mul3A_256 = arith.mulf %get3A_255, %get3A_255 : vector<16xf32>
      %swap3A_257 = arith.constant 6 : i32
      %swap3A_258 = arith.index_cast %swap3A_257 : i32 to index
      %swap3A_259 = arith.constant 32 : index
      %swap3A_260 = tpu.vector_load %arg9[%swap3A_258, %swap3A_259] {strides = array<i32>} : memref<128x80xf32, #tpu.memory_space<vmem>>, vector<16xf32>,
      tpu.vector_store %arg9[%swap3A_258, %swap3A_259], %mul3A_256 {strides = array<i32>} : memref<128x80xf32, #tpu.memory_space<vmem>>, vector<16xf32>,
      %get3A_261 = arith.constant 528 : index
      %get3A_262 = tpu.vector_load %arg11[%get3A_261] {strides = array<i32>} : memref<640xf32, #tpu.memory_space<vmem>>, vector<16xf32>,
      %mul3A_263 = arith.mulf %get3A_262, %get3A_262 : vector<16xf32>
      %swap3A_264 = arith.constant 6 : i32
      %swap3A_265 = arith.index_cast %swap3A_264 : i32 to index
      %swap3A_266 = arith.constant 48 : index
      %swap3A_267 = tpu.vector_load %arg9[%swap3A_265, %swap3A_266] {strides = array<i32>} : memref<128x80xf32, #tpu.memory_space<vmem>>, vector<16xf32>,
      tpu.vector_store %arg9[%swap3A_265, %swap3A_266], %mul3A_263 {strides = array<i32>} : memref<128x80xf32, #tpu.memory_space<vmem>>, vector<16xf32>,
      %get3A_268 = arith.constant 544 : index
      %get3A_269 = tpu.vector_load %arg11[%get3A_268] {strides = array<i32>} : memref<640xf32, #tpu.memory_space<vmem>>, vector<16xf32>,
      %mul3A_270 = arith.mulf %get3A_269, %get3A_269 : vector<16xf32>
      %swap3A_271 = arith.constant 6 : i32
      %swap3A_272 = arith.index_cast %swap3A_271 : i32 to index
      %swap3A_273 = arith.constant 64 : index
      %swap3A_274 = tpu.vector_load %arg9[%swap3A_272, %swap3A_273] {strides = array<i32>} : memref<128x80xf32, #tpu.memory_space<vmem>>, vector<16xf32>,
      tpu.vector_store %arg9[%swap3A_272, %swap3A_273], %mul3A_270 {strides = array<i32>} : memref<128x80xf32, #tpu.memory_space<vmem>>, vector<16xf32>,
      %get3A_275 = arith.constant 560 : index
      %get3A_276 = tpu.vector_load %arg11[%get3A_275] {strides = array<i32>} : memref<640xf32, #tpu.memory_space<vmem>>, vector<16xf32>,
      %mul3A_277 = arith.mulf %get3A_276, %get3A_276 : vector<16xf32>
      %swap3A_278 = arith.constant 7 : i32
      %swap3A_279 = arith.index_cast %swap3A_278 : i32 to index
      %swap3A_280 = arith.constant 0 : index
      %swap3A_281 = tpu.vector_load %arg9[%swap3A_279, %swap3A_280] {strides = array<i32>} : memref<128x80xf32, #tpu.memory_space<vmem>>, vector<16xf32>,
      tpu.vector_store %arg9[%swap3A_279, %swap3A_280], %mul3A_277 {strides = array<i32>} : memref<128x80xf32, #tpu.memory_space<vmem>>, vector<16xf32>,
      %get3A_282 = arith.constant 576 : index
      %get3A_283 = tpu.vector_load %arg11[%get3A_282] {strides = array<i32>} : memref<640xf32, #tpu.memory_space<vmem>>, vector<16xf32>,
      %mul3A_284 = arith.mulf %get3A_283, %get3A_283 : vector<16xf32>
      %swap3A_285 = arith.constant 7 : i32
      %swap3A_286 = arith.index_cast %swap3A_285 : i32 to index
      %swap3A_287 = arith.constant 16 : index
      %swap3A_288 = tpu.vector_load %arg9[%swap3A_286, %swap3A_287] {strides = array<i32>} : memref<128x80xf32, #tpu.memory_space<vmem>>, vector<16xf32>,
      tpu.vector_store %arg9[%swap3A_286, %swap3A_287], %mul3A_284 {strides = array<i32>} : memref<128x80xf32, #tpu.memory_space<vmem>>, vector<16xf32>,
      %get3A_289 = arith.constant 592 : index
      %get3A_290 = tpu.vector_load %arg11[%get3A_289] {strides = array<i32>} : memref<640xf32, #tpu.memory_space<vmem>>, vector<16xf32>,
      %mul3A_291 = arith.mulf %get3A_290, %get3A_290 : vector<16xf32>
      %swap3A_292 = arith.constant 7 : i32
      %swap3A_293 = arith.index_cast %swap3A_292 : i32 to index
      %swap3A_294 = arith.constant 32 : index
      %swap3A_295 = tpu.vector_load %arg9[%swap3A_293, %swap3A_294] {strides = array<i32>} : memref<128x80xf32, #tpu.memory_space<vmem>>, vector<16xf32>,
      tpu.vector_store %arg9[%swap3A_293, %swap3A_294], %mul3A_291 {strides = array<i32>} : memref<128x80xf32, #tpu.memory_space<vmem>>, vector<16xf32>,
      %get3A_296 = arith.constant 608 : index
      %get3A_297 = tpu.vector_load %arg11[%get3A_296] {strides = array<i32>} : memref<640xf32, #tpu.memory_space<vmem>>, vector<16xf32>,
      %mul3A_298 = arith.mulf %get3A_297, %get3A_297 : vector<16xf32>
      %swap3A_299 = arith.constant 7 : i32
      %swap3A_300 = arith.index_cast %swap3A_299 : i32 to index
      %swap3A_301 = arith.constant 48 : index
      %swap3A_302 = tpu.vector_load %arg9[%swap3A_300, %swap3A_301] {strides = array<i32>} : memref<128x80xf32, #tpu.memory_space<vmem>>, vector<16xf32>,
      tpu.vector_store %arg9[%swap3A_300, %swap3A_301], %mul3A_298 {strides = array<i32>} : memref<128x80xf32, #tpu.memory_space<vmem>>, vector<16xf32>,
      %get3A_303 = arith.constant 624 : index
      %get3A_304 = tpu.vector_load %arg11[%get3A_303] {strides = array<i32>} : memref<640xf32, #tpu.memory_space<vmem>>, vector<16xf32>,
      %mul3A_305 = arith.mulf %get3A_304, %get3A_304 : vector<16xf32>
      %swap3A_306 = arith.constant 7 : i32
      %swap3A_307 = arith.index_cast %swap3A_306 : i32 to index
      %swap3A_308 = arith.constant 64 : index
      %swap3A_309 = tpu.vector_load %arg9[%swap3A_307, %swap3A_308] {strides = array<i32>} : memref<128x80xf32, #tpu.memory_space<vmem>>, vector<16xf32>,
      tpu.vector_store %arg9[%swap3A_307, %swap3A_308], %mul3A_305 {strides = array<i32>} : memref<128x80xf32, #tpu.memory_space<vmem>>, vector<16xf32>,
      %mul3A_310 = arith.constant 8 : i32
      %mul3A_311 = arith.muli %arg1, %mul3A_310 : i32
      %add3A = arith.constant 2048 : i32
      %add3A_312 = arith.addi %add3A, %mul3A_311 : i32
      "tpu.region"() ({
        %run_scoped3A = tpu.sem_alloc : memref<!tpu.dma_semaphore, #tpu.memory_space<semaphore_mem>>
        %dma_start3A = arith.constant 0 : i32
        %dma_start3A_313 = arith.constant 0 : i32
        %dma_start3A_314 = tpu.memref_slice %arg9[%dma_start3A, %dma_start3A_313] : memref<128x80xf32, #tpu.memory_space<vmem>> -> memref<8x80xf32, #tpu.memory_space<vmem>>
        %dma_start3A_315 = arith.constant 0 : i32
        %dma_start3A_316 = tpu.memref_slice %arg5[%add3A_312, %dma_start3A_315] : memref<2176x80xf32, #tpu.memory_space<hbm>> -> memref<8x80xf32, #tpu.memory_space<hbm>>
        %dma_start3A_317 = arith.constant 0 : i32
        %dma_start3A_318 = tpu.memref_slice %arg5[%add3A_312, %dma_start3A_317] : memref<2176x80xf32, #tpu.memory_space<hbm>> -> memref<8x80xf32, #tpu.memory_space<hbm>>
        %dma_start3A_319 = arith.constant 0 : i32
        %dma_start3A_320 = arith.constant 0 : i32
        %dma_start3A_321 = tpu.memref_slice %arg9[%dma_start3A_319, %dma_start3A_320] : memref<128x80xf32, #tpu.memory_space<vmem>> -> memref<8x80xf32, #tpu.memory_space<vmem>>
        tpu.enqueue_dma source(%dma_start3A_321 : memref<8x80xf32, #tpu.memory_space<vmem>>) target(%dma_start3A_318 : memref<8x80xf32, #tpu.memory_space<hbm>>) target_semaphore(%run_scoped3A : memref<!tpu.dma_semaphore, #tpu.memory_space<semaphore_mem>>)
        %dma_wait3A = arith.constant 0 : i32
        %dma_wait3A_322 = arith.constant 0 : i32
        %dma_wait3A_323 = tpu.memref_slice %arg9[%dma_wait3A, %dma_wait3A_322] : memref<128x80xf32, #tpu.memory_space<vmem>> -> memref<8x80xf32, #tpu.memory_space<vmem>>
        %dma_wait3A_324 = arith.constant 0 : i32
        %dma_wait3A_325 = tpu.memref_slice %arg5[%add3A_312, %dma_wait3A_324] : memref<2176x80xf32, #tpu.memory_space<hbm>> -> memref<8x80xf32, #tpu.memory_space<hbm>>
        %dma_wait3A_326 = arith.constant 0 : i32
        %dma_wait3A_327 = tpu.memref_slice %arg5[%add3A_312, %dma_wait3A_326] : memref<2176x80xf32, #tpu.memory_space<hbm>> -> memref<8x80xf32, #tpu.memory_space<hbm>>
        %dma_wait3A_328 = arith.constant 0 : i32
        %dma_wait3A_329 = arith.constant 0 : i32
        %dma_wait3A_330 = tpu.memref_slice %arg9[%dma_wait3A_328, %dma_wait3A_329] : memref<128x80xf32, #tpu.memory_space<vmem>> -> memref<8x80xf32, #tpu.memory_space<vmem>>
        tpu.wait_dma2 semaphore(%run_scoped3A : memref<!tpu.dma_semaphore, #tpu.memory_space<semaphore_mem>>) src(%dma_wait3A_330 : memref<8x80xf32, #tpu.memory_space<vmem>>) dst(%dma_wait3A_327 : memref<8x80xf32, #tpu.memory_space<hbm>>)
        tpu.yield
      }) : () -> ()
    } else {
    }
    return
  }
}

#map = affine_map<(d0, d1) -> (0, 0)>
module attributes {stable_mosaic.version = 14 : i64} {
  func.func @_conv_body(%arg0: i32, %arg1: i32, %arg2: memref<20000x128xf32, #tpu.memory_space<hbm>>, %arg3: memref<2176x80xi32, #tpu.memory_space<hbm>>, %arg4: memref<2176x80xi32, #tpu.memory_space<hbm>>, %arg5: memref<2176x80xf32, #tpu.memory_space<hbm>>, %arg6: memref<10240x256xf32, #tpu.memory_space<hbm>>, %arg7: memref<8x80xi32, #tpu.memory_space<vmem>>, %arg8: memref<8x80xi32, #tpu.memory_space<vmem>>, %arg9: memref<8x80xf32, #tpu.memory_space<vmem>>, %arg10: memref<80xi32, #tpu.memory_space<vmem>>, %arg11: memref<80xi32, #tpu.memory_space<vmem>>, %arg12: memref<80x128xf32, #tpu.memory_space<vmem>>, %arg13: memref<80x128xf32, #tpu.memory_space<vmem>>, %arg14: memref<!tpu.dma_semaphore, #tpu.memory_space<semaphore_mem>>, %arg15: memref<!tpu.dma_semaphore, #tpu.memory_space<semaphore_mem>>, %arg16: memref<10240x128xf32, #tpu.memory_space<vmem_shared>>) attributes {dimension_semantics = [#tpu.dimension_semantics<core_parallel>, #tpu.dimension_semantics<subcore_parallel>], iteration_bounds = array<i64: 2, 16>, scalar_prefetch = 0 : i64, scratch_operands = 10 : i64, tpu.core_type = #tpu.core_type<sc_vector_subcore>, window_params = [{transform_indices = #map}, {transform_indices = #map}, {transform_indices = #map}, {transform_indices = #map}, {transform_indices = #map}]} {
    %scan3A = arith.constant 0 : i32
    %scan3A_0 = arith.constant 80 : i32
    %scan3A_1 = arith.addi %scan3A, %scan3A_0 : i32
    %scan3A_2 = arith.constant 1 : i32
    scf.for %scan3A_31 = %scan3A to %scan3A_1 step %scan3A_2  : i32 {
      %broadcast_in_dim3A = arith.constant 0.000000e+00 : f32
      %broadcast_in_dim3A_32 = vector.broadcast %broadcast_in_dim3A : f32 to vector<16xf32>
      %swap3A = arith.index_cast %scan3A_31 : i32 to index
      %swap3A_33 = arith.constant 0 : index
      %swap3A_34 = tpu.vector_load %arg12[%swap3A, %swap3A_33] {strides = array<i32>} : memref<80x128xf32, #tpu.memory_space<vmem>>, vector<16xf32>,
      tpu.vector_store %arg12[%swap3A, %swap3A_33], %broadcast_in_dim3A_32 {strides = array<i32>} : memref<80x128xf32, #tpu.memory_space<vmem>>, vector<16xf32>,
      %broadcast_in_dim3A_35 = arith.constant 0.000000e+00 : f32
      %broadcast_in_dim3A_36 = vector.broadcast %broadcast_in_dim3A_35 : f32 to vector<16xf32>
      %swap3A_37 = arith.index_cast %scan3A_31 : i32 to index
      %swap3A_38 = arith.constant 16 : index
      %swap3A_39 = tpu.vector_load %arg12[%swap3A_37, %swap3A_38] {strides = array<i32>} : memref<80x128xf32, #tpu.memory_space<vmem>>, vector<16xf32>,
      tpu.vector_store %arg12[%swap3A_37, %swap3A_38], %broadcast_in_dim3A_36 {strides = array<i32>} : memref<80x128xf32, #tpu.memory_space<vmem>>, vector<16xf32>,
      %broadcast_in_dim3A_40 = arith.constant 0.000000e+00 : f32
      %broadcast_in_dim3A_41 = vector.broadcast %broadcast_in_dim3A_40 : f32 to vector<16xf32>
      %swap3A_42 = arith.index_cast %scan3A_31 : i32 to index
      %swap3A_43 = arith.constant 32 : index
      %swap3A_44 = tpu.vector_load %arg12[%swap3A_42, %swap3A_43] {strides = array<i32>} : memref<80x128xf32, #tpu.memory_space<vmem>>, vector<16xf32>,
      tpu.vector_store %arg12[%swap3A_42, %swap3A_43], %broadcast_in_dim3A_41 {strides = array<i32>} : memref<80x128xf32, #tpu.memory_space<vmem>>, vector<16xf32>,
      %broadcast_in_dim3A_45 = arith.constant 0.000000e+00 : f32
      %broadcast_in_dim3A_46 = vector.broadcast %broadcast_in_dim3A_45 : f32 to vector<16xf32>
      %swap3A_47 = arith.index_cast %scan3A_31 : i32 to index
      %swap3A_48 = arith.constant 48 : index
      %swap3A_49 = tpu.vector_load %arg12[%swap3A_47, %swap3A_48] {strides = array<i32>} : memref<80x128xf32, #tpu.memory_space<vmem>>, vector<16xf32>,
      tpu.vector_store %arg12[%swap3A_47, %swap3A_48], %broadcast_in_dim3A_46 {strides = array<i32>} : memref<80x128xf32, #tpu.memory_space<vmem>>, vector<16xf32>,
      %broadcast_in_dim3A_50 = arith.constant 0.000000e+00 : f32
      %broadcast_in_dim3A_51 = vector.broadcast %broadcast_in_dim3A_50 : f32 to vector<16xf32>
      %swap3A_52 = arith.index_cast %scan3A_31 : i32 to index
      %swap3A_53 = arith.constant 64 : index
      %swap3A_54 = tpu.vector_load %arg12[%swap3A_52, %swap3A_53] {strides = array<i32>} : memref<80x128xf32, #tpu.memory_space<vmem>>, vector<16xf32>,
      tpu.vector_store %arg12[%swap3A_52, %swap3A_53], %broadcast_in_dim3A_51 {strides = array<i32>} : memref<80x128xf32, #tpu.memory_space<vmem>>, vector<16xf32>,
      %broadcast_in_dim3A_55 = arith.constant 0.000000e+00 : f32
      %broadcast_in_dim3A_56 = vector.broadcast %broadcast_in_dim3A_55 : f32 to vector<16xf32>
      %swap3A_57 = arith.index_cast %scan3A_31 : i32 to index
      %swap3A_58 = arith.constant 80 : index
      %swap3A_59 = tpu.vector_load %arg12[%swap3A_57, %swap3A_58] {strides = array<i32>} : memref<80x128xf32, #tpu.memory_space<vmem>>, vector<16xf32>,
      tpu.vector_store %arg12[%swap3A_57, %swap3A_58], %broadcast_in_dim3A_56 {strides = array<i32>} : memref<80x128xf32, #tpu.memory_space<vmem>>, vector<16xf32>,
      %broadcast_in_dim3A_60 = arith.constant 0.000000e+00 : f32
      %broadcast_in_dim3A_61 = vector.broadcast %broadcast_in_dim3A_60 : f32 to vector<16xf32>
      %swap3A_62 = arith.index_cast %scan3A_31 : i32 to index
      %swap3A_63 = arith.constant 96 : index
      %swap3A_64 = tpu.vector_load %arg12[%swap3A_62, %swap3A_63] {strides = array<i32>} : memref<80x128xf32, #tpu.memory_space<vmem>>, vector<16xf32>,
      tpu.vector_store %arg12[%swap3A_62, %swap3A_63], %broadcast_in_dim3A_61 {strides = array<i32>} : memref<80x128xf32, #tpu.memory_space<vmem>>, vector<16xf32>,
      %broadcast_in_dim3A_65 = arith.constant 0.000000e+00 : f32
      %broadcast_in_dim3A_66 = vector.broadcast %broadcast_in_dim3A_65 : f32 to vector<16xf32>
      %swap3A_67 = arith.index_cast %scan3A_31 : i32 to index
      %swap3A_68 = arith.constant 112 : index
      %swap3A_69 = tpu.vector_load %arg12[%swap3A_67, %swap3A_68] {strides = array<i32>} : memref<80x128xf32, #tpu.memory_space<vmem>>, vector<16xf32>,
      tpu.vector_store %arg12[%swap3A_67, %swap3A_68], %broadcast_in_dim3A_66 {strides = array<i32>} : memref<80x128xf32, #tpu.memory_space<vmem>>, vector<16xf32>,
    }
    %scan3A_3 = arith.constant 80 : i32
    %mul3A = arith.constant 640 : i32
    %mul3A_4 = arith.muli %arg1, %mul3A : i32
    %multiple_of3A = tpu.assume_multiple %mul3A_4, 8 : i32
    %add3A = arith.constant 0 : i32
    %add3A_5 = arith.addi %multiple_of3A, %add3A : i32
    "tpu.region"() ({
      %run_scoped3A = tpu.sem_alloc : memref<!tpu.dma_semaphore, #tpu.memory_space<semaphore_mem>>
      %dma_start3A = arith.constant 0 : i32
      %dma_start3A_31 = tpu.memref_slice %arg16[%add3A_5, %dma_start3A] : memref<10240x128xf32, #tpu.memory_space<vmem_shared>> -> memref<80x128xf32, #tpu.memory_space<vmem_shared>>
      %dma_start3A_32 = arith.constant 0 : i32
      %dma_start3A_33 = tpu.memref_slice %arg16[%add3A_5, %dma_start3A_32] : memref<10240x128xf32, #tpu.memory_space<vmem_shared>> -> memref<80x128xf32, #tpu.memory_space<vmem_shared>>
      tpu.enqueue_dma source(%arg12 : memref<80x128xf32, #tpu.memory_space<vmem>>) target(%dma_start3A_33 : memref<80x128xf32, #tpu.memory_space<vmem_shared>>) target_semaphore(%run_scoped3A : memref<!tpu.dma_semaphore, #tpu.memory_space<semaphore_mem>>)
      %dma_wait3A = arith.constant 0 : i32
      %dma_wait3A_34 = tpu.memref_slice %arg16[%add3A_5, %dma_wait3A] : memref<10240x128xf32, #tpu.memory_space<vmem_shared>> -> memref<80x128xf32, #tpu.memory_space<vmem_shared>>
      %dma_wait3A_35 = arith.constant 0 : i32
      %dma_wait3A_36 = tpu.memref_slice %arg16[%add3A_5, %dma_wait3A_35] : memref<10240x128xf32, #tpu.memory_space<vmem_shared>> -> memref<80x128xf32, #tpu.memory_space<vmem_shared>>
      tpu.wait_dma2 semaphore(%run_scoped3A : memref<!tpu.dma_semaphore, #tpu.memory_space<semaphore_mem>>) src(%arg12 : memref<80x128xf32, #tpu.memory_space<vmem>>) dst(%dma_wait3A_36 : memref<80x128xf32, #tpu.memory_space<vmem_shared>>)
      tpu.yield
    }) : () -> ()
    %add3A_6 = arith.constant 80 : i32
    %add3A_7 = arith.addi %multiple_of3A, %add3A_6 : i32
    "tpu.region"() ({
      %run_scoped3A = tpu.sem_alloc : memref<!tpu.dma_semaphore, #tpu.memory_space<semaphore_mem>>
      %dma_start3A = arith.constant 0 : i32
      %dma_start3A_31 = tpu.memref_slice %arg16[%add3A_7, %dma_start3A] : memref<10240x128xf32, #tpu.memory_space<vmem_shared>> -> memref<80x128xf32, #tpu.memory_space<vmem_shared>>
      %dma_start3A_32 = arith.constant 0 : i32
      %dma_start3A_33 = tpu.memref_slice %arg16[%add3A_7, %dma_start3A_32] : memref<10240x128xf32, #tpu.memory_space<vmem_shared>> -> memref<80x128xf32, #tpu.memory_space<vmem_shared>>
      tpu.enqueue_dma source(%arg12 : memref<80x128xf32, #tpu.memory_space<vmem>>) target(%dma_start3A_33 : memref<80x128xf32, #tpu.memory_space<vmem_shared>>) target_semaphore(%run_scoped3A : memref<!tpu.dma_semaphore, #tpu.memory_space<semaphore_mem>>)
      %dma_wait3A = arith.constant 0 : i32
      %dma_wait3A_34 = tpu.memref_slice %arg16[%add3A_7, %dma_wait3A] : memref<10240x128xf32, #tpu.memory_space<vmem_shared>> -> memref<80x128xf32, #tpu.memory_space<vmem_shared>>
      %dma_wait3A_35 = arith.constant 0 : i32
      %dma_wait3A_36 = tpu.memref_slice %arg16[%add3A_7, %dma_wait3A_35] : memref<10240x128xf32, #tpu.memory_space<vmem_shared>> -> memref<80x128xf32, #tpu.memory_space<vmem_shared>>
      tpu.wait_dma2 semaphore(%run_scoped3A : memref<!tpu.dma_semaphore, #tpu.memory_space<semaphore_mem>>) src(%arg12 : memref<80x128xf32, #tpu.memory_space<vmem>>) dst(%dma_wait3A_36 : memref<80x128xf32, #tpu.memory_space<vmem_shared>>)
      tpu.yield
    }) : () -> ()
    %add3A_8 = arith.constant 160 : i32
    %add3A_9 = arith.addi %multiple_of3A, %add3A_8 : i32
    "tpu.region"() ({
      %run_scoped3A = tpu.sem_alloc : memref<!tpu.dma_semaphore, #tpu.memory_space<semaphore_mem>>
      %dma_start3A = arith.constant 0 : i32
      %dma_start3A_31 = tpu.memref_slice %arg16[%add3A_9, %dma_start3A] : memref<10240x128xf32, #tpu.memory_space<vmem_shared>> -> memref<80x128xf32, #tpu.memory_space<vmem_shared>>
      %dma_start3A_32 = arith.constant 0 : i32
      %dma_start3A_33 = tpu.memref_slice %arg16[%add3A_9, %dma_start3A_32] : memref<10240x128xf32, #tpu.memory_space<vmem_shared>> -> memref<80x128xf32, #tpu.memory_space<vmem_shared>>
      tpu.enqueue_dma source(%arg12 : memref<80x128xf32, #tpu.memory_space<vmem>>) target(%dma_start3A_33 : memref<80x128xf32, #tpu.memory_space<vmem_shared>>) target_semaphore(%run_scoped3A : memref<!tpu.dma_semaphore, #tpu.memory_space<semaphore_mem>>)
      %dma_wait3A = arith.constant 0 : i32
      %dma_wait3A_34 = tpu.memref_slice %arg16[%add3A_9, %dma_wait3A] : memref<10240x128xf32, #tpu.memory_space<vmem_shared>> -> memref<80x128xf32, #tpu.memory_space<vmem_shared>>
      %dma_wait3A_35 = arith.constant 0 : i32
      %dma_wait3A_36 = tpu.memref_slice %arg16[%add3A_9, %dma_wait3A_35] : memref<10240x128xf32, #tpu.memory_space<vmem_shared>> -> memref<80x128xf32, #tpu.memory_space<vmem_shared>>
      tpu.wait_dma2 semaphore(%run_scoped3A : memref<!tpu.dma_semaphore, #tpu.memory_space<semaphore_mem>>) src(%arg12 : memref<80x128xf32, #tpu.memory_space<vmem>>) dst(%dma_wait3A_36 : memref<80x128xf32, #tpu.memory_space<vmem_shared>>)
      tpu.yield
    }) : () -> ()
    %add3A_10 = arith.constant 240 : i32
    %add3A_11 = arith.addi %multiple_of3A, %add3A_10 : i32
    "tpu.region"() ({
      %run_scoped3A = tpu.sem_alloc : memref<!tpu.dma_semaphore, #tpu.memory_space<semaphore_mem>>
      %dma_start3A = arith.constant 0 : i32
      %dma_start3A_31 = tpu.memref_slice %arg16[%add3A_11, %dma_start3A] : memref<10240x128xf32, #tpu.memory_space<vmem_shared>> -> memref<80x128xf32, #tpu.memory_space<vmem_shared>>
      %dma_start3A_32 = arith.constant 0 : i32
      %dma_start3A_33 = tpu.memref_slice %arg16[%add3A_11, %dma_start3A_32] : memref<10240x128xf32, #tpu.memory_space<vmem_shared>> -> memref<80x128xf32, #tpu.memory_space<vmem_shared>>
      tpu.enqueue_dma source(%arg12 : memref<80x128xf32, #tpu.memory_space<vmem>>) target(%dma_start3A_33 : memref<80x128xf32, #tpu.memory_space<vmem_shared>>) target_semaphore(%run_scoped3A : memref<!tpu.dma_semaphore, #tpu.memory_space<semaphore_mem>>)
      %dma_wait3A = arith.constant 0 : i32
      %dma_wait3A_34 = tpu.memref_slice %arg16[%add3A_11, %dma_wait3A] : memref<10240x128xf32, #tpu.memory_space<vmem_shared>> -> memref<80x128xf32, #tpu.memory_space<vmem_shared>>
      %dma_wait3A_35 = arith.constant 0 : i32
      %dma_wait3A_36 = tpu.memref_slice %arg16[%add3A_11, %dma_wait3A_35] : memref<10240x128xf32, #tpu.memory_space<vmem_shared>> -> memref<80x128xf32, #tpu.memory_space<vmem_shared>>
      tpu.wait_dma2 semaphore(%run_scoped3A : memref<!tpu.dma_semaphore, #tpu.memory_space<semaphore_mem>>) src(%arg12 : memref<80x128xf32, #tpu.memory_space<vmem>>) dst(%dma_wait3A_36 : memref<80x128xf32, #tpu.memory_space<vmem_shared>>)
      tpu.yield
    }) : () -> ()
    %add3A_12 = arith.constant 320 : i32
    %add3A_13 = arith.addi %multiple_of3A, %add3A_12 : i32
    "tpu.region"() ({
      %run_scoped3A = tpu.sem_alloc : memref<!tpu.dma_semaphore, #tpu.memory_space<semaphore_mem>>
      %dma_start3A = arith.constant 0 : i32
      %dma_start3A_31 = tpu.memref_slice %arg16[%add3A_13, %dma_start3A] : memref<10240x128xf32, #tpu.memory_space<vmem_shared>> -> memref<80x128xf32, #tpu.memory_space<vmem_shared>>
      %dma_start3A_32 = arith.constant 0 : i32
      %dma_start3A_33 = tpu.memref_slice %arg16[%add3A_13, %dma_start3A_32] : memref<10240x128xf32, #tpu.memory_space<vmem_shared>> -> memref<80x128xf32, #tpu.memory_space<vmem_shared>>
      tpu.enqueue_dma source(%arg12 : memref<80x128xf32, #tpu.memory_space<vmem>>) target(%dma_start3A_33 : memref<80x128xf32, #tpu.memory_space<vmem_shared>>) target_semaphore(%run_scoped3A : memref<!tpu.dma_semaphore, #tpu.memory_space<semaphore_mem>>)
      %dma_wait3A = arith.constant 0 : i32
      %dma_wait3A_34 = tpu.memref_slice %arg16[%add3A_13, %dma_wait3A] : memref<10240x128xf32, #tpu.memory_space<vmem_shared>> -> memref<80x128xf32, #tpu.memory_space<vmem_shared>>
      %dma_wait3A_35 = arith.constant 0 : i32
      %dma_wait3A_36 = tpu.memref_slice %arg16[%add3A_13, %dma_wait3A_35] : memref<10240x128xf32, #tpu.memory_space<vmem_shared>> -> memref<80x128xf32, #tpu.memory_space<vmem_shared>>
      tpu.wait_dma2 semaphore(%run_scoped3A : memref<!tpu.dma_semaphore, #tpu.memory_space<semaphore_mem>>) src(%arg12 : memref<80x128xf32, #tpu.memory_space<vmem>>) dst(%dma_wait3A_36 : memref<80x128xf32, #tpu.memory_space<vmem_shared>>)
      tpu.yield
    }) : () -> ()
    %add3A_14 = arith.constant 400 : i32
    %add3A_15 = arith.addi %multiple_of3A, %add3A_14 : i32
    "tpu.region"() ({
      %run_scoped3A = tpu.sem_alloc : memref<!tpu.dma_semaphore, #tpu.memory_space<semaphore_mem>>
      %dma_start3A = arith.constant 0 : i32
      %dma_start3A_31 = tpu.memref_slice %arg16[%add3A_15, %dma_start3A] : memref<10240x128xf32, #tpu.memory_space<vmem_shared>> -> memref<80x128xf32, #tpu.memory_space<vmem_shared>>
      %dma_start3A_32 = arith.constant 0 : i32
      %dma_start3A_33 = tpu.memref_slice %arg16[%add3A_15, %dma_start3A_32] : memref<10240x128xf32, #tpu.memory_space<vmem_shared>> -> memref<80x128xf32, #tpu.memory_space<vmem_shared>>
      tpu.enqueue_dma source(%arg12 : memref<80x128xf32, #tpu.memory_space<vmem>>) target(%dma_start3A_33 : memref<80x128xf32, #tpu.memory_space<vmem_shared>>) target_semaphore(%run_scoped3A : memref<!tpu.dma_semaphore, #tpu.memory_space<semaphore_mem>>)
      %dma_wait3A = arith.constant 0 : i32
      %dma_wait3A_34 = tpu.memref_slice %arg16[%add3A_15, %dma_wait3A] : memref<10240x128xf32, #tpu.memory_space<vmem_shared>> -> memref<80x128xf32, #tpu.memory_space<vmem_shared>>
      %dma_wait3A_35 = arith.constant 0 : i32
      %dma_wait3A_36 = tpu.memref_slice %arg16[%add3A_15, %dma_wait3A_35] : memref<10240x128xf32, #tpu.memory_space<vmem_shared>> -> memref<80x128xf32, #tpu.memory_space<vmem_shared>>
      tpu.wait_dma2 semaphore(%run_scoped3A : memref<!tpu.dma_semaphore, #tpu.memory_space<semaphore_mem>>) src(%arg12 : memref<80x128xf32, #tpu.memory_space<vmem>>) dst(%dma_wait3A_36 : memref<80x128xf32, #tpu.memory_space<vmem_shared>>)
      tpu.yield
    }) : () -> ()
    %add3A_16 = arith.constant 480 : i32
    %add3A_17 = arith.addi %multiple_of3A, %add3A_16 : i32
    "tpu.region"() ({
      %run_scoped3A = tpu.sem_alloc : memref<!tpu.dma_semaphore, #tpu.memory_space<semaphore_mem>>
      %dma_start3A = arith.constant 0 : i32
      %dma_start3A_31 = tpu.memref_slice %arg16[%add3A_17, %dma_start3A] : memref<10240x128xf32, #tpu.memory_space<vmem_shared>> -> memref<80x128xf32, #tpu.memory_space<vmem_shared>>
      %dma_start3A_32 = arith.constant 0 : i32
      %dma_start3A_33 = tpu.memref_slice %arg16[%add3A_17, %dma_start3A_32] : memref<10240x128xf32, #tpu.memory_space<vmem_shared>> -> memref<80x128xf32, #tpu.memory_space<vmem_shared>>
      tpu.enqueue_dma source(%arg12 : memref<80x128xf32, #tpu.memory_space<vmem>>) target(%dma_start3A_33 : memref<80x128xf32, #tpu.memory_space<vmem_shared>>) target_semaphore(%run_scoped3A : memref<!tpu.dma_semaphore, #tpu.memory_space<semaphore_mem>>)
      %dma_wait3A = arith.constant 0 : i32
      %dma_wait3A_34 = tpu.memref_slice %arg16[%add3A_17, %dma_wait3A] : memref<10240x128xf32, #tpu.memory_space<vmem_shared>> -> memref<80x128xf32, #tpu.memory_space<vmem_shared>>
      %dma_wait3A_35 = arith.constant 0 : i32
      %dma_wait3A_36 = tpu.memref_slice %arg16[%add3A_17, %dma_wait3A_35] : memref<10240x128xf32, #tpu.memory_space<vmem_shared>> -> memref<80x128xf32, #tpu.memory_space<vmem_shared>>
      tpu.wait_dma2 semaphore(%run_scoped3A : memref<!tpu.dma_semaphore, #tpu.memory_space<semaphore_mem>>) src(%arg12 : memref<80x128xf32, #tpu.memory_space<vmem>>) dst(%dma_wait3A_36 : memref<80x128xf32, #tpu.memory_space<vmem_shared>>)
      tpu.yield
    }) : () -> ()
    %add3A_18 = arith.constant 560 : i32
    %add3A_19 = arith.addi %multiple_of3A, %add3A_18 : i32
    "tpu.region"() ({
      %run_scoped3A = tpu.sem_alloc : memref<!tpu.dma_semaphore, #tpu.memory_space<semaphore_mem>>
      %dma_start3A = arith.constant 0 : i32
      %dma_start3A_31 = tpu.memref_slice %arg16[%add3A_19, %dma_start3A] : memref<10240x128xf32, #tpu.memory_space<vmem_shared>> -> memref<80x128xf32, #tpu.memory_space<vmem_shared>>
      %dma_start3A_32 = arith.constant 0 : i32
      %dma_start3A_33 = tpu.memref_slice %arg16[%add3A_19, %dma_start3A_32] : memref<10240x128xf32, #tpu.memory_space<vmem_shared>> -> memref<80x128xf32, #tpu.memory_space<vmem_shared>>
      tpu.enqueue_dma source(%arg12 : memref<80x128xf32, #tpu.memory_space<vmem>>) target(%dma_start3A_33 : memref<80x128xf32, #tpu.memory_space<vmem_shared>>) target_semaphore(%run_scoped3A : memref<!tpu.dma_semaphore, #tpu.memory_space<semaphore_mem>>)
      %dma_wait3A = arith.constant 0 : i32
      %dma_wait3A_34 = tpu.memref_slice %arg16[%add3A_19, %dma_wait3A] : memref<10240x128xf32, #tpu.memory_space<vmem_shared>> -> memref<80x128xf32, #tpu.memory_space<vmem_shared>>
      %dma_wait3A_35 = arith.constant 0 : i32
      %dma_wait3A_36 = tpu.memref_slice %arg16[%add3A_19, %dma_wait3A_35] : memref<10240x128xf32, #tpu.memory_space<vmem_shared>> -> memref<80x128xf32, #tpu.memory_space<vmem_shared>>
      tpu.wait_dma2 semaphore(%run_scoped3A : memref<!tpu.dma_semaphore, #tpu.memory_space<semaphore_mem>>) src(%arg12 : memref<80x128xf32, #tpu.memory_space<vmem>>) dst(%dma_wait3A_36 : memref<80x128xf32, #tpu.memory_space<vmem_shared>>)
      tpu.yield
    }) : () -> ()
    %barrier3A = arith.constant 0 : index
    tpu.barrier barrier_id(%barrier3A)
    %mul3A_20 = arith.constant 136 : i32
    %mul3A_21 = arith.muli %arg1, %mul3A_20 : i32
    %multiple_of3A_22 = tpu.assume_multiple %mul3A_21, 8 : i32
    %scan3A_23 = arith.constant 0 : i32
    %scan3A_24 = arith.constant 17 : i32
    %scan3A_25 = arith.addi %scan3A_23, %scan3A_24 : i32
    %scan3A_26 = arith.constant 1 : i32
    scf.for %scan3A_31 = %scan3A_23 to %scan3A_25 step %scan3A_26  : i32 {
      %mul3A_32 = arith.constant 8 : i32
      %mul3A_33 = arith.muli %scan3A_31, %mul3A_32 : i32
      %add3A_34 = arith.addi %multiple_of3A_22, %mul3A_33 : i32
      %multiple_of3A_35 = tpu.assume_multiple %add3A_34, 8 : i32
      "tpu.region"() ({
        %run_scoped3A_567 = tpu.sem_alloc : memref<!tpu.dma_semaphore, #tpu.memory_space<semaphore_mem>>
        %dma_start3A_568 = arith.constant 0 : i32
        %dma_start3A_569 = tpu.memref_slice %arg3[%multiple_of3A_35, %dma_start3A_568] : memref<2176x80xi32, #tpu.memory_space<hbm>> -> memref<8x80xi32, #tpu.memory_space<hbm>>
        %dma_start3A_570 = arith.constant 0 : i32
        %dma_start3A_571 = tpu.memref_slice %arg3[%multiple_of3A_35, %dma_start3A_570] : memref<2176x80xi32, #tpu.memory_space<hbm>> -> memref<8x80xi32, #tpu.memory_space<hbm>>
        tpu.enqueue_dma source(%dma_start3A_571 : memref<8x80xi32, #tpu.memory_space<hbm>>) target(%arg7 : memref<8x80xi32, #tpu.memory_space<vmem>>) target_semaphore(%run_scoped3A_567 : memref<!tpu.dma_semaphore, #tpu.memory_space<semaphore_mem>>)
        %dma_wait3A_572 = arith.constant 0 : i32
        %dma_wait3A_573 = tpu.memref_slice %arg3[%multiple_of3A_35, %dma_wait3A_572] : memref<2176x80xi32, #tpu.memory_space<hbm>> -> memref<8x80xi32, #tpu.memory_space<hbm>>
        %dma_wait3A_574 = arith.constant 0 : i32
        %dma_wait3A_575 = tpu.memref_slice %arg3[%multiple_of3A_35, %dma_wait3A_574] : memref<2176x80xi32, #tpu.memory_space<hbm>> -> memref<8x80xi32, #tpu.memory_space<hbm>>
        tpu.wait_dma2 semaphore(%run_scoped3A_567 : memref<!tpu.dma_semaphore, #tpu.memory_space<semaphore_mem>>) src(%dma_wait3A_575 : memref<8x80xi32, #tpu.memory_space<hbm>>) dst(%arg7 : memref<8x80xi32, #tpu.memory_space<vmem>>)
        tpu.yield
      }) : () -> ()
      "tpu.region"() ({
        %run_scoped3A_567 = tpu.sem_alloc : memref<!tpu.dma_semaphore, #tpu.memory_space<semaphore_mem>>
        %dma_start3A_568 = arith.constant 0 : i32
        %dma_start3A_569 = tpu.memref_slice %arg4[%multiple_of3A_35, %dma_start3A_568] : memref<2176x80xi32, #tpu.memory_space<hbm>> -> memref<8x80xi32, #tpu.memory_space<hbm>>
        %dma_start3A_570 = arith.constant 0 : i32
        %dma_start3A_571 = tpu.memref_slice %arg4[%multiple_of3A_35, %dma_start3A_570] : memref<2176x80xi32, #tpu.memory_space<hbm>> -> memref<8x80xi32, #tpu.memory_space<hbm>>
        tpu.enqueue_dma source(%dma_start3A_571 : memref<8x80xi32, #tpu.memory_space<hbm>>) target(%arg8 : memref<8x80xi32, #tpu.memory_space<vmem>>) target_semaphore(%run_scoped3A_567 : memref<!tpu.dma_semaphore, #tpu.memory_space<semaphore_mem>>)
        %dma_wait3A_572 = arith.constant 0 : i32
        %dma_wait3A_573 = tpu.memref_slice %arg4[%multiple_of3A_35, %dma_wait3A_572] : memref<2176x80xi32, #tpu.memory_space<hbm>> -> memref<8x80xi32, #tpu.memory_space<hbm>>
        %dma_wait3A_574 = arith.constant 0 : i32
        %dma_wait3A_575 = tpu.memref_slice %arg4[%multiple_of3A_35, %dma_wait3A_574] : memref<2176x80xi32, #tpu.memory_space<hbm>> -> memref<8x80xi32, #tpu.memory_space<hbm>>
        tpu.wait_dma2 semaphore(%run_scoped3A_567 : memref<!tpu.dma_semaphore, #tpu.memory_space<semaphore_mem>>) src(%dma_wait3A_575 : memref<8x80xi32, #tpu.memory_space<hbm>>) dst(%arg8 : memref<8x80xi32, #tpu.memory_space<vmem>>)
        tpu.yield
      }) : () -> ()
      "tpu.region"() ({
        %run_scoped3A_567 = tpu.sem_alloc : memref<!tpu.dma_semaphore, #tpu.memory_space<semaphore_mem>>
        %dma_start3A_568 = arith.constant 0 : i32
        %dma_start3A_569 = tpu.memref_slice %arg5[%multiple_of3A_35, %dma_start3A_568] : memref<2176x80xf32, #tpu.memory_space<hbm>> -> memref<8x80xf32, #tpu.memory_space<hbm>>
        %dma_start3A_570 = arith.constant 0 : i32
        %dma_start3A_571 = tpu.memref_slice %arg5[%multiple_of3A_35, %dma_start3A_570] : memref<2176x80xf32, #tpu.memory_space<hbm>> -> memref<8x80xf32, #tpu.memory_space<hbm>>
        tpu.enqueue_dma source(%dma_start3A_571 : memref<8x80xf32, #tpu.memory_space<hbm>>) target(%arg9 : memref<8x80xf32, #tpu.memory_space<vmem>>) target_semaphore(%run_scoped3A_567 : memref<!tpu.dma_semaphore, #tpu.memory_space<semaphore_mem>>)
        %dma_wait3A_572 = arith.constant 0 : i32
        %dma_wait3A_573 = tpu.memref_slice %arg5[%multiple_of3A_35, %dma_wait3A_572] : memref<2176x80xf32, #tpu.memory_space<hbm>> -> memref<8x80xf32, #tpu.memory_space<hbm>>
        %dma_wait3A_574 = arith.constant 0 : i32
        %dma_wait3A_575 = tpu.memref_slice %arg5[%multiple_of3A_35, %dma_wait3A_574] : memref<2176x80xf32, #tpu.memory_space<hbm>> -> memref<8x80xf32, #tpu.memory_space<hbm>>
        tpu.wait_dma2 semaphore(%run_scoped3A_567 : memref<!tpu.dma_semaphore, #tpu.memory_space<semaphore_mem>>) src(%dma_wait3A_575 : memref<8x80xf32, #tpu.memory_space<hbm>>) dst(%arg9 : memref<8x80xf32, #tpu.memory_space<vmem>>)
        tpu.yield
      }) : () -> ()
      %get3A = arith.constant 0 : i32
      %get3A_36 = arith.index_cast %get3A : i32 to index
      %get3A_37 = arith.constant 0 : index
      %get3A_38 = tpu.vector_load %arg7[%get3A_36, %get3A_37] {strides = array<i32>} : memref<8x80xi32, #tpu.memory_space<vmem>>, vector<16xi32>,
      %mul3A_39 = arith.constant 2 : i32
      %mul3A_40 = vector.broadcast %mul3A_39 : i32 to vector<16xi32>
      %mul3A_41 = arith.muli %get3A_38, %mul3A_40 : vector<16xi32>
      %add3A_42 = vector.broadcast %arg0 : i32 to vector<16xi32>
      %add3A_43 = arith.addi %mul3A_41, %add3A_42 : vector<16xi32>
      %swap3A = arith.constant 0 : index
      %swap3A_44 = tpu.vector_load %arg10[%swap3A] {strides = array<i32>} : memref<80xi32, #tpu.memory_space<vmem>>, vector<16xi32>,
      tpu.vector_store %arg10[%swap3A], %add3A_43 {strides = array<i32>} : memref<80xi32, #tpu.memory_space<vmem>>, vector<16xi32>,
      %get3A_45 = arith.constant 0 : i32
      %get3A_46 = arith.index_cast %get3A_45 : i32 to index
      %get3A_47 = arith.constant 16 : index
      %get3A_48 = tpu.vector_load %arg7[%get3A_46, %get3A_47] {strides = array<i32>} : memref<8x80xi32, #tpu.memory_space<vmem>>, vector<16xi32>,
      %mul3A_49 = arith.constant 2 : i32
      %mul3A_50 = vector.broadcast %mul3A_49 : i32 to vector<16xi32>
      %mul3A_51 = arith.muli %get3A_48, %mul3A_50 : vector<16xi32>
      %add3A_52 = vector.broadcast %arg0 : i32 to vector<16xi32>
      %add3A_53 = arith.addi %mul3A_51, %add3A_52 : vector<16xi32>
      %swap3A_54 = arith.constant 16 : index
      %swap3A_55 = tpu.vector_load %arg10[%swap3A_54] {strides = array<i32>} : memref<80xi32, #tpu.memory_space<vmem>>, vector<16xi32>,
      tpu.vector_store %arg10[%swap3A_54], %add3A_53 {strides = array<i32>} : memref<80xi32, #tpu.memory_space<vmem>>, vector<16xi32>,
      %get3A_56 = arith.constant 0 : i32
      %get3A_57 = arith.index_cast %get3A_56 : i32 to index
      %get3A_58 = arith.constant 32 : index
      %get3A_59 = tpu.vector_load %arg7[%get3A_57, %get3A_58] {strides = array<i32>} : memref<8x80xi32, #tpu.memory_space<vmem>>, vector<16xi32>,
      %mul3A_60 = arith.constant 2 : i32
      %mul3A_61 = vector.broadcast %mul3A_60 : i32 to vector<16xi32>
      %mul3A_62 = arith.muli %get3A_59, %mul3A_61 : vector<16xi32>
      %add3A_63 = vector.broadcast %arg0 : i32 to vector<16xi32>
      %add3A_64 = arith.addi %mul3A_62, %add3A_63 : vector<16xi32>
      %swap3A_65 = arith.constant 32 : index
      %swap3A_66 = tpu.vector_load %arg10[%swap3A_65] {strides = array<i32>} : memref<80xi32, #tpu.memory_space<vmem>>, vector<16xi32>,
      tpu.vector_store %arg10[%swap3A_65], %add3A_64 {strides = array<i32>} : memref<80xi32, #tpu.memory_space<vmem>>, vector<16xi32>,
      %get3A_67 = arith.constant 0 : i32
      %get3A_68 = arith.index_cast %get3A_67 : i32 to index
      %get3A_69 = arith.constant 48 : index
      %get3A_70 = tpu.vector_load %arg7[%get3A_68, %get3A_69] {strides = array<i32>} : memref<8x80xi32, #tpu.memory_space<vmem>>, vector<16xi32>,
      %mul3A_71 = arith.constant 2 : i32
      %mul3A_72 = vector.broadcast %mul3A_71 : i32 to vector<16xi32>
      %mul3A_73 = arith.muli %get3A_70, %mul3A_72 : vector<16xi32>
      %add3A_74 = vector.broadcast %arg0 : i32 to vector<16xi32>
      %add3A_75 = arith.addi %mul3A_73, %add3A_74 : vector<16xi32>
      %swap3A_76 = arith.constant 48 : index
      %swap3A_77 = tpu.vector_load %arg10[%swap3A_76] {strides = array<i32>} : memref<80xi32, #tpu.memory_space<vmem>>, vector<16xi32>,
      tpu.vector_store %arg10[%swap3A_76], %add3A_75 {strides = array<i32>} : memref<80xi32, #tpu.memory_space<vmem>>, vector<16xi32>,
      %get3A_78 = arith.constant 0 : i32
      %get3A_79 = arith.index_cast %get3A_78 : i32 to index
      %get3A_80 = arith.constant 64 : index
      %get3A_81 = tpu.vector_load %arg7[%get3A_79, %get3A_80] {strides = array<i32>} : memref<8x80xi32, #tpu.memory_space<vmem>>, vector<16xi32>,
      %mul3A_82 = arith.constant 2 : i32
      %mul3A_83 = vector.broadcast %mul3A_82 : i32 to vector<16xi32>
      %mul3A_84 = arith.muli %get3A_81, %mul3A_83 : vector<16xi32>
      %add3A_85 = vector.broadcast %arg0 : i32 to vector<16xi32>
      %add3A_86 = arith.addi %mul3A_84, %add3A_85 : vector<16xi32>
      %swap3A_87 = arith.constant 64 : index
      %swap3A_88 = tpu.vector_load %arg10[%swap3A_87] {strides = array<i32>} : memref<80xi32, #tpu.memory_space<vmem>>, vector<16xi32>,
      tpu.vector_store %arg10[%swap3A_87], %add3A_86 {strides = array<i32>} : memref<80xi32, #tpu.memory_space<vmem>>, vector<16xi32>,
      %dma_start3A = arith.constant 0 : i32
      %dma_start3A_89 = arith.constant 0 : i32
      %dma_start3A_90 = tpu.memref_slice %arg2[%dma_start3A, %dma_start3A_89] : memref<20000x128xf32, #tpu.memory_space<hbm>> -> memref<20000x128xf32, #tpu.memory_space<hbm>>
      tpu.enqueue_indirect_dma source(%dma_start3A_90 : memref<20000x128xf32, #tpu.memory_space<hbm>>) target(%arg12 : memref<80x128xf32, #tpu.memory_space<vmem>>) offsets(%arg10 : memref<80xi32, #tpu.memory_space<vmem>>) semaphore(%arg14 : memref<!tpu.dma_semaphore, #tpu.memory_space<semaphore_mem>>)
      %dma_wait3A = arith.constant 0 : i32
      %dma_wait3A_91 = arith.constant 0 : i32
      %dma_wait3A_92 = tpu.memref_slice %arg2[%dma_wait3A, %dma_wait3A_91] : memref<20000x128xf32, #tpu.memory_space<hbm>> -> memref<20000x128xf32, #tpu.memory_space<hbm>>
      tpu.wait_indirect_dma semaphore(%arg14 : memref<!tpu.dma_semaphore, #tpu.memory_space<semaphore_mem>>) src(%dma_wait3A_92 : memref<20000x128xf32, #tpu.memory_space<hbm>>) dst(%arg12 : memref<80x128xf32, #tpu.memory_space<vmem>>)
      %get3A_93 = arith.constant 1 : i32
      %get3A_94 = arith.index_cast %get3A_93 : i32 to index
      %get3A_95 = arith.constant 0 : index
      %get3A_96 = tpu.vector_load %arg7[%get3A_94, %get3A_95] {strides = array<i32>} : memref<8x80xi32, #tpu.memory_space<vmem>>, vector<16xi32>,
      %mul3A_97 = arith.constant 2 : i32
      %mul3A_98 = vector.broadcast %mul3A_97 : i32 to vector<16xi32>
      %mul3A_99 = arith.muli %get3A_96, %mul3A_98 : vector<16xi32>
      %add3A_100 = vector.broadcast %arg0 : i32 to vector<16xi32>
      %add3A_101 = arith.addi %mul3A_99, %add3A_100 : vector<16xi32>
      %swap3A_102 = arith.constant 0 : index
      %swap3A_103 = tpu.vector_load %arg11[%swap3A_102] {strides = array<i32>} : memref<80xi32, #tpu.memory_space<vmem>>, vector<16xi32>,
      tpu.vector_store %arg11[%swap3A_102], %add3A_101 {strides = array<i32>} : memref<80xi32, #tpu.memory_space<vmem>>, vector<16xi32>,
      %get3A_104 = arith.constant 1 : i32
      %get3A_105 = arith.index_cast %get3A_104 : i32 to index
      %get3A_106 = arith.constant 16 : index
      %get3A_107 = tpu.vector_load %arg7[%get3A_105, %get3A_106] {strides = array<i32>} : memref<8x80xi32, #tpu.memory_space<vmem>>, vector<16xi32>,
      %mul3A_108 = arith.constant 2 : i32
      %mul3A_109 = vector.broadcast %mul3A_108 : i32 to vector<16xi32>
      %mul3A_110 = arith.muli %get3A_107, %mul3A_109 : vector<16xi32>
      %add3A_111 = vector.broadcast %arg0 : i32 to vector<16xi32>
      %add3A_112 = arith.addi %mul3A_110, %add3A_111 : vector<16xi32>
      %swap3A_113 = arith.constant 16 : index
      %swap3A_114 = tpu.vector_load %arg11[%swap3A_113] {strides = array<i32>} : memref<80xi32, #tpu.memory_space<vmem>>, vector<16xi32>,
      tpu.vector_store %arg11[%swap3A_113], %add3A_112 {strides = array<i32>} : memref<80xi32, #tpu.memory_space<vmem>>, vector<16xi32>,
      %get3A_115 = arith.constant 1 : i32
      %get3A_116 = arith.index_cast %get3A_115 : i32 to index
      %get3A_117 = arith.constant 32 : index
      %get3A_118 = tpu.vector_load %arg7[%get3A_116, %get3A_117] {strides = array<i32>} : memref<8x80xi32, #tpu.memory_space<vmem>>, vector<16xi32>,
      %mul3A_119 = arith.constant 2 : i32
      %mul3A_120 = vector.broadcast %mul3A_119 : i32 to vector<16xi32>
      %mul3A_121 = arith.muli %get3A_118, %mul3A_120 : vector<16xi32>
      %add3A_122 = vector.broadcast %arg0 : i32 to vector<16xi32>
      %add3A_123 = arith.addi %mul3A_121, %add3A_122 : vector<16xi32>
      %swap3A_124 = arith.constant 32 : index
      %swap3A_125 = tpu.vector_load %arg11[%swap3A_124] {strides = array<i32>} : memref<80xi32, #tpu.memory_space<vmem>>, vector<16xi32>,
      tpu.vector_store %arg11[%swap3A_124], %add3A_123 {strides = array<i32>} : memref<80xi32, #tpu.memory_space<vmem>>, vector<16xi32>,
      %get3A_126 = arith.constant 1 : i32
      %get3A_127 = arith.index_cast %get3A_126 : i32 to index
      %get3A_128 = arith.constant 48 : index
      %get3A_129 = tpu.vector_load %arg7[%get3A_127, %get3A_128] {strides = array<i32>} : memref<8x80xi32, #tpu.memory_space<vmem>>, vector<16xi32>,
      %mul3A_130 = arith.constant 2 : i32
      %mul3A_131 = vector.broadcast %mul3A_130 : i32 to vector<16xi32>
      %mul3A_132 = arith.muli %get3A_129, %mul3A_131 : vector<16xi32>
      %add3A_133 = vector.broadcast %arg0 : i32 to vector<16xi32>
      %add3A_134 = arith.addi %mul3A_132, %add3A_133 : vector<16xi32>
      %swap3A_135 = arith.constant 48 : index
      %swap3A_136 = tpu.vector_load %arg11[%swap3A_135] {strides = array<i32>} : memref<80xi32, #tpu.memory_space<vmem>>, vector<16xi32>,
      tpu.vector_store %arg11[%swap3A_135], %add3A_134 {strides = array<i32>} : memref<80xi32, #tpu.memory_space<vmem>>, vector<16xi32>,
      %get3A_137 = arith.constant 1 : i32
      %get3A_138 = arith.index_cast %get3A_137 : i32 to index
      %get3A_139 = arith.constant 64 : index
      %get3A_140 = tpu.vector_load %arg7[%get3A_138, %get3A_139] {strides = array<i32>} : memref<8x80xi32, #tpu.memory_space<vmem>>, vector<16xi32>,
      %mul3A_141 = arith.constant 2 : i32
      %mul3A_142 = vector.broadcast %mul3A_141 : i32 to vector<16xi32>
      %mul3A_143 = arith.muli %get3A_140, %mul3A_142 : vector<16xi32>
      %add3A_144 = vector.broadcast %arg0 : i32 to vector<16xi32>
      %add3A_145 = arith.addi %mul3A_143, %add3A_144 : vector<16xi32>
      %swap3A_146 = arith.constant 64 : index
      %swap3A_147 = tpu.vector_load %arg11[%swap3A_146] {strides = array<i32>} : memref<80xi32, #tpu.memory_space<vmem>>, vector<16xi32>,
      tpu.vector_store %arg11[%swap3A_146], %add3A_145 {strides = array<i32>} : memref<80xi32, #tpu.memory_space<vmem>>, vector<16xi32>,
      %dma_start3A_148 = arith.constant 0 : i32
      %dma_start3A_149 = arith.constant 0 : i32
      %dma_start3A_150 = tpu.memref_slice %arg2[%dma_start3A_148, %dma_start3A_149] : memref<20000x128xf32, #tpu.memory_space<hbm>> -> memref<20000x128xf32, #tpu.memory_space<hbm>>
      tpu.enqueue_indirect_dma source(%dma_start3A_150 : memref<20000x128xf32, #tpu.memory_space<hbm>>) target(%arg13 : memref<80x128xf32, #tpu.memory_space<vmem>>) offsets(%arg11 : memref<80xi32, #tpu.memory_space<vmem>>) semaphore(%arg15 : memref<!tpu.dma_semaphore, #tpu.memory_space<semaphore_mem>>)
      %scan3A_151 = arith.constant 0 : i32
      %scan3A_152 = arith.constant 80 : i32
      %scan3A_153 = arith.addi %scan3A_151, %scan3A_152 : i32
      %scan3A_154 = arith.constant 1 : i32
      scf.for %scan3A_567 = %scan3A_151 to %scan3A_153 step %scan3A_154  : i32 {
        %broadcast_in_dim3A = arith.constant 0 : i32
        %broadcast_in_dim3A_568 = vector.broadcast %broadcast_in_dim3A : i32 to vector<16xi32>
        %broadcast_in_dim3A_569 = vector.broadcast %scan3A_567 : i32 to vector<16xi32>
        %gather3A = tpu.vector_load_idx %arg9[%broadcast_in_dim3A_568, %broadcast_in_dim3A_569] : memref<8x80xf32, #tpu.memory_space<vmem>>[vector<16xi32>, vector<16xi32>], vector<16xf32>,
        %get3A_570 = arith.index_cast %scan3A_567 : i32 to index
        %get3A_571 = arith.constant 0 : index
        %get3A_572 = tpu.vector_load %arg12[%get3A_570, %get3A_571] {strides = array<i32>} : memref<80x128xf32, #tpu.memory_space<vmem>>, vector<16xf32>,
        %mul3A_573 = arith.mulf %get3A_572, %gather3A : vector<16xf32>
        %swap3A_574 = arith.index_cast %scan3A_567 : i32 to index
        %swap3A_575 = arith.constant 0 : index
        %swap3A_576 = tpu.vector_load %arg12[%swap3A_574, %swap3A_575] {strides = array<i32>} : memref<80x128xf32, #tpu.memory_space<vmem>>, vector<16xf32>,
        tpu.vector_store %arg12[%swap3A_574, %swap3A_575], %mul3A_573 {strides = array<i32>} : memref<80x128xf32, #tpu.memory_space<vmem>>, vector<16xf32>,
        %get3A_577 = arith.index_cast %scan3A_567 : i32 to index
        %get3A_578 = arith.constant 16 : index
        %get3A_579 = tpu.vector_load %arg12[%get3A_577, %get3A_578] {strides = array<i32>} : memref<80x128xf32, #tpu.memory_space<vmem>>, vector<16xf32>,
        %mul3A_580 = arith.mulf %get3A_579, %gather3A : vector<16xf32>
        %swap3A_581 = arith.index_cast %scan3A_567 : i32 to index
        %swap3A_582 = arith.constant 16 : index
        %swap3A_583 = tpu.vector_load %arg12[%swap3A_581, %swap3A_582] {strides = array<i32>} : memref<80x128xf32, #tpu.memory_space<vmem>>, vector<16xf32>,
        tpu.vector_store %arg12[%swap3A_581, %swap3A_582], %mul3A_580 {strides = array<i32>} : memref<80x128xf32, #tpu.memory_space<vmem>>, vector<16xf32>,
        %get3A_584 = arith.index_cast %scan3A_567 : i32 to index
        %get3A_585 = arith.constant 32 : index
        %get3A_586 = tpu.vector_load %arg12[%get3A_584, %get3A_585] {strides = array<i32>} : memref<80x128xf32, #tpu.memory_space<vmem>>, vector<16xf32>,
        %mul3A_587 = arith.mulf %get3A_586, %gather3A : vector<16xf32>
        %swap3A_588 = arith.index_cast %scan3A_567 : i32 to index
        %swap3A_589 = arith.constant 32 : index
        %swap3A_590 = tpu.vector_load %arg12[%swap3A_588, %swap3A_589] {strides = array<i32>} : memref<80x128xf32, #tpu.memory_space<vmem>>, vector<16xf32>,
        tpu.vector_store %arg12[%swap3A_588, %swap3A_589], %mul3A_587 {strides = array<i32>} : memref<80x128xf32, #tpu.memory_space<vmem>>, vector<16xf32>,
        %get3A_591 = arith.index_cast %scan3A_567 : i32 to index
        %get3A_592 = arith.constant 48 : index
        %get3A_593 = tpu.vector_load %arg12[%get3A_591, %get3A_592] {strides = array<i32>} : memref<80x128xf32, #tpu.memory_space<vmem>>, vector<16xf32>,
        %mul3A_594 = arith.mulf %get3A_593, %gather3A : vector<16xf32>
        %swap3A_595 = arith.index_cast %scan3A_567 : i32 to index
        %swap3A_596 = arith.constant 48 : index
        %swap3A_597 = tpu.vector_load %arg12[%swap3A_595, %swap3A_596] {strides = array<i32>} : memref<80x128xf32, #tpu.memory_space<vmem>>, vector<16xf32>,
        tpu.vector_store %arg12[%swap3A_595, %swap3A_596], %mul3A_594 {strides = array<i32>} : memref<80x128xf32, #tpu.memory_space<vmem>>, vector<16xf32>,
        %get3A_598 = arith.index_cast %scan3A_567 : i32 to index
        %get3A_599 = arith.constant 64 : index
        %get3A_600 = tpu.vector_load %arg12[%get3A_598, %get3A_599] {strides = array<i32>} : memref<80x128xf32, #tpu.memory_space<vmem>>, vector<16xf32>,
        %mul3A_601 = arith.mulf %get3A_600, %gather3A : vector<16xf32>
        %swap3A_602 = arith.index_cast %scan3A_567 : i32 to index
        %swap3A_603 = arith.constant 64 : index
        %swap3A_604 = tpu.vector_load %arg12[%swap3A_602, %swap3A_603] {strides = array<i32>} : memref<80x128xf32, #tpu.memory_space<vmem>>, vector<16xf32>,
        tpu.vector_store %arg12[%swap3A_602, %swap3A_603], %mul3A_601 {strides = array<i32>} : memref<80x128xf32, #tpu.memory_space<vmem>>, vector<16xf32>,
        %get3A_605 = arith.index_cast %scan3A_567 : i32 to index
        %get3A_606 = arith.constant 80 : index
        %get3A_607 = tpu.vector_load %arg12[%get3A_605, %get3A_606] {strides = array<i32>} : memref<80x128xf32, #tpu.memory_space<vmem>>, vector<16xf32>,
        %mul3A_608 = arith.mulf %get3A_607, %gather3A : vector<16xf32>
        %swap3A_609 = arith.index_cast %scan3A_567 : i32 to index
        %swap3A_610 = arith.constant 80 : index
        %swap3A_611 = tpu.vector_load %arg12[%swap3A_609, %swap3A_610] {strides = array<i32>} : memref<80x128xf32, #tpu.memory_space<vmem>>, vector<16xf32>,
        tpu.vector_store %arg12[%swap3A_609, %swap3A_610], %mul3A_608 {strides = array<i32>} : memref<80x128xf32, #tpu.memory_space<vmem>>, vector<16xf32>,
        %get3A_612 = arith.index_cast %scan3A_567 : i32 to index
        %get3A_613 = arith.constant 96 : index
        %get3A_614 = tpu.vector_load %arg12[%get3A_612, %get3A_613] {strides = array<i32>} : memref<80x128xf32, #tpu.memory_space<vmem>>, vector<16xf32>,
        %mul3A_615 = arith.mulf %get3A_614, %gather3A : vector<16xf32>
        %swap3A_616 = arith.index_cast %scan3A_567 : i32 to index
        %swap3A_617 = arith.constant 96 : index
        %swap3A_618 = tpu.vector_load %arg12[%swap3A_616, %swap3A_617] {strides = array<i32>} : memref<80x128xf32, #tpu.memory_space<vmem>>, vector<16xf32>,
        tpu.vector_store %arg12[%swap3A_616, %swap3A_617], %mul3A_615 {strides = array<i32>} : memref<80x128xf32, #tpu.memory_space<vmem>>, vector<16xf32>,
        %get3A_619 = arith.index_cast %scan3A_567 : i32 to index
        %get3A_620 = arith.constant 112 : index
        %get3A_621 = tpu.vector_load %arg12[%get3A_619, %get3A_620] {strides = array<i32>} : memref<80x128xf32, #tpu.memory_space<vmem>>, vector<16xf32>,
        %mul3A_622 = arith.mulf %get3A_621, %gather3A : vector<16xf32>
        %swap3A_623 = arith.index_cast %scan3A_567 : i32 to index
        %swap3A_624 = arith.constant 112 : index
        %swap3A_625 = tpu.vector_load %arg12[%swap3A_623, %swap3A_624] {strides = array<i32>} : memref<80x128xf32, #tpu.memory_space<vmem>>, vector<16xf32>,
        tpu.vector_store %arg12[%swap3A_623, %swap3A_624], %mul3A_622 {strides = array<i32>} : memref<80x128xf32, #tpu.memory_space<vmem>>, vector<16xf32>,
      }
      %scan3A_155 = arith.constant 80 : i32
      %run_scoped3A = arith.constant 0 : i32
      "tpu.region"() ({
        %run_scoped3A_567 = tpu.sem_alloc : memref<!tpu.dma_semaphore, #tpu.memory_space<semaphore_mem>>
        %dma_start3A_568 = arith.constant 0 : i32
        %dma_start3A_569 = tpu.memref_slice %arg8[%run_scoped3A, %dma_start3A_568] : memref<8x80xi32, #tpu.memory_space<vmem>> -> memref<1x80xi32, #tpu.memory_space<vmem>>
        %dma_start3A_570 = tpu.memref_squeeze %dma_start3A_569 : memref<1x80xi32, #tpu.memory_space<vmem>> -> memref<80xi32, #tpu.memory_space<vmem>>
        %dma_start3A_571 = arith.constant 0 : i32
        %dma_start3A_572 = arith.constant 0 : i32
        %dma_start3A_573 = tpu.memref_slice %arg16[%dma_start3A_571, %dma_start3A_572] : memref<10240x128xf32, #tpu.memory_space<vmem_shared>> -> memref<10240x128xf32, #tpu.memory_space<vmem_shared>>
        tpu.enqueue_indirect_dma source(%arg12 : memref<80x128xf32, #tpu.memory_space<vmem>>) target(%dma_start3A_573 : memref<10240x128xf32, #tpu.memory_space<vmem_shared>>) offsets(%dma_start3A_570 : memref<80xi32, #tpu.memory_space<vmem>>) semaphore(%run_scoped3A_567 : memref<!tpu.dma_semaphore, #tpu.memory_space<semaphore_mem>>) {add = true}
        %dma_wait3A_574 = arith.constant 0 : i32
        %dma_wait3A_575 = tpu.memref_slice %arg8[%run_scoped3A, %dma_wait3A_574] : memref<8x80xi32, #tpu.memory_space<vmem>> -> memref<1x80xi32, #tpu.memory_space<vmem>>
        %dma_wait3A_576 = tpu.memref_squeeze %dma_wait3A_575 : memref<1x80xi32, #tpu.memory_space<vmem>> -> memref<80xi32, #tpu.memory_space<vmem>>
        %dma_wait3A_577 = arith.constant 0 : i32
        %dma_wait3A_578 = arith.constant 0 : i32
        %dma_wait3A_579 = tpu.memref_slice %arg16[%dma_wait3A_577, %dma_wait3A_578] : memref<10240x128xf32, #tpu.memory_space<vmem_shared>> -> memref<10240x128xf32, #tpu.memory_space<vmem_shared>>
        tpu.wait_indirect_dma semaphore(%run_scoped3A_567 : memref<!tpu.dma_semaphore, #tpu.memory_space<semaphore_mem>>) src(%arg12 : memref<80x128xf32, #tpu.memory_space<vmem>>) dst(%dma_wait3A_579 : memref<10240x128xf32, #tpu.memory_space<vmem_shared>>)
        tpu.yield
      }) : () -> ()
      %dma_wait3A_156 = arith.constant 0 : i32
      %dma_wait3A_157 = arith.constant 0 : i32
      %dma_wait3A_158 = tpu.memref_slice %arg2[%dma_wait3A_156, %dma_wait3A_157] : memref<20000x128xf32, #tpu.memory_space<hbm>> -> memref<20000x128xf32, #tpu.memory_space<hbm>>
      tpu.wait_indirect_dma semaphore(%arg15 : memref<!tpu.dma_semaphore, #tpu.memory_space<semaphore_mem>>) src(%dma_wait3A_158 : memref<20000x128xf32, #tpu.memory_space<hbm>>) dst(%arg13 : memref<80x128xf32, #tpu.memory_space<vmem>>)
      %get3A_159 = arith.constant 2 : i32
      %get3A_160 = arith.index_cast %get3A_159 : i32 to index
      %get3A_161 = arith.constant 0 : index
      %get3A_162 = tpu.vector_load %arg7[%get3A_160, %get3A_161] {strides = array<i32>} : memref<8x80xi32, #tpu.memory_space<vmem>>, vector<16xi32>,
      %mul3A_163 = arith.constant 2 : i32
      %mul3A_164 = vector.broadcast %mul3A_163 : i32 to vector<16xi32>
      %mul3A_165 = arith.muli %get3A_162, %mul3A_164 : vector<16xi32>
      %add3A_166 = vector.broadcast %arg0 : i32 to vector<16xi32>
      %add3A_167 = arith.addi %mul3A_165, %add3A_166 : vector<16xi32>
      %swap3A_168 = arith.constant 0 : index
      %swap3A_169 = tpu.vector_load %arg10[%swap3A_168] {strides = array<i32>} : memref<80xi32, #tpu.memory_space<vmem>>, vector<16xi32>,
      tpu.vector_store %arg10[%swap3A_168], %add3A_167 {strides = array<i32>} : memref<80xi32, #tpu.memory_space<vmem>>, vector<16xi32>,
      %get3A_170 = arith.constant 2 : i32
      %get3A_171 = arith.index_cast %get3A_170 : i32 to index
      %get3A_172 = arith.constant 16 : index
      %get3A_173 = tpu.vector_load %arg7[%get3A_171, %get3A_172] {strides = array<i32>} : memref<8x80xi32, #tpu.memory_space<vmem>>, vector<16xi32>,
      %mul3A_174 = arith.constant 2 : i32
      %mul3A_175 = vector.broadcast %mul3A_174 : i32 to vector<16xi32>
      %mul3A_176 = arith.muli %get3A_173, %mul3A_175 : vector<16xi32>
      %add3A_177 = vector.broadcast %arg0 : i32 to vector<16xi32>
      %add3A_178 = arith.addi %mul3A_176, %add3A_177 : vector<16xi32>
      %swap3A_179 = arith.constant 16 : index
      %swap3A_180 = tpu.vector_load %arg10[%swap3A_179] {strides = array<i32>} : memref<80xi32, #tpu.memory_space<vmem>>, vector<16xi32>,
      tpu.vector_store %arg10[%swap3A_179], %add3A_178 {strides = array<i32>} : memref<80xi32, #tpu.memory_space<vmem>>, vector<16xi32>,
      %get3A_181 = arith.constant 2 : i32
      %get3A_182 = arith.index_cast %get3A_181 : i32 to index
      %get3A_183 = arith.constant 32 : index
      %get3A_184 = tpu.vector_load %arg7[%get3A_182, %get3A_183] {strides = array<i32>} : memref<8x80xi32, #tpu.memory_space<vmem>>, vector<16xi32>,
      %mul3A_185 = arith.constant 2 : i32
      %mul3A_186 = vector.broadcast %mul3A_185 : i32 to vector<16xi32>
      %mul3A_187 = arith.muli %get3A_184, %mul3A_186 : vector<16xi32>
      %add3A_188 = vector.broadcast %arg0 : i32 to vector<16xi32>
      %add3A_189 = arith.addi %mul3A_187, %add3A_188 : vector<16xi32>
      %swap3A_190 = arith.constant 32 : index
      %swap3A_191 = tpu.vector_load %arg10[%swap3A_190] {strides = array<i32>} : memref<80xi32, #tpu.memory_space<vmem>>, vector<16xi32>,
      tpu.vector_store %arg10[%swap3A_190], %add3A_189 {strides = array<i32>} : memref<80xi32, #tpu.memory_space<vmem>>, vector<16xi32>,
      %get3A_192 = arith.constant 2 : i32
      %get3A_193 = arith.index_cast %get3A_192 : i32 to index
      %get3A_194 = arith.constant 48 : index
      %get3A_195 = tpu.vector_load %arg7[%get3A_193, %get3A_194] {strides = array<i32>} : memref<8x80xi32, #tpu.memory_space<vmem>>, vector<16xi32>,
      %mul3A_196 = arith.constant 2 : i32
      %mul3A_197 = vector.broadcast %mul3A_196 : i32 to vector<16xi32>
      %mul3A_198 = arith.muli %get3A_195, %mul3A_197 : vector<16xi32>
      %add3A_199 = vector.broadcast %arg0 : i32 to vector<16xi32>
      %add3A_200 = arith.addi %mul3A_198, %add3A_199 : vector<16xi32>
      %swap3A_201 = arith.constant 48 : index
      %swap3A_202 = tpu.vector_load %arg10[%swap3A_201] {strides = array<i32>} : memref<80xi32, #tpu.memory_space<vmem>>, vector<16xi32>,
      tpu.vector_store %arg10[%swap3A_201], %add3A_200 {strides = array<i32>} : memref<80xi32, #tpu.memory_space<vmem>>, vector<16xi32>,
      %get3A_203 = arith.constant 2 : i32
      %get3A_204 = arith.index_cast %get3A_203 : i32 to index
      %get3A_205 = arith.constant 64 : index
      %get3A_206 = tpu.vector_load %arg7[%get3A_204, %get3A_205] {strides = array<i32>} : memref<8x80xi32, #tpu.memory_space<vmem>>, vector<16xi32>,
      %mul3A_207 = arith.constant 2 : i32
      %mul3A_208 = vector.broadcast %mul3A_207 : i32 to vector<16xi32>
      %mul3A_209 = arith.muli %get3A_206, %mul3A_208 : vector<16xi32>
      %add3A_210 = vector.broadcast %arg0 : i32 to vector<16xi32>
      %add3A_211 = arith.addi %mul3A_209, %add3A_210 : vector<16xi32>
      %swap3A_212 = arith.constant 64 : index
      %swap3A_213 = tpu.vector_load %arg10[%swap3A_212] {strides = array<i32>} : memref<80xi32, #tpu.memory_space<vmem>>, vector<16xi32>,
      tpu.vector_store %arg10[%swap3A_212], %add3A_211 {strides = array<i32>} : memref<80xi32, #tpu.memory_space<vmem>>, vector<16xi32>,
      %dma_start3A_214 = arith.constant 0 : i32
      %dma_start3A_215 = arith.constant 0 : i32
      %dma_start3A_216 = tpu.memref_slice %arg2[%dma_start3A_214, %dma_start3A_215] : memref<20000x128xf32, #tpu.memory_space<hbm>> -> memref<20000x128xf32, #tpu.memory_space<hbm>>
      tpu.enqueue_indirect_dma source(%dma_start3A_216 : memref<20000x128xf32, #tpu.memory_space<hbm>>) target(%arg12 : memref<80x128xf32, #tpu.memory_space<vmem>>) offsets(%arg10 : memref<80xi32, #tpu.memory_space<vmem>>) semaphore(%arg14 : memref<!tpu.dma_semaphore, #tpu.memory_space<semaphore_mem>>)
      %scan3A_217 = arith.constant 0 : i32
      %scan3A_218 = arith.constant 80 : i32
      %scan3A_219 = arith.addi %scan3A_217, %scan3A_218 : i32
      %scan3A_220 = arith.constant 1 : i32
      scf.for %scan3A_567 = %scan3A_217 to %scan3A_219 step %scan3A_220  : i32 {
        %broadcast_in_dim3A = arith.constant 1 : i32
        %broadcast_in_dim3A_568 = vector.broadcast %broadcast_in_dim3A : i32 to vector<16xi32>
        %broadcast_in_dim3A_569 = vector.broadcast %scan3A_567 : i32 to vector<16xi32>
        %gather3A = tpu.vector_load_idx %arg9[%broadcast_in_dim3A_568, %broadcast_in_dim3A_569] : memref<8x80xf32, #tpu.memory_space<vmem>>[vector<16xi32>, vector<16xi32>], vector<16xf32>,
        %get3A_570 = arith.index_cast %scan3A_567 : i32 to index
        %get3A_571 = arith.constant 0 : index
        %get3A_572 = tpu.vector_load %arg13[%get3A_570, %get3A_571] {strides = array<i32>} : memref<80x128xf32, #tpu.memory_space<vmem>>, vector<16xf32>,
        %mul3A_573 = arith.mulf %get3A_572, %gather3A : vector<16xf32>
        %swap3A_574 = arith.index_cast %scan3A_567 : i32 to index
        %swap3A_575 = arith.constant 0 : index
        %swap3A_576 = tpu.vector_load %arg13[%swap3A_574, %swap3A_575] {strides = array<i32>} : memref<80x128xf32, #tpu.memory_space<vmem>>, vector<16xf32>,
        tpu.vector_store %arg13[%swap3A_574, %swap3A_575], %mul3A_573 {strides = array<i32>} : memref<80x128xf32, #tpu.memory_space<vmem>>, vector<16xf32>,
        %get3A_577 = arith.index_cast %scan3A_567 : i32 to index
        %get3A_578 = arith.constant 16 : index
        %get3A_579 = tpu.vector_load %arg13[%get3A_577, %get3A_578] {strides = array<i32>} : memref<80x128xf32, #tpu.memory_space<vmem>>, vector<16xf32>,
        %mul3A_580 = arith.mulf %get3A_579, %gather3A : vector<16xf32>
        %swap3A_581 = arith.index_cast %scan3A_567 : i32 to index
        %swap3A_582 = arith.constant 16 : index
        %swap3A_583 = tpu.vector_load %arg13[%swap3A_581, %swap3A_582] {strides = array<i32>} : memref<80x128xf32, #tpu.memory_space<vmem>>, vector<16xf32>,
        tpu.vector_store %arg13[%swap3A_581, %swap3A_582], %mul3A_580 {strides = array<i32>} : memref<80x128xf32, #tpu.memory_space<vmem>>, vector<16xf32>,
        %get3A_584 = arith.index_cast %scan3A_567 : i32 to index
        %get3A_585 = arith.constant 32 : index
        %get3A_586 = tpu.vector_load %arg13[%get3A_584, %get3A_585] {strides = array<i32>} : memref<80x128xf32, #tpu.memory_space<vmem>>, vector<16xf32>,
        %mul3A_587 = arith.mulf %get3A_586, %gather3A : vector<16xf32>
        %swap3A_588 = arith.index_cast %scan3A_567 : i32 to index
        %swap3A_589 = arith.constant 32 : index
        %swap3A_590 = tpu.vector_load %arg13[%swap3A_588, %swap3A_589] {strides = array<i32>} : memref<80x128xf32, #tpu.memory_space<vmem>>, vector<16xf32>,
        tpu.vector_store %arg13[%swap3A_588, %swap3A_589], %mul3A_587 {strides = array<i32>} : memref<80x128xf32, #tpu.memory_space<vmem>>, vector<16xf32>,
        %get3A_591 = arith.index_cast %scan3A_567 : i32 to index
        %get3A_592 = arith.constant 48 : index
        %get3A_593 = tpu.vector_load %arg13[%get3A_591, %get3A_592] {strides = array<i32>} : memref<80x128xf32, #tpu.memory_space<vmem>>, vector<16xf32>,
        %mul3A_594 = arith.mulf %get3A_593, %gather3A : vector<16xf32>
        %swap3A_595 = arith.index_cast %scan3A_567 : i32 to index
        %swap3A_596 = arith.constant 48 : index
        %swap3A_597 = tpu.vector_load %arg13[%swap3A_595, %swap3A_596] {strides = array<i32>} : memref<80x128xf32, #tpu.memory_space<vmem>>, vector<16xf32>,
        tpu.vector_store %arg13[%swap3A_595, %swap3A_596], %mul3A_594 {strides = array<i32>} : memref<80x128xf32, #tpu.memory_space<vmem>>, vector<16xf32>,
        %get3A_598 = arith.index_cast %scan3A_567 : i32 to index
        %get3A_599 = arith.constant 64 : index
        %get3A_600 = tpu.vector_load %arg13[%get3A_598, %get3A_599] {strides = array<i32>} : memref<80x128xf32, #tpu.memory_space<vmem>>, vector<16xf32>,
        %mul3A_601 = arith.mulf %get3A_600, %gather3A : vector<16xf32>
        %swap3A_602 = arith.index_cast %scan3A_567 : i32 to index
        %swap3A_603 = arith.constant 64 : index
        %swap3A_604 = tpu.vector_load %arg13[%swap3A_602, %swap3A_603] {strides = array<i32>} : memref<80x128xf32, #tpu.memory_space<vmem>>, vector<16xf32>,
        tpu.vector_store %arg13[%swap3A_602, %swap3A_603], %mul3A_601 {strides = array<i32>} : memref<80x128xf32, #tpu.memory_space<vmem>>, vector<16xf32>,
        %get3A_605 = arith.index_cast %scan3A_567 : i32 to index
        %get3A_606 = arith.constant 80 : index
        %get3A_607 = tpu.vector_load %arg13[%get3A_605, %get3A_606] {strides = array<i32>} : memref<80x128xf32, #tpu.memory_space<vmem>>, vector<16xf32>,
        %mul3A_608 = arith.mulf %get3A_607, %gather3A : vector<16xf32>
        %swap3A_609 = arith.index_cast %scan3A_567 : i32 to index
        %swap3A_610 = arith.constant 80 : index
        %swap3A_611 = tpu.vector_load %arg13[%swap3A_609, %swap3A_610] {strides = array<i32>} : memref<80x128xf32, #tpu.memory_space<vmem>>, vector<16xf32>,
        tpu.vector_store %arg13[%swap3A_609, %swap3A_610], %mul3A_608 {strides = array<i32>} : memref<80x128xf32, #tpu.memory_space<vmem>>, vector<16xf32>,
        %get3A_612 = arith.index_cast %scan3A_567 : i32 to index
        %get3A_613 = arith.constant 96 : index
        %get3A_614 = tpu.vector_load %arg13[%get3A_612, %get3A_613] {strides = array<i32>} : memref<80x128xf32, #tpu.memory_space<vmem>>, vector<16xf32>,
        %mul3A_615 = arith.mulf %get3A_614, %gather3A : vector<16xf32>
        %swap3A_616 = arith.index_cast %scan3A_567 : i32 to index
        %swap3A_617 = arith.constant 96 : index
        %swap3A_618 = tpu.vector_load %arg13[%swap3A_616, %swap3A_617] {strides = array<i32>} : memref<80x128xf32, #tpu.memory_space<vmem>>, vector<16xf32>,
        tpu.vector_store %arg13[%swap3A_616, %swap3A_617], %mul3A_615 {strides = array<i32>} : memref<80x128xf32, #tpu.memory_space<vmem>>, vector<16xf32>,
        %get3A_619 = arith.index_cast %scan3A_567 : i32 to index
        %get3A_620 = arith.constant 112 : index
        %get3A_621 = tpu.vector_load %arg13[%get3A_619, %get3A_620] {strides = array<i32>} : memref<80x128xf32, #tpu.memory_space<vmem>>, vector<16xf32>,
        %mul3A_622 = arith.mulf %get3A_621, %gather3A : vector<16xf32>
        %swap3A_623 = arith.index_cast %scan3A_567 : i32 to index
        %swap3A_624 = arith.constant 112 : index
        %swap3A_625 = tpu.vector_load %arg13[%swap3A_623, %swap3A_624] {strides = array<i32>} : memref<80x128xf32, #tpu.memory_space<vmem>>, vector<16xf32>,
        tpu.vector_store %arg13[%swap3A_623, %swap3A_624], %mul3A_622 {strides = array<i32>} : memref<80x128xf32, #tpu.memory_space<vmem>>, vector<16xf32>,
      }
      %scan3A_221 = arith.constant 80 : i32
      %run_scoped3A_222 = arith.constant 1 : i32
      "tpu.region"() ({
        %run_scoped3A_567 = tpu.sem_alloc : memref<!tpu.dma_semaphore, #tpu.memory_space<semaphore_mem>>
        %dma_start3A_568 = arith.constant 0 : i32
        %dma_start3A_569 = tpu.memref_slice %arg8[%run_scoped3A_222, %dma_start3A_568] : memref<8x80xi32, #tpu.memory_space<vmem>> -> memref<1x80xi32, #tpu.memory_space<vmem>>
        %dma_start3A_570 = tpu.memref_squeeze %dma_start3A_569 : memref<1x80xi32, #tpu.memory_space<vmem>> -> memref<80xi32, #tpu.memory_space<vmem>>
        %dma_start3A_571 = arith.constant 0 : i32
        %dma_start3A_572 = arith.constant 0 : i32
        %dma_start3A_573 = tpu.memref_slice %arg16[%dma_start3A_571, %dma_start3A_572] : memref<10240x128xf32, #tpu.memory_space<vmem_shared>> -> memref<10240x128xf32, #tpu.memory_space<vmem_shared>>
        tpu.enqueue_indirect_dma source(%arg13 : memref<80x128xf32, #tpu.memory_space<vmem>>) target(%dma_start3A_573 : memref<10240x128xf32, #tpu.memory_space<vmem_shared>>) offsets(%dma_start3A_570 : memref<80xi32, #tpu.memory_space<vmem>>) semaphore(%run_scoped3A_567 : memref<!tpu.dma_semaphore, #tpu.memory_space<semaphore_mem>>) {add = true}
        %dma_wait3A_574 = arith.constant 0 : i32
        %dma_wait3A_575 = tpu.memref_slice %arg8[%run_scoped3A_222, %dma_wait3A_574] : memref<8x80xi32, #tpu.memory_space<vmem>> -> memref<1x80xi32, #tpu.memory_space<vmem>>
        %dma_wait3A_576 = tpu.memref_squeeze %dma_wait3A_575 : memref<1x80xi32, #tpu.memory_space<vmem>> -> memref<80xi32, #tpu.memory_space<vmem>>
        %dma_wait3A_577 = arith.constant 0 : i32
        %dma_wait3A_578 = arith.constant 0 : i32
        %dma_wait3A_579 = tpu.memref_slice %arg16[%dma_wait3A_577, %dma_wait3A_578] : memref<10240x128xf32, #tpu.memory_space<vmem_shared>> -> memref<10240x128xf32, #tpu.memory_space<vmem_shared>>
        tpu.wait_indirect_dma semaphore(%run_scoped3A_567 : memref<!tpu.dma_semaphore, #tpu.memory_space<semaphore_mem>>) src(%arg13 : memref<80x128xf32, #tpu.memory_space<vmem>>) dst(%dma_wait3A_579 : memref<10240x128xf32, #tpu.memory_space<vmem_shared>>)
        tpu.yield
      }) : () -> ()
      %dma_wait3A_223 = arith.constant 0 : i32
      %dma_wait3A_224 = arith.constant 0 : i32
      %dma_wait3A_225 = tpu.memref_slice %arg2[%dma_wait3A_223, %dma_wait3A_224] : memref<20000x128xf32, #tpu.memory_space<hbm>> -> memref<20000x128xf32, #tpu.memory_space<hbm>>
      tpu.wait_indirect_dma semaphore(%arg14 : memref<!tpu.dma_semaphore, #tpu.memory_space<semaphore_mem>>) src(%dma_wait3A_225 : memref<20000x128xf32, #tpu.memory_space<hbm>>) dst(%arg12 : memref<80x128xf32, #tpu.memory_space<vmem>>)
      %get3A_226 = arith.constant 3 : i32
      %get3A_227 = arith.index_cast %get3A_226 : i32 to index
      %get3A_228 = arith.constant 0 : index
      %get3A_229 = tpu.vector_load %arg7[%get3A_227, %get3A_228] {strides = array<i32>} : memref<8x80xi32, #tpu.memory_space<vmem>>, vector<16xi32>,
      %mul3A_230 = arith.constant 2 : i32
      %mul3A_231 = vector.broadcast %mul3A_230 : i32 to vector<16xi32>
      %mul3A_232 = arith.muli %get3A_229, %mul3A_231 : vector<16xi32>
      %add3A_233 = vector.broadcast %arg0 : i32 to vector<16xi32>
      %add3A_234 = arith.addi %mul3A_232, %add3A_233 : vector<16xi32>
      %swap3A_235 = arith.constant 0 : index
      %swap3A_236 = tpu.vector_load %arg11[%swap3A_235] {strides = array<i32>} : memref<80xi32, #tpu.memory_space<vmem>>, vector<16xi32>,
      tpu.vector_store %arg11[%swap3A_235], %add3A_234 {strides = array<i32>} : memref<80xi32, #tpu.memory_space<vmem>>, vector<16xi32>,
      %get3A_237 = arith.constant 3 : i32
      %get3A_238 = arith.index_cast %get3A_237 : i32 to index
      %get3A_239 = arith.constant 16 : index
      %get3A_240 = tpu.vector_load %arg7[%get3A_238, %get3A_239] {strides = array<i32>} : memref<8x80xi32, #tpu.memory_space<vmem>>, vector<16xi32>,
      %mul3A_241 = arith.constant 2 : i32
      %mul3A_242 = vector.broadcast %mul3A_241 : i32 to vector<16xi32>
      %mul3A_243 = arith.muli %get3A_240, %mul3A_242 : vector<16xi32>
      %add3A_244 = vector.broadcast %arg0 : i32 to vector<16xi32>
      %add3A_245 = arith.addi %mul3A_243, %add3A_244 : vector<16xi32>
      %swap3A_246 = arith.constant 16 : index
      %swap3A_247 = tpu.vector_load %arg11[%swap3A_246] {strides = array<i32>} : memref<80xi32, #tpu.memory_space<vmem>>, vector<16xi32>,
      tpu.vector_store %arg11[%swap3A_246], %add3A_245 {strides = array<i32>} : memref<80xi32, #tpu.memory_space<vmem>>, vector<16xi32>,
      %get3A_248 = arith.constant 3 : i32
      %get3A_249 = arith.index_cast %get3A_248 : i32 to index
      %get3A_250 = arith.constant 32 : index
      %get3A_251 = tpu.vector_load %arg7[%get3A_249, %get3A_250] {strides = array<i32>} : memref<8x80xi32, #tpu.memory_space<vmem>>, vector<16xi32>,
      %mul3A_252 = arith.constant 2 : i32
      %mul3A_253 = vector.broadcast %mul3A_252 : i32 to vector<16xi32>
      %mul3A_254 = arith.muli %get3A_251, %mul3A_253 : vector<16xi32>
      %add3A_255 = vector.broadcast %arg0 : i32 to vector<16xi32>
      %add3A_256 = arith.addi %mul3A_254, %add3A_255 : vector<16xi32>
      %swap3A_257 = arith.constant 32 : index
      %swap3A_258 = tpu.vector_load %arg11[%swap3A_257] {strides = array<i32>} : memref<80xi32, #tpu.memory_space<vmem>>, vector<16xi32>,
      tpu.vector_store %arg11[%swap3A_257], %add3A_256 {strides = array<i32>} : memref<80xi32, #tpu.memory_space<vmem>>, vector<16xi32>,
      %get3A_259 = arith.constant 3 : i32
      %get3A_260 = arith.index_cast %get3A_259 : i32 to index
      %get3A_261 = arith.constant 48 : index
      %get3A_262 = tpu.vector_load %arg7[%get3A_260, %get3A_261] {strides = array<i32>} : memref<8x80xi32, #tpu.memory_space<vmem>>, vector<16xi32>,
      %mul3A_263 = arith.constant 2 : i32
      %mul3A_264 = vector.broadcast %mul3A_263 : i32 to vector<16xi32>
      %mul3A_265 = arith.muli %get3A_262, %mul3A_264 : vector<16xi32>
      %add3A_266 = vector.broadcast %arg0 : i32 to vector<16xi32>
      %add3A_267 = arith.addi %mul3A_265, %add3A_266 : vector<16xi32>
      %swap3A_268 = arith.constant 48 : index
      %swap3A_269 = tpu.vector_load %arg11[%swap3A_268] {strides = array<i32>} : memref<80xi32, #tpu.memory_space<vmem>>, vector<16xi32>,
      tpu.vector_store %arg11[%swap3A_268], %add3A_267 {strides = array<i32>} : memref<80xi32, #tpu.memory_space<vmem>>, vector<16xi32>,
      %get3A_270 = arith.constant 3 : i32
      %get3A_271 = arith.index_cast %get3A_270 : i32 to index
      %get3A_272 = arith.constant 64 : index
      %get3A_273 = tpu.vector_load %arg7[%get3A_271, %get3A_272] {strides = array<i32>} : memref<8x80xi32, #tpu.memory_space<vmem>>, vector<16xi32>,
      %mul3A_274 = arith.constant 2 : i32
      %mul3A_275 = vector.broadcast %mul3A_274 : i32 to vector<16xi32>
      %mul3A_276 = arith.muli %get3A_273, %mul3A_275 : vector<16xi32>
      %add3A_277 = vector.broadcast %arg0 : i32 to vector<16xi32>
      %add3A_278 = arith.addi %mul3A_276, %add3A_277 : vector<16xi32>
      %swap3A_279 = arith.constant 64 : index
      %swap3A_280 = tpu.vector_load %arg11[%swap3A_279] {strides = array<i32>} : memref<80xi32, #tpu.memory_space<vmem>>, vector<16xi32>,
      tpu.vector_store %arg11[%swap3A_279], %add3A_278 {strides = array<i32>} : memref<80xi32, #tpu.memory_space<vmem>>, vector<16xi32>,
      %dma_start3A_281 = arith.constant 0 : i32
      %dma_start3A_282 = arith.constant 0 : i32
      %dma_start3A_283 = tpu.memref_slice %arg2[%dma_start3A_281, %dma_start3A_282] : memref<20000x128xf32, #tpu.memory_space<hbm>> -> memref<20000x128xf32, #tpu.memory_space<hbm>>
      tpu.enqueue_indirect_dma source(%dma_start3A_283 : memref<20000x128xf32, #tpu.memory_space<hbm>>) target(%arg13 : memref<80x128xf32, #tpu.memory_space<vmem>>) offsets(%arg11 : memref<80xi32, #tpu.memory_space<vmem>>) semaphore(%arg15 : memref<!tpu.dma_semaphore, #tpu.memory_space<semaphore_mem>>)
      %scan3A_284 = arith.constant 0 : i32
      %scan3A_285 = arith.constant 80 : i32
      %scan3A_286 = arith.addi %scan3A_284, %scan3A_285 : i32
      %scan3A_287 = arith.constant 1 : i32
      scf.for %scan3A_567 = %scan3A_284 to %scan3A_286 step %scan3A_287  : i32 {
        %broadcast_in_dim3A = arith.constant 2 : i32
        %broadcast_in_dim3A_568 = vector.broadcast %broadcast_in_dim3A : i32 to vector<16xi32>
        %broadcast_in_dim3A_569 = vector.broadcast %scan3A_567 : i32 to vector<16xi32>
        %gather3A = tpu.vector_load_idx %arg9[%broadcast_in_dim3A_568, %broadcast_in_dim3A_569] : memref<8x80xf32, #tpu.memory_space<vmem>>[vector<16xi32>, vector<16xi32>], vector<16xf32>,
        %get3A_570 = arith.index_cast %scan3A_567 : i32 to index
        %get3A_571 = arith.constant 0 : index
        %get3A_572 = tpu.vector_load %arg12[%get3A_570, %get3A_571] {strides = array<i32>} : memref<80x128xf32, #tpu.memory_space<vmem>>, vector<16xf32>,
        %mul3A_573 = arith.mulf %get3A_572, %gather3A : vector<16xf32>
        %swap3A_574 = arith.index_cast %scan3A_567 : i32 to index
        %swap3A_575 = arith.constant 0 : index
        %swap3A_576 = tpu.vector_load %arg12[%swap3A_574, %swap3A_575] {strides = array<i32>} : memref<80x128xf32, #tpu.memory_space<vmem>>, vector<16xf32>,
        tpu.vector_store %arg12[%swap3A_574, %swap3A_575], %mul3A_573 {strides = array<i32>} : memref<80x128xf32, #tpu.memory_space<vmem>>, vector<16xf32>,
        %get3A_577 = arith.index_cast %scan3A_567 : i32 to index
        %get3A_578 = arith.constant 16 : index
        %get3A_579 = tpu.vector_load %arg12[%get3A_577, %get3A_578] {strides = array<i32>} : memref<80x128xf32, #tpu.memory_space<vmem>>, vector<16xf32>,
        %mul3A_580 = arith.mulf %get3A_579, %gather3A : vector<16xf32>
        %swap3A_581 = arith.index_cast %scan3A_567 : i32 to index
        %swap3A_582 = arith.constant 16 : index
        %swap3A_583 = tpu.vector_load %arg12[%swap3A_581, %swap3A_582] {strides = array<i32>} : memref<80x128xf32, #tpu.memory_space<vmem>>, vector<16xf32>,
        tpu.vector_store %arg12[%swap3A_581, %swap3A_582], %mul3A_580 {strides = array<i32>} : memref<80x128xf32, #tpu.memory_space<vmem>>, vector<16xf32>,
        %get3A_584 = arith.index_cast %scan3A_567 : i32 to index
        %get3A_585 = arith.constant 32 : index
        %get3A_586 = tpu.vector_load %arg12[%get3A_584, %get3A_585] {strides = array<i32>} : memref<80x128xf32, #tpu.memory_space<vmem>>, vector<16xf32>,
        %mul3A_587 = arith.mulf %get3A_586, %gather3A : vector<16xf32>
        %swap3A_588 = arith.index_cast %scan3A_567 : i32 to index
        %swap3A_589 = arith.constant 32 : index
        %swap3A_590 = tpu.vector_load %arg12[%swap3A_588, %swap3A_589] {strides = array<i32>} : memref<80x128xf32, #tpu.memory_space<vmem>>, vector<16xf32>,
        tpu.vector_store %arg12[%swap3A_588, %swap3A_589], %mul3A_587 {strides = array<i32>} : memref<80x128xf32, #tpu.memory_space<vmem>>, vector<16xf32>,
        %get3A_591 = arith.index_cast %scan3A_567 : i32 to index
        %get3A_592 = arith.constant 48 : index
        %get3A_593 = tpu.vector_load %arg12[%get3A_591, %get3A_592] {strides = array<i32>} : memref<80x128xf32, #tpu.memory_space<vmem>>, vector<16xf32>,
        %mul3A_594 = arith.mulf %get3A_593, %gather3A : vector<16xf32>
        %swap3A_595 = arith.index_cast %scan3A_567 : i32 to index
        %swap3A_596 = arith.constant 48 : index
        %swap3A_597 = tpu.vector_load %arg12[%swap3A_595, %swap3A_596] {strides = array<i32>} : memref<80x128xf32, #tpu.memory_space<vmem>>, vector<16xf32>,
        tpu.vector_store %arg12[%swap3A_595, %swap3A_596], %mul3A_594 {strides = array<i32>} : memref<80x128xf32, #tpu.memory_space<vmem>>, vector<16xf32>,
        %get3A_598 = arith.index_cast %scan3A_567 : i32 to index
        %get3A_599 = arith.constant 64 : index
        %get3A_600 = tpu.vector_load %arg12[%get3A_598, %get3A_599] {strides = array<i32>} : memref<80x128xf32, #tpu.memory_space<vmem>>, vector<16xf32>,
        %mul3A_601 = arith.mulf %get3A_600, %gather3A : vector<16xf32>
        %swap3A_602 = arith.index_cast %scan3A_567 : i32 to index
        %swap3A_603 = arith.constant 64 : index
        %swap3A_604 = tpu.vector_load %arg12[%swap3A_602, %swap3A_603] {strides = array<i32>} : memref<80x128xf32, #tpu.memory_space<vmem>>, vector<16xf32>,
        tpu.vector_store %arg12[%swap3A_602, %swap3A_603], %mul3A_601 {strides = array<i32>} : memref<80x128xf32, #tpu.memory_space<vmem>>, vector<16xf32>,
        %get3A_605 = arith.index_cast %scan3A_567 : i32 to index
        %get3A_606 = arith.constant 80 : index
        %get3A_607 = tpu.vector_load %arg12[%get3A_605, %get3A_606] {strides = array<i32>} : memref<80x128xf32, #tpu.memory_space<vmem>>, vector<16xf32>,
        %mul3A_608 = arith.mulf %get3A_607, %gather3A : vector<16xf32>
        %swap3A_609 = arith.index_cast %scan3A_567 : i32 to index
        %swap3A_610 = arith.constant 80 : index
        %swap3A_611 = tpu.vector_load %arg12[%swap3A_609, %swap3A_610] {strides = array<i32>} : memref<80x128xf32, #tpu.memory_space<vmem>>, vector<16xf32>,
        tpu.vector_store %arg12[%swap3A_609, %swap3A_610], %mul3A_608 {strides = array<i32>} : memref<80x128xf32, #tpu.memory_space<vmem>>, vector<16xf32>,
        %get3A_612 = arith.index_cast %scan3A_567 : i32 to index
        %get3A_613 = arith.constant 96 : index
        %get3A_614 = tpu.vector_load %arg12[%get3A_612, %get3A_613] {strides = array<i32>} : memref<80x128xf32, #tpu.memory_space<vmem>>, vector<16xf32>,
        %mul3A_615 = arith.mulf %get3A_614, %gather3A : vector<16xf32>
        %swap3A_616 = arith.index_cast %scan3A_567 : i32 to index
        %swap3A_617 = arith.constant 96 : index
        %swap3A_618 = tpu.vector_load %arg12[%swap3A_616, %swap3A_617] {strides = array<i32>} : memref<80x128xf32, #tpu.memory_space<vmem>>, vector<16xf32>,
        tpu.vector_store %arg12[%swap3A_616, %swap3A_617], %mul3A_615 {strides = array<i32>} : memref<80x128xf32, #tpu.memory_space<vmem>>, vector<16xf32>,
        %get3A_619 = arith.index_cast %scan3A_567 : i32 to index
        %get3A_620 = arith.constant 112 : index
        %get3A_621 = tpu.vector_load %arg12[%get3A_619, %get3A_620] {strides = array<i32>} : memref<80x128xf32, #tpu.memory_space<vmem>>, vector<16xf32>,
        %mul3A_622 = arith.mulf %get3A_621, %gather3A : vector<16xf32>
        %swap3A_623 = arith.index_cast %scan3A_567 : i32 to index
        %swap3A_624 = arith.constant 112 : index
        %swap3A_625 = tpu.vector_load %arg12[%swap3A_623, %swap3A_624] {strides = array<i32>} : memref<80x128xf32, #tpu.memory_space<vmem>>, vector<16xf32>,
        tpu.vector_store %arg12[%swap3A_623, %swap3A_624], %mul3A_622 {strides = array<i32>} : memref<80x128xf32, #tpu.memory_space<vmem>>, vector<16xf32>,
      }
      %scan3A_288 = arith.constant 80 : i32
      %run_scoped3A_289 = arith.constant 2 : i32
      "tpu.region"() ({
        %run_scoped3A_567 = tpu.sem_alloc : memref<!tpu.dma_semaphore, #tpu.memory_space<semaphore_mem>>
        %dma_start3A_568 = arith.constant 0 : i32
        %dma_start3A_569 = tpu.memref_slice %arg8[%run_scoped3A_289, %dma_start3A_568] : memref<8x80xi32, #tpu.memory_space<vmem>> -> memref<1x80xi32, #tpu.memory_space<vmem>>
        %dma_start3A_570 = tpu.memref_squeeze %dma_start3A_569 : memref<1x80xi32, #tpu.memory_space<vmem>> -> memref<80xi32, #tpu.memory_space<vmem>>
        %dma_start3A_571 = arith.constant 0 : i32
        %dma_start3A_572 = arith.constant 0 : i32
        %dma_start3A_573 = tpu.memref_slice %arg16[%dma_start3A_571, %dma_start3A_572] : memref<10240x128xf32, #tpu.memory_space<vmem_shared>> -> memref<10240x128xf32, #tpu.memory_space<vmem_shared>>
        tpu.enqueue_indirect_dma source(%arg12 : memref<80x128xf32, #tpu.memory_space<vmem>>) target(%dma_start3A_573 : memref<10240x128xf32, #tpu.memory_space<vmem_shared>>) offsets(%dma_start3A_570 : memref<80xi32, #tpu.memory_space<vmem>>) semaphore(%run_scoped3A_567 : memref<!tpu.dma_semaphore, #tpu.memory_space<semaphore_mem>>) {add = true}
        %dma_wait3A_574 = arith.constant 0 : i32
        %dma_wait3A_575 = tpu.memref_slice %arg8[%run_scoped3A_289, %dma_wait3A_574] : memref<8x80xi32, #tpu.memory_space<vmem>> -> memref<1x80xi32, #tpu.memory_space<vmem>>
        %dma_wait3A_576 = tpu.memref_squeeze %dma_wait3A_575 : memref<1x80xi32, #tpu.memory_space<vmem>> -> memref<80xi32, #tpu.memory_space<vmem>>
        %dma_wait3A_577 = arith.constant 0 : i32
        %dma_wait3A_578 = arith.constant 0 : i32
        %dma_wait3A_579 = tpu.memref_slice %arg16[%dma_wait3A_577, %dma_wait3A_578] : memref<10240x128xf32, #tpu.memory_space<vmem_shared>> -> memref<10240x128xf32, #tpu.memory_space<vmem_shared>>
        tpu.wait_indirect_dma semaphore(%run_scoped3A_567 : memref<!tpu.dma_semaphore, #tpu.memory_space<semaphore_mem>>) src(%arg12 : memref<80x128xf32, #tpu.memory_space<vmem>>) dst(%dma_wait3A_579 : memref<10240x128xf32, #tpu.memory_space<vmem_shared>>)
        tpu.yield
      }) : () -> ()
      %dma_wait3A_290 = arith.constant 0 : i32
      %dma_wait3A_291 = arith.constant 0 : i32
      %dma_wait3A_292 = tpu.memref_slice %arg2[%dma_wait3A_290, %dma_wait3A_291] : memref<20000x128xf32, #tpu.memory_space<hbm>> -> memref<20000x128xf32, #tpu.memory_space<hbm>>
      tpu.wait_indirect_dma semaphore(%arg15 : memref<!tpu.dma_semaphore, #tpu.memory_space<semaphore_mem>>) src(%dma_wait3A_292 : memref<20000x128xf32, #tpu.memory_space<hbm>>) dst(%arg13 : memref<80x128xf32, #tpu.memory_space<vmem>>)
      %get3A_293 = arith.constant 4 : i32
      %get3A_294 = arith.index_cast %get3A_293 : i32 to index
      %get3A_295 = arith.constant 0 : index
      %get3A_296 = tpu.vector_load %arg7[%get3A_294, %get3A_295] {strides = array<i32>} : memref<8x80xi32, #tpu.memory_space<vmem>>, vector<16xi32>,
      %mul3A_297 = arith.constant 2 : i32
      %mul3A_298 = vector.broadcast %mul3A_297 : i32 to vector<16xi32>
      %mul3A_299 = arith.muli %get3A_296, %mul3A_298 : vector<16xi32>
      %add3A_300 = vector.broadcast %arg0 : i32 to vector<16xi32>
      %add3A_301 = arith.addi %mul3A_299, %add3A_300 : vector<16xi32>
      %swap3A_302 = arith.constant 0 : index
      %swap3A_303 = tpu.vector_load %arg10[%swap3A_302] {strides = array<i32>} : memref<80xi32, #tpu.memory_space<vmem>>, vector<16xi32>,
      tpu.vector_store %arg10[%swap3A_302], %add3A_301 {strides = array<i32>} : memref<80xi32, #tpu.memory_space<vmem>>, vector<16xi32>,
      %get3A_304 = arith.constant 4 : i32
      %get3A_305 = arith.index_cast %get3A_304 : i32 to index
      %get3A_306 = arith.constant 16 : index
      %get3A_307 = tpu.vector_load %arg7[%get3A_305, %get3A_306] {strides = array<i32>} : memref<8x80xi32, #tpu.memory_space<vmem>>, vector<16xi32>,
      %mul3A_308 = arith.constant 2 : i32
      %mul3A_309 = vector.broadcast %mul3A_308 : i32 to vector<16xi32>
      %mul3A_310 = arith.muli %get3A_307, %mul3A_309 : vector<16xi32>
      %add3A_311 = vector.broadcast %arg0 : i32 to vector<16xi32>
      %add3A_312 = arith.addi %mul3A_310, %add3A_311 : vector<16xi32>
      %swap3A_313 = arith.constant 16 : index
      %swap3A_314 = tpu.vector_load %arg10[%swap3A_313] {strides = array<i32>} : memref<80xi32, #tpu.memory_space<vmem>>, vector<16xi32>,
      tpu.vector_store %arg10[%swap3A_313], %add3A_312 {strides = array<i32>} : memref<80xi32, #tpu.memory_space<vmem>>, vector<16xi32>,
      %get3A_315 = arith.constant 4 : i32
      %get3A_316 = arith.index_cast %get3A_315 : i32 to index
      %get3A_317 = arith.constant 32 : index
      %get3A_318 = tpu.vector_load %arg7[%get3A_316, %get3A_317] {strides = array<i32>} : memref<8x80xi32, #tpu.memory_space<vmem>>, vector<16xi32>,
      %mul3A_319 = arith.constant 2 : i32
      %mul3A_320 = vector.broadcast %mul3A_319 : i32 to vector<16xi32>
      %mul3A_321 = arith.muli %get3A_318, %mul3A_320 : vector<16xi32>
      %add3A_322 = vector.broadcast %arg0 : i32 to vector<16xi32>
      %add3A_323 = arith.addi %mul3A_321, %add3A_322 : vector<16xi32>
      %swap3A_324 = arith.constant 32 : index
      %swap3A_325 = tpu.vector_load %arg10[%swap3A_324] {strides = array<i32>} : memref<80xi32, #tpu.memory_space<vmem>>, vector<16xi32>,
      tpu.vector_store %arg10[%swap3A_324], %add3A_323 {strides = array<i32>} : memref<80xi32, #tpu.memory_space<vmem>>, vector<16xi32>,
      %get3A_326 = arith.constant 4 : i32
      %get3A_327 = arith.index_cast %get3A_326 : i32 to index
      %get3A_328 = arith.constant 48 : index
      %get3A_329 = tpu.vector_load %arg7[%get3A_327, %get3A_328] {strides = array<i32>} : memref<8x80xi32, #tpu.memory_space<vmem>>, vector<16xi32>,
      %mul3A_330 = arith.constant 2 : i32
      %mul3A_331 = vector.broadcast %mul3A_330 : i32 to vector<16xi32>
      %mul3A_332 = arith.muli %get3A_329, %mul3A_331 : vector<16xi32>
      %add3A_333 = vector.broadcast %arg0 : i32 to vector<16xi32>
      %add3A_334 = arith.addi %mul3A_332, %add3A_333 : vector<16xi32>
      %swap3A_335 = arith.constant 48 : index
      %swap3A_336 = tpu.vector_load %arg10[%swap3A_335] {strides = array<i32>} : memref<80xi32, #tpu.memory_space<vmem>>, vector<16xi32>,
      tpu.vector_store %arg10[%swap3A_335], %add3A_334 {strides = array<i32>} : memref<80xi32, #tpu.memory_space<vmem>>, vector<16xi32>,
      %get3A_337 = arith.constant 4 : i32
      %get3A_338 = arith.index_cast %get3A_337 : i32 to index
      %get3A_339 = arith.constant 64 : index
      %get3A_340 = tpu.vector_load %arg7[%get3A_338, %get3A_339] {strides = array<i32>} : memref<8x80xi32, #tpu.memory_space<vmem>>, vector<16xi32>,
      %mul3A_341 = arith.constant 2 : i32
      %mul3A_342 = vector.broadcast %mul3A_341 : i32 to vector<16xi32>
      %mul3A_343 = arith.muli %get3A_340, %mul3A_342 : vector<16xi32>
      %add3A_344 = vector.broadcast %arg0 : i32 to vector<16xi32>
      %add3A_345 = arith.addi %mul3A_343, %add3A_344 : vector<16xi32>
      %swap3A_346 = arith.constant 64 : index
      %swap3A_347 = tpu.vector_load %arg10[%swap3A_346] {strides = array<i32>} : memref<80xi32, #tpu.memory_space<vmem>>, vector<16xi32>,
      tpu.vector_store %arg10[%swap3A_346], %add3A_345 {strides = array<i32>} : memref<80xi32, #tpu.memory_space<vmem>>, vector<16xi32>,
      %dma_start3A_348 = arith.constant 0 : i32
      %dma_start3A_349 = arith.constant 0 : i32
      %dma_start3A_350 = tpu.memref_slice %arg2[%dma_start3A_348, %dma_start3A_349] : memref<20000x128xf32, #tpu.memory_space<hbm>> -> memref<20000x128xf32, #tpu.memory_space<hbm>>
      tpu.enqueue_indirect_dma source(%dma_start3A_350 : memref<20000x128xf32, #tpu.memory_space<hbm>>) target(%arg12 : memref<80x128xf32, #tpu.memory_space<vmem>>) offsets(%arg10 : memref<80xi32, #tpu.memory_space<vmem>>) semaphore(%arg14 : memref<!tpu.dma_semaphore, #tpu.memory_space<semaphore_mem>>)
      %scan3A_351 = arith.constant 0 : i32
      %scan3A_352 = arith.constant 80 : i32
      %scan3A_353 = arith.addi %scan3A_351, %scan3A_352 : i32
      %scan3A_354 = arith.constant 1 : i32
      scf.for %scan3A_567 = %scan3A_351 to %scan3A_353 step %scan3A_354  : i32 {
        %broadcast_in_dim3A = arith.constant 3 : i32
        %broadcast_in_dim3A_568 = vector.broadcast %broadcast_in_dim3A : i32 to vector<16xi32>
        %broadcast_in_dim3A_569 = vector.broadcast %scan3A_567 : i32 to vector<16xi32>
        %gather3A = tpu.vector_load_idx %arg9[%broadcast_in_dim3A_568, %broadcast_in_dim3A_569] : memref<8x80xf32, #tpu.memory_space<vmem>>[vector<16xi32>, vector<16xi32>], vector<16xf32>,
        %get3A_570 = arith.index_cast %scan3A_567 : i32 to index
        %get3A_571 = arith.constant 0 : index
        %get3A_572 = tpu.vector_load %arg13[%get3A_570, %get3A_571] {strides = array<i32>} : memref<80x128xf32, #tpu.memory_space<vmem>>, vector<16xf32>,
        %mul3A_573 = arith.mulf %get3A_572, %gather3A : vector<16xf32>
        %swap3A_574 = arith.index_cast %scan3A_567 : i32 to index
        %swap3A_575 = arith.constant 0 : index
        %swap3A_576 = tpu.vector_load %arg13[%swap3A_574, %swap3A_575] {strides = array<i32>} : memref<80x128xf32, #tpu.memory_space<vmem>>, vector<16xf32>,
        tpu.vector_store %arg13[%swap3A_574, %swap3A_575], %mul3A_573 {strides = array<i32>} : memref<80x128xf32, #tpu.memory_space<vmem>>, vector<16xf32>,
        %get3A_577 = arith.index_cast %scan3A_567 : i32 to index
        %get3A_578 = arith.constant 16 : index
        %get3A_579 = tpu.vector_load %arg13[%get3A_577, %get3A_578] {strides = array<i32>} : memref<80x128xf32, #tpu.memory_space<vmem>>, vector<16xf32>,
        %mul3A_580 = arith.mulf %get3A_579, %gather3A : vector<16xf32>
        %swap3A_581 = arith.index_cast %scan3A_567 : i32 to index
        %swap3A_582 = arith.constant 16 : index
        %swap3A_583 = tpu.vector_load %arg13[%swap3A_581, %swap3A_582] {strides = array<i32>} : memref<80x128xf32, #tpu.memory_space<vmem>>, vector<16xf32>,
        tpu.vector_store %arg13[%swap3A_581, %swap3A_582], %mul3A_580 {strides = array<i32>} : memref<80x128xf32, #tpu.memory_space<vmem>>, vector<16xf32>,
        %get3A_584 = arith.index_cast %scan3A_567 : i32 to index
        %get3A_585 = arith.constant 32 : index
        %get3A_586 = tpu.vector_load %arg13[%get3A_584, %get3A_585] {strides = array<i32>} : memref<80x128xf32, #tpu.memory_space<vmem>>, vector<16xf32>,
        %mul3A_587 = arith.mulf %get3A_586, %gather3A : vector<16xf32>
        %swap3A_588 = arith.index_cast %scan3A_567 : i32 to index
        %swap3A_589 = arith.constant 32 : index
        %swap3A_590 = tpu.vector_load %arg13[%swap3A_588, %swap3A_589] {strides = array<i32>} : memref<80x128xf32, #tpu.memory_space<vmem>>, vector<16xf32>,
        tpu.vector_store %arg13[%swap3A_588, %swap3A_589], %mul3A_587 {strides = array<i32>} : memref<80x128xf32, #tpu.memory_space<vmem>>, vector<16xf32>,
        %get3A_591 = arith.index_cast %scan3A_567 : i32 to index
        %get3A_592 = arith.constant 48 : index
        %get3A_593 = tpu.vector_load %arg13[%get3A_591, %get3A_592] {strides = array<i32>} : memref<80x128xf32, #tpu.memory_space<vmem>>, vector<16xf32>,
        %mul3A_594 = arith.mulf %get3A_593, %gather3A : vector<16xf32>
        %swap3A_595 = arith.index_cast %scan3A_567 : i32 to index
        %swap3A_596 = arith.constant 48 : index
        %swap3A_597 = tpu.vector_load %arg13[%swap3A_595, %swap3A_596] {strides = array<i32>} : memref<80x128xf32, #tpu.memory_space<vmem>>, vector<16xf32>,
        tpu.vector_store %arg13[%swap3A_595, %swap3A_596], %mul3A_594 {strides = array<i32>} : memref<80x128xf32, #tpu.memory_space<vmem>>, vector<16xf32>,
        %get3A_598 = arith.index_cast %scan3A_567 : i32 to index
        %get3A_599 = arith.constant 64 : index
        %get3A_600 = tpu.vector_load %arg13[%get3A_598, %get3A_599] {strides = array<i32>} : memref<80x128xf32, #tpu.memory_space<vmem>>, vector<16xf32>,
        %mul3A_601 = arith.mulf %get3A_600, %gather3A : vector<16xf32>
        %swap3A_602 = arith.index_cast %scan3A_567 : i32 to index
        %swap3A_603 = arith.constant 64 : index
        %swap3A_604 = tpu.vector_load %arg13[%swap3A_602, %swap3A_603] {strides = array<i32>} : memref<80x128xf32, #tpu.memory_space<vmem>>, vector<16xf32>,
        tpu.vector_store %arg13[%swap3A_602, %swap3A_603], %mul3A_601 {strides = array<i32>} : memref<80x128xf32, #tpu.memory_space<vmem>>, vector<16xf32>,
        %get3A_605 = arith.index_cast %scan3A_567 : i32 to index
        %get3A_606 = arith.constant 80 : index
        %get3A_607 = tpu.vector_load %arg13[%get3A_605, %get3A_606] {strides = array<i32>} : memref<80x128xf32, #tpu.memory_space<vmem>>, vector<16xf32>,
        %mul3A_608 = arith.mulf %get3A_607, %gather3A : vector<16xf32>
        %swap3A_609 = arith.index_cast %scan3A_567 : i32 to index
        %swap3A_610 = arith.constant 80 : index
        %swap3A_611 = tpu.vector_load %arg13[%swap3A_609, %swap3A_610] {strides = array<i32>} : memref<80x128xf32, #tpu.memory_space<vmem>>, vector<16xf32>,
        tpu.vector_store %arg13[%swap3A_609, %swap3A_610], %mul3A_608 {strides = array<i32>} : memref<80x128xf32, #tpu.memory_space<vmem>>, vector<16xf32>,
        %get3A_612 = arith.index_cast %scan3A_567 : i32 to index
        %get3A_613 = arith.constant 96 : index
        %get3A_614 = tpu.vector_load %arg13[%get3A_612, %get3A_613] {strides = array<i32>} : memref<80x128xf32, #tpu.memory_space<vmem>>, vector<16xf32>,
        %mul3A_615 = arith.mulf %get3A_614, %gather3A : vector<16xf32>
        %swap3A_616 = arith.index_cast %scan3A_567 : i32 to index
        %swap3A_617 = arith.constant 96 : index
        %swap3A_618 = tpu.vector_load %arg13[%swap3A_616, %swap3A_617] {strides = array<i32>} : memref<80x128xf32, #tpu.memory_space<vmem>>, vector<16xf32>,
        tpu.vector_store %arg13[%swap3A_616, %swap3A_617], %mul3A_615 {strides = array<i32>} : memref<80x128xf32, #tpu.memory_space<vmem>>, vector<16xf32>,
        %get3A_619 = arith.index_cast %scan3A_567 : i32 to index
        %get3A_620 = arith.constant 112 : index
        %get3A_621 = tpu.vector_load %arg13[%get3A_619, %get3A_620] {strides = array<i32>} : memref<80x128xf32, #tpu.memory_space<vmem>>, vector<16xf32>,
        %mul3A_622 = arith.mulf %get3A_621, %gather3A : vector<16xf32>
        %swap3A_623 = arith.index_cast %scan3A_567 : i32 to index
        %swap3A_624 = arith.constant 112 : index
        %swap3A_625 = tpu.vector_load %arg13[%swap3A_623, %swap3A_624] {strides = array<i32>} : memref<80x128xf32, #tpu.memory_space<vmem>>, vector<16xf32>,
        tpu.vector_store %arg13[%swap3A_623, %swap3A_624], %mul3A_622 {strides = array<i32>} : memref<80x128xf32, #tpu.memory_space<vmem>>, vector<16xf32>,
      }
      %scan3A_355 = arith.constant 80 : i32
      %run_scoped3A_356 = arith.constant 3 : i32
      "tpu.region"() ({
        %run_scoped3A_567 = tpu.sem_alloc : memref<!tpu.dma_semaphore, #tpu.memory_space<semaphore_mem>>
        %dma_start3A_568 = arith.constant 0 : i32
        %dma_start3A_569 = tpu.memref_slice %arg8[%run_scoped3A_356, %dma_start3A_568] : memref<8x80xi32, #tpu.memory_space<vmem>> -> memref<1x80xi32, #tpu.memory_space<vmem>>
        %dma_start3A_570 = tpu.memref_squeeze %dma_start3A_569 : memref<1x80xi32, #tpu.memory_space<vmem>> -> memref<80xi32, #tpu.memory_space<vmem>>
        %dma_start3A_571 = arith.constant 0 : i32
        %dma_start3A_572 = arith.constant 0 : i32
        %dma_start3A_573 = tpu.memref_slice %arg16[%dma_start3A_571, %dma_start3A_572] : memref<10240x128xf32, #tpu.memory_space<vmem_shared>> -> memref<10240x128xf32, #tpu.memory_space<vmem_shared>>
        tpu.enqueue_indirect_dma source(%arg13 : memref<80x128xf32, #tpu.memory_space<vmem>>) target(%dma_start3A_573 : memref<10240x128xf32, #tpu.memory_space<vmem_shared>>) offsets(%dma_start3A_570 : memref<80xi32, #tpu.memory_space<vmem>>) semaphore(%run_scoped3A_567 : memref<!tpu.dma_semaphore, #tpu.memory_space<semaphore_mem>>) {add = true}
        %dma_wait3A_574 = arith.constant 0 : i32
        %dma_wait3A_575 = tpu.memref_slice %arg8[%run_scoped3A_356, %dma_wait3A_574] : memref<8x80xi32, #tpu.memory_space<vmem>> -> memref<1x80xi32, #tpu.memory_space<vmem>>
        %dma_wait3A_576 = tpu.memref_squeeze %dma_wait3A_575 : memref<1x80xi32, #tpu.memory_space<vmem>> -> memref<80xi32, #tpu.memory_space<vmem>>
        %dma_wait3A_577 = arith.constant 0 : i32
        %dma_wait3A_578 = arith.constant 0 : i32
        %dma_wait3A_579 = tpu.memref_slice %arg16[%dma_wait3A_577, %dma_wait3A_578] : memref<10240x128xf32, #tpu.memory_space<vmem_shared>> -> memref<10240x128xf32, #tpu.memory_space<vmem_shared>>
        tpu.wait_indirect_dma semaphore(%run_scoped3A_567 : memref<!tpu.dma_semaphore, #tpu.memory_space<semaphore_mem>>) src(%arg13 : memref<80x128xf32, #tpu.memory_space<vmem>>) dst(%dma_wait3A_579 : memref<10240x128xf32, #tpu.memory_space<vmem_shared>>)
        tpu.yield
      }) : () -> ()
      %dma_wait3A_357 = arith.constant 0 : i32
      %dma_wait3A_358 = arith.constant 0 : i32
      %dma_wait3A_359 = tpu.memref_slice %arg2[%dma_wait3A_357, %dma_wait3A_358] : memref<20000x128xf32, #tpu.memory_space<hbm>> -> memref<20000x128xf32, #tpu.memory_space<hbm>>
      tpu.wait_indirect_dma semaphore(%arg14 : memref<!tpu.dma_semaphore, #tpu.memory_space<semaphore_mem>>) src(%dma_wait3A_359 : memref<20000x128xf32, #tpu.memory_space<hbm>>) dst(%arg12 : memref<80x128xf32, #tpu.memory_space<vmem>>)
      %get3A_360 = arith.constant 5 : i32
      %get3A_361 = arith.index_cast %get3A_360 : i32 to index
      %get3A_362 = arith.constant 0 : index
      %get3A_363 = tpu.vector_load %arg7[%get3A_361, %get3A_362] {strides = array<i32>} : memref<8x80xi32, #tpu.memory_space<vmem>>, vector<16xi32>,
      %mul3A_364 = arith.constant 2 : i32
      %mul3A_365 = vector.broadcast %mul3A_364 : i32 to vector<16xi32>
      %mul3A_366 = arith.muli %get3A_363, %mul3A_365 : vector<16xi32>
      %add3A_367 = vector.broadcast %arg0 : i32 to vector<16xi32>
      %add3A_368 = arith.addi %mul3A_366, %add3A_367 : vector<16xi32>
      %swap3A_369 = arith.constant 0 : index
      %swap3A_370 = tpu.vector_load %arg11[%swap3A_369] {strides = array<i32>} : memref<80xi32, #tpu.memory_space<vmem>>, vector<16xi32>,
      tpu.vector_store %arg11[%swap3A_369], %add3A_368 {strides = array<i32>} : memref<80xi32, #tpu.memory_space<vmem>>, vector<16xi32>,
      %get3A_371 = arith.constant 5 : i32
      %get3A_372 = arith.index_cast %get3A_371 : i32 to index
      %get3A_373 = arith.constant 16 : index
      %get3A_374 = tpu.vector_load %arg7[%get3A_372, %get3A_373] {strides = array<i32>} : memref<8x80xi32, #tpu.memory_space<vmem>>, vector<16xi32>,
      %mul3A_375 = arith.constant 2 : i32
      %mul3A_376 = vector.broadcast %mul3A_375 : i32 to vector<16xi32>
      %mul3A_377 = arith.muli %get3A_374, %mul3A_376 : vector<16xi32>
      %add3A_378 = vector.broadcast %arg0 : i32 to vector<16xi32>
      %add3A_379 = arith.addi %mul3A_377, %add3A_378 : vector<16xi32>
      %swap3A_380 = arith.constant 16 : index
      %swap3A_381 = tpu.vector_load %arg11[%swap3A_380] {strides = array<i32>} : memref<80xi32, #tpu.memory_space<vmem>>, vector<16xi32>,
      tpu.vector_store %arg11[%swap3A_380], %add3A_379 {strides = array<i32>} : memref<80xi32, #tpu.memory_space<vmem>>, vector<16xi32>,
      %get3A_382 = arith.constant 5 : i32
      %get3A_383 = arith.index_cast %get3A_382 : i32 to index
      %get3A_384 = arith.constant 32 : index
      %get3A_385 = tpu.vector_load %arg7[%get3A_383, %get3A_384] {strides = array<i32>} : memref<8x80xi32, #tpu.memory_space<vmem>>, vector<16xi32>,
      %mul3A_386 = arith.constant 2 : i32
      %mul3A_387 = vector.broadcast %mul3A_386 : i32 to vector<16xi32>
      %mul3A_388 = arith.muli %get3A_385, %mul3A_387 : vector<16xi32>
      %add3A_389 = vector.broadcast %arg0 : i32 to vector<16xi32>
      %add3A_390 = arith.addi %mul3A_388, %add3A_389 : vector<16xi32>
      %swap3A_391 = arith.constant 32 : index
      %swap3A_392 = tpu.vector_load %arg11[%swap3A_391] {strides = array<i32>} : memref<80xi32, #tpu.memory_space<vmem>>, vector<16xi32>,
      tpu.vector_store %arg11[%swap3A_391], %add3A_390 {strides = array<i32>} : memref<80xi32, #tpu.memory_space<vmem>>, vector<16xi32>,
      %get3A_393 = arith.constant 5 : i32
      %get3A_394 = arith.index_cast %get3A_393 : i32 to index
      %get3A_395 = arith.constant 48 : index
      %get3A_396 = tpu.vector_load %arg7[%get3A_394, %get3A_395] {strides = array<i32>} : memref<8x80xi32, #tpu.memory_space<vmem>>, vector<16xi32>,
      %mul3A_397 = arith.constant 2 : i32
      %mul3A_398 = vector.broadcast %mul3A_397 : i32 to vector<16xi32>
      %mul3A_399 = arith.muli %get3A_396, %mul3A_398 : vector<16xi32>
      %add3A_400 = vector.broadcast %arg0 : i32 to vector<16xi32>
      %add3A_401 = arith.addi %mul3A_399, %add3A_400 : vector<16xi32>
      %swap3A_402 = arith.constant 48 : index
      %swap3A_403 = tpu.vector_load %arg11[%swap3A_402] {strides = array<i32>} : memref<80xi32, #tpu.memory_space<vmem>>, vector<16xi32>,
      tpu.vector_store %arg11[%swap3A_402], %add3A_401 {strides = array<i32>} : memref<80xi32, #tpu.memory_space<vmem>>, vector<16xi32>,
      %get3A_404 = arith.constant 5 : i32
      %get3A_405 = arith.index_cast %get3A_404 : i32 to index
      %get3A_406 = arith.constant 64 : index
      %get3A_407 = tpu.vector_load %arg7[%get3A_405, %get3A_406] {strides = array<i32>} : memref<8x80xi32, #tpu.memory_space<vmem>>, vector<16xi32>,
      %mul3A_408 = arith.constant 2 : i32
      %mul3A_409 = vector.broadcast %mul3A_408 : i32 to vector<16xi32>
      %mul3A_410 = arith.muli %get3A_407, %mul3A_409 : vector<16xi32>
      %add3A_411 = vector.broadcast %arg0 : i32 to vector<16xi32>
      %add3A_412 = arith.addi %mul3A_410, %add3A_411 : vector<16xi32>
      %swap3A_413 = arith.constant 64 : index
      %swap3A_414 = tpu.vector_load %arg11[%swap3A_413] {strides = array<i32>} : memref<80xi32, #tpu.memory_space<vmem>>, vector<16xi32>,
      tpu.vector_store %arg11[%swap3A_413], %add3A_412 {strides = array<i32>} : memref<80xi32, #tpu.memory_space<vmem>>, vector<16xi32>,
      %dma_start3A_415 = arith.constant 0 : i32
      %dma_start3A_416 = arith.constant 0 : i32
      %dma_start3A_417 = tpu.memref_slice %arg2[%dma_start3A_415, %dma_start3A_416] : memref<20000x128xf32, #tpu.memory_space<hbm>> -> memref<20000x128xf32, #tpu.memory_space<hbm>>
      tpu.enqueue_indirect_dma source(%dma_start3A_417 : memref<20000x128xf32, #tpu.memory_space<hbm>>) target(%arg13 : memref<80x128xf32, #tpu.memory_space<vmem>>) offsets(%arg11 : memref<80xi32, #tpu.memory_space<vmem>>) semaphore(%arg15 : memref<!tpu.dma_semaphore, #tpu.memory_space<semaphore_mem>>)
      %scan3A_418 = arith.constant 0 : i32
      %scan3A_419 = arith.constant 80 : i32
      %scan3A_420 = arith.addi %scan3A_418, %scan3A_419 : i32
      %scan3A_421 = arith.constant 1 : i32
      scf.for %scan3A_567 = %scan3A_418 to %scan3A_420 step %scan3A_421  : i32 {
        %broadcast_in_dim3A = arith.constant 4 : i32
        %broadcast_in_dim3A_568 = vector.broadcast %broadcast_in_dim3A : i32 to vector<16xi32>
        %broadcast_in_dim3A_569 = vector.broadcast %scan3A_567 : i32 to vector<16xi32>
        %gather3A = tpu.vector_load_idx %arg9[%broadcast_in_dim3A_568, %broadcast_in_dim3A_569] : memref<8x80xf32, #tpu.memory_space<vmem>>[vector<16xi32>, vector<16xi32>], vector<16xf32>,
        %get3A_570 = arith.index_cast %scan3A_567 : i32 to index
        %get3A_571 = arith.constant 0 : index
        %get3A_572 = tpu.vector_load %arg12[%get3A_570, %get3A_571] {strides = array<i32>} : memref<80x128xf32, #tpu.memory_space<vmem>>, vector<16xf32>,
        %mul3A_573 = arith.mulf %get3A_572, %gather3A : vector<16xf32>
        %swap3A_574 = arith.index_cast %scan3A_567 : i32 to index
        %swap3A_575 = arith.constant 0 : index
        %swap3A_576 = tpu.vector_load %arg12[%swap3A_574, %swap3A_575] {strides = array<i32>} : memref<80x128xf32, #tpu.memory_space<vmem>>, vector<16xf32>,
        tpu.vector_store %arg12[%swap3A_574, %swap3A_575], %mul3A_573 {strides = array<i32>} : memref<80x128xf32, #tpu.memory_space<vmem>>, vector<16xf32>,
        %get3A_577 = arith.index_cast %scan3A_567 : i32 to index
        %get3A_578 = arith.constant 16 : index
        %get3A_579 = tpu.vector_load %arg12[%get3A_577, %get3A_578] {strides = array<i32>} : memref<80x128xf32, #tpu.memory_space<vmem>>, vector<16xf32>,
        %mul3A_580 = arith.mulf %get3A_579, %gather3A : vector<16xf32>
        %swap3A_581 = arith.index_cast %scan3A_567 : i32 to index
        %swap3A_582 = arith.constant 16 : index
        %swap3A_583 = tpu.vector_load %arg12[%swap3A_581, %swap3A_582] {strides = array<i32>} : memref<80x128xf32, #tpu.memory_space<vmem>>, vector<16xf32>,
        tpu.vector_store %arg12[%swap3A_581, %swap3A_582], %mul3A_580 {strides = array<i32>} : memref<80x128xf32, #tpu.memory_space<vmem>>, vector<16xf32>,
        %get3A_584 = arith.index_cast %scan3A_567 : i32 to index
        %get3A_585 = arith.constant 32 : index
        %get3A_586 = tpu.vector_load %arg12[%get3A_584, %get3A_585] {strides = array<i32>} : memref<80x128xf32, #tpu.memory_space<vmem>>, vector<16xf32>,
        %mul3A_587 = arith.mulf %get3A_586, %gather3A : vector<16xf32>
        %swap3A_588 = arith.index_cast %scan3A_567 : i32 to index
        %swap3A_589 = arith.constant 32 : index
        %swap3A_590 = tpu.vector_load %arg12[%swap3A_588, %swap3A_589] {strides = array<i32>} : memref<80x128xf32, #tpu.memory_space<vmem>>, vector<16xf32>,
        tpu.vector_store %arg12[%swap3A_588, %swap3A_589], %mul3A_587 {strides = array<i32>} : memref<80x128xf32, #tpu.memory_space<vmem>>, vector<16xf32>,
        %get3A_591 = arith.index_cast %scan3A_567 : i32 to index
        %get3A_592 = arith.constant 48 : index
        %get3A_593 = tpu.vector_load %arg12[%get3A_591, %get3A_592] {strides = array<i32>} : memref<80x128xf32, #tpu.memory_space<vmem>>, vector<16xf32>,
        %mul3A_594 = arith.mulf %get3A_593, %gather3A : vector<16xf32>
        %swap3A_595 = arith.index_cast %scan3A_567 : i32 to index
        %swap3A_596 = arith.constant 48 : index
        %swap3A_597 = tpu.vector_load %arg12[%swap3A_595, %swap3A_596] {strides = array<i32>} : memref<80x128xf32, #tpu.memory_space<vmem>>, vector<16xf32>,
        tpu.vector_store %arg12[%swap3A_595, %swap3A_596], %mul3A_594 {strides = array<i32>} : memref<80x128xf32, #tpu.memory_space<vmem>>, vector<16xf32>,
        %get3A_598 = arith.index_cast %scan3A_567 : i32 to index
        %get3A_599 = arith.constant 64 : index
        %get3A_600 = tpu.vector_load %arg12[%get3A_598, %get3A_599] {strides = array<i32>} : memref<80x128xf32, #tpu.memory_space<vmem>>, vector<16xf32>,
        %mul3A_601 = arith.mulf %get3A_600, %gather3A : vector<16xf32>
        %swap3A_602 = arith.index_cast %scan3A_567 : i32 to index
        %swap3A_603 = arith.constant 64 : index
        %swap3A_604 = tpu.vector_load %arg12[%swap3A_602, %swap3A_603] {strides = array<i32>} : memref<80x128xf32, #tpu.memory_space<vmem>>, vector<16xf32>,
        tpu.vector_store %arg12[%swap3A_602, %swap3A_603], %mul3A_601 {strides = array<i32>} : memref<80x128xf32, #tpu.memory_space<vmem>>, vector<16xf32>,
        %get3A_605 = arith.index_cast %scan3A_567 : i32 to index
        %get3A_606 = arith.constant 80 : index
        %get3A_607 = tpu.vector_load %arg12[%get3A_605, %get3A_606] {strides = array<i32>} : memref<80x128xf32, #tpu.memory_space<vmem>>, vector<16xf32>,
        %mul3A_608 = arith.mulf %get3A_607, %gather3A : vector<16xf32>
        %swap3A_609 = arith.index_cast %scan3A_567 : i32 to index
        %swap3A_610 = arith.constant 80 : index
        %swap3A_611 = tpu.vector_load %arg12[%swap3A_609, %swap3A_610] {strides = array<i32>} : memref<80x128xf32, #tpu.memory_space<vmem>>, vector<16xf32>,
        tpu.vector_store %arg12[%swap3A_609, %swap3A_610], %mul3A_608 {strides = array<i32>} : memref<80x128xf32, #tpu.memory_space<vmem>>, vector<16xf32>,
        %get3A_612 = arith.index_cast %scan3A_567 : i32 to index
        %get3A_613 = arith.constant 96 : index
        %get3A_614 = tpu.vector_load %arg12[%get3A_612, %get3A_613] {strides = array<i32>} : memref<80x128xf32, #tpu.memory_space<vmem>>, vector<16xf32>,
        %mul3A_615 = arith.mulf %get3A_614, %gather3A : vector<16xf32>
        %swap3A_616 = arith.index_cast %scan3A_567 : i32 to index
        %swap3A_617 = arith.constant 96 : index
        %swap3A_618 = tpu.vector_load %arg12[%swap3A_616, %swap3A_617] {strides = array<i32>} : memref<80x128xf32, #tpu.memory_space<vmem>>, vector<16xf32>,
        tpu.vector_store %arg12[%swap3A_616, %swap3A_617], %mul3A_615 {strides = array<i32>} : memref<80x128xf32, #tpu.memory_space<vmem>>, vector<16xf32>,
        %get3A_619 = arith.index_cast %scan3A_567 : i32 to index
        %get3A_620 = arith.constant 112 : index
        %get3A_621 = tpu.vector_load %arg12[%get3A_619, %get3A_620] {strides = array<i32>} : memref<80x128xf32, #tpu.memory_space<vmem>>, vector<16xf32>,
        %mul3A_622 = arith.mulf %get3A_621, %gather3A : vector<16xf32>
        %swap3A_623 = arith.index_cast %scan3A_567 : i32 to index
        %swap3A_624 = arith.constant 112 : index
        %swap3A_625 = tpu.vector_load %arg12[%swap3A_623, %swap3A_624] {strides = array<i32>} : memref<80x128xf32, #tpu.memory_space<vmem>>, vector<16xf32>,
        tpu.vector_store %arg12[%swap3A_623, %swap3A_624], %mul3A_622 {strides = array<i32>} : memref<80x128xf32, #tpu.memory_space<vmem>>, vector<16xf32>,
      }
      %scan3A_422 = arith.constant 80 : i32
      %run_scoped3A_423 = arith.constant 4 : i32
      "tpu.region"() ({
        %run_scoped3A_567 = tpu.sem_alloc : memref<!tpu.dma_semaphore, #tpu.memory_space<semaphore_mem>>
        %dma_start3A_568 = arith.constant 0 : i32
        %dma_start3A_569 = tpu.memref_slice %arg8[%run_scoped3A_423, %dma_start3A_568] : memref<8x80xi32, #tpu.memory_space<vmem>> -> memref<1x80xi32, #tpu.memory_space<vmem>>
        %dma_start3A_570 = tpu.memref_squeeze %dma_start3A_569 : memref<1x80xi32, #tpu.memory_space<vmem>> -> memref<80xi32, #tpu.memory_space<vmem>>
        %dma_start3A_571 = arith.constant 0 : i32
        %dma_start3A_572 = arith.constant 0 : i32
        %dma_start3A_573 = tpu.memref_slice %arg16[%dma_start3A_571, %dma_start3A_572] : memref<10240x128xf32, #tpu.memory_space<vmem_shared>> -> memref<10240x128xf32, #tpu.memory_space<vmem_shared>>
        tpu.enqueue_indirect_dma source(%arg12 : memref<80x128xf32, #tpu.memory_space<vmem>>) target(%dma_start3A_573 : memref<10240x128xf32, #tpu.memory_space<vmem_shared>>) offsets(%dma_start3A_570 : memref<80xi32, #tpu.memory_space<vmem>>) semaphore(%run_scoped3A_567 : memref<!tpu.dma_semaphore, #tpu.memory_space<semaphore_mem>>) {add = true}
        %dma_wait3A_574 = arith.constant 0 : i32
        %dma_wait3A_575 = tpu.memref_slice %arg8[%run_scoped3A_423, %dma_wait3A_574] : memref<8x80xi32, #tpu.memory_space<vmem>> -> memref<1x80xi32, #tpu.memory_space<vmem>>
        %dma_wait3A_576 = tpu.memref_squeeze %dma_wait3A_575 : memref<1x80xi32, #tpu.memory_space<vmem>> -> memref<80xi32, #tpu.memory_space<vmem>>
        %dma_wait3A_577 = arith.constant 0 : i32
        %dma_wait3A_578 = arith.constant 0 : i32
        %dma_wait3A_579 = tpu.memref_slice %arg16[%dma_wait3A_577, %dma_wait3A_578] : memref<10240x128xf32, #tpu.memory_space<vmem_shared>> -> memref<10240x128xf32, #tpu.memory_space<vmem_shared>>
        tpu.wait_indirect_dma semaphore(%run_scoped3A_567 : memref<!tpu.dma_semaphore, #tpu.memory_space<semaphore_mem>>) src(%arg12 : memref<80x128xf32, #tpu.memory_space<vmem>>) dst(%dma_wait3A_579 : memref<10240x128xf32, #tpu.memory_space<vmem_shared>>)
        tpu.yield
      }) : () -> ()
      %dma_wait3A_424 = arith.constant 0 : i32
      %dma_wait3A_425 = arith.constant 0 : i32
      %dma_wait3A_426 = tpu.memref_slice %arg2[%dma_wait3A_424, %dma_wait3A_425] : memref<20000x128xf32, #tpu.memory_space<hbm>> -> memref<20000x128xf32, #tpu.memory_space<hbm>>
      tpu.wait_indirect_dma semaphore(%arg15 : memref<!tpu.dma_semaphore, #tpu.memory_space<semaphore_mem>>) src(%dma_wait3A_426 : memref<20000x128xf32, #tpu.memory_space<hbm>>) dst(%arg13 : memref<80x128xf32, #tpu.memory_space<vmem>>)
      %get3A_427 = arith.constant 6 : i32
      %get3A_428 = arith.index_cast %get3A_427 : i32 to index
      %get3A_429 = arith.constant 0 : index
      %get3A_430 = tpu.vector_load %arg7[%get3A_428, %get3A_429] {strides = array<i32>} : memref<8x80xi32, #tpu.memory_space<vmem>>, vector<16xi32>,
      %mul3A_431 = arith.constant 2 : i32
      %mul3A_432 = vector.broadcast %mul3A_431 : i32 to vector<16xi32>
      %mul3A_433 = arith.muli %get3A_430, %mul3A_432 : vector<16xi32>
      %add3A_434 = vector.broadcast %arg0 : i32 to vector<16xi32>
      %add3A_435 = arith.addi %mul3A_433, %add3A_434 : vector<16xi32>
      %swap3A_436 = arith.constant 0 : index
      %swap3A_437 = tpu.vector_load %arg10[%swap3A_436] {strides = array<i32>} : memref<80xi32, #tpu.memory_space<vmem>>, vector<16xi32>,
      tpu.vector_store %arg10[%swap3A_436], %add3A_435 {strides = array<i32>} : memref<80xi32, #tpu.memory_space<vmem>>, vector<16xi32>,
      %get3A_438 = arith.constant 6 : i32
      %get3A_439 = arith.index_cast %get3A_438 : i32 to index
      %get3A_440 = arith.constant 16 : index
      %get3A_441 = tpu.vector_load %arg7[%get3A_439, %get3A_440] {strides = array<i32>} : memref<8x80xi32, #tpu.memory_space<vmem>>, vector<16xi32>,
      %mul3A_442 = arith.constant 2 : i32
      %mul3A_443 = vector.broadcast %mul3A_442 : i32 to vector<16xi32>
      %mul3A_444 = arith.muli %get3A_441, %mul3A_443 : vector<16xi32>
      %add3A_445 = vector.broadcast %arg0 : i32 to vector<16xi32>
      %add3A_446 = arith.addi %mul3A_444, %add3A_445 : vector<16xi32>
      %swap3A_447 = arith.constant 16 : index
      %swap3A_448 = tpu.vector_load %arg10[%swap3A_447] {strides = array<i32>} : memref<80xi32, #tpu.memory_space<vmem>>, vector<16xi32>,
      tpu.vector_store %arg10[%swap3A_447], %add3A_446 {strides = array<i32>} : memref<80xi32, #tpu.memory_space<vmem>>, vector<16xi32>,
      %get3A_449 = arith.constant 6 : i32
      %get3A_450 = arith.index_cast %get3A_449 : i32 to index
      %get3A_451 = arith.constant 32 : index
      %get3A_452 = tpu.vector_load %arg7[%get3A_450, %get3A_451] {strides = array<i32>} : memref<8x80xi32, #tpu.memory_space<vmem>>, vector<16xi32>,
      %mul3A_453 = arith.constant 2 : i32
      %mul3A_454 = vector.broadcast %mul3A_453 : i32 to vector<16xi32>
      %mul3A_455 = arith.muli %get3A_452, %mul3A_454 : vector<16xi32>
      %add3A_456 = vector.broadcast %arg0 : i32 to vector<16xi32>
      %add3A_457 = arith.addi %mul3A_455, %add3A_456 : vector<16xi32>
      %swap3A_458 = arith.constant 32 : index
      %swap3A_459 = tpu.vector_load %arg10[%swap3A_458] {strides = array<i32>} : memref<80xi32, #tpu.memory_space<vmem>>, vector<16xi32>,
      tpu.vector_store %arg10[%swap3A_458], %add3A_457 {strides = array<i32>} : memref<80xi32, #tpu.memory_space<vmem>>, vector<16xi32>,
      %get3A_460 = arith.constant 6 : i32
      %get3A_461 = arith.index_cast %get3A_460 : i32 to index
      %get3A_462 = arith.constant 48 : index
      %get3A_463 = tpu.vector_load %arg7[%get3A_461, %get3A_462] {strides = array<i32>} : memref<8x80xi32, #tpu.memory_space<vmem>>, vector<16xi32>,
      %mul3A_464 = arith.constant 2 : i32
      %mul3A_465 = vector.broadcast %mul3A_464 : i32 to vector<16xi32>
      %mul3A_466 = arith.muli %get3A_463, %mul3A_465 : vector<16xi32>
      %add3A_467 = vector.broadcast %arg0 : i32 to vector<16xi32>
      %add3A_468 = arith.addi %mul3A_466, %add3A_467 : vector<16xi32>
      %swap3A_469 = arith.constant 48 : index
      %swap3A_470 = tpu.vector_load %arg10[%swap3A_469] {strides = array<i32>} : memref<80xi32, #tpu.memory_space<vmem>>, vector<16xi32>,
      tpu.vector_store %arg10[%swap3A_469], %add3A_468 {strides = array<i32>} : memref<80xi32, #tpu.memory_space<vmem>>, vector<16xi32>,
      %get3A_471 = arith.constant 6 : i32
      %get3A_472 = arith.index_cast %get3A_471 : i32 to index
      %get3A_473 = arith.constant 64 : index
      %get3A_474 = tpu.vector_load %arg7[%get3A_472, %get3A_473] {strides = array<i32>} : memref<8x80xi32, #tpu.memory_space<vmem>>, vector<16xi32>,
      %mul3A_475 = arith.constant 2 : i32
      %mul3A_476 = vector.broadcast %mul3A_475 : i32 to vector<16xi32>
      %mul3A_477 = arith.muli %get3A_474, %mul3A_476 : vector<16xi32>
      %add3A_478 = vector.broadcast %arg0 : i32 to vector<16xi32>
      %add3A_479 = arith.addi %mul3A_477, %add3A_478 : vector<16xi32>
      %swap3A_480 = arith.constant 64 : index
      %swap3A_481 = tpu.vector_load %arg10[%swap3A_480] {strides = array<i32>} : memref<80xi32, #tpu.memory_space<vmem>>, vector<16xi32>,
      tpu.vector_store %arg10[%swap3A_480], %add3A_479 {strides = array<i32>} : memref<80xi32, #tpu.memory_space<vmem>>, vector<16xi32>,
      %dma_start3A_482 = arith.constant 0 : i32
      %dma_start3A_483 = arith.constant 0 : i32
      %dma_start3A_484 = tpu.memref_slice %arg2[%dma_start3A_482, %dma_start3A_483] : memref<20000x128xf32, #tpu.memory_space<hbm>> -> memref<20000x128xf32, #tpu.memory_space<hbm>>
      tpu.enqueue_indirect_dma source(%dma_start3A_484 : memref<20000x128xf32, #tpu.memory_space<hbm>>) target(%arg12 : memref<80x128xf32, #tpu.memory_space<vmem>>) offsets(%arg10 : memref<80xi32, #tpu.memory_space<vmem>>) semaphore(%arg14 : memref<!tpu.dma_semaphore, #tpu.memory_space<semaphore_mem>>)
      %scan3A_485 = arith.constant 0 : i32
      %scan3A_486 = arith.constant 80 : i32
      %scan3A_487 = arith.addi %scan3A_485, %scan3A_486 : i32
      %scan3A_488 = arith.constant 1 : i32
      scf.for %scan3A_567 = %scan3A_485 to %scan3A_487 step %scan3A_488  : i32 {
        %broadcast_in_dim3A = arith.constant 5 : i32
        %broadcast_in_dim3A_568 = vector.broadcast %broadcast_in_dim3A : i32 to vector<16xi32>
        %broadcast_in_dim3A_569 = vector.broadcast %scan3A_567 : i32 to vector<16xi32>
        %gather3A = tpu.vector_load_idx %arg9[%broadcast_in_dim3A_568, %broadcast_in_dim3A_569] : memref<8x80xf32, #tpu.memory_space<vmem>>[vector<16xi32>, vector<16xi32>], vector<16xf32>,
        %get3A_570 = arith.index_cast %scan3A_567 : i32 to index
        %get3A_571 = arith.constant 0 : index
        %get3A_572 = tpu.vector_load %arg13[%get3A_570, %get3A_571] {strides = array<i32>} : memref<80x128xf32, #tpu.memory_space<vmem>>, vector<16xf32>,
        %mul3A_573 = arith.mulf %get3A_572, %gather3A : vector<16xf32>
        %swap3A_574 = arith.index_cast %scan3A_567 : i32 to index
        %swap3A_575 = arith.constant 0 : index
        %swap3A_576 = tpu.vector_load %arg13[%swap3A_574, %swap3A_575] {strides = array<i32>} : memref<80x128xf32, #tpu.memory_space<vmem>>, vector<16xf32>,
        tpu.vector_store %arg13[%swap3A_574, %swap3A_575], %mul3A_573 {strides = array<i32>} : memref<80x128xf32, #tpu.memory_space<vmem>>, vector<16xf32>,
        %get3A_577 = arith.index_cast %scan3A_567 : i32 to index
        %get3A_578 = arith.constant 16 : index
        %get3A_579 = tpu.vector_load %arg13[%get3A_577, %get3A_578] {strides = array<i32>} : memref<80x128xf32, #tpu.memory_space<vmem>>, vector<16xf32>,
        %mul3A_580 = arith.mulf %get3A_579, %gather3A : vector<16xf32>
        %swap3A_581 = arith.index_cast %scan3A_567 : i32 to index
        %swap3A_582 = arith.constant 16 : index
        %swap3A_583 = tpu.vector_load %arg13[%swap3A_581, %swap3A_582] {strides = array<i32>} : memref<80x128xf32, #tpu.memory_space<vmem>>, vector<16xf32>,
        tpu.vector_store %arg13[%swap3A_581, %swap3A_582], %mul3A_580 {strides = array<i32>} : memref<80x128xf32, #tpu.memory_space<vmem>>, vector<16xf32>,
        %get3A_584 = arith.index_cast %scan3A_567 : i32 to index
        %get3A_585 = arith.constant 32 : index
        %get3A_586 = tpu.vector_load %arg13[%get3A_584, %get3A_585] {strides = array<i32>} : memref<80x128xf32, #tpu.memory_space<vmem>>, vector<16xf32>,
        %mul3A_587 = arith.mulf %get3A_586, %gather3A : vector<16xf32>
        %swap3A_588 = arith.index_cast %scan3A_567 : i32 to index
        %swap3A_589 = arith.constant 32 : index
        %swap3A_590 = tpu.vector_load %arg13[%swap3A_588, %swap3A_589] {strides = array<i32>} : memref<80x128xf32, #tpu.memory_space<vmem>>, vector<16xf32>,
        tpu.vector_store %arg13[%swap3A_588, %swap3A_589], %mul3A_587 {strides = array<i32>} : memref<80x128xf32, #tpu.memory_space<vmem>>, vector<16xf32>,
        %get3A_591 = arith.index_cast %scan3A_567 : i32 to index
        %get3A_592 = arith.constant 48 : index
        %get3A_593 = tpu.vector_load %arg13[%get3A_591, %get3A_592] {strides = array<i32>} : memref<80x128xf32, #tpu.memory_space<vmem>>, vector<16xf32>,
        %mul3A_594 = arith.mulf %get3A_593, %gather3A : vector<16xf32>
        %swap3A_595 = arith.index_cast %scan3A_567 : i32 to index
        %swap3A_596 = arith.constant 48 : index
        %swap3A_597 = tpu.vector_load %arg13[%swap3A_595, %swap3A_596] {strides = array<i32>} : memref<80x128xf32, #tpu.memory_space<vmem>>, vector<16xf32>,
        tpu.vector_store %arg13[%swap3A_595, %swap3A_596], %mul3A_594 {strides = array<i32>} : memref<80x128xf32, #tpu.memory_space<vmem>>, vector<16xf32>,
        %get3A_598 = arith.index_cast %scan3A_567 : i32 to index
        %get3A_599 = arith.constant 64 : index
        %get3A_600 = tpu.vector_load %arg13[%get3A_598, %get3A_599] {strides = array<i32>} : memref<80x128xf32, #tpu.memory_space<vmem>>, vector<16xf32>,
        %mul3A_601 = arith.mulf %get3A_600, %gather3A : vector<16xf32>
        %swap3A_602 = arith.index_cast %scan3A_567 : i32 to index
        %swap3A_603 = arith.constant 64 : index
        %swap3A_604 = tpu.vector_load %arg13[%swap3A_602, %swap3A_603] {strides = array<i32>} : memref<80x128xf32, #tpu.memory_space<vmem>>, vector<16xf32>,
        tpu.vector_store %arg13[%swap3A_602, %swap3A_603], %mul3A_601 {strides = array<i32>} : memref<80x128xf32, #tpu.memory_space<vmem>>, vector<16xf32>,
        %get3A_605 = arith.index_cast %scan3A_567 : i32 to index
        %get3A_606 = arith.constant 80 : index
        %get3A_607 = tpu.vector_load %arg13[%get3A_605, %get3A_606] {strides = array<i32>} : memref<80x128xf32, #tpu.memory_space<vmem>>, vector<16xf32>,
        %mul3A_608 = arith.mulf %get3A_607, %gather3A : vector<16xf32>
        %swap3A_609 = arith.index_cast %scan3A_567 : i32 to index
        %swap3A_610 = arith.constant 80 : index
        %swap3A_611 = tpu.vector_load %arg13[%swap3A_609, %swap3A_610] {strides = array<i32>} : memref<80x128xf32, #tpu.memory_space<vmem>>, vector<16xf32>,
        tpu.vector_store %arg13[%swap3A_609, %swap3A_610], %mul3A_608 {strides = array<i32>} : memref<80x128xf32, #tpu.memory_space<vmem>>, vector<16xf32>,
        %get3A_612 = arith.index_cast %scan3A_567 : i32 to index
        %get3A_613 = arith.constant 96 : index
        %get3A_614 = tpu.vector_load %arg13[%get3A_612, %get3A_613] {strides = array<i32>} : memref<80x128xf32, #tpu.memory_space<vmem>>, vector<16xf32>,
        %mul3A_615 = arith.mulf %get3A_614, %gather3A : vector<16xf32>
        %swap3A_616 = arith.index_cast %scan3A_567 : i32 to index
        %swap3A_617 = arith.constant 96 : index
        %swap3A_618 = tpu.vector_load %arg13[%swap3A_616, %swap3A_617] {strides = array<i32>} : memref<80x128xf32, #tpu.memory_space<vmem>>, vector<16xf32>,
        tpu.vector_store %arg13[%swap3A_616, %swap3A_617], %mul3A_615 {strides = array<i32>} : memref<80x128xf32, #tpu.memory_space<vmem>>, vector<16xf32>,
        %get3A_619 = arith.index_cast %scan3A_567 : i32 to index
        %get3A_620 = arith.constant 112 : index
        %get3A_621 = tpu.vector_load %arg13[%get3A_619, %get3A_620] {strides = array<i32>} : memref<80x128xf32, #tpu.memory_space<vmem>>, vector<16xf32>,
        %mul3A_622 = arith.mulf %get3A_621, %gather3A : vector<16xf32>
        %swap3A_623 = arith.index_cast %scan3A_567 : i32 to index
        %swap3A_624 = arith.constant 112 : index
        %swap3A_625 = tpu.vector_load %arg13[%swap3A_623, %swap3A_624] {strides = array<i32>} : memref<80x128xf32, #tpu.memory_space<vmem>>, vector<16xf32>,
        tpu.vector_store %arg13[%swap3A_623, %swap3A_624], %mul3A_622 {strides = array<i32>} : memref<80x128xf32, #tpu.memory_space<vmem>>, vector<16xf32>,
      }
      %scan3A_489 = arith.constant 80 : i32
      %run_scoped3A_490 = arith.constant 5 : i32
      "tpu.region"() ({
        %run_scoped3A_567 = tpu.sem_alloc : memref<!tpu.dma_semaphore, #tpu.memory_space<semaphore_mem>>
        %dma_start3A_568 = arith.constant 0 : i32
        %dma_start3A_569 = tpu.memref_slice %arg8[%run_scoped3A_490, %dma_start3A_568] : memref<8x80xi32, #tpu.memory_space<vmem>> -> memref<1x80xi32, #tpu.memory_space<vmem>>
        %dma_start3A_570 = tpu.memref_squeeze %dma_start3A_569 : memref<1x80xi32, #tpu.memory_space<vmem>> -> memref<80xi32, #tpu.memory_space<vmem>>
        %dma_start3A_571 = arith.constant 0 : i32
        %dma_start3A_572 = arith.constant 0 : i32
        %dma_start3A_573 = tpu.memref_slice %arg16[%dma_start3A_571, %dma_start3A_572] : memref<10240x128xf32, #tpu.memory_space<vmem_shared>> -> memref<10240x128xf32, #tpu.memory_space<vmem_shared>>
        tpu.enqueue_indirect_dma source(%arg13 : memref<80x128xf32, #tpu.memory_space<vmem>>) target(%dma_start3A_573 : memref<10240x128xf32, #tpu.memory_space<vmem_shared>>) offsets(%dma_start3A_570 : memref<80xi32, #tpu.memory_space<vmem>>) semaphore(%run_scoped3A_567 : memref<!tpu.dma_semaphore, #tpu.memory_space<semaphore_mem>>) {add = true}
        %dma_wait3A_574 = arith.constant 0 : i32
        %dma_wait3A_575 = tpu.memref_slice %arg8[%run_scoped3A_490, %dma_wait3A_574] : memref<8x80xi32, #tpu.memory_space<vmem>> -> memref<1x80xi32, #tpu.memory_space<vmem>>
        %dma_wait3A_576 = tpu.memref_squeeze %dma_wait3A_575 : memref<1x80xi32, #tpu.memory_space<vmem>> -> memref<80xi32, #tpu.memory_space<vmem>>
        %dma_wait3A_577 = arith.constant 0 : i32
        %dma_wait3A_578 = arith.constant 0 : i32
        %dma_wait3A_579 = tpu.memref_slice %arg16[%dma_wait3A_577, %dma_wait3A_578] : memref<10240x128xf32, #tpu.memory_space<vmem_shared>> -> memref<10240x128xf32, #tpu.memory_space<vmem_shared>>
        tpu.wait_indirect_dma semaphore(%run_scoped3A_567 : memref<!tpu.dma_semaphore, #tpu.memory_space<semaphore_mem>>) src(%arg13 : memref<80x128xf32, #tpu.memory_space<vmem>>) dst(%dma_wait3A_579 : memref<10240x128xf32, #tpu.memory_space<vmem_shared>>)
        tpu.yield
      }) : () -> ()
      %dma_wait3A_491 = arith.constant 0 : i32
      %dma_wait3A_492 = arith.constant 0 : i32
      %dma_wait3A_493 = tpu.memref_slice %arg2[%dma_wait3A_491, %dma_wait3A_492] : memref<20000x128xf32, #tpu.memory_space<hbm>> -> memref<20000x128xf32, #tpu.memory_space<hbm>>
      tpu.wait_indirect_dma semaphore(%arg14 : memref<!tpu.dma_semaphore, #tpu.memory_space<semaphore_mem>>) src(%dma_wait3A_493 : memref<20000x128xf32, #tpu.memory_space<hbm>>) dst(%arg12 : memref<80x128xf32, #tpu.memory_space<vmem>>)
      %get3A_494 = arith.constant 7 : i32
      %get3A_495 = arith.index_cast %get3A_494 : i32 to index
      %get3A_496 = arith.constant 0 : index
      %get3A_497 = tpu.vector_load %arg7[%get3A_495, %get3A_496] {strides = array<i32>} : memref<8x80xi32, #tpu.memory_space<vmem>>, vector<16xi32>,
      %mul3A_498 = arith.constant 2 : i32
      %mul3A_499 = vector.broadcast %mul3A_498 : i32 to vector<16xi32>
      %mul3A_500 = arith.muli %get3A_497, %mul3A_499 : vector<16xi32>
      %add3A_501 = vector.broadcast %arg0 : i32 to vector<16xi32>
      %add3A_502 = arith.addi %mul3A_500, %add3A_501 : vector<16xi32>
      %swap3A_503 = arith.constant 0 : index
      %swap3A_504 = tpu.vector_load %arg11[%swap3A_503] {strides = array<i32>} : memref<80xi32, #tpu.memory_space<vmem>>, vector<16xi32>,
      tpu.vector_store %arg11[%swap3A_503], %add3A_502 {strides = array<i32>} : memref<80xi32, #tpu.memory_space<vmem>>, vector<16xi32>,
      %get3A_505 = arith.constant 7 : i32
      %get3A_506 = arith.index_cast %get3A_505 : i32 to index
      %get3A_507 = arith.constant 16 : index
      %get3A_508 = tpu.vector_load %arg7[%get3A_506, %get3A_507] {strides = array<i32>} : memref<8x80xi32, #tpu.memory_space<vmem>>, vector<16xi32>,
      %mul3A_509 = arith.constant 2 : i32
      %mul3A_510 = vector.broadcast %mul3A_509 : i32 to vector<16xi32>
      %mul3A_511 = arith.muli %get3A_508, %mul3A_510 : vector<16xi32>
      %add3A_512 = vector.broadcast %arg0 : i32 to vector<16xi32>
      %add3A_513 = arith.addi %mul3A_511, %add3A_512 : vector<16xi32>
      %swap3A_514 = arith.constant 16 : index
      %swap3A_515 = tpu.vector_load %arg11[%swap3A_514] {strides = array<i32>} : memref<80xi32, #tpu.memory_space<vmem>>, vector<16xi32>,
      tpu.vector_store %arg11[%swap3A_514], %add3A_513 {strides = array<i32>} : memref<80xi32, #tpu.memory_space<vmem>>, vector<16xi32>,
      %get3A_516 = arith.constant 7 : i32
      %get3A_517 = arith.index_cast %get3A_516 : i32 to index
      %get3A_518 = arith.constant 32 : index
      %get3A_519 = tpu.vector_load %arg7[%get3A_517, %get3A_518] {strides = array<i32>} : memref<8x80xi32, #tpu.memory_space<vmem>>, vector<16xi32>,
      %mul3A_520 = arith.constant 2 : i32
      %mul3A_521 = vector.broadcast %mul3A_520 : i32 to vector<16xi32>
      %mul3A_522 = arith.muli %get3A_519, %mul3A_521 : vector<16xi32>
      %add3A_523 = vector.broadcast %arg0 : i32 to vector<16xi32>
      %add3A_524 = arith.addi %mul3A_522, %add3A_523 : vector<16xi32>
      %swap3A_525 = arith.constant 32 : index
      %swap3A_526 = tpu.vector_load %arg11[%swap3A_525] {strides = array<i32>} : memref<80xi32, #tpu.memory_space<vmem>>, vector<16xi32>,
      tpu.vector_store %arg11[%swap3A_525], %add3A_524 {strides = array<i32>} : memref<80xi32, #tpu.memory_space<vmem>>, vector<16xi32>,
      %get3A_527 = arith.constant 7 : i32
      %get3A_528 = arith.index_cast %get3A_527 : i32 to index
      %get3A_529 = arith.constant 48 : index
      %get3A_530 = tpu.vector_load %arg7[%get3A_528, %get3A_529] {strides = array<i32>} : memref<8x80xi32, #tpu.memory_space<vmem>>, vector<16xi32>,
      %mul3A_531 = arith.constant 2 : i32
      %mul3A_532 = vector.broadcast %mul3A_531 : i32 to vector<16xi32>
      %mul3A_533 = arith.muli %get3A_530, %mul3A_532 : vector<16xi32>
      %add3A_534 = vector.broadcast %arg0 : i32 to vector<16xi32>
      %add3A_535 = arith.addi %mul3A_533, %add3A_534 : vector<16xi32>
      %swap3A_536 = arith.constant 48 : index
      %swap3A_537 = tpu.vector_load %arg11[%swap3A_536] {strides = array<i32>} : memref<80xi32, #tpu.memory_space<vmem>>, vector<16xi32>,
      tpu.vector_store %arg11[%swap3A_536], %add3A_535 {strides = array<i32>} : memref<80xi32, #tpu.memory_space<vmem>>, vector<16xi32>,
      %get3A_538 = arith.constant 7 : i32
      %get3A_539 = arith.index_cast %get3A_538 : i32 to index
      %get3A_540 = arith.constant 64 : index
      %get3A_541 = tpu.vector_load %arg7[%get3A_539, %get3A_540] {strides = array<i32>} : memref<8x80xi32, #tpu.memory_space<vmem>>, vector<16xi32>,
      %mul3A_542 = arith.constant 2 : i32
      %mul3A_543 = vector.broadcast %mul3A_542 : i32 to vector<16xi32>
      %mul3A_544 = arith.muli %get3A_541, %mul3A_543 : vector<16xi32>
      %add3A_545 = vector.broadcast %arg0 : i32 to vector<16xi32>
      %add3A_546 = arith.addi %mul3A_544, %add3A_545 : vector<16xi32>
      %swap3A_547 = arith.constant 64 : index
      %swap3A_548 = tpu.vector_load %arg11[%swap3A_547] {strides = array<i32>} : memref<80xi32, #tpu.memory_space<vmem>>, vector<16xi32>,
      tpu.vector_store %arg11[%swap3A_547], %add3A_546 {strides = array<i32>} : memref<80xi32, #tpu.memory_space<vmem>>, vector<16xi32>,
      %dma_start3A_549 = arith.constant 0 : i32
      %dma_start3A_550 = arith.constant 0 : i32
      %dma_start3A_551 = tpu.memref_slice %arg2[%dma_start3A_549, %dma_start3A_550] : memref<20000x128xf32, #tpu.memory_space<hbm>> -> memref<20000x128xf32, #tpu.memory_space<hbm>>
      tpu.enqueue_indirect_dma source(%dma_start3A_551 : memref<20000x128xf32, #tpu.memory_space<hbm>>) target(%arg13 : memref<80x128xf32, #tpu.memory_space<vmem>>) offsets(%arg11 : memref<80xi32, #tpu.memory_space<vmem>>) semaphore(%arg15 : memref<!tpu.dma_semaphore, #tpu.memory_space<semaphore_mem>>)
      %scan3A_552 = arith.constant 0 : i32
      %scan3A_553 = arith.constant 80 : i32
      %scan3A_554 = arith.addi %scan3A_552, %scan3A_553 : i32
      %scan3A_555 = arith.constant 1 : i32
      scf.for %scan3A_567 = %scan3A_552 to %scan3A_554 step %scan3A_555  : i32 {
        %broadcast_in_dim3A = arith.constant 6 : i32
        %broadcast_in_dim3A_568 = vector.broadcast %broadcast_in_dim3A : i32 to vector<16xi32>
        %broadcast_in_dim3A_569 = vector.broadcast %scan3A_567 : i32 to vector<16xi32>
        %gather3A = tpu.vector_load_idx %arg9[%broadcast_in_dim3A_568, %broadcast_in_dim3A_569] : memref<8x80xf32, #tpu.memory_space<vmem>>[vector<16xi32>, vector<16xi32>], vector<16xf32>,
        %get3A_570 = arith.index_cast %scan3A_567 : i32 to index
        %get3A_571 = arith.constant 0 : index
        %get3A_572 = tpu.vector_load %arg12[%get3A_570, %get3A_571] {strides = array<i32>} : memref<80x128xf32, #tpu.memory_space<vmem>>, vector<16xf32>,
        %mul3A_573 = arith.mulf %get3A_572, %gather3A : vector<16xf32>
        %swap3A_574 = arith.index_cast %scan3A_567 : i32 to index
        %swap3A_575 = arith.constant 0 : index
        %swap3A_576 = tpu.vector_load %arg12[%swap3A_574, %swap3A_575] {strides = array<i32>} : memref<80x128xf32, #tpu.memory_space<vmem>>, vector<16xf32>,
        tpu.vector_store %arg12[%swap3A_574, %swap3A_575], %mul3A_573 {strides = array<i32>} : memref<80x128xf32, #tpu.memory_space<vmem>>, vector<16xf32>,
        %get3A_577 = arith.index_cast %scan3A_567 : i32 to index
        %get3A_578 = arith.constant 16 : index
        %get3A_579 = tpu.vector_load %arg12[%get3A_577, %get3A_578] {strides = array<i32>} : memref<80x128xf32, #tpu.memory_space<vmem>>, vector<16xf32>,
        %mul3A_580 = arith.mulf %get3A_579, %gather3A : vector<16xf32>
        %swap3A_581 = arith.index_cast %scan3A_567 : i32 to index
        %swap3A_582 = arith.constant 16 : index
        %swap3A_583 = tpu.vector_load %arg12[%swap3A_581, %swap3A_582] {strides = array<i32>} : memref<80x128xf32, #tpu.memory_space<vmem>>, vector<16xf32>,
        tpu.vector_store %arg12[%swap3A_581, %swap3A_582], %mul3A_580 {strides = array<i32>} : memref<80x128xf32, #tpu.memory_space<vmem>>, vector<16xf32>,
        %get3A_584 = arith.index_cast %scan3A_567 : i32 to index
        %get3A_585 = arith.constant 32 : index
        %get3A_586 = tpu.vector_load %arg12[%get3A_584, %get3A_585] {strides = array<i32>} : memref<80x128xf32, #tpu.memory_space<vmem>>, vector<16xf32>,
        %mul3A_587 = arith.mulf %get3A_586, %gather3A : vector<16xf32>
        %swap3A_588 = arith.index_cast %scan3A_567 : i32 to index
        %swap3A_589 = arith.constant 32 : index
        %swap3A_590 = tpu.vector_load %arg12[%swap3A_588, %swap3A_589] {strides = array<i32>} : memref<80x128xf32, #tpu.memory_space<vmem>>, vector<16xf32>,
        tpu.vector_store %arg12[%swap3A_588, %swap3A_589], %mul3A_587 {strides = array<i32>} : memref<80x128xf32, #tpu.memory_space<vmem>>, vector<16xf32>,
        %get3A_591 = arith.index_cast %scan3A_567 : i32 to index
        %get3A_592 = arith.constant 48 : index
        %get3A_593 = tpu.vector_load %arg12[%get3A_591, %get3A_592] {strides = array<i32>} : memref<80x128xf32, #tpu.memory_space<vmem>>, vector<16xf32>,
        %mul3A_594 = arith.mulf %get3A_593, %gather3A : vector<16xf32>
        %swap3A_595 = arith.index_cast %scan3A_567 : i32 to index
        %swap3A_596 = arith.constant 48 : index
        %swap3A_597 = tpu.vector_load %arg12[%swap3A_595, %swap3A_596] {strides = array<i32>} : memref<80x128xf32, #tpu.memory_space<vmem>>, vector<16xf32>,
        tpu.vector_store %arg12[%swap3A_595, %swap3A_596], %mul3A_594 {strides = array<i32>} : memref<80x128xf32, #tpu.memory_space<vmem>>, vector<16xf32>,
        %get3A_598 = arith.index_cast %scan3A_567 : i32 to index
        %get3A_599 = arith.constant 64 : index
        %get3A_600 = tpu.vector_load %arg12[%get3A_598, %get3A_599] {strides = array<i32>} : memref<80x128xf32, #tpu.memory_space<vmem>>, vector<16xf32>,
        %mul3A_601 = arith.mulf %get3A_600, %gather3A : vector<16xf32>
        %swap3A_602 = arith.index_cast %scan3A_567 : i32 to index
        %swap3A_603 = arith.constant 64 : index
        %swap3A_604 = tpu.vector_load %arg12[%swap3A_602, %swap3A_603] {strides = array<i32>} : memref<80x128xf32, #tpu.memory_space<vmem>>, vector<16xf32>,
        tpu.vector_store %arg12[%swap3A_602, %swap3A_603], %mul3A_601 {strides = array<i32>} : memref<80x128xf32, #tpu.memory_space<vmem>>, vector<16xf32>,
        %get3A_605 = arith.index_cast %scan3A_567 : i32 to index
        %get3A_606 = arith.constant 80 : index
        %get3A_607 = tpu.vector_load %arg12[%get3A_605, %get3A_606] {strides = array<i32>} : memref<80x128xf32, #tpu.memory_space<vmem>>, vector<16xf32>,
        %mul3A_608 = arith.mulf %get3A_607, %gather3A : vector<16xf32>
        %swap3A_609 = arith.index_cast %scan3A_567 : i32 to index
        %swap3A_610 = arith.constant 80 : index
        %swap3A_611 = tpu.vector_load %arg12[%swap3A_609, %swap3A_610] {strides = array<i32>} : memref<80x128xf32, #tpu.memory_space<vmem>>, vector<16xf32>,
        tpu.vector_store %arg12[%swap3A_609, %swap3A_610], %mul3A_608 {strides = array<i32>} : memref<80x128xf32, #tpu.memory_space<vmem>>, vector<16xf32>,
        %get3A_612 = arith.index_cast %scan3A_567 : i32 to index
        %get3A_613 = arith.constant 96 : index
        %get3A_614 = tpu.vector_load %arg12[%get3A_612, %get3A_613] {strides = array<i32>} : memref<80x128xf32, #tpu.memory_space<vmem>>, vector<16xf32>,
        %mul3A_615 = arith.mulf %get3A_614, %gather3A : vector<16xf32>
        %swap3A_616 = arith.index_cast %scan3A_567 : i32 to index
        %swap3A_617 = arith.constant 96 : index
        %swap3A_618 = tpu.vector_load %arg12[%swap3A_616, %swap3A_617] {strides = array<i32>} : memref<80x128xf32, #tpu.memory_space<vmem>>, vector<16xf32>,
        tpu.vector_store %arg12[%swap3A_616, %swap3A_617], %mul3A_615 {strides = array<i32>} : memref<80x128xf32, #tpu.memory_space<vmem>>, vector<16xf32>,
        %get3A_619 = arith.index_cast %scan3A_567 : i32 to index
        %get3A_620 = arith.constant 112 : index
        %get3A_621 = tpu.vector_load %arg12[%get3A_619, %get3A_620] {strides = array<i32>} : memref<80x128xf32, #tpu.memory_space<vmem>>, vector<16xf32>,
        %mul3A_622 = arith.mulf %get3A_621, %gather3A : vector<16xf32>
        %swap3A_623 = arith.index_cast %scan3A_567 : i32 to index
        %swap3A_624 = arith.constant 112 : index
        %swap3A_625 = tpu.vector_load %arg12[%swap3A_623, %swap3A_624] {strides = array<i32>} : memref<80x128xf32, #tpu.memory_space<vmem>>, vector<16xf32>,
        tpu.vector_store %arg12[%swap3A_623, %swap3A_624], %mul3A_622 {strides = array<i32>} : memref<80x128xf32, #tpu.memory_space<vmem>>, vector<16xf32>,
      }
      %scan3A_556 = arith.constant 80 : i32
      %run_scoped3A_557 = arith.constant 6 : i32
      "tpu.region"() ({
        %run_scoped3A_567 = tpu.sem_alloc : memref<!tpu.dma_semaphore, #tpu.memory_space<semaphore_mem>>
        %dma_start3A_568 = arith.constant 0 : i32
        %dma_start3A_569 = tpu.memref_slice %arg8[%run_scoped3A_557, %dma_start3A_568] : memref<8x80xi32, #tpu.memory_space<vmem>> -> memref<1x80xi32, #tpu.memory_space<vmem>>
        %dma_start3A_570 = tpu.memref_squeeze %dma_start3A_569 : memref<1x80xi32, #tpu.memory_space<vmem>> -> memref<80xi32, #tpu.memory_space<vmem>>
        %dma_start3A_571 = arith.constant 0 : i32
        %dma_start3A_572 = arith.constant 0 : i32
        %dma_start3A_573 = tpu.memref_slice %arg16[%dma_start3A_571, %dma_start3A_572] : memref<10240x128xf32, #tpu.memory_space<vmem_shared>> -> memref<10240x128xf32, #tpu.memory_space<vmem_shared>>
        tpu.enqueue_indirect_dma source(%arg12 : memref<80x128xf32, #tpu.memory_space<vmem>>) target(%dma_start3A_573 : memref<10240x128xf32, #tpu.memory_space<vmem_shared>>) offsets(%dma_start3A_570 : memref<80xi32, #tpu.memory_space<vmem>>) semaphore(%run_scoped3A_567 : memref<!tpu.dma_semaphore, #tpu.memory_space<semaphore_mem>>) {add = true}
        %dma_wait3A_574 = arith.constant 0 : i32
        %dma_wait3A_575 = tpu.memref_slice %arg8[%run_scoped3A_557, %dma_wait3A_574] : memref<8x80xi32, #tpu.memory_space<vmem>> -> memref<1x80xi32, #tpu.memory_space<vmem>>
        %dma_wait3A_576 = tpu.memref_squeeze %dma_wait3A_575 : memref<1x80xi32, #tpu.memory_space<vmem>> -> memref<80xi32, #tpu.memory_space<vmem>>
        %dma_wait3A_577 = arith.constant 0 : i32
        %dma_wait3A_578 = arith.constant 0 : i32
        %dma_wait3A_579 = tpu.memref_slice %arg16[%dma_wait3A_577, %dma_wait3A_578] : memref<10240x128xf32, #tpu.memory_space<vmem_shared>> -> memref<10240x128xf32, #tpu.memory_space<vmem_shared>>
        tpu.wait_indirect_dma semaphore(%run_scoped3A_567 : memref<!tpu.dma_semaphore, #tpu.memory_space<semaphore_mem>>) src(%arg12 : memref<80x128xf32, #tpu.memory_space<vmem>>) dst(%dma_wait3A_579 : memref<10240x128xf32, #tpu.memory_space<vmem_shared>>)
        tpu.yield
      }) : () -> ()
      %dma_wait3A_558 = arith.constant 0 : i32
      %dma_wait3A_559 = arith.constant 0 : i32
      %dma_wait3A_560 = tpu.memref_slice %arg2[%dma_wait3A_558, %dma_wait3A_559] : memref<20000x128xf32, #tpu.memory_space<hbm>> -> memref<20000x128xf32, #tpu.memory_space<hbm>>
      tpu.wait_indirect_dma semaphore(%arg15 : memref<!tpu.dma_semaphore, #tpu.memory_space<semaphore_mem>>) src(%dma_wait3A_560 : memref<20000x128xf32, #tpu.memory_space<hbm>>) dst(%arg13 : memref<80x128xf32, #tpu.memory_space<vmem>>)
      %scan3A_561 = arith.constant 0 : i32
      %scan3A_562 = arith.constant 80 : i32
      %scan3A_563 = arith.addi %scan3A_561, %scan3A_562 : i32
      %scan3A_564 = arith.constant 1 : i32
      scf.for %scan3A_567 = %scan3A_561 to %scan3A_563 step %scan3A_564  : i32 {
        %broadcast_in_dim3A = arith.constant 7 : i32
        %broadcast_in_dim3A_568 = vector.broadcast %broadcast_in_dim3A : i32 to vector<16xi32>
        %broadcast_in_dim3A_569 = vector.broadcast %scan3A_567 : i32 to vector<16xi32>
        %gather3A = tpu.vector_load_idx %arg9[%broadcast_in_dim3A_568, %broadcast_in_dim3A_569] : memref<8x80xf32, #tpu.memory_space<vmem>>[vector<16xi32>, vector<16xi32>], vector<16xf32>,
        %get3A_570 = arith.index_cast %scan3A_567 : i32 to index
        %get3A_571 = arith.constant 0 : index
        %get3A_572 = tpu.vector_load %arg13[%get3A_570, %get3A_571] {strides = array<i32>} : memref<80x128xf32, #tpu.memory_space<vmem>>, vector<16xf32>,
        %mul3A_573 = arith.mulf %get3A_572, %gather3A : vector<16xf32>
        %swap3A_574 = arith.index_cast %scan3A_567 : i32 to index
        %swap3A_575 = arith.constant 0 : index
        %swap3A_576 = tpu.vector_load %arg13[%swap3A_574, %swap3A_575] {strides = array<i32>} : memref<80x128xf32, #tpu.memory_space<vmem>>, vector<16xf32>,
        tpu.vector_store %arg13[%swap3A_574, %swap3A_575], %mul3A_573 {strides = array<i32>} : memref<80x128xf32, #tpu.memory_space<vmem>>, vector<16xf32>,
        %get3A_577 = arith.index_cast %scan3A_567 : i32 to index
        %get3A_578 = arith.constant 16 : index
        %get3A_579 = tpu.vector_load %arg13[%get3A_577, %get3A_578] {strides = array<i32>} : memref<80x128xf32, #tpu.memory_space<vmem>>, vector<16xf32>,
        %mul3A_580 = arith.mulf %get3A_579, %gather3A : vector<16xf32>
        %swap3A_581 = arith.index_cast %scan3A_567 : i32 to index
        %swap3A_582 = arith.constant 16 : index
        %swap3A_583 = tpu.vector_load %arg13[%swap3A_581, %swap3A_582] {strides = array<i32>} : memref<80x128xf32, #tpu.memory_space<vmem>>, vector<16xf32>,
        tpu.vector_store %arg13[%swap3A_581, %swap3A_582], %mul3A_580 {strides = array<i32>} : memref<80x128xf32, #tpu.memory_space<vmem>>, vector<16xf32>,
        %get3A_584 = arith.index_cast %scan3A_567 : i32 to index
        %get3A_585 = arith.constant 32 : index
        %get3A_586 = tpu.vector_load %arg13[%get3A_584, %get3A_585] {strides = array<i32>} : memref<80x128xf32, #tpu.memory_space<vmem>>, vector<16xf32>,
        %mul3A_587 = arith.mulf %get3A_586, %gather3A : vector<16xf32>
        %swap3A_588 = arith.index_cast %scan3A_567 : i32 to index
        %swap3A_589 = arith.constant 32 : index
        %swap3A_590 = tpu.vector_load %arg13[%swap3A_588, %swap3A_589] {strides = array<i32>} : memref<80x128xf32, #tpu.memory_space<vmem>>, vector<16xf32>,
        tpu.vector_store %arg13[%swap3A_588, %swap3A_589], %mul3A_587 {strides = array<i32>} : memref<80x128xf32, #tpu.memory_space<vmem>>, vector<16xf32>,
        %get3A_591 = arith.index_cast %scan3A_567 : i32 to index
        %get3A_592 = arith.constant 48 : index
        %get3A_593 = tpu.vector_load %arg13[%get3A_591, %get3A_592] {strides = array<i32>} : memref<80x128xf32, #tpu.memory_space<vmem>>, vector<16xf32>,
        %mul3A_594 = arith.mulf %get3A_593, %gather3A : vector<16xf32>
        %swap3A_595 = arith.index_cast %scan3A_567 : i32 to index
        %swap3A_596 = arith.constant 48 : index
        %swap3A_597 = tpu.vector_load %arg13[%swap3A_595, %swap3A_596] {strides = array<i32>} : memref<80x128xf32, #tpu.memory_space<vmem>>, vector<16xf32>,
        tpu.vector_store %arg13[%swap3A_595, %swap3A_596], %mul3A_594 {strides = array<i32>} : memref<80x128xf32, #tpu.memory_space<vmem>>, vector<16xf32>,
        %get3A_598 = arith.index_cast %scan3A_567 : i32 to index
        %get3A_599 = arith.constant 64 : index
        %get3A_600 = tpu.vector_load %arg13[%get3A_598, %get3A_599] {strides = array<i32>} : memref<80x128xf32, #tpu.memory_space<vmem>>, vector<16xf32>,
        %mul3A_601 = arith.mulf %get3A_600, %gather3A : vector<16xf32>
        %swap3A_602 = arith.index_cast %scan3A_567 : i32 to index
        %swap3A_603 = arith.constant 64 : index
        %swap3A_604 = tpu.vector_load %arg13[%swap3A_602, %swap3A_603] {strides = array<i32>} : memref<80x128xf32, #tpu.memory_space<vmem>>, vector<16xf32>,
        tpu.vector_store %arg13[%swap3A_602, %swap3A_603], %mul3A_601 {strides = array<i32>} : memref<80x128xf32, #tpu.memory_space<vmem>>, vector<16xf32>,
        %get3A_605 = arith.index_cast %scan3A_567 : i32 to index
        %get3A_606 = arith.constant 80 : index
        %get3A_607 = tpu.vector_load %arg13[%get3A_605, %get3A_606] {strides = array<i32>} : memref<80x128xf32, #tpu.memory_space<vmem>>, vector<16xf32>,
        %mul3A_608 = arith.mulf %get3A_607, %gather3A : vector<16xf32>
        %swap3A_609 = arith.index_cast %scan3A_567 : i32 to index
        %swap3A_610 = arith.constant 80 : index
        %swap3A_611 = tpu.vector_load %arg13[%swap3A_609, %swap3A_610] {strides = array<i32>} : memref<80x128xf32, #tpu.memory_space<vmem>>, vector<16xf32>,
        tpu.vector_store %arg13[%swap3A_609, %swap3A_610], %mul3A_608 {strides = array<i32>} : memref<80x128xf32, #tpu.memory_space<vmem>>, vector<16xf32>,
        %get3A_612 = arith.index_cast %scan3A_567 : i32 to index
        %get3A_613 = arith.constant 96 : index
        %get3A_614 = tpu.vector_load %arg13[%get3A_612, %get3A_613] {strides = array<i32>} : memref<80x128xf32, #tpu.memory_space<vmem>>, vector<16xf32>,
        %mul3A_615 = arith.mulf %get3A_614, %gather3A : vector<16xf32>
        %swap3A_616 = arith.index_cast %scan3A_567 : i32 to index
        %swap3A_617 = arith.constant 96 : index
        %swap3A_618 = tpu.vector_load %arg13[%swap3A_616, %swap3A_617] {strides = array<i32>} : memref<80x128xf32, #tpu.memory_space<vmem>>, vector<16xf32>,
        tpu.vector_store %arg13[%swap3A_616, %swap3A_617], %mul3A_615 {strides = array<i32>} : memref<80x128xf32, #tpu.memory_space<vmem>>, vector<16xf32>,
        %get3A_619 = arith.index_cast %scan3A_567 : i32 to index
        %get3A_620 = arith.constant 112 : index
        %get3A_621 = tpu.vector_load %arg13[%get3A_619, %get3A_620] {strides = array<i32>} : memref<80x128xf32, #tpu.memory_space<vmem>>, vector<16xf32>,
        %mul3A_622 = arith.mulf %get3A_621, %gather3A : vector<16xf32>
        %swap3A_623 = arith.index_cast %scan3A_567 : i32 to index
        %swap3A_624 = arith.constant 112 : index
        %swap3A_625 = tpu.vector_load %arg13[%swap3A_623, %swap3A_624] {strides = array<i32>} : memref<80x128xf32, #tpu.memory_space<vmem>>, vector<16xf32>,
        tpu.vector_store %arg13[%swap3A_623, %swap3A_624], %mul3A_622 {strides = array<i32>} : memref<80x128xf32, #tpu.memory_space<vmem>>, vector<16xf32>,
      }
      %scan3A_565 = arith.constant 80 : i32
      %run_scoped3A_566 = arith.constant 7 : i32
      "tpu.region"() ({
        %run_scoped3A_567 = tpu.sem_alloc : memref<!tpu.dma_semaphore, #tpu.memory_space<semaphore_mem>>
        %dma_start3A_568 = arith.constant 0 : i32
        %dma_start3A_569 = tpu.memref_slice %arg8[%run_scoped3A_566, %dma_start3A_568] : memref<8x80xi32, #tpu.memory_space<vmem>> -> memref<1x80xi32, #tpu.memory_space<vmem>>
        %dma_start3A_570 = tpu.memref_squeeze %dma_start3A_569 : memref<1x80xi32, #tpu.memory_space<vmem>> -> memref<80xi32, #tpu.memory_space<vmem>>
        %dma_start3A_571 = arith.constant 0 : i32
        %dma_start3A_572 = arith.constant 0 : i32
        %dma_start3A_573 = tpu.memref_slice %arg16[%dma_start3A_571, %dma_start3A_572] : memref<10240x128xf32, #tpu.memory_space<vmem_shared>> -> memref<10240x128xf32, #tpu.memory_space<vmem_shared>>
        tpu.enqueue_indirect_dma source(%arg13 : memref<80x128xf32, #tpu.memory_space<vmem>>) target(%dma_start3A_573 : memref<10240x128xf32, #tpu.memory_space<vmem_shared>>) offsets(%dma_start3A_570 : memref<80xi32, #tpu.memory_space<vmem>>) semaphore(%run_scoped3A_567 : memref<!tpu.dma_semaphore, #tpu.memory_space<semaphore_mem>>) {add = true}
        %dma_wait3A_574 = arith.constant 0 : i32
        %dma_wait3A_575 = tpu.memref_slice %arg8[%run_scoped3A_566, %dma_wait3A_574] : memref<8x80xi32, #tpu.memory_space<vmem>> -> memref<1x80xi32, #tpu.memory_space<vmem>>
        %dma_wait3A_576 = tpu.memref_squeeze %dma_wait3A_575 : memref<1x80xi32, #tpu.memory_space<vmem>> -> memref<80xi32, #tpu.memory_space<vmem>>
        %dma_wait3A_577 = arith.constant 0 : i32
        %dma_wait3A_578 = arith.constant 0 : i32
        %dma_wait3A_579 = tpu.memref_slice %arg16[%dma_wait3A_577, %dma_wait3A_578] : memref<10240x128xf32, #tpu.memory_space<vmem_shared>> -> memref<10240x128xf32, #tpu.memory_space<vmem_shared>>
        tpu.wait_indirect_dma semaphore(%run_scoped3A_567 : memref<!tpu.dma_semaphore, #tpu.memory_space<semaphore_mem>>) src(%arg13 : memref<80x128xf32, #tpu.memory_space<vmem>>) dst(%dma_wait3A_579 : memref<10240x128xf32, #tpu.memory_space<vmem_shared>>)
        tpu.yield
      }) : () -> ()
    }
    %scan3A_27 = arith.constant 17 : i32
    %barrier3A_28 = arith.constant 0 : index
    tpu.barrier barrier_id(%barrier3A_28)
    %mul3A_29 = arith.constant 128 : i32
    %mul3A_30 = arith.muli %arg0, %mul3A_29 : i32
    "tpu.region"() ({
      %run_scoped3A = tpu.sem_alloc : memref<!tpu.dma_semaphore, #tpu.memory_space<semaphore_mem>>
      %dma_start3A = tpu.memref_slice %arg6[%multiple_of3A, %mul3A_30] : memref<10240x256xf32, #tpu.memory_space<hbm>> -> memref<640x128xf32, #tpu.memory_space<hbm>>
      %dma_start3A_31 = arith.constant 0 : i32
      %dma_start3A_32 = tpu.memref_slice %arg16[%multiple_of3A, %dma_start3A_31] : memref<10240x128xf32, #tpu.memory_space<vmem_shared>> -> memref<640x128xf32, #tpu.memory_space<vmem_shared>>
      tpu.enqueue_dma source(%dma_start3A_32 : memref<640x128xf32, #tpu.memory_space<vmem_shared>>) target(%dma_start3A : memref<640x128xf32, #tpu.memory_space<hbm>>) target_semaphore(%run_scoped3A : memref<!tpu.dma_semaphore, #tpu.memory_space<semaphore_mem>>)
      %dma_wait3A = tpu.memref_slice %arg6[%multiple_of3A, %mul3A_30] : memref<10240x256xf32, #tpu.memory_space<hbm>> -> memref<640x128xf32, #tpu.memory_space<hbm>>
      %dma_wait3A_33 = arith.constant 0 : i32
      %dma_wait3A_34 = tpu.memref_slice %arg16[%multiple_of3A, %dma_wait3A_33] : memref<10240x128xf32, #tpu.memory_space<vmem_shared>> -> memref<640x128xf32, #tpu.memory_space<vmem_shared>>
      tpu.wait_dma2 semaphore(%run_scoped3A : memref<!tpu.dma_semaphore, #tpu.memory_space<semaphore_mem>>) src(%dma_wait3A_34 : memref<640x128xf32, #tpu.memory_space<vmem_shared>>) dst(%dma_wait3A : memref<640x128xf32, #tpu.memory_space<hbm>>)
      tpu.yield
    }) : () -> ()
    return
  }
}

#map = affine_map<(d0, d1) -> (0, 0)>
module attributes {stable_mosaic.version = 14 : i64} {
  func.func @_conv_body(%arg0: i32, %arg1: i32, %arg2: memref<20000x128xf32, #tpu.memory_space<hbm>>, %arg3: memref<2176x80xi32, #tpu.memory_space<hbm>>, %arg4: memref<2176x80xi32, #tpu.memory_space<hbm>>, %arg5: memref<2176x80xf32, #tpu.memory_space<hbm>>, %arg6: memref<10240x256xf32, #tpu.memory_space<hbm>>, %arg7: memref<8x80xi32, #tpu.memory_space<vmem>>, %arg8: memref<8x80xi32, #tpu.memory_space<vmem>>, %arg9: memref<8x80xf32, #tpu.memory_space<vmem>>, %arg10: memref<80xi32, #tpu.memory_space<vmem>>, %arg11: memref<80xi32, #tpu.memory_space<vmem>>, %arg12: memref<80x128xf32, #tpu.memory_space<vmem>>, %arg13: memref<80x128xf32, #tpu.memory_space<vmem>>, %arg14: memref<!tpu.dma_semaphore, #tpu.memory_space<semaphore_mem>>, %arg15: memref<!tpu.dma_semaphore, #tpu.memory_space<semaphore_mem>>, %arg16: memref<10240x128xf32, #tpu.memory_space<vmem_shared>>) attributes {dimension_semantics = [#tpu.dimension_semantics<core_parallel>, #tpu.dimension_semantics<subcore_parallel>], iteration_bounds = array<i64: 2, 16>, scalar_prefetch = 0 : i64, scratch_operands = 10 : i64, tpu.core_type = #tpu.core_type<sc_vector_subcore>, window_params = [{transform_indices = #map}, {transform_indices = #map}, {transform_indices = #map}, {transform_indices = #map}, {transform_indices = #map}]} {
    %scan3A = arith.constant 0 : i32
    %scan3A_0 = arith.constant 80 : i32
    %scan3A_1 = arith.addi %scan3A, %scan3A_0 : i32
    %scan3A_2 = arith.constant 1 : i32
    scf.for %scan3A_31 = %scan3A to %scan3A_1 step %scan3A_2  : i32 {
      %broadcast_in_dim3A = arith.constant 0.000000e+00 : f32
      %broadcast_in_dim3A_32 = vector.broadcast %broadcast_in_dim3A : f32 to vector<16xf32>
      %swap3A = arith.index_cast %scan3A_31 : i32 to index
      %swap3A_33 = arith.constant 0 : index
      %swap3A_34 = tpu.vector_load %arg12[%swap3A, %swap3A_33] {strides = array<i32>} : memref<80x128xf32, #tpu.memory_space<vmem>>, vector<16xf32>,
      tpu.vector_store %arg12[%swap3A, %swap3A_33], %broadcast_in_dim3A_32 {strides = array<i32>} : memref<80x128xf32, #tpu.memory_space<vmem>>, vector<16xf32>,
      %broadcast_in_dim3A_35 = arith.constant 0.000000e+00 : f32
      %broadcast_in_dim3A_36 = vector.broadcast %broadcast_in_dim3A_35 : f32 to vector<16xf32>
      %swap3A_37 = arith.index_cast %scan3A_31 : i32 to index
      %swap3A_38 = arith.constant 16 : index
      %swap3A_39 = tpu.vector_load %arg12[%swap3A_37, %swap3A_38] {strides = array<i32>} : memref<80x128xf32, #tpu.memory_space<vmem>>, vector<16xf32>,
      tpu.vector_store %arg12[%swap3A_37, %swap3A_38], %broadcast_in_dim3A_36 {strides = array<i32>} : memref<80x128xf32, #tpu.memory_space<vmem>>, vector<16xf32>,
      %broadcast_in_dim3A_40 = arith.constant 0.000000e+00 : f32
      %broadcast_in_dim3A_41 = vector.broadcast %broadcast_in_dim3A_40 : f32 to vector<16xf32>
      %swap3A_42 = arith.index_cast %scan3A_31 : i32 to index
      %swap3A_43 = arith.constant 32 : index
      %swap3A_44 = tpu.vector_load %arg12[%swap3A_42, %swap3A_43] {strides = array<i32>} : memref<80x128xf32, #tpu.memory_space<vmem>>, vector<16xf32>,
      tpu.vector_store %arg12[%swap3A_42, %swap3A_43], %broadcast_in_dim3A_41 {strides = array<i32>} : memref<80x128xf32, #tpu.memory_space<vmem>>, vector<16xf32>,
      %broadcast_in_dim3A_45 = arith.constant 0.000000e+00 : f32
      %broadcast_in_dim3A_46 = vector.broadcast %broadcast_in_dim3A_45 : f32 to vector<16xf32>
      %swap3A_47 = arith.index_cast %scan3A_31 : i32 to index
      %swap3A_48 = arith.constant 48 : index
      %swap3A_49 = tpu.vector_load %arg12[%swap3A_47, %swap3A_48] {strides = array<i32>} : memref<80x128xf32, #tpu.memory_space<vmem>>, vector<16xf32>,
      tpu.vector_store %arg12[%swap3A_47, %swap3A_48], %broadcast_in_dim3A_46 {strides = array<i32>} : memref<80x128xf32, #tpu.memory_space<vmem>>, vector<16xf32>,
      %broadcast_in_dim3A_50 = arith.constant 0.000000e+00 : f32
      %broadcast_in_dim3A_51 = vector.broadcast %broadcast_in_dim3A_50 : f32 to vector<16xf32>
      %swap3A_52 = arith.index_cast %scan3A_31 : i32 to index
      %swap3A_53 = arith.constant 64 : index
      %swap3A_54 = tpu.vector_load %arg12[%swap3A_52, %swap3A_53] {strides = array<i32>} : memref<80x128xf32, #tpu.memory_space<vmem>>, vector<16xf32>,
      tpu.vector_store %arg12[%swap3A_52, %swap3A_53], %broadcast_in_dim3A_51 {strides = array<i32>} : memref<80x128xf32, #tpu.memory_space<vmem>>, vector<16xf32>,
      %broadcast_in_dim3A_55 = arith.constant 0.000000e+00 : f32
      %broadcast_in_dim3A_56 = vector.broadcast %broadcast_in_dim3A_55 : f32 to vector<16xf32>
      %swap3A_57 = arith.index_cast %scan3A_31 : i32 to index
      %swap3A_58 = arith.constant 80 : index
      %swap3A_59 = tpu.vector_load %arg12[%swap3A_57, %swap3A_58] {strides = array<i32>} : memref<80x128xf32, #tpu.memory_space<vmem>>, vector<16xf32>,
      tpu.vector_store %arg12[%swap3A_57, %swap3A_58], %broadcast_in_dim3A_56 {strides = array<i32>} : memref<80x128xf32, #tpu.memory_space<vmem>>, vector<16xf32>,
      %broadcast_in_dim3A_60 = arith.constant 0.000000e+00 : f32
      %broadcast_in_dim3A_61 = vector.broadcast %broadcast_in_dim3A_60 : f32 to vector<16xf32>
      %swap3A_62 = arith.index_cast %scan3A_31 : i32 to index
      %swap3A_63 = arith.constant 96 : index
      %swap3A_64 = tpu.vector_load %arg12[%swap3A_62, %swap3A_63] {strides = array<i32>} : memref<80x128xf32, #tpu.memory_space<vmem>>, vector<16xf32>,
      tpu.vector_store %arg12[%swap3A_62, %swap3A_63], %broadcast_in_dim3A_61 {strides = array<i32>} : memref<80x128xf32, #tpu.memory_space<vmem>>, vector<16xf32>,
      %broadcast_in_dim3A_65 = arith.constant 0.000000e+00 : f32
      %broadcast_in_dim3A_66 = vector.broadcast %broadcast_in_dim3A_65 : f32 to vector<16xf32>
      %swap3A_67 = arith.index_cast %scan3A_31 : i32 to index
      %swap3A_68 = arith.constant 112 : index
      %swap3A_69 = tpu.vector_load %arg12[%swap3A_67, %swap3A_68] {strides = array<i32>} : memref<80x128xf32, #tpu.memory_space<vmem>>, vector<16xf32>,
      tpu.vector_store %arg12[%swap3A_67, %swap3A_68], %broadcast_in_dim3A_66 {strides = array<i32>} : memref<80x128xf32, #tpu.memory_space<vmem>>, vector<16xf32>,
    }
    %scan3A_3 = arith.constant 80 : i32
    %mul3A = arith.constant 640 : i32
    %mul3A_4 = arith.muli %arg1, %mul3A : i32
    %multiple_of3A = tpu.assume_multiple %mul3A_4, 8 : i32
    %add3A = arith.constant 0 : i32
    %add3A_5 = arith.addi %multiple_of3A, %add3A : i32
    "tpu.region"() ({
      %run_scoped3A = tpu.sem_alloc : memref<!tpu.dma_semaphore, #tpu.memory_space<semaphore_mem>>
      %dma_start3A = arith.constant 0 : i32
      %dma_start3A_31 = tpu.memref_slice %arg16[%add3A_5, %dma_start3A] : memref<10240x128xf32, #tpu.memory_space<vmem_shared>> -> memref<80x128xf32, #tpu.memory_space<vmem_shared>>
      %dma_start3A_32 = arith.constant 0 : i32
      %dma_start3A_33 = tpu.memref_slice %arg16[%add3A_5, %dma_start3A_32] : memref<10240x128xf32, #tpu.memory_space<vmem_shared>> -> memref<80x128xf32, #tpu.memory_space<vmem_shared>>
      tpu.enqueue_dma source(%arg12 : memref<80x128xf32, #tpu.memory_space<vmem>>) target(%dma_start3A_33 : memref<80x128xf32, #tpu.memory_space<vmem_shared>>) target_semaphore(%run_scoped3A : memref<!tpu.dma_semaphore, #tpu.memory_space<semaphore_mem>>)
      %dma_wait3A = arith.constant 0 : i32
      %dma_wait3A_34 = tpu.memref_slice %arg16[%add3A_5, %dma_wait3A] : memref<10240x128xf32, #tpu.memory_space<vmem_shared>> -> memref<80x128xf32, #tpu.memory_space<vmem_shared>>
      %dma_wait3A_35 = arith.constant 0 : i32
      %dma_wait3A_36 = tpu.memref_slice %arg16[%add3A_5, %dma_wait3A_35] : memref<10240x128xf32, #tpu.memory_space<vmem_shared>> -> memref<80x128xf32, #tpu.memory_space<vmem_shared>>
      tpu.wait_dma2 semaphore(%run_scoped3A : memref<!tpu.dma_semaphore, #tpu.memory_space<semaphore_mem>>) src(%arg12 : memref<80x128xf32, #tpu.memory_space<vmem>>) dst(%dma_wait3A_36 : memref<80x128xf32, #tpu.memory_space<vmem_shared>>)
      tpu.yield
    }) : () -> ()
    %add3A_6 = arith.constant 80 : i32
    %add3A_7 = arith.addi %multiple_of3A, %add3A_6 : i32
    "tpu.region"() ({
      %run_scoped3A = tpu.sem_alloc : memref<!tpu.dma_semaphore, #tpu.memory_space<semaphore_mem>>
      %dma_start3A = arith.constant 0 : i32
      %dma_start3A_31 = tpu.memref_slice %arg16[%add3A_7, %dma_start3A] : memref<10240x128xf32, #tpu.memory_space<vmem_shared>> -> memref<80x128xf32, #tpu.memory_space<vmem_shared>>
      %dma_start3A_32 = arith.constant 0 : i32
      %dma_start3A_33 = tpu.memref_slice %arg16[%add3A_7, %dma_start3A_32] : memref<10240x128xf32, #tpu.memory_space<vmem_shared>> -> memref<80x128xf32, #tpu.memory_space<vmem_shared>>
      tpu.enqueue_dma source(%arg12 : memref<80x128xf32, #tpu.memory_space<vmem>>) target(%dma_start3A_33 : memref<80x128xf32, #tpu.memory_space<vmem_shared>>) target_semaphore(%run_scoped3A : memref<!tpu.dma_semaphore, #tpu.memory_space<semaphore_mem>>)
      %dma_wait3A = arith.constant 0 : i32
      %dma_wait3A_34 = tpu.memref_slice %arg16[%add3A_7, %dma_wait3A] : memref<10240x128xf32, #tpu.memory_space<vmem_shared>> -> memref<80x128xf32, #tpu.memory_space<vmem_shared>>
      %dma_wait3A_35 = arith.constant 0 : i32
      %dma_wait3A_36 = tpu.memref_slice %arg16[%add3A_7, %dma_wait3A_35] : memref<10240x128xf32, #tpu.memory_space<vmem_shared>> -> memref<80x128xf32, #tpu.memory_space<vmem_shared>>
      tpu.wait_dma2 semaphore(%run_scoped3A : memref<!tpu.dma_semaphore, #tpu.memory_space<semaphore_mem>>) src(%arg12 : memref<80x128xf32, #tpu.memory_space<vmem>>) dst(%dma_wait3A_36 : memref<80x128xf32, #tpu.memory_space<vmem_shared>>)
      tpu.yield
    }) : () -> ()
    %add3A_8 = arith.constant 160 : i32
    %add3A_9 = arith.addi %multiple_of3A, %add3A_8 : i32
    "tpu.region"() ({
      %run_scoped3A = tpu.sem_alloc : memref<!tpu.dma_semaphore, #tpu.memory_space<semaphore_mem>>
      %dma_start3A = arith.constant 0 : i32
      %dma_start3A_31 = tpu.memref_slice %arg16[%add3A_9, %dma_start3A] : memref<10240x128xf32, #tpu.memory_space<vmem_shared>> -> memref<80x128xf32, #tpu.memory_space<vmem_shared>>
      %dma_start3A_32 = arith.constant 0 : i32
      %dma_start3A_33 = tpu.memref_slice %arg16[%add3A_9, %dma_start3A_32] : memref<10240x128xf32, #tpu.memory_space<vmem_shared>> -> memref<80x128xf32, #tpu.memory_space<vmem_shared>>
      tpu.enqueue_dma source(%arg12 : memref<80x128xf32, #tpu.memory_space<vmem>>) target(%dma_start3A_33 : memref<80x128xf32, #tpu.memory_space<vmem_shared>>) target_semaphore(%run_scoped3A : memref<!tpu.dma_semaphore, #tpu.memory_space<semaphore_mem>>)
      %dma_wait3A = arith.constant 0 : i32
      %dma_wait3A_34 = tpu.memref_slice %arg16[%add3A_9, %dma_wait3A] : memref<10240x128xf32, #tpu.memory_space<vmem_shared>> -> memref<80x128xf32, #tpu.memory_space<vmem_shared>>
      %dma_wait3A_35 = arith.constant 0 : i32
      %dma_wait3A_36 = tpu.memref_slice %arg16[%add3A_9, %dma_wait3A_35] : memref<10240x128xf32, #tpu.memory_space<vmem_shared>> -> memref<80x128xf32, #tpu.memory_space<vmem_shared>>
      tpu.wait_dma2 semaphore(%run_scoped3A : memref<!tpu.dma_semaphore, #tpu.memory_space<semaphore_mem>>) src(%arg12 : memref<80x128xf32, #tpu.memory_space<vmem>>) dst(%dma_wait3A_36 : memref<80x128xf32, #tpu.memory_space<vmem_shared>>)
      tpu.yield
    }) : () -> ()
    %add3A_10 = arith.constant 240 : i32
    %add3A_11 = arith.addi %multiple_of3A, %add3A_10 : i32
    "tpu.region"() ({
      %run_scoped3A = tpu.sem_alloc : memref<!tpu.dma_semaphore, #tpu.memory_space<semaphore_mem>>
      %dma_start3A = arith.constant 0 : i32
      %dma_start3A_31 = tpu.memref_slice %arg16[%add3A_11, %dma_start3A] : memref<10240x128xf32, #tpu.memory_space<vmem_shared>> -> memref<80x128xf32, #tpu.memory_space<vmem_shared>>
      %dma_start3A_32 = arith.constant 0 : i32
      %dma_start3A_33 = tpu.memref_slice %arg16[%add3A_11, %dma_start3A_32] : memref<10240x128xf32, #tpu.memory_space<vmem_shared>> -> memref<80x128xf32, #tpu.memory_space<vmem_shared>>
      tpu.enqueue_dma source(%arg12 : memref<80x128xf32, #tpu.memory_space<vmem>>) target(%dma_start3A_33 : memref<80x128xf32, #tpu.memory_space<vmem_shared>>) target_semaphore(%run_scoped3A : memref<!tpu.dma_semaphore, #tpu.memory_space<semaphore_mem>>)
      %dma_wait3A = arith.constant 0 : i32
      %dma_wait3A_34 = tpu.memref_slice %arg16[%add3A_11, %dma_wait3A] : memref<10240x128xf32, #tpu.memory_space<vmem_shared>> -> memref<80x128xf32, #tpu.memory_space<vmem_shared>>
      %dma_wait3A_35 = arith.constant 0 : i32
      %dma_wait3A_36 = tpu.memref_slice %arg16[%add3A_11, %dma_wait3A_35] : memref<10240x128xf32, #tpu.memory_space<vmem_shared>> -> memref<80x128xf32, #tpu.memory_space<vmem_shared>>
      tpu.wait_dma2 semaphore(%run_scoped3A : memref<!tpu.dma_semaphore, #tpu.memory_space<semaphore_mem>>) src(%arg12 : memref<80x128xf32, #tpu.memory_space<vmem>>) dst(%dma_wait3A_36 : memref<80x128xf32, #tpu.memory_space<vmem_shared>>)
      tpu.yield
    }) : () -> ()
    %add3A_12 = arith.constant 320 : i32
    %add3A_13 = arith.addi %multiple_of3A, %add3A_12 : i32
    "tpu.region"() ({
      %run_scoped3A = tpu.sem_alloc : memref<!tpu.dma_semaphore, #tpu.memory_space<semaphore_mem>>
      %dma_start3A = arith.constant 0 : i32
      %dma_start3A_31 = tpu.memref_slice %arg16[%add3A_13, %dma_start3A] : memref<10240x128xf32, #tpu.memory_space<vmem_shared>> -> memref<80x128xf32, #tpu.memory_space<vmem_shared>>
      %dma_start3A_32 = arith.constant 0 : i32
      %dma_start3A_33 = tpu.memref_slice %arg16[%add3A_13, %dma_start3A_32] : memref<10240x128xf32, #tpu.memory_space<vmem_shared>> -> memref<80x128xf32, #tpu.memory_space<vmem_shared>>
      tpu.enqueue_dma source(%arg12 : memref<80x128xf32, #tpu.memory_space<vmem>>) target(%dma_start3A_33 : memref<80x128xf32, #tpu.memory_space<vmem_shared>>) target_semaphore(%run_scoped3A : memref<!tpu.dma_semaphore, #tpu.memory_space<semaphore_mem>>)
      %dma_wait3A = arith.constant 0 : i32
      %dma_wait3A_34 = tpu.memref_slice %arg16[%add3A_13, %dma_wait3A] : memref<10240x128xf32, #tpu.memory_space<vmem_shared>> -> memref<80x128xf32, #tpu.memory_space<vmem_shared>>
      %dma_wait3A_35 = arith.constant 0 : i32
      %dma_wait3A_36 = tpu.memref_slice %arg16[%add3A_13, %dma_wait3A_35] : memref<10240x128xf32, #tpu.memory_space<vmem_shared>> -> memref<80x128xf32, #tpu.memory_space<vmem_shared>>
      tpu.wait_dma2 semaphore(%run_scoped3A : memref<!tpu.dma_semaphore, #tpu.memory_space<semaphore_mem>>) src(%arg12 : memref<80x128xf32, #tpu.memory_space<vmem>>) dst(%dma_wait3A_36 : memref<80x128xf32, #tpu.memory_space<vmem_shared>>)
      tpu.yield
    }) : () -> ()
    %add3A_14 = arith.constant 400 : i32
    %add3A_15 = arith.addi %multiple_of3A, %add3A_14 : i32
    "tpu.region"() ({
      %run_scoped3A = tpu.sem_alloc : memref<!tpu.dma_semaphore, #tpu.memory_space<semaphore_mem>>
      %dma_start3A = arith.constant 0 : i32
      %dma_start3A_31 = tpu.memref_slice %arg16[%add3A_15, %dma_start3A] : memref<10240x128xf32, #tpu.memory_space<vmem_shared>> -> memref<80x128xf32, #tpu.memory_space<vmem_shared>>
      %dma_start3A_32 = arith.constant 0 : i32
      %dma_start3A_33 = tpu.memref_slice %arg16[%add3A_15, %dma_start3A_32] : memref<10240x128xf32, #tpu.memory_space<vmem_shared>> -> memref<80x128xf32, #tpu.memory_space<vmem_shared>>
      tpu.enqueue_dma source(%arg12 : memref<80x128xf32, #tpu.memory_space<vmem>>) target(%dma_start3A_33 : memref<80x128xf32, #tpu.memory_space<vmem_shared>>) target_semaphore(%run_scoped3A : memref<!tpu.dma_semaphore, #tpu.memory_space<semaphore_mem>>)
      %dma_wait3A = arith.constant 0 : i32
      %dma_wait3A_34 = tpu.memref_slice %arg16[%add3A_15, %dma_wait3A] : memref<10240x128xf32, #tpu.memory_space<vmem_shared>> -> memref<80x128xf32, #tpu.memory_space<vmem_shared>>
      %dma_wait3A_35 = arith.constant 0 : i32
      %dma_wait3A_36 = tpu.memref_slice %arg16[%add3A_15, %dma_wait3A_35] : memref<10240x128xf32, #tpu.memory_space<vmem_shared>> -> memref<80x128xf32, #tpu.memory_space<vmem_shared>>
      tpu.wait_dma2 semaphore(%run_scoped3A : memref<!tpu.dma_semaphore, #tpu.memory_space<semaphore_mem>>) src(%arg12 : memref<80x128xf32, #tpu.memory_space<vmem>>) dst(%dma_wait3A_36 : memref<80x128xf32, #tpu.memory_space<vmem_shared>>)
      tpu.yield
    }) : () -> ()
    %add3A_16 = arith.constant 480 : i32
    %add3A_17 = arith.addi %multiple_of3A, %add3A_16 : i32
    "tpu.region"() ({
      %run_scoped3A = tpu.sem_alloc : memref<!tpu.dma_semaphore, #tpu.memory_space<semaphore_mem>>
      %dma_start3A = arith.constant 0 : i32
      %dma_start3A_31 = tpu.memref_slice %arg16[%add3A_17, %dma_start3A] : memref<10240x128xf32, #tpu.memory_space<vmem_shared>> -> memref<80x128xf32, #tpu.memory_space<vmem_shared>>
      %dma_start3A_32 = arith.constant 0 : i32
      %dma_start3A_33 = tpu.memref_slice %arg16[%add3A_17, %dma_start3A_32] : memref<10240x128xf32, #tpu.memory_space<vmem_shared>> -> memref<80x128xf32, #tpu.memory_space<vmem_shared>>
      tpu.enqueue_dma source(%arg12 : memref<80x128xf32, #tpu.memory_space<vmem>>) target(%dma_start3A_33 : memref<80x128xf32, #tpu.memory_space<vmem_shared>>) target_semaphore(%run_scoped3A : memref<!tpu.dma_semaphore, #tpu.memory_space<semaphore_mem>>)
      %dma_wait3A = arith.constant 0 : i32
      %dma_wait3A_34 = tpu.memref_slice %arg16[%add3A_17, %dma_wait3A] : memref<10240x128xf32, #tpu.memory_space<vmem_shared>> -> memref<80x128xf32, #tpu.memory_space<vmem_shared>>
      %dma_wait3A_35 = arith.constant 0 : i32
      %dma_wait3A_36 = tpu.memref_slice %arg16[%add3A_17, %dma_wait3A_35] : memref<10240x128xf32, #tpu.memory_space<vmem_shared>> -> memref<80x128xf32, #tpu.memory_space<vmem_shared>>
      tpu.wait_dma2 semaphore(%run_scoped3A : memref<!tpu.dma_semaphore, #tpu.memory_space<semaphore_mem>>) src(%arg12 : memref<80x128xf32, #tpu.memory_space<vmem>>) dst(%dma_wait3A_36 : memref<80x128xf32, #tpu.memory_space<vmem_shared>>)
      tpu.yield
    }) : () -> ()
    %add3A_18 = arith.constant 560 : i32
    %add3A_19 = arith.addi %multiple_of3A, %add3A_18 : i32
    "tpu.region"() ({
      %run_scoped3A = tpu.sem_alloc : memref<!tpu.dma_semaphore, #tpu.memory_space<semaphore_mem>>
      %dma_start3A = arith.constant 0 : i32
      %dma_start3A_31 = tpu.memref_slice %arg16[%add3A_19, %dma_start3A] : memref<10240x128xf32, #tpu.memory_space<vmem_shared>> -> memref<80x128xf32, #tpu.memory_space<vmem_shared>>
      %dma_start3A_32 = arith.constant 0 : i32
      %dma_start3A_33 = tpu.memref_slice %arg16[%add3A_19, %dma_start3A_32] : memref<10240x128xf32, #tpu.memory_space<vmem_shared>> -> memref<80x128xf32, #tpu.memory_space<vmem_shared>>
      tpu.enqueue_dma source(%arg12 : memref<80x128xf32, #tpu.memory_space<vmem>>) target(%dma_start3A_33 : memref<80x128xf32, #tpu.memory_space<vmem_shared>>) target_semaphore(%run_scoped3A : memref<!tpu.dma_semaphore, #tpu.memory_space<semaphore_mem>>)
      %dma_wait3A = arith.constant 0 : i32
      %dma_wait3A_34 = tpu.memref_slice %arg16[%add3A_19, %dma_wait3A] : memref<10240x128xf32, #tpu.memory_space<vmem_shared>> -> memref<80x128xf32, #tpu.memory_space<vmem_shared>>
      %dma_wait3A_35 = arith.constant 0 : i32
      %dma_wait3A_36 = tpu.memref_slice %arg16[%add3A_19, %dma_wait3A_35] : memref<10240x128xf32, #tpu.memory_space<vmem_shared>> -> memref<80x128xf32, #tpu.memory_space<vmem_shared>>
      tpu.wait_dma2 semaphore(%run_scoped3A : memref<!tpu.dma_semaphore, #tpu.memory_space<semaphore_mem>>) src(%arg12 : memref<80x128xf32, #tpu.memory_space<vmem>>) dst(%dma_wait3A_36 : memref<80x128xf32, #tpu.memory_space<vmem_shared>>)
      tpu.yield
    }) : () -> ()
    %barrier3A = arith.constant 0 : index
    tpu.barrier barrier_id(%barrier3A)
    %mul3A_20 = arith.constant 136 : i32
    %mul3A_21 = arith.muli %arg1, %mul3A_20 : i32
    %multiple_of3A_22 = tpu.assume_multiple %mul3A_21, 8 : i32
    %scan3A_23 = arith.constant 0 : i32
    %scan3A_24 = arith.constant 17 : i32
    %scan3A_25 = arith.addi %scan3A_23, %scan3A_24 : i32
    %scan3A_26 = arith.constant 1 : i32
    scf.for %scan3A_31 = %scan3A_23 to %scan3A_25 step %scan3A_26  : i32 {
      %mul3A_32 = arith.constant 8 : i32
      %mul3A_33 = arith.muli %scan3A_31, %mul3A_32 : i32
      %add3A_34 = arith.addi %multiple_of3A_22, %mul3A_33 : i32
      %multiple_of3A_35 = tpu.assume_multiple %add3A_34, 8 : i32
      "tpu.region"() ({
        %run_scoped3A_567 = tpu.sem_alloc : memref<!tpu.dma_semaphore, #tpu.memory_space<semaphore_mem>>
        %dma_start3A_568 = arith.constant 0 : i32
        %dma_start3A_569 = tpu.memref_slice %arg3[%multiple_of3A_35, %dma_start3A_568] : memref<2176x80xi32, #tpu.memory_space<hbm>> -> memref<8x80xi32, #tpu.memory_space<hbm>>
        %dma_start3A_570 = arith.constant 0 : i32
        %dma_start3A_571 = tpu.memref_slice %arg3[%multiple_of3A_35, %dma_start3A_570] : memref<2176x80xi32, #tpu.memory_space<hbm>> -> memref<8x80xi32, #tpu.memory_space<hbm>>
        tpu.enqueue_dma source(%dma_start3A_571 : memref<8x80xi32, #tpu.memory_space<hbm>>) target(%arg7 : memref<8x80xi32, #tpu.memory_space<vmem>>) target_semaphore(%run_scoped3A_567 : memref<!tpu.dma_semaphore, #tpu.memory_space<semaphore_mem>>)
        %dma_wait3A_572 = arith.constant 0 : i32
        %dma_wait3A_573 = tpu.memref_slice %arg3[%multiple_of3A_35, %dma_wait3A_572] : memref<2176x80xi32, #tpu.memory_space<hbm>> -> memref<8x80xi32, #tpu.memory_space<hbm>>
        %dma_wait3A_574 = arith.constant 0 : i32
        %dma_wait3A_575 = tpu.memref_slice %arg3[%multiple_of3A_35, %dma_wait3A_574] : memref<2176x80xi32, #tpu.memory_space<hbm>> -> memref<8x80xi32, #tpu.memory_space<hbm>>
        tpu.wait_dma2 semaphore(%run_scoped3A_567 : memref<!tpu.dma_semaphore, #tpu.memory_space<semaphore_mem>>) src(%dma_wait3A_575 : memref<8x80xi32, #tpu.memory_space<hbm>>) dst(%arg7 : memref<8x80xi32, #tpu.memory_space<vmem>>)
        tpu.yield
      }) : () -> ()
      "tpu.region"() ({
        %run_scoped3A_567 = tpu.sem_alloc : memref<!tpu.dma_semaphore, #tpu.memory_space<semaphore_mem>>
        %dma_start3A_568 = arith.constant 0 : i32
        %dma_start3A_569 = tpu.memref_slice %arg4[%multiple_of3A_35, %dma_start3A_568] : memref<2176x80xi32, #tpu.memory_space<hbm>> -> memref<8x80xi32, #tpu.memory_space<hbm>>
        %dma_start3A_570 = arith.constant 0 : i32
        %dma_start3A_571 = tpu.memref_slice %arg4[%multiple_of3A_35, %dma_start3A_570] : memref<2176x80xi32, #tpu.memory_space<hbm>> -> memref<8x80xi32, #tpu.memory_space<hbm>>
        tpu.enqueue_dma source(%dma_start3A_571 : memref<8x80xi32, #tpu.memory_space<hbm>>) target(%arg8 : memref<8x80xi32, #tpu.memory_space<vmem>>) target_semaphore(%run_scoped3A_567 : memref<!tpu.dma_semaphore, #tpu.memory_space<semaphore_mem>>)
        %dma_wait3A_572 = arith.constant 0 : i32
        %dma_wait3A_573 = tpu.memref_slice %arg4[%multiple_of3A_35, %dma_wait3A_572] : memref<2176x80xi32, #tpu.memory_space<hbm>> -> memref<8x80xi32, #tpu.memory_space<hbm>>
        %dma_wait3A_574 = arith.constant 0 : i32
        %dma_wait3A_575 = tpu.memref_slice %arg4[%multiple_of3A_35, %dma_wait3A_574] : memref<2176x80xi32, #tpu.memory_space<hbm>> -> memref<8x80xi32, #tpu.memory_space<hbm>>
        tpu.wait_dma2 semaphore(%run_scoped3A_567 : memref<!tpu.dma_semaphore, #tpu.memory_space<semaphore_mem>>) src(%dma_wait3A_575 : memref<8x80xi32, #tpu.memory_space<hbm>>) dst(%arg8 : memref<8x80xi32, #tpu.memory_space<vmem>>)
        tpu.yield
      }) : () -> ()
      "tpu.region"() ({
        %run_scoped3A_567 = tpu.sem_alloc : memref<!tpu.dma_semaphore, #tpu.memory_space<semaphore_mem>>
        %dma_start3A_568 = arith.constant 0 : i32
        %dma_start3A_569 = tpu.memref_slice %arg5[%multiple_of3A_35, %dma_start3A_568] : memref<2176x80xf32, #tpu.memory_space<hbm>> -> memref<8x80xf32, #tpu.memory_space<hbm>>
        %dma_start3A_570 = arith.constant 0 : i32
        %dma_start3A_571 = tpu.memref_slice %arg5[%multiple_of3A_35, %dma_start3A_570] : memref<2176x80xf32, #tpu.memory_space<hbm>> -> memref<8x80xf32, #tpu.memory_space<hbm>>
        tpu.enqueue_dma source(%dma_start3A_571 : memref<8x80xf32, #tpu.memory_space<hbm>>) target(%arg9 : memref<8x80xf32, #tpu.memory_space<vmem>>) target_semaphore(%run_scoped3A_567 : memref<!tpu.dma_semaphore, #tpu.memory_space<semaphore_mem>>)
        %dma_wait3A_572 = arith.constant 0 : i32
        %dma_wait3A_573 = tpu.memref_slice %arg5[%multiple_of3A_35, %dma_wait3A_572] : memref<2176x80xf32, #tpu.memory_space<hbm>> -> memref<8x80xf32, #tpu.memory_space<hbm>>
        %dma_wait3A_574 = arith.constant 0 : i32
        %dma_wait3A_575 = tpu.memref_slice %arg5[%multiple_of3A_35, %dma_wait3A_574] : memref<2176x80xf32, #tpu.memory_space<hbm>> -> memref<8x80xf32, #tpu.memory_space<hbm>>
        tpu.wait_dma2 semaphore(%run_scoped3A_567 : memref<!tpu.dma_semaphore, #tpu.memory_space<semaphore_mem>>) src(%dma_wait3A_575 : memref<8x80xf32, #tpu.memory_space<hbm>>) dst(%arg9 : memref<8x80xf32, #tpu.memory_space<vmem>>)
        tpu.yield
      }) : () -> ()
      %get3A = arith.constant 0 : i32
      %get3A_36 = arith.index_cast %get3A : i32 to index
      %get3A_37 = arith.constant 0 : index
      %get3A_38 = tpu.vector_load %arg7[%get3A_36, %get3A_37] {strides = array<i32>} : memref<8x80xi32, #tpu.memory_space<vmem>>, vector<16xi32>,
      %mul3A_39 = arith.constant 2 : i32
      %mul3A_40 = vector.broadcast %mul3A_39 : i32 to vector<16xi32>
      %mul3A_41 = arith.muli %get3A_38, %mul3A_40 : vector<16xi32>
      %add3A_42 = vector.broadcast %arg0 : i32 to vector<16xi32>
      %add3A_43 = arith.addi %mul3A_41, %add3A_42 : vector<16xi32>
      %swap3A = arith.constant 0 : index
      %swap3A_44 = tpu.vector_load %arg10[%swap3A] {strides = array<i32>} : memref<80xi32, #tpu.memory_space<vmem>>, vector<16xi32>,
      tpu.vector_store %arg10[%swap3A], %add3A_43 {strides = array<i32>} : memref<80xi32, #tpu.memory_space<vmem>>, vector<16xi32>,
      %get3A_45 = arith.constant 0 : i32
      %get3A_46 = arith.index_cast %get3A_45 : i32 to index
      %get3A_47 = arith.constant 16 : index
      %get3A_48 = tpu.vector_load %arg7[%get3A_46, %get3A_47] {strides = array<i32>} : memref<8x80xi32, #tpu.memory_space<vmem>>, vector<16xi32>,
      %mul3A_49 = arith.constant 2 : i32
      %mul3A_50 = vector.broadcast %mul3A_49 : i32 to vector<16xi32>
      %mul3A_51 = arith.muli %get3A_48, %mul3A_50 : vector<16xi32>
      %add3A_52 = vector.broadcast %arg0 : i32 to vector<16xi32>
      %add3A_53 = arith.addi %mul3A_51, %add3A_52 : vector<16xi32>
      %swap3A_54 = arith.constant 16 : index
      %swap3A_55 = tpu.vector_load %arg10[%swap3A_54] {strides = array<i32>} : memref<80xi32, #tpu.memory_space<vmem>>, vector<16xi32>,
      tpu.vector_store %arg10[%swap3A_54], %add3A_53 {strides = array<i32>} : memref<80xi32, #tpu.memory_space<vmem>>, vector<16xi32>,
      %get3A_56 = arith.constant 0 : i32
      %get3A_57 = arith.index_cast %get3A_56 : i32 to index
      %get3A_58 = arith.constant 32 : index
      %get3A_59 = tpu.vector_load %arg7[%get3A_57, %get3A_58] {strides = array<i32>} : memref<8x80xi32, #tpu.memory_space<vmem>>, vector<16xi32>,
      %mul3A_60 = arith.constant 2 : i32
      %mul3A_61 = vector.broadcast %mul3A_60 : i32 to vector<16xi32>
      %mul3A_62 = arith.muli %get3A_59, %mul3A_61 : vector<16xi32>
      %add3A_63 = vector.broadcast %arg0 : i32 to vector<16xi32>
      %add3A_64 = arith.addi %mul3A_62, %add3A_63 : vector<16xi32>
      %swap3A_65 = arith.constant 32 : index
      %swap3A_66 = tpu.vector_load %arg10[%swap3A_65] {strides = array<i32>} : memref<80xi32, #tpu.memory_space<vmem>>, vector<16xi32>,
      tpu.vector_store %arg10[%swap3A_65], %add3A_64 {strides = array<i32>} : memref<80xi32, #tpu.memory_space<vmem>>, vector<16xi32>,
      %get3A_67 = arith.constant 0 : i32
      %get3A_68 = arith.index_cast %get3A_67 : i32 to index
      %get3A_69 = arith.constant 48 : index
      %get3A_70 = tpu.vector_load %arg7[%get3A_68, %get3A_69] {strides = array<i32>} : memref<8x80xi32, #tpu.memory_space<vmem>>, vector<16xi32>,
      %mul3A_71 = arith.constant 2 : i32
      %mul3A_72 = vector.broadcast %mul3A_71 : i32 to vector<16xi32>
      %mul3A_73 = arith.muli %get3A_70, %mul3A_72 : vector<16xi32>
      %add3A_74 = vector.broadcast %arg0 : i32 to vector<16xi32>
      %add3A_75 = arith.addi %mul3A_73, %add3A_74 : vector<16xi32>
      %swap3A_76 = arith.constant 48 : index
      %swap3A_77 = tpu.vector_load %arg10[%swap3A_76] {strides = array<i32>} : memref<80xi32, #tpu.memory_space<vmem>>, vector<16xi32>,
      tpu.vector_store %arg10[%swap3A_76], %add3A_75 {strides = array<i32>} : memref<80xi32, #tpu.memory_space<vmem>>, vector<16xi32>,
      %get3A_78 = arith.constant 0 : i32
      %get3A_79 = arith.index_cast %get3A_78 : i32 to index
      %get3A_80 = arith.constant 64 : index
      %get3A_81 = tpu.vector_load %arg7[%get3A_79, %get3A_80] {strides = array<i32>} : memref<8x80xi32, #tpu.memory_space<vmem>>, vector<16xi32>,
      %mul3A_82 = arith.constant 2 : i32
      %mul3A_83 = vector.broadcast %mul3A_82 : i32 to vector<16xi32>
      %mul3A_84 = arith.muli %get3A_81, %mul3A_83 : vector<16xi32>
      %add3A_85 = vector.broadcast %arg0 : i32 to vector<16xi32>
      %add3A_86 = arith.addi %mul3A_84, %add3A_85 : vector<16xi32>
      %swap3A_87 = arith.constant 64 : index
      %swap3A_88 = tpu.vector_load %arg10[%swap3A_87] {strides = array<i32>} : memref<80xi32, #tpu.memory_space<vmem>>, vector<16xi32>,
      tpu.vector_store %arg10[%swap3A_87], %add3A_86 {strides = array<i32>} : memref<80xi32, #tpu.memory_space<vmem>>, vector<16xi32>,
      %dma_start3A = arith.constant 0 : i32
      %dma_start3A_89 = arith.constant 0 : i32
      %dma_start3A_90 = tpu.memref_slice %arg2[%dma_start3A, %dma_start3A_89] : memref<20000x128xf32, #tpu.memory_space<hbm>> -> memref<20000x128xf32, #tpu.memory_space<hbm>>
      tpu.enqueue_indirect_dma source(%dma_start3A_90 : memref<20000x128xf32, #tpu.memory_space<hbm>>) target(%arg12 : memref<80x128xf32, #tpu.memory_space<vmem>>) offsets(%arg10 : memref<80xi32, #tpu.memory_space<vmem>>) semaphore(%arg14 : memref<!tpu.dma_semaphore, #tpu.memory_space<semaphore_mem>>)
      %dma_wait3A = arith.constant 0 : i32
      %dma_wait3A_91 = arith.constant 0 : i32
      %dma_wait3A_92 = tpu.memref_slice %arg2[%dma_wait3A, %dma_wait3A_91] : memref<20000x128xf32, #tpu.memory_space<hbm>> -> memref<20000x128xf32, #tpu.memory_space<hbm>>
      tpu.wait_indirect_dma semaphore(%arg14 : memref<!tpu.dma_semaphore, #tpu.memory_space<semaphore_mem>>) src(%dma_wait3A_92 : memref<20000x128xf32, #tpu.memory_space<hbm>>) dst(%arg12 : memref<80x128xf32, #tpu.memory_space<vmem>>)
      %get3A_93 = arith.constant 1 : i32
      %get3A_94 = arith.index_cast %get3A_93 : i32 to index
      %get3A_95 = arith.constant 0 : index
      %get3A_96 = tpu.vector_load %arg7[%get3A_94, %get3A_95] {strides = array<i32>} : memref<8x80xi32, #tpu.memory_space<vmem>>, vector<16xi32>,
      %mul3A_97 = arith.constant 2 : i32
      %mul3A_98 = vector.broadcast %mul3A_97 : i32 to vector<16xi32>
      %mul3A_99 = arith.muli %get3A_96, %mul3A_98 : vector<16xi32>
      %add3A_100 = vector.broadcast %arg0 : i32 to vector<16xi32>
      %add3A_101 = arith.addi %mul3A_99, %add3A_100 : vector<16xi32>
      %swap3A_102 = arith.constant 0 : index
      %swap3A_103 = tpu.vector_load %arg11[%swap3A_102] {strides = array<i32>} : memref<80xi32, #tpu.memory_space<vmem>>, vector<16xi32>,
      tpu.vector_store %arg11[%swap3A_102], %add3A_101 {strides = array<i32>} : memref<80xi32, #tpu.memory_space<vmem>>, vector<16xi32>,
      %get3A_104 = arith.constant 1 : i32
      %get3A_105 = arith.index_cast %get3A_104 : i32 to index
      %get3A_106 = arith.constant 16 : index
      %get3A_107 = tpu.vector_load %arg7[%get3A_105, %get3A_106] {strides = array<i32>} : memref<8x80xi32, #tpu.memory_space<vmem>>, vector<16xi32>,
      %mul3A_108 = arith.constant 2 : i32
      %mul3A_109 = vector.broadcast %mul3A_108 : i32 to vector<16xi32>
      %mul3A_110 = arith.muli %get3A_107, %mul3A_109 : vector<16xi32>
      %add3A_111 = vector.broadcast %arg0 : i32 to vector<16xi32>
      %add3A_112 = arith.addi %mul3A_110, %add3A_111 : vector<16xi32>
      %swap3A_113 = arith.constant 16 : index
      %swap3A_114 = tpu.vector_load %arg11[%swap3A_113] {strides = array<i32>} : memref<80xi32, #tpu.memory_space<vmem>>, vector<16xi32>,
      tpu.vector_store %arg11[%swap3A_113], %add3A_112 {strides = array<i32>} : memref<80xi32, #tpu.memory_space<vmem>>, vector<16xi32>,
      %get3A_115 = arith.constant 1 : i32
      %get3A_116 = arith.index_cast %get3A_115 : i32 to index
      %get3A_117 = arith.constant 32 : index
      %get3A_118 = tpu.vector_load %arg7[%get3A_116, %get3A_117] {strides = array<i32>} : memref<8x80xi32, #tpu.memory_space<vmem>>, vector<16xi32>,
      %mul3A_119 = arith.constant 2 : i32
      %mul3A_120 = vector.broadcast %mul3A_119 : i32 to vector<16xi32>
      %mul3A_121 = arith.muli %get3A_118, %mul3A_120 : vector<16xi32>
      %add3A_122 = vector.broadcast %arg0 : i32 to vector<16xi32>
      %add3A_123 = arith.addi %mul3A_121, %add3A_122 : vector<16xi32>
      %swap3A_124 = arith.constant 32 : index
      %swap3A_125 = tpu.vector_load %arg11[%swap3A_124] {strides = array<i32>} : memref<80xi32, #tpu.memory_space<vmem>>, vector<16xi32>,
      tpu.vector_store %arg11[%swap3A_124], %add3A_123 {strides = array<i32>} : memref<80xi32, #tpu.memory_space<vmem>>, vector<16xi32>,
      %get3A_126 = arith.constant 1 : i32
      %get3A_127 = arith.index_cast %get3A_126 : i32 to index
      %get3A_128 = arith.constant 48 : index
      %get3A_129 = tpu.vector_load %arg7[%get3A_127, %get3A_128] {strides = array<i32>} : memref<8x80xi32, #tpu.memory_space<vmem>>, vector<16xi32>,
      %mul3A_130 = arith.constant 2 : i32
      %mul3A_131 = vector.broadcast %mul3A_130 : i32 to vector<16xi32>
      %mul3A_132 = arith.muli %get3A_129, %mul3A_131 : vector<16xi32>
      %add3A_133 = vector.broadcast %arg0 : i32 to vector<16xi32>
      %add3A_134 = arith.addi %mul3A_132, %add3A_133 : vector<16xi32>
      %swap3A_135 = arith.constant 48 : index
      %swap3A_136 = tpu.vector_load %arg11[%swap3A_135] {strides = array<i32>} : memref<80xi32, #tpu.memory_space<vmem>>, vector<16xi32>,
      tpu.vector_store %arg11[%swap3A_135], %add3A_134 {strides = array<i32>} : memref<80xi32, #tpu.memory_space<vmem>>, vector<16xi32>,
      %get3A_137 = arith.constant 1 : i32
      %get3A_138 = arith.index_cast %get3A_137 : i32 to index
      %get3A_139 = arith.constant 64 : index
      %get3A_140 = tpu.vector_load %arg7[%get3A_138, %get3A_139] {strides = array<i32>} : memref<8x80xi32, #tpu.memory_space<vmem>>, vector<16xi32>,
      %mul3A_141 = arith.constant 2 : i32
      %mul3A_142 = vector.broadcast %mul3A_141 : i32 to vector<16xi32>
      %mul3A_143 = arith.muli %get3A_140, %mul3A_142 : vector<16xi32>
      %add3A_144 = vector.broadcast %arg0 : i32 to vector<16xi32>
      %add3A_145 = arith.addi %mul3A_143, %add3A_144 : vector<16xi32>
      %swap3A_146 = arith.constant 64 : index
      %swap3A_147 = tpu.vector_load %arg11[%swap3A_146] {strides = array<i32>} : memref<80xi32, #tpu.memory_space<vmem>>, vector<16xi32>,
      tpu.vector_store %arg11[%swap3A_146], %add3A_145 {strides = array<i32>} : memref<80xi32, #tpu.memory_space<vmem>>, vector<16xi32>,
      %dma_start3A_148 = arith.constant 0 : i32
      %dma_start3A_149 = arith.constant 0 : i32
      %dma_start3A_150 = tpu.memref_slice %arg2[%dma_start3A_148, %dma_start3A_149] : memref<20000x128xf32, #tpu.memory_space<hbm>> -> memref<20000x128xf32, #tpu.memory_space<hbm>>
      tpu.enqueue_indirect_dma source(%dma_start3A_150 : memref<20000x128xf32, #tpu.memory_space<hbm>>) target(%arg13 : memref<80x128xf32, #tpu.memory_space<vmem>>) offsets(%arg11 : memref<80xi32, #tpu.memory_space<vmem>>) semaphore(%arg15 : memref<!tpu.dma_semaphore, #tpu.memory_space<semaphore_mem>>)
      %scan3A_151 = arith.constant 0 : i32
      %scan3A_152 = arith.constant 80 : i32
      %scan3A_153 = arith.addi %scan3A_151, %scan3A_152 : i32
      %scan3A_154 = arith.constant 1 : i32
      scf.for %scan3A_567 = %scan3A_151 to %scan3A_153 step %scan3A_154  : i32 {
        %broadcast_in_dim3A = arith.constant 0 : i32
        %broadcast_in_dim3A_568 = vector.broadcast %broadcast_in_dim3A : i32 to vector<16xi32>
        %broadcast_in_dim3A_569 = vector.broadcast %scan3A_567 : i32 to vector<16xi32>
        %gather3A = tpu.vector_load_idx %arg9[%broadcast_in_dim3A_568, %broadcast_in_dim3A_569] : memref<8x80xf32, #tpu.memory_space<vmem>>[vector<16xi32>, vector<16xi32>], vector<16xf32>,
        %get3A_570 = arith.index_cast %scan3A_567 : i32 to index
        %get3A_571 = arith.constant 0 : index
        %get3A_572 = tpu.vector_load %arg12[%get3A_570, %get3A_571] {strides = array<i32>} : memref<80x128xf32, #tpu.memory_space<vmem>>, vector<16xf32>,
        %mul3A_573 = arith.mulf %get3A_572, %gather3A : vector<16xf32>
        %swap3A_574 = arith.index_cast %scan3A_567 : i32 to index
        %swap3A_575 = arith.constant 0 : index
        %swap3A_576 = tpu.vector_load %arg12[%swap3A_574, %swap3A_575] {strides = array<i32>} : memref<80x128xf32, #tpu.memory_space<vmem>>, vector<16xf32>,
        tpu.vector_store %arg12[%swap3A_574, %swap3A_575], %mul3A_573 {strides = array<i32>} : memref<80x128xf32, #tpu.memory_space<vmem>>, vector<16xf32>,
        %get3A_577 = arith.index_cast %scan3A_567 : i32 to index
        %get3A_578 = arith.constant 16 : index
        %get3A_579 = tpu.vector_load %arg12[%get3A_577, %get3A_578] {strides = array<i32>} : memref<80x128xf32, #tpu.memory_space<vmem>>, vector<16xf32>,
        %mul3A_580 = arith.mulf %get3A_579, %gather3A : vector<16xf32>
        %swap3A_581 = arith.index_cast %scan3A_567 : i32 to index
        %swap3A_582 = arith.constant 16 : index
        %swap3A_583 = tpu.vector_load %arg12[%swap3A_581, %swap3A_582] {strides = array<i32>} : memref<80x128xf32, #tpu.memory_space<vmem>>, vector<16xf32>,
        tpu.vector_store %arg12[%swap3A_581, %swap3A_582], %mul3A_580 {strides = array<i32>} : memref<80x128xf32, #tpu.memory_space<vmem>>, vector<16xf32>,
        %get3A_584 = arith.index_cast %scan3A_567 : i32 to index
        %get3A_585 = arith.constant 32 : index
        %get3A_586 = tpu.vector_load %arg12[%get3A_584, %get3A_585] {strides = array<i32>} : memref<80x128xf32, #tpu.memory_space<vmem>>, vector<16xf32>,
        %mul3A_587 = arith.mulf %get3A_586, %gather3A : vector<16xf32>
        %swap3A_588 = arith.index_cast %scan3A_567 : i32 to index
        %swap3A_589 = arith.constant 32 : index
        %swap3A_590 = tpu.vector_load %arg12[%swap3A_588, %swap3A_589] {strides = array<i32>} : memref<80x128xf32, #tpu.memory_space<vmem>>, vector<16xf32>,
        tpu.vector_store %arg12[%swap3A_588, %swap3A_589], %mul3A_587 {strides = array<i32>} : memref<80x128xf32, #tpu.memory_space<vmem>>, vector<16xf32>,
        %get3A_591 = arith.index_cast %scan3A_567 : i32 to index
        %get3A_592 = arith.constant 48 : index
        %get3A_593 = tpu.vector_load %arg12[%get3A_591, %get3A_592] {strides = array<i32>} : memref<80x128xf32, #tpu.memory_space<vmem>>, vector<16xf32>,
        %mul3A_594 = arith.mulf %get3A_593, %gather3A : vector<16xf32>
        %swap3A_595 = arith.index_cast %scan3A_567 : i32 to index
        %swap3A_596 = arith.constant 48 : index
        %swap3A_597 = tpu.vector_load %arg12[%swap3A_595, %swap3A_596] {strides = array<i32>} : memref<80x128xf32, #tpu.memory_space<vmem>>, vector<16xf32>,
        tpu.vector_store %arg12[%swap3A_595, %swap3A_596], %mul3A_594 {strides = array<i32>} : memref<80x128xf32, #tpu.memory_space<vmem>>, vector<16xf32>,
        %get3A_598 = arith.index_cast %scan3A_567 : i32 to index
        %get3A_599 = arith.constant 64 : index
        %get3A_600 = tpu.vector_load %arg12[%get3A_598, %get3A_599] {strides = array<i32>} : memref<80x128xf32, #tpu.memory_space<vmem>>, vector<16xf32>,
        %mul3A_601 = arith.mulf %get3A_600, %gather3A : vector<16xf32>
        %swap3A_602 = arith.index_cast %scan3A_567 : i32 to index
        %swap3A_603 = arith.constant 64 : index
        %swap3A_604 = tpu.vector_load %arg12[%swap3A_602, %swap3A_603] {strides = array<i32>} : memref<80x128xf32, #tpu.memory_space<vmem>>, vector<16xf32>,
        tpu.vector_store %arg12[%swap3A_602, %swap3A_603], %mul3A_601 {strides = array<i32>} : memref<80x128xf32, #tpu.memory_space<vmem>>, vector<16xf32>,
        %get3A_605 = arith.index_cast %scan3A_567 : i32 to index
        %get3A_606 = arith.constant 80 : index
        %get3A_607 = tpu.vector_load %arg12[%get3A_605, %get3A_606] {strides = array<i32>} : memref<80x128xf32, #tpu.memory_space<vmem>>, vector<16xf32>,
        %mul3A_608 = arith.mulf %get3A_607, %gather3A : vector<16xf32>
        %swap3A_609 = arith.index_cast %scan3A_567 : i32 to index
        %swap3A_610 = arith.constant 80 : index
        %swap3A_611 = tpu.vector_load %arg12[%swap3A_609, %swap3A_610] {strides = array<i32>} : memref<80x128xf32, #tpu.memory_space<vmem>>, vector<16xf32>,
        tpu.vector_store %arg12[%swap3A_609, %swap3A_610], %mul3A_608 {strides = array<i32>} : memref<80x128xf32, #tpu.memory_space<vmem>>, vector<16xf32>,
        %get3A_612 = arith.index_cast %scan3A_567 : i32 to index
        %get3A_613 = arith.constant 96 : index
        %get3A_614 = tpu.vector_load %arg12[%get3A_612, %get3A_613] {strides = array<i32>} : memref<80x128xf32, #tpu.memory_space<vmem>>, vector<16xf32>,
        %mul3A_615 = arith.mulf %get3A_614, %gather3A : vector<16xf32>
        %swap3A_616 = arith.index_cast %scan3A_567 : i32 to index
        %swap3A_617 = arith.constant 96 : index
        %swap3A_618 = tpu.vector_load %arg12[%swap3A_616, %swap3A_617] {strides = array<i32>} : memref<80x128xf32, #tpu.memory_space<vmem>>, vector<16xf32>,
        tpu.vector_store %arg12[%swap3A_616, %swap3A_617], %mul3A_615 {strides = array<i32>} : memref<80x128xf32, #tpu.memory_space<vmem>>, vector<16xf32>,
        %get3A_619 = arith.index_cast %scan3A_567 : i32 to index
        %get3A_620 = arith.constant 112 : index
        %get3A_621 = tpu.vector_load %arg12[%get3A_619, %get3A_620] {strides = array<i32>} : memref<80x128xf32, #tpu.memory_space<vmem>>, vector<16xf32>,
        %mul3A_622 = arith.mulf %get3A_621, %gather3A : vector<16xf32>
        %swap3A_623 = arith.index_cast %scan3A_567 : i32 to index
        %swap3A_624 = arith.constant 112 : index
        %swap3A_625 = tpu.vector_load %arg12[%swap3A_623, %swap3A_624] {strides = array<i32>} : memref<80x128xf32, #tpu.memory_space<vmem>>, vector<16xf32>,
        tpu.vector_store %arg12[%swap3A_623, %swap3A_624], %mul3A_622 {strides = array<i32>} : memref<80x128xf32, #tpu.memory_space<vmem>>, vector<16xf32>,
      }
      %scan3A_155 = arith.constant 80 : i32
      %run_scoped3A = arith.constant 0 : i32
      "tpu.region"() ({
        %run_scoped3A_567 = tpu.sem_alloc : memref<!tpu.dma_semaphore, #tpu.memory_space<semaphore_mem>>
        %dma_start3A_568 = arith.constant 0 : i32
        %dma_start3A_569 = tpu.memref_slice %arg8[%run_scoped3A, %dma_start3A_568] : memref<8x80xi32, #tpu.memory_space<vmem>> -> memref<1x80xi32, #tpu.memory_space<vmem>>
        %dma_start3A_570 = tpu.memref_squeeze %dma_start3A_569 : memref<1x80xi32, #tpu.memory_space<vmem>> -> memref<80xi32, #tpu.memory_space<vmem>>
        %dma_start3A_571 = arith.constant 0 : i32
        %dma_start3A_572 = arith.constant 0 : i32
        %dma_start3A_573 = tpu.memref_slice %arg16[%dma_start3A_571, %dma_start3A_572] : memref<10240x128xf32, #tpu.memory_space<vmem_shared>> -> memref<10240x128xf32, #tpu.memory_space<vmem_shared>>
        tpu.enqueue_indirect_dma source(%arg12 : memref<80x128xf32, #tpu.memory_space<vmem>>) target(%dma_start3A_573 : memref<10240x128xf32, #tpu.memory_space<vmem_shared>>) offsets(%dma_start3A_570 : memref<80xi32, #tpu.memory_space<vmem>>) semaphore(%run_scoped3A_567 : memref<!tpu.dma_semaphore, #tpu.memory_space<semaphore_mem>>) {add = true}
        %dma_wait3A_574 = arith.constant 0 : i32
        %dma_wait3A_575 = tpu.memref_slice %arg8[%run_scoped3A, %dma_wait3A_574] : memref<8x80xi32, #tpu.memory_space<vmem>> -> memref<1x80xi32, #tpu.memory_space<vmem>>
        %dma_wait3A_576 = tpu.memref_squeeze %dma_wait3A_575 : memref<1x80xi32, #tpu.memory_space<vmem>> -> memref<80xi32, #tpu.memory_space<vmem>>
        %dma_wait3A_577 = arith.constant 0 : i32
        %dma_wait3A_578 = arith.constant 0 : i32
        %dma_wait3A_579 = tpu.memref_slice %arg16[%dma_wait3A_577, %dma_wait3A_578] : memref<10240x128xf32, #tpu.memory_space<vmem_shared>> -> memref<10240x128xf32, #tpu.memory_space<vmem_shared>>
        tpu.wait_indirect_dma semaphore(%run_scoped3A_567 : memref<!tpu.dma_semaphore, #tpu.memory_space<semaphore_mem>>) src(%arg12 : memref<80x128xf32, #tpu.memory_space<vmem>>) dst(%dma_wait3A_579 : memref<10240x128xf32, #tpu.memory_space<vmem_shared>>)
        tpu.yield
      }) : () -> ()
      %dma_wait3A_156 = arith.constant 0 : i32
      %dma_wait3A_157 = arith.constant 0 : i32
      %dma_wait3A_158 = tpu.memref_slice %arg2[%dma_wait3A_156, %dma_wait3A_157] : memref<20000x128xf32, #tpu.memory_space<hbm>> -> memref<20000x128xf32, #tpu.memory_space<hbm>>
      tpu.wait_indirect_dma semaphore(%arg15 : memref<!tpu.dma_semaphore, #tpu.memory_space<semaphore_mem>>) src(%dma_wait3A_158 : memref<20000x128xf32, #tpu.memory_space<hbm>>) dst(%arg13 : memref<80x128xf32, #tpu.memory_space<vmem>>)
      %get3A_159 = arith.constant 2 : i32
      %get3A_160 = arith.index_cast %get3A_159 : i32 to index
      %get3A_161 = arith.constant 0 : index
      %get3A_162 = tpu.vector_load %arg7[%get3A_160, %get3A_161] {strides = array<i32>} : memref<8x80xi32, #tpu.memory_space<vmem>>, vector<16xi32>,
      %mul3A_163 = arith.constant 2 : i32
      %mul3A_164 = vector.broadcast %mul3A_163 : i32 to vector<16xi32>
      %mul3A_165 = arith.muli %get3A_162, %mul3A_164 : vector<16xi32>
      %add3A_166 = vector.broadcast %arg0 : i32 to vector<16xi32>
      %add3A_167 = arith.addi %mul3A_165, %add3A_166 : vector<16xi32>
      %swap3A_168 = arith.constant 0 : index
      %swap3A_169 = tpu.vector_load %arg10[%swap3A_168] {strides = array<i32>} : memref<80xi32, #tpu.memory_space<vmem>>, vector<16xi32>,
      tpu.vector_store %arg10[%swap3A_168], %add3A_167 {strides = array<i32>} : memref<80xi32, #tpu.memory_space<vmem>>, vector<16xi32>,
      %get3A_170 = arith.constant 2 : i32
      %get3A_171 = arith.index_cast %get3A_170 : i32 to index
      %get3A_172 = arith.constant 16 : index
      %get3A_173 = tpu.vector_load %arg7[%get3A_171, %get3A_172] {strides = array<i32>} : memref<8x80xi32, #tpu.memory_space<vmem>>, vector<16xi32>,
      %mul3A_174 = arith.constant 2 : i32
      %mul3A_175 = vector.broadcast %mul3A_174 : i32 to vector<16xi32>
      %mul3A_176 = arith.muli %get3A_173, %mul3A_175 : vector<16xi32>
      %add3A_177 = vector.broadcast %arg0 : i32 to vector<16xi32>
      %add3A_178 = arith.addi %mul3A_176, %add3A_177 : vector<16xi32>
      %swap3A_179 = arith.constant 16 : index
      %swap3A_180 = tpu.vector_load %arg10[%swap3A_179] {strides = array<i32>} : memref<80xi32, #tpu.memory_space<vmem>>, vector<16xi32>,
      tpu.vector_store %arg10[%swap3A_179], %add3A_178 {strides = array<i32>} : memref<80xi32, #tpu.memory_space<vmem>>, vector<16xi32>,
      %get3A_181 = arith.constant 2 : i32
      %get3A_182 = arith.index_cast %get3A_181 : i32 to index
      %get3A_183 = arith.constant 32 : index
      %get3A_184 = tpu.vector_load %arg7[%get3A_182, %get3A_183] {strides = array<i32>} : memref<8x80xi32, #tpu.memory_space<vmem>>, vector<16xi32>,
      %mul3A_185 = arith.constant 2 : i32
      %mul3A_186 = vector.broadcast %mul3A_185 : i32 to vector<16xi32>
      %mul3A_187 = arith.muli %get3A_184, %mul3A_186 : vector<16xi32>
      %add3A_188 = vector.broadcast %arg0 : i32 to vector<16xi32>
      %add3A_189 = arith.addi %mul3A_187, %add3A_188 : vector<16xi32>
      %swap3A_190 = arith.constant 32 : index
      %swap3A_191 = tpu.vector_load %arg10[%swap3A_190] {strides = array<i32>} : memref<80xi32, #tpu.memory_space<vmem>>, vector<16xi32>,
      tpu.vector_store %arg10[%swap3A_190], %add3A_189 {strides = array<i32>} : memref<80xi32, #tpu.memory_space<vmem>>, vector<16xi32>,
      %get3A_192 = arith.constant 2 : i32
      %get3A_193 = arith.index_cast %get3A_192 : i32 to index
      %get3A_194 = arith.constant 48 : index
      %get3A_195 = tpu.vector_load %arg7[%get3A_193, %get3A_194] {strides = array<i32>} : memref<8x80xi32, #tpu.memory_space<vmem>>, vector<16xi32>,
      %mul3A_196 = arith.constant 2 : i32
      %mul3A_197 = vector.broadcast %mul3A_196 : i32 to vector<16xi32>
      %mul3A_198 = arith.muli %get3A_195, %mul3A_197 : vector<16xi32>
      %add3A_199 = vector.broadcast %arg0 : i32 to vector<16xi32>
      %add3A_200 = arith.addi %mul3A_198, %add3A_199 : vector<16xi32>
      %swap3A_201 = arith.constant 48 : index
      %swap3A_202 = tpu.vector_load %arg10[%swap3A_201] {strides = array<i32>} : memref<80xi32, #tpu.memory_space<vmem>>, vector<16xi32>,
      tpu.vector_store %arg10[%swap3A_201], %add3A_200 {strides = array<i32>} : memref<80xi32, #tpu.memory_space<vmem>>, vector<16xi32>,
      %get3A_203 = arith.constant 2 : i32
      %get3A_204 = arith.index_cast %get3A_203 : i32 to index
      %get3A_205 = arith.constant 64 : index
      %get3A_206 = tpu.vector_load %arg7[%get3A_204, %get3A_205] {strides = array<i32>} : memref<8x80xi32, #tpu.memory_space<vmem>>, vector<16xi32>,
      %mul3A_207 = arith.constant 2 : i32
      %mul3A_208 = vector.broadcast %mul3A_207 : i32 to vector<16xi32>
      %mul3A_209 = arith.muli %get3A_206, %mul3A_208 : vector<16xi32>
      %add3A_210 = vector.broadcast %arg0 : i32 to vector<16xi32>
      %add3A_211 = arith.addi %mul3A_209, %add3A_210 : vector<16xi32>
      %swap3A_212 = arith.constant 64 : index
      %swap3A_213 = tpu.vector_load %arg10[%swap3A_212] {strides = array<i32>} : memref<80xi32, #tpu.memory_space<vmem>>, vector<16xi32>,
      tpu.vector_store %arg10[%swap3A_212], %add3A_211 {strides = array<i32>} : memref<80xi32, #tpu.memory_space<vmem>>, vector<16xi32>,
      %dma_start3A_214 = arith.constant 0 : i32
      %dma_start3A_215 = arith.constant 0 : i32
      %dma_start3A_216 = tpu.memref_slice %arg2[%dma_start3A_214, %dma_start3A_215] : memref<20000x128xf32, #tpu.memory_space<hbm>> -> memref<20000x128xf32, #tpu.memory_space<hbm>>
      tpu.enqueue_indirect_dma source(%dma_start3A_216 : memref<20000x128xf32, #tpu.memory_space<hbm>>) target(%arg12 : memref<80x128xf32, #tpu.memory_space<vmem>>) offsets(%arg10 : memref<80xi32, #tpu.memory_space<vmem>>) semaphore(%arg14 : memref<!tpu.dma_semaphore, #tpu.memory_space<semaphore_mem>>)
      %scan3A_217 = arith.constant 0 : i32
      %scan3A_218 = arith.constant 80 : i32
      %scan3A_219 = arith.addi %scan3A_217, %scan3A_218 : i32
      %scan3A_220 = arith.constant 1 : i32
      scf.for %scan3A_567 = %scan3A_217 to %scan3A_219 step %scan3A_220  : i32 {
        %broadcast_in_dim3A = arith.constant 1 : i32
        %broadcast_in_dim3A_568 = vector.broadcast %broadcast_in_dim3A : i32 to vector<16xi32>
        %broadcast_in_dim3A_569 = vector.broadcast %scan3A_567 : i32 to vector<16xi32>
        %gather3A = tpu.vector_load_idx %arg9[%broadcast_in_dim3A_568, %broadcast_in_dim3A_569] : memref<8x80xf32, #tpu.memory_space<vmem>>[vector<16xi32>, vector<16xi32>], vector<16xf32>,
        %get3A_570 = arith.index_cast %scan3A_567 : i32 to index
        %get3A_571 = arith.constant 0 : index
        %get3A_572 = tpu.vector_load %arg13[%get3A_570, %get3A_571] {strides = array<i32>} : memref<80x128xf32, #tpu.memory_space<vmem>>, vector<16xf32>,
        %mul3A_573 = arith.mulf %get3A_572, %gather3A : vector<16xf32>
        %swap3A_574 = arith.index_cast %scan3A_567 : i32 to index
        %swap3A_575 = arith.constant 0 : index
        %swap3A_576 = tpu.vector_load %arg13[%swap3A_574, %swap3A_575] {strides = array<i32>} : memref<80x128xf32, #tpu.memory_space<vmem>>, vector<16xf32>,
        tpu.vector_store %arg13[%swap3A_574, %swap3A_575], %mul3A_573 {strides = array<i32>} : memref<80x128xf32, #tpu.memory_space<vmem>>, vector<16xf32>,
        %get3A_577 = arith.index_cast %scan3A_567 : i32 to index
        %get3A_578 = arith.constant 16 : index
        %get3A_579 = tpu.vector_load %arg13[%get3A_577, %get3A_578] {strides = array<i32>} : memref<80x128xf32, #tpu.memory_space<vmem>>, vector<16xf32>,
        %mul3A_580 = arith.mulf %get3A_579, %gather3A : vector<16xf32>
        %swap3A_581 = arith.index_cast %scan3A_567 : i32 to index
        %swap3A_582 = arith.constant 16 : index
        %swap3A_583 = tpu.vector_load %arg13[%swap3A_581, %swap3A_582] {strides = array<i32>} : memref<80x128xf32, #tpu.memory_space<vmem>>, vector<16xf32>,
        tpu.vector_store %arg13[%swap3A_581, %swap3A_582], %mul3A_580 {strides = array<i32>} : memref<80x128xf32, #tpu.memory_space<vmem>>, vector<16xf32>,
        %get3A_584 = arith.index_cast %scan3A_567 : i32 to index
        %get3A_585 = arith.constant 32 : index
        %get3A_586 = tpu.vector_load %arg13[%get3A_584, %get3A_585] {strides = array<i32>} : memref<80x128xf32, #tpu.memory_space<vmem>>, vector<16xf32>,
        %mul3A_587 = arith.mulf %get3A_586, %gather3A : vector<16xf32>
        %swap3A_588 = arith.index_cast %scan3A_567 : i32 to index
        %swap3A_589 = arith.constant 32 : index
        %swap3A_590 = tpu.vector_load %arg13[%swap3A_588, %swap3A_589] {strides = array<i32>} : memref<80x128xf32, #tpu.memory_space<vmem>>, vector<16xf32>,
        tpu.vector_store %arg13[%swap3A_588, %swap3A_589], %mul3A_587 {strides = array<i32>} : memref<80x128xf32, #tpu.memory_space<vmem>>, vector<16xf32>,
        %get3A_591 = arith.index_cast %scan3A_567 : i32 to index
        %get3A_592 = arith.constant 48 : index
        %get3A_593 = tpu.vector_load %arg13[%get3A_591, %get3A_592] {strides = array<i32>} : memref<80x128xf32, #tpu.memory_space<vmem>>, vector<16xf32>,
        %mul3A_594 = arith.mulf %get3A_593, %gather3A : vector<16xf32>
        %swap3A_595 = arith.index_cast %scan3A_567 : i32 to index
        %swap3A_596 = arith.constant 48 : index
        %swap3A_597 = tpu.vector_load %arg13[%swap3A_595, %swap3A_596] {strides = array<i32>} : memref<80x128xf32, #tpu.memory_space<vmem>>, vector<16xf32>,
        tpu.vector_store %arg13[%swap3A_595, %swap3A_596], %mul3A_594 {strides = array<i32>} : memref<80x128xf32, #tpu.memory_space<vmem>>, vector<16xf32>,
        %get3A_598 = arith.index_cast %scan3A_567 : i32 to index
        %get3A_599 = arith.constant 64 : index
        %get3A_600 = tpu.vector_load %arg13[%get3A_598, %get3A_599] {strides = array<i32>} : memref<80x128xf32, #tpu.memory_space<vmem>>, vector<16xf32>,
        %mul3A_601 = arith.mulf %get3A_600, %gather3A : vector<16xf32>
        %swap3A_602 = arith.index_cast %scan3A_567 : i32 to index
        %swap3A_603 = arith.constant 64 : index
        %swap3A_604 = tpu.vector_load %arg13[%swap3A_602, %swap3A_603] {strides = array<i32>} : memref<80x128xf32, #tpu.memory_space<vmem>>, vector<16xf32>,
        tpu.vector_store %arg13[%swap3A_602, %swap3A_603], %mul3A_601 {strides = array<i32>} : memref<80x128xf32, #tpu.memory_space<vmem>>, vector<16xf32>,
        %get3A_605 = arith.index_cast %scan3A_567 : i32 to index
        %get3A_606 = arith.constant 80 : index
        %get3A_607 = tpu.vector_load %arg13[%get3A_605, %get3A_606] {strides = array<i32>} : memref<80x128xf32, #tpu.memory_space<vmem>>, vector<16xf32>,
        %mul3A_608 = arith.mulf %get3A_607, %gather3A : vector<16xf32>
        %swap3A_609 = arith.index_cast %scan3A_567 : i32 to index
        %swap3A_610 = arith.constant 80 : index
        %swap3A_611 = tpu.vector_load %arg13[%swap3A_609, %swap3A_610] {strides = array<i32>} : memref<80x128xf32, #tpu.memory_space<vmem>>, vector<16xf32>,
        tpu.vector_store %arg13[%swap3A_609, %swap3A_610], %mul3A_608 {strides = array<i32>} : memref<80x128xf32, #tpu.memory_space<vmem>>, vector<16xf32>,
        %get3A_612 = arith.index_cast %scan3A_567 : i32 to index
        %get3A_613 = arith.constant 96 : index
        %get3A_614 = tpu.vector_load %arg13[%get3A_612, %get3A_613] {strides = array<i32>} : memref<80x128xf32, #tpu.memory_space<vmem>>, vector<16xf32>,
        %mul3A_615 = arith.mulf %get3A_614, %gather3A : vector<16xf32>
        %swap3A_616 = arith.index_cast %scan3A_567 : i32 to index
        %swap3A_617 = arith.constant 96 : index
        %swap3A_618 = tpu.vector_load %arg13[%swap3A_616, %swap3A_617] {strides = array<i32>} : memref<80x128xf32, #tpu.memory_space<vmem>>, vector<16xf32>,
        tpu.vector_store %arg13[%swap3A_616, %swap3A_617], %mul3A_615 {strides = array<i32>} : memref<80x128xf32, #tpu.memory_space<vmem>>, vector<16xf32>,
        %get3A_619 = arith.index_cast %scan3A_567 : i32 to index
        %get3A_620 = arith.constant 112 : index
        %get3A_621 = tpu.vector_load %arg13[%get3A_619, %get3A_620] {strides = array<i32>} : memref<80x128xf32, #tpu.memory_space<vmem>>, vector<16xf32>,
        %mul3A_622 = arith.mulf %get3A_621, %gather3A : vector<16xf32>
        %swap3A_623 = arith.index_cast %scan3A_567 : i32 to index
        %swap3A_624 = arith.constant 112 : index
        %swap3A_625 = tpu.vector_load %arg13[%swap3A_623, %swap3A_624] {strides = array<i32>} : memref<80x128xf32, #tpu.memory_space<vmem>>, vector<16xf32>,
        tpu.vector_store %arg13[%swap3A_623, %swap3A_624], %mul3A_622 {strides = array<i32>} : memref<80x128xf32, #tpu.memory_space<vmem>>, vector<16xf32>,
      }
      %scan3A_221 = arith.constant 80 : i32
      %run_scoped3A_222 = arith.constant 1 : i32
      "tpu.region"() ({
        %run_scoped3A_567 = tpu.sem_alloc : memref<!tpu.dma_semaphore, #tpu.memory_space<semaphore_mem>>
        %dma_start3A_568 = arith.constant 0 : i32
        %dma_start3A_569 = tpu.memref_slice %arg8[%run_scoped3A_222, %dma_start3A_568] : memref<8x80xi32, #tpu.memory_space<vmem>> -> memref<1x80xi32, #tpu.memory_space<vmem>>
        %dma_start3A_570 = tpu.memref_squeeze %dma_start3A_569 : memref<1x80xi32, #tpu.memory_space<vmem>> -> memref<80xi32, #tpu.memory_space<vmem>>
        %dma_start3A_571 = arith.constant 0 : i32
        %dma_start3A_572 = arith.constant 0 : i32
        %dma_start3A_573 = tpu.memref_slice %arg16[%dma_start3A_571, %dma_start3A_572] : memref<10240x128xf32, #tpu.memory_space<vmem_shared>> -> memref<10240x128xf32, #tpu.memory_space<vmem_shared>>
        tpu.enqueue_indirect_dma source(%arg13 : memref<80x128xf32, #tpu.memory_space<vmem>>) target(%dma_start3A_573 : memref<10240x128xf32, #tpu.memory_space<vmem_shared>>) offsets(%dma_start3A_570 : memref<80xi32, #tpu.memory_space<vmem>>) semaphore(%run_scoped3A_567 : memref<!tpu.dma_semaphore, #tpu.memory_space<semaphore_mem>>) {add = true}
        %dma_wait3A_574 = arith.constant 0 : i32
        %dma_wait3A_575 = tpu.memref_slice %arg8[%run_scoped3A_222, %dma_wait3A_574] : memref<8x80xi32, #tpu.memory_space<vmem>> -> memref<1x80xi32, #tpu.memory_space<vmem>>
        %dma_wait3A_576 = tpu.memref_squeeze %dma_wait3A_575 : memref<1x80xi32, #tpu.memory_space<vmem>> -> memref<80xi32, #tpu.memory_space<vmem>>
        %dma_wait3A_577 = arith.constant 0 : i32
        %dma_wait3A_578 = arith.constant 0 : i32
        %dma_wait3A_579 = tpu.memref_slice %arg16[%dma_wait3A_577, %dma_wait3A_578] : memref<10240x128xf32, #tpu.memory_space<vmem_shared>> -> memref<10240x128xf32, #tpu.memory_space<vmem_shared>>
        tpu.wait_indirect_dma semaphore(%run_scoped3A_567 : memref<!tpu.dma_semaphore, #tpu.memory_space<semaphore_mem>>) src(%arg13 : memref<80x128xf32, #tpu.memory_space<vmem>>) dst(%dma_wait3A_579 : memref<10240x128xf32, #tpu.memory_space<vmem_shared>>)
        tpu.yield
      }) : () -> ()
      %dma_wait3A_223 = arith.constant 0 : i32
      %dma_wait3A_224 = arith.constant 0 : i32
      %dma_wait3A_225 = tpu.memref_slice %arg2[%dma_wait3A_223, %dma_wait3A_224] : memref<20000x128xf32, #tpu.memory_space<hbm>> -> memref<20000x128xf32, #tpu.memory_space<hbm>>
      tpu.wait_indirect_dma semaphore(%arg14 : memref<!tpu.dma_semaphore, #tpu.memory_space<semaphore_mem>>) src(%dma_wait3A_225 : memref<20000x128xf32, #tpu.memory_space<hbm>>) dst(%arg12 : memref<80x128xf32, #tpu.memory_space<vmem>>)
      %get3A_226 = arith.constant 3 : i32
      %get3A_227 = arith.index_cast %get3A_226 : i32 to index
      %get3A_228 = arith.constant 0 : index
      %get3A_229 = tpu.vector_load %arg7[%get3A_227, %get3A_228] {strides = array<i32>} : memref<8x80xi32, #tpu.memory_space<vmem>>, vector<16xi32>,
      %mul3A_230 = arith.constant 2 : i32
      %mul3A_231 = vector.broadcast %mul3A_230 : i32 to vector<16xi32>
      %mul3A_232 = arith.muli %get3A_229, %mul3A_231 : vector<16xi32>
      %add3A_233 = vector.broadcast %arg0 : i32 to vector<16xi32>
      %add3A_234 = arith.addi %mul3A_232, %add3A_233 : vector<16xi32>
      %swap3A_235 = arith.constant 0 : index
      %swap3A_236 = tpu.vector_load %arg11[%swap3A_235] {strides = array<i32>} : memref<80xi32, #tpu.memory_space<vmem>>, vector<16xi32>,
      tpu.vector_store %arg11[%swap3A_235], %add3A_234 {strides = array<i32>} : memref<80xi32, #tpu.memory_space<vmem>>, vector<16xi32>,
      %get3A_237 = arith.constant 3 : i32
      %get3A_238 = arith.index_cast %get3A_237 : i32 to index
      %get3A_239 = arith.constant 16 : index
      %get3A_240 = tpu.vector_load %arg7[%get3A_238, %get3A_239] {strides = array<i32>} : memref<8x80xi32, #tpu.memory_space<vmem>>, vector<16xi32>,
      %mul3A_241 = arith.constant 2 : i32
      %mul3A_242 = vector.broadcast %mul3A_241 : i32 to vector<16xi32>
      %mul3A_243 = arith.muli %get3A_240, %mul3A_242 : vector<16xi32>
      %add3A_244 = vector.broadcast %arg0 : i32 to vector<16xi32>
      %add3A_245 = arith.addi %mul3A_243, %add3A_244 : vector<16xi32>
      %swap3A_246 = arith.constant 16 : index
      %swap3A_247 = tpu.vector_load %arg11[%swap3A_246] {strides = array<i32>} : memref<80xi32, #tpu.memory_space<vmem>>, vector<16xi32>,
      tpu.vector_store %arg11[%swap3A_246], %add3A_245 {strides = array<i32>} : memref<80xi32, #tpu.memory_space<vmem>>, vector<16xi32>,
      %get3A_248 = arith.constant 3 : i32
      %get3A_249 = arith.index_cast %get3A_248 : i32 to index
      %get3A_250 = arith.constant 32 : index
      %get3A_251 = tpu.vector_load %arg7[%get3A_249, %get3A_250] {strides = array<i32>} : memref<8x80xi32, #tpu.memory_space<vmem>>, vector<16xi32>,
      %mul3A_252 = arith.constant 2 : i32
      %mul3A_253 = vector.broadcast %mul3A_252 : i32 to vector<16xi32>
      %mul3A_254 = arith.muli %get3A_251, %mul3A_253 : vector<16xi32>
      %add3A_255 = vector.broadcast %arg0 : i32 to vector<16xi32>
      %add3A_256 = arith.addi %mul3A_254, %add3A_255 : vector<16xi32>
      %swap3A_257 = arith.constant 32 : index
      %swap3A_258 = tpu.vector_load %arg11[%swap3A_257] {strides = array<i32>} : memref<80xi32, #tpu.memory_space<vmem>>, vector<16xi32>,
      tpu.vector_store %arg11[%swap3A_257], %add3A_256 {strides = array<i32>} : memref<80xi32, #tpu.memory_space<vmem>>, vector<16xi32>,
      %get3A_259 = arith.constant 3 : i32
      %get3A_260 = arith.index_cast %get3A_259 : i32 to index
      %get3A_261 = arith.constant 48 : index
      %get3A_262 = tpu.vector_load %arg7[%get3A_260, %get3A_261] {strides = array<i32>} : memref<8x80xi32, #tpu.memory_space<vmem>>, vector<16xi32>,
      %mul3A_263 = arith.constant 2 : i32
      %mul3A_264 = vector.broadcast %mul3A_263 : i32 to vector<16xi32>
      %mul3A_265 = arith.muli %get3A_262, %mul3A_264 : vector<16xi32>
      %add3A_266 = vector.broadcast %arg0 : i32 to vector<16xi32>
      %add3A_267 = arith.addi %mul3A_265, %add3A_266 : vector<16xi32>
      %swap3A_268 = arith.constant 48 : index
      %swap3A_269 = tpu.vector_load %arg11[%swap3A_268] {strides = array<i32>} : memref<80xi32, #tpu.memory_space<vmem>>, vector<16xi32>,
      tpu.vector_store %arg11[%swap3A_268], %add3A_267 {strides = array<i32>} : memref<80xi32, #tpu.memory_space<vmem>>, vector<16xi32>,
      %get3A_270 = arith.constant 3 : i32
      %get3A_271 = arith.index_cast %get3A_270 : i32 to index
      %get3A_272 = arith.constant 64 : index
      %get3A_273 = tpu.vector_load %arg7[%get3A_271, %get3A_272] {strides = array<i32>} : memref<8x80xi32, #tpu.memory_space<vmem>>, vector<16xi32>,
      %mul3A_274 = arith.constant 2 : i32
      %mul3A_275 = vector.broadcast %mul3A_274 : i32 to vector<16xi32>
      %mul3A_276 = arith.muli %get3A_273, %mul3A_275 : vector<16xi32>
      %add3A_277 = vector.broadcast %arg0 : i32 to vector<16xi32>
      %add3A_278 = arith.addi %mul3A_276, %add3A_277 : vector<16xi32>
      %swap3A_279 = arith.constant 64 : index
      %swap3A_280 = tpu.vector_load %arg11[%swap3A_279] {strides = array<i32>} : memref<80xi32, #tpu.memory_space<vmem>>, vector<16xi32>,
      tpu.vector_store %arg11[%swap3A_279], %add3A_278 {strides = array<i32>} : memref<80xi32, #tpu.memory_space<vmem>>, vector<16xi32>,
      %dma_start3A_281 = arith.constant 0 : i32
      %dma_start3A_282 = arith.constant 0 : i32
      %dma_start3A_283 = tpu.memref_slice %arg2[%dma_start3A_281, %dma_start3A_282] : memref<20000x128xf32, #tpu.memory_space<hbm>> -> memref<20000x128xf32, #tpu.memory_space<hbm>>
      tpu.enqueue_indirect_dma source(%dma_start3A_283 : memref<20000x128xf32, #tpu.memory_space<hbm>>) target(%arg13 : memref<80x128xf32, #tpu.memory_space<vmem>>) offsets(%arg11 : memref<80xi32, #tpu.memory_space<vmem>>) semaphore(%arg15 : memref<!tpu.dma_semaphore, #tpu.memory_space<semaphore_mem>>)
      %scan3A_284 = arith.constant 0 : i32
      %scan3A_285 = arith.constant 80 : i32
      %scan3A_286 = arith.addi %scan3A_284, %scan3A_285 : i32
      %scan3A_287 = arith.constant 1 : i32
      scf.for %scan3A_567 = %scan3A_284 to %scan3A_286 step %scan3A_287  : i32 {
        %broadcast_in_dim3A = arith.constant 2 : i32
        %broadcast_in_dim3A_568 = vector.broadcast %broadcast_in_dim3A : i32 to vector<16xi32>
        %broadcast_in_dim3A_569 = vector.broadcast %scan3A_567 : i32 to vector<16xi32>
        %gather3A = tpu.vector_load_idx %arg9[%broadcast_in_dim3A_568, %broadcast_in_dim3A_569] : memref<8x80xf32, #tpu.memory_space<vmem>>[vector<16xi32>, vector<16xi32>], vector<16xf32>,
        %get3A_570 = arith.index_cast %scan3A_567 : i32 to index
        %get3A_571 = arith.constant 0 : index
        %get3A_572 = tpu.vector_load %arg12[%get3A_570, %get3A_571] {strides = array<i32>} : memref<80x128xf32, #tpu.memory_space<vmem>>, vector<16xf32>,
        %mul3A_573 = arith.mulf %get3A_572, %gather3A : vector<16xf32>
        %swap3A_574 = arith.index_cast %scan3A_567 : i32 to index
        %swap3A_575 = arith.constant 0 : index
        %swap3A_576 = tpu.vector_load %arg12[%swap3A_574, %swap3A_575] {strides = array<i32>} : memref<80x128xf32, #tpu.memory_space<vmem>>, vector<16xf32>,
        tpu.vector_store %arg12[%swap3A_574, %swap3A_575], %mul3A_573 {strides = array<i32>} : memref<80x128xf32, #tpu.memory_space<vmem>>, vector<16xf32>,
        %get3A_577 = arith.index_cast %scan3A_567 : i32 to index
        %get3A_578 = arith.constant 16 : index
        %get3A_579 = tpu.vector_load %arg12[%get3A_577, %get3A_578] {strides = array<i32>} : memref<80x128xf32, #tpu.memory_space<vmem>>, vector<16xf32>,
        %mul3A_580 = arith.mulf %get3A_579, %gather3A : vector<16xf32>
        %swap3A_581 = arith.index_cast %scan3A_567 : i32 to index
        %swap3A_582 = arith.constant 16 : index
        %swap3A_583 = tpu.vector_load %arg12[%swap3A_581, %swap3A_582] {strides = array<i32>} : memref<80x128xf32, #tpu.memory_space<vmem>>, vector<16xf32>,
        tpu.vector_store %arg12[%swap3A_581, %swap3A_582], %mul3A_580 {strides = array<i32>} : memref<80x128xf32, #tpu.memory_space<vmem>>, vector<16xf32>,
        %get3A_584 = arith.index_cast %scan3A_567 : i32 to index
        %get3A_585 = arith.constant 32 : index
        %get3A_586 = tpu.vector_load %arg12[%get3A_584, %get3A_585] {strides = array<i32>} : memref<80x128xf32, #tpu.memory_space<vmem>>, vector<16xf32>,
        %mul3A_587 = arith.mulf %get3A_586, %gather3A : vector<16xf32>
        %swap3A_588 = arith.index_cast %scan3A_567 : i32 to index
        %swap3A_589 = arith.constant 32 : index
        %swap3A_590 = tpu.vector_load %arg12[%swap3A_588, %swap3A_589] {strides = array<i32>} : memref<80x128xf32, #tpu.memory_space<vmem>>, vector<16xf32>,
        tpu.vector_store %arg12[%swap3A_588, %swap3A_589], %mul3A_587 {strides = array<i32>} : memref<80x128xf32, #tpu.memory_space<vmem>>, vector<16xf32>,
        %get3A_591 = arith.index_cast %scan3A_567 : i32 to index
        %get3A_592 = arith.constant 48 : index
        %get3A_593 = tpu.vector_load %arg12[%get3A_591, %get3A_592] {strides = array<i32>} : memref<80x128xf32, #tpu.memory_space<vmem>>, vector<16xf32>,
        %mul3A_594 = arith.mulf %get3A_593, %gather3A : vector<16xf32>
        %swap3A_595 = arith.index_cast %scan3A_567 : i32 to index
        %swap3A_596 = arith.constant 48 : index
        %swap3A_597 = tpu.vector_load %arg12[%swap3A_595, %swap3A_596] {strides = array<i32>} : memref<80x128xf32, #tpu.memory_space<vmem>>, vector<16xf32>,
        tpu.vector_store %arg12[%swap3A_595, %swap3A_596], %mul3A_594 {strides = array<i32>} : memref<80x128xf32, #tpu.memory_space<vmem>>, vector<16xf32>,
        %get3A_598 = arith.index_cast %scan3A_567 : i32 to index
        %get3A_599 = arith.constant 64 : index
        %get3A_600 = tpu.vector_load %arg12[%get3A_598, %get3A_599] {strides = array<i32>} : memref<80x128xf32, #tpu.memory_space<vmem>>, vector<16xf32>,
        %mul3A_601 = arith.mulf %get3A_600, %gather3A : vector<16xf32>
        %swap3A_602 = arith.index_cast %scan3A_567 : i32 to index
        %swap3A_603 = arith.constant 64 : index
        %swap3A_604 = tpu.vector_load %arg12[%swap3A_602, %swap3A_603] {strides = array<i32>} : memref<80x128xf32, #tpu.memory_space<vmem>>, vector<16xf32>,
        tpu.vector_store %arg12[%swap3A_602, %swap3A_603], %mul3A_601 {strides = array<i32>} : memref<80x128xf32, #tpu.memory_space<vmem>>, vector<16xf32>,
        %get3A_605 = arith.index_cast %scan3A_567 : i32 to index
        %get3A_606 = arith.constant 80 : index
        %get3A_607 = tpu.vector_load %arg12[%get3A_605, %get3A_606] {strides = array<i32>} : memref<80x128xf32, #tpu.memory_space<vmem>>, vector<16xf32>,
        %mul3A_608 = arith.mulf %get3A_607, %gather3A : vector<16xf32>
        %swap3A_609 = arith.index_cast %scan3A_567 : i32 to index
        %swap3A_610 = arith.constant 80 : index
        %swap3A_611 = tpu.vector_load %arg12[%swap3A_609, %swap3A_610] {strides = array<i32>} : memref<80x128xf32, #tpu.memory_space<vmem>>, vector<16xf32>,
        tpu.vector_store %arg12[%swap3A_609, %swap3A_610], %mul3A_608 {strides = array<i32>} : memref<80x128xf32, #tpu.memory_space<vmem>>, vector<16xf32>,
        %get3A_612 = arith.index_cast %scan3A_567 : i32 to index
        %get3A_613 = arith.constant 96 : index
        %get3A_614 = tpu.vector_load %arg12[%get3A_612, %get3A_613] {strides = array<i32>} : memref<80x128xf32, #tpu.memory_space<vmem>>, vector<16xf32>,
        %mul3A_615 = arith.mulf %get3A_614, %gather3A : vector<16xf32>
        %swap3A_616 = arith.index_cast %scan3A_567 : i32 to index
        %swap3A_617 = arith.constant 96 : index
        %swap3A_618 = tpu.vector_load %arg12[%swap3A_616, %swap3A_617] {strides = array<i32>} : memref<80x128xf32, #tpu.memory_space<vmem>>, vector<16xf32>,
        tpu.vector_store %arg12[%swap3A_616, %swap3A_617], %mul3A_615 {strides = array<i32>} : memref<80x128xf32, #tpu.memory_space<vmem>>, vector<16xf32>,
        %get3A_619 = arith.index_cast %scan3A_567 : i32 to index
        %get3A_620 = arith.constant 112 : index
        %get3A_621 = tpu.vector_load %arg12[%get3A_619, %get3A_620] {strides = array<i32>} : memref<80x128xf32, #tpu.memory_space<vmem>>, vector<16xf32>,
        %mul3A_622 = arith.mulf %get3A_621, %gather3A : vector<16xf32>
        %swap3A_623 = arith.index_cast %scan3A_567 : i32 to index
        %swap3A_624 = arith.constant 112 : index
        %swap3A_625 = tpu.vector_load %arg12[%swap3A_623, %swap3A_624] {strides = array<i32>} : memref<80x128xf32, #tpu.memory_space<vmem>>, vector<16xf32>,
        tpu.vector_store %arg12[%swap3A_623, %swap3A_624], %mul3A_622 {strides = array<i32>} : memref<80x128xf32, #tpu.memory_space<vmem>>, vector<16xf32>,
      }
      %scan3A_288 = arith.constant 80 : i32
      %run_scoped3A_289 = arith.constant 2 : i32
      "tpu.region"() ({
        %run_scoped3A_567 = tpu.sem_alloc : memref<!tpu.dma_semaphore, #tpu.memory_space<semaphore_mem>>
        %dma_start3A_568 = arith.constant 0 : i32
        %dma_start3A_569 = tpu.memref_slice %arg8[%run_scoped3A_289, %dma_start3A_568] : memref<8x80xi32, #tpu.memory_space<vmem>> -> memref<1x80xi32, #tpu.memory_space<vmem>>
        %dma_start3A_570 = tpu.memref_squeeze %dma_start3A_569 : memref<1x80xi32, #tpu.memory_space<vmem>> -> memref<80xi32, #tpu.memory_space<vmem>>
        %dma_start3A_571 = arith.constant 0 : i32
        %dma_start3A_572 = arith.constant 0 : i32
        %dma_start3A_573 = tpu.memref_slice %arg16[%dma_start3A_571, %dma_start3A_572] : memref<10240x128xf32, #tpu.memory_space<vmem_shared>> -> memref<10240x128xf32, #tpu.memory_space<vmem_shared>>
        tpu.enqueue_indirect_dma source(%arg12 : memref<80x128xf32, #tpu.memory_space<vmem>>) target(%dma_start3A_573 : memref<10240x128xf32, #tpu.memory_space<vmem_shared>>) offsets(%dma_start3A_570 : memref<80xi32, #tpu.memory_space<vmem>>) semaphore(%run_scoped3A_567 : memref<!tpu.dma_semaphore, #tpu.memory_space<semaphore_mem>>) {add = true}
        %dma_wait3A_574 = arith.constant 0 : i32
        %dma_wait3A_575 = tpu.memref_slice %arg8[%run_scoped3A_289, %dma_wait3A_574] : memref<8x80xi32, #tpu.memory_space<vmem>> -> memref<1x80xi32, #tpu.memory_space<vmem>>
        %dma_wait3A_576 = tpu.memref_squeeze %dma_wait3A_575 : memref<1x80xi32, #tpu.memory_space<vmem>> -> memref<80xi32, #tpu.memory_space<vmem>>
        %dma_wait3A_577 = arith.constant 0 : i32
        %dma_wait3A_578 = arith.constant 0 : i32
        %dma_wait3A_579 = tpu.memref_slice %arg16[%dma_wait3A_577, %dma_wait3A_578] : memref<10240x128xf32, #tpu.memory_space<vmem_shared>> -> memref<10240x128xf32, #tpu.memory_space<vmem_shared>>
        tpu.wait_indirect_dma semaphore(%run_scoped3A_567 : memref<!tpu.dma_semaphore, #tpu.memory_space<semaphore_mem>>) src(%arg12 : memref<80x128xf32, #tpu.memory_space<vmem>>) dst(%dma_wait3A_579 : memref<10240x128xf32, #tpu.memory_space<vmem_shared>>)
        tpu.yield
      }) : () -> ()
      %dma_wait3A_290 = arith.constant 0 : i32
      %dma_wait3A_291 = arith.constant 0 : i32
      %dma_wait3A_292 = tpu.memref_slice %arg2[%dma_wait3A_290, %dma_wait3A_291] : memref<20000x128xf32, #tpu.memory_space<hbm>> -> memref<20000x128xf32, #tpu.memory_space<hbm>>
      tpu.wait_indirect_dma semaphore(%arg15 : memref<!tpu.dma_semaphore, #tpu.memory_space<semaphore_mem>>) src(%dma_wait3A_292 : memref<20000x128xf32, #tpu.memory_space<hbm>>) dst(%arg13 : memref<80x128xf32, #tpu.memory_space<vmem>>)
      %get3A_293 = arith.constant 4 : i32
      %get3A_294 = arith.index_cast %get3A_293 : i32 to index
      %get3A_295 = arith.constant 0 : index
      %get3A_296 = tpu.vector_load %arg7[%get3A_294, %get3A_295] {strides = array<i32>} : memref<8x80xi32, #tpu.memory_space<vmem>>, vector<16xi32>,
      %mul3A_297 = arith.constant 2 : i32
      %mul3A_298 = vector.broadcast %mul3A_297 : i32 to vector<16xi32>
      %mul3A_299 = arith.muli %get3A_296, %mul3A_298 : vector<16xi32>
      %add3A_300 = vector.broadcast %arg0 : i32 to vector<16xi32>
      %add3A_301 = arith.addi %mul3A_299, %add3A_300 : vector<16xi32>
      %swap3A_302 = arith.constant 0 : index
      %swap3A_303 = tpu.vector_load %arg10[%swap3A_302] {strides = array<i32>} : memref<80xi32, #tpu.memory_space<vmem>>, vector<16xi32>,
      tpu.vector_store %arg10[%swap3A_302], %add3A_301 {strides = array<i32>} : memref<80xi32, #tpu.memory_space<vmem>>, vector<16xi32>,
      %get3A_304 = arith.constant 4 : i32
      %get3A_305 = arith.index_cast %get3A_304 : i32 to index
      %get3A_306 = arith.constant 16 : index
      %get3A_307 = tpu.vector_load %arg7[%get3A_305, %get3A_306] {strides = array<i32>} : memref<8x80xi32, #tpu.memory_space<vmem>>, vector<16xi32>,
      %mul3A_308 = arith.constant 2 : i32
      %mul3A_309 = vector.broadcast %mul3A_308 : i32 to vector<16xi32>
      %mul3A_310 = arith.muli %get3A_307, %mul3A_309 : vector<16xi32>
      %add3A_311 = vector.broadcast %arg0 : i32 to vector<16xi32>
      %add3A_312 = arith.addi %mul3A_310, %add3A_311 : vector<16xi32>
      %swap3A_313 = arith.constant 16 : index
      %swap3A_314 = tpu.vector_load %arg10[%swap3A_313] {strides = array<i32>} : memref<80xi32, #tpu.memory_space<vmem>>, vector<16xi32>,
      tpu.vector_store %arg10[%swap3A_313], %add3A_312 {strides = array<i32>} : memref<80xi32, #tpu.memory_space<vmem>>, vector<16xi32>,
      %get3A_315 = arith.constant 4 : i32
      %get3A_316 = arith.index_cast %get3A_315 : i32 to index
      %get3A_317 = arith.constant 32 : index
      %get3A_318 = tpu.vector_load %arg7[%get3A_316, %get3A_317] {strides = array<i32>} : memref<8x80xi32, #tpu.memory_space<vmem>>, vector<16xi32>,
      %mul3A_319 = arith.constant 2 : i32
      %mul3A_320 = vector.broadcast %mul3A_319 : i32 to vector<16xi32>
      %mul3A_321 = arith.muli %get3A_318, %mul3A_320 : vector<16xi32>
      %add3A_322 = vector.broadcast %arg0 : i32 to vector<16xi32>
      %add3A_323 = arith.addi %mul3A_321, %add3A_322 : vector<16xi32>
      %swap3A_324 = arith.constant 32 : index
      %swap3A_325 = tpu.vector_load %arg10[%swap3A_324] {strides = array<i32>} : memref<80xi32, #tpu.memory_space<vmem>>, vector<16xi32>,
      tpu.vector_store %arg10[%swap3A_324], %add3A_323 {strides = array<i32>} : memref<80xi32, #tpu.memory_space<vmem>>, vector<16xi32>,
      %get3A_326 = arith.constant 4 : i32
      %get3A_327 = arith.index_cast %get3A_326 : i32 to index
      %get3A_328 = arith.constant 48 : index
      %get3A_329 = tpu.vector_load %arg7[%get3A_327, %get3A_328] {strides = array<i32>} : memref<8x80xi32, #tpu.memory_space<vmem>>, vector<16xi32>,
      %mul3A_330 = arith.constant 2 : i32
      %mul3A_331 = vector.broadcast %mul3A_330 : i32 to vector<16xi32>
      %mul3A_332 = arith.muli %get3A_329, %mul3A_331 : vector<16xi32>
      %add3A_333 = vector.broadcast %arg0 : i32 to vector<16xi32>
      %add3A_334 = arith.addi %mul3A_332, %add3A_333 : vector<16xi32>
      %swap3A_335 = arith.constant 48 : index
      %swap3A_336 = tpu.vector_load %arg10[%swap3A_335] {strides = array<i32>} : memref<80xi32, #tpu.memory_space<vmem>>, vector<16xi32>,
      tpu.vector_store %arg10[%swap3A_335], %add3A_334 {strides = array<i32>} : memref<80xi32, #tpu.memory_space<vmem>>, vector<16xi32>,
      %get3A_337 = arith.constant 4 : i32
      %get3A_338 = arith.index_cast %get3A_337 : i32 to index
      %get3A_339 = arith.constant 64 : index
      %get3A_340 = tpu.vector_load %arg7[%get3A_338, %get3A_339] {strides = array<i32>} : memref<8x80xi32, #tpu.memory_space<vmem>>, vector<16xi32>,
      %mul3A_341 = arith.constant 2 : i32
      %mul3A_342 = vector.broadcast %mul3A_341 : i32 to vector<16xi32>
      %mul3A_343 = arith.muli %get3A_340, %mul3A_342 : vector<16xi32>
      %add3A_344 = vector.broadcast %arg0 : i32 to vector<16xi32>
      %add3A_345 = arith.addi %mul3A_343, %add3A_344 : vector<16xi32>
      %swap3A_346 = arith.constant 64 : index
      %swap3A_347 = tpu.vector_load %arg10[%swap3A_346] {strides = array<i32>} : memref<80xi32, #tpu.memory_space<vmem>>, vector<16xi32>,
      tpu.vector_store %arg10[%swap3A_346], %add3A_345 {strides = array<i32>} : memref<80xi32, #tpu.memory_space<vmem>>, vector<16xi32>,
      %dma_start3A_348 = arith.constant 0 : i32
      %dma_start3A_349 = arith.constant 0 : i32
      %dma_start3A_350 = tpu.memref_slice %arg2[%dma_start3A_348, %dma_start3A_349] : memref<20000x128xf32, #tpu.memory_space<hbm>> -> memref<20000x128xf32, #tpu.memory_space<hbm>>
      tpu.enqueue_indirect_dma source(%dma_start3A_350 : memref<20000x128xf32, #tpu.memory_space<hbm>>) target(%arg12 : memref<80x128xf32, #tpu.memory_space<vmem>>) offsets(%arg10 : memref<80xi32, #tpu.memory_space<vmem>>) semaphore(%arg14 : memref<!tpu.dma_semaphore, #tpu.memory_space<semaphore_mem>>)
      %scan3A_351 = arith.constant 0 : i32
      %scan3A_352 = arith.constant 80 : i32
      %scan3A_353 = arith.addi %scan3A_351, %scan3A_352 : i32
      %scan3A_354 = arith.constant 1 : i32
      scf.for %scan3A_567 = %scan3A_351 to %scan3A_353 step %scan3A_354  : i32 {
        %broadcast_in_dim3A = arith.constant 3 : i32
        %broadcast_in_dim3A_568 = vector.broadcast %broadcast_in_dim3A : i32 to vector<16xi32>
        %broadcast_in_dim3A_569 = vector.broadcast %scan3A_567 : i32 to vector<16xi32>
        %gather3A = tpu.vector_load_idx %arg9[%broadcast_in_dim3A_568, %broadcast_in_dim3A_569] : memref<8x80xf32, #tpu.memory_space<vmem>>[vector<16xi32>, vector<16xi32>], vector<16xf32>,
        %get3A_570 = arith.index_cast %scan3A_567 : i32 to index
        %get3A_571 = arith.constant 0 : index
        %get3A_572 = tpu.vector_load %arg13[%get3A_570, %get3A_571] {strides = array<i32>} : memref<80x128xf32, #tpu.memory_space<vmem>>, vector<16xf32>,
        %mul3A_573 = arith.mulf %get3A_572, %gather3A : vector<16xf32>
        %swap3A_574 = arith.index_cast %scan3A_567 : i32 to index
        %swap3A_575 = arith.constant 0 : index
        %swap3A_576 = tpu.vector_load %arg13[%swap3A_574, %swap3A_575] {strides = array<i32>} : memref<80x128xf32, #tpu.memory_space<vmem>>, vector<16xf32>,
        tpu.vector_store %arg13[%swap3A_574, %swap3A_575], %mul3A_573 {strides = array<i32>} : memref<80x128xf32, #tpu.memory_space<vmem>>, vector<16xf32>,
        %get3A_577 = arith.index_cast %scan3A_567 : i32 to index
        %get3A_578 = arith.constant 16 : index
        %get3A_579 = tpu.vector_load %arg13[%get3A_577, %get3A_578] {strides = array<i32>} : memref<80x128xf32, #tpu.memory_space<vmem>>, vector<16xf32>,
        %mul3A_580 = arith.mulf %get3A_579, %gather3A : vector<16xf32>
        %swap3A_581 = arith.index_cast %scan3A_567 : i32 to index
        %swap3A_582 = arith.constant 16 : index
        %swap3A_583 = tpu.vector_load %arg13[%swap3A_581, %swap3A_582] {strides = array<i32>} : memref<80x128xf32, #tpu.memory_space<vmem>>, vector<16xf32>,
        tpu.vector_store %arg13[%swap3A_581, %swap3A_582], %mul3A_580 {strides = array<i32>} : memref<80x128xf32, #tpu.memory_space<vmem>>, vector<16xf32>,
        %get3A_584 = arith.index_cast %scan3A_567 : i32 to index
        %get3A_585 = arith.constant 32 : index
        %get3A_586 = tpu.vector_load %arg13[%get3A_584, %get3A_585] {strides = array<i32>} : memref<80x128xf32, #tpu.memory_space<vmem>>, vector<16xf32>,
        %mul3A_587 = arith.mulf %get3A_586, %gather3A : vector<16xf32>
        %swap3A_588 = arith.index_cast %scan3A_567 : i32 to index
        %swap3A_589 = arith.constant 32 : index
        %swap3A_590 = tpu.vector_load %arg13[%swap3A_588, %swap3A_589] {strides = array<i32>} : memref<80x128xf32, #tpu.memory_space<vmem>>, vector<16xf32>,
        tpu.vector_store %arg13[%swap3A_588, %swap3A_589], %mul3A_587 {strides = array<i32>} : memref<80x128xf32, #tpu.memory_space<vmem>>, vector<16xf32>,
        %get3A_591 = arith.index_cast %scan3A_567 : i32 to index
        %get3A_592 = arith.constant 48 : index
        %get3A_593 = tpu.vector_load %arg13[%get3A_591, %get3A_592] {strides = array<i32>} : memref<80x128xf32, #tpu.memory_space<vmem>>, vector<16xf32>,
        %mul3A_594 = arith.mulf %get3A_593, %gather3A : vector<16xf32>
        %swap3A_595 = arith.index_cast %scan3A_567 : i32 to index
        %swap3A_596 = arith.constant 48 : index
        %swap3A_597 = tpu.vector_load %arg13[%swap3A_595, %swap3A_596] {strides = array<i32>} : memref<80x128xf32, #tpu.memory_space<vmem>>, vector<16xf32>,
        tpu.vector_store %arg13[%swap3A_595, %swap3A_596], %mul3A_594 {strides = array<i32>} : memref<80x128xf32, #tpu.memory_space<vmem>>, vector<16xf32>,
        %get3A_598 = arith.index_cast %scan3A_567 : i32 to index
        %get3A_599 = arith.constant 64 : index
        %get3A_600 = tpu.vector_load %arg13[%get3A_598, %get3A_599] {strides = array<i32>} : memref<80x128xf32, #tpu.memory_space<vmem>>, vector<16xf32>,
        %mul3A_601 = arith.mulf %get3A_600, %gather3A : vector<16xf32>
        %swap3A_602 = arith.index_cast %scan3A_567 : i32 to index
        %swap3A_603 = arith.constant 64 : index
        %swap3A_604 = tpu.vector_load %arg13[%swap3A_602, %swap3A_603] {strides = array<i32>} : memref<80x128xf32, #tpu.memory_space<vmem>>, vector<16xf32>,
        tpu.vector_store %arg13[%swap3A_602, %swap3A_603], %mul3A_601 {strides = array<i32>} : memref<80x128xf32, #tpu.memory_space<vmem>>, vector<16xf32>,
        %get3A_605 = arith.index_cast %scan3A_567 : i32 to index
        %get3A_606 = arith.constant 80 : index
        %get3A_607 = tpu.vector_load %arg13[%get3A_605, %get3A_606] {strides = array<i32>} : memref<80x128xf32, #tpu.memory_space<vmem>>, vector<16xf32>,
        %mul3A_608 = arith.mulf %get3A_607, %gather3A : vector<16xf32>
        %swap3A_609 = arith.index_cast %scan3A_567 : i32 to index
        %swap3A_610 = arith.constant 80 : index
        %swap3A_611 = tpu.vector_load %arg13[%swap3A_609, %swap3A_610] {strides = array<i32>} : memref<80x128xf32, #tpu.memory_space<vmem>>, vector<16xf32>,
        tpu.vector_store %arg13[%swap3A_609, %swap3A_610], %mul3A_608 {strides = array<i32>} : memref<80x128xf32, #tpu.memory_space<vmem>>, vector<16xf32>,
        %get3A_612 = arith.index_cast %scan3A_567 : i32 to index
        %get3A_613 = arith.constant 96 : index
        %get3A_614 = tpu.vector_load %arg13[%get3A_612, %get3A_613] {strides = array<i32>} : memref<80x128xf32, #tpu.memory_space<vmem>>, vector<16xf32>,
        %mul3A_615 = arith.mulf %get3A_614, %gather3A : vector<16xf32>
        %swap3A_616 = arith.index_cast %scan3A_567 : i32 to index
        %swap3A_617 = arith.constant 96 : index
        %swap3A_618 = tpu.vector_load %arg13[%swap3A_616, %swap3A_617] {strides = array<i32>} : memref<80x128xf32, #tpu.memory_space<vmem>>, vector<16xf32>,
        tpu.vector_store %arg13[%swap3A_616, %swap3A_617], %mul3A_615 {strides = array<i32>} : memref<80x128xf32, #tpu.memory_space<vmem>>, vector<16xf32>,
        %get3A_619 = arith.index_cast %scan3A_567 : i32 to index
        %get3A_620 = arith.constant 112 : index
        %get3A_621 = tpu.vector_load %arg13[%get3A_619, %get3A_620] {strides = array<i32>} : memref<80x128xf32, #tpu.memory_space<vmem>>, vector<16xf32>,
        %mul3A_622 = arith.mulf %get3A_621, %gather3A : vector<16xf32>
        %swap3A_623 = arith.index_cast %scan3A_567 : i32 to index
        %swap3A_624 = arith.constant 112 : index
        %swap3A_625 = tpu.vector_load %arg13[%swap3A_623, %swap3A_624] {strides = array<i32>} : memref<80x128xf32, #tpu.memory_space<vmem>>, vector<16xf32>,
        tpu.vector_store %arg13[%swap3A_623, %swap3A_624], %mul3A_622 {strides = array<i32>} : memref<80x128xf32, #tpu.memory_space<vmem>>, vector<16xf32>,
      }
      %scan3A_355 = arith.constant 80 : i32
      %run_scoped3A_356 = arith.constant 3 : i32
      "tpu.region"() ({
        %run_scoped3A_567 = tpu.sem_alloc : memref<!tpu.dma_semaphore, #tpu.memory_space<semaphore_mem>>
        %dma_start3A_568 = arith.constant 0 : i32
        %dma_start3A_569 = tpu.memref_slice %arg8[%run_scoped3A_356, %dma_start3A_568] : memref<8x80xi32, #tpu.memory_space<vmem>> -> memref<1x80xi32, #tpu.memory_space<vmem>>
        %dma_start3A_570 = tpu.memref_squeeze %dma_start3A_569 : memref<1x80xi32, #tpu.memory_space<vmem>> -> memref<80xi32, #tpu.memory_space<vmem>>
        %dma_start3A_571 = arith.constant 0 : i32
        %dma_start3A_572 = arith.constant 0 : i32
        %dma_start3A_573 = tpu.memref_slice %arg16[%dma_start3A_571, %dma_start3A_572] : memref<10240x128xf32, #tpu.memory_space<vmem_shared>> -> memref<10240x128xf32, #tpu.memory_space<vmem_shared>>
        tpu.enqueue_indirect_dma source(%arg13 : memref<80x128xf32, #tpu.memory_space<vmem>>) target(%dma_start3A_573 : memref<10240x128xf32, #tpu.memory_space<vmem_shared>>) offsets(%dma_start3A_570 : memref<80xi32, #tpu.memory_space<vmem>>) semaphore(%run_scoped3A_567 : memref<!tpu.dma_semaphore, #tpu.memory_space<semaphore_mem>>) {add = true}
        %dma_wait3A_574 = arith.constant 0 : i32
        %dma_wait3A_575 = tpu.memref_slice %arg8[%run_scoped3A_356, %dma_wait3A_574] : memref<8x80xi32, #tpu.memory_space<vmem>> -> memref<1x80xi32, #tpu.memory_space<vmem>>
        %dma_wait3A_576 = tpu.memref_squeeze %dma_wait3A_575 : memref<1x80xi32, #tpu.memory_space<vmem>> -> memref<80xi32, #tpu.memory_space<vmem>>
        %dma_wait3A_577 = arith.constant 0 : i32
        %dma_wait3A_578 = arith.constant 0 : i32
        %dma_wait3A_579 = tpu.memref_slice %arg16[%dma_wait3A_577, %dma_wait3A_578] : memref<10240x128xf32, #tpu.memory_space<vmem_shared>> -> memref<10240x128xf32, #tpu.memory_space<vmem_shared>>
        tpu.wait_indirect_dma semaphore(%run_scoped3A_567 : memref<!tpu.dma_semaphore, #tpu.memory_space<semaphore_mem>>) src(%arg13 : memref<80x128xf32, #tpu.memory_space<vmem>>) dst(%dma_wait3A_579 : memref<10240x128xf32, #tpu.memory_space<vmem_shared>>)
        tpu.yield
      }) : () -> ()
      %dma_wait3A_357 = arith.constant 0 : i32
      %dma_wait3A_358 = arith.constant 0 : i32
      %dma_wait3A_359 = tpu.memref_slice %arg2[%dma_wait3A_357, %dma_wait3A_358] : memref<20000x128xf32, #tpu.memory_space<hbm>> -> memref<20000x128xf32, #tpu.memory_space<hbm>>
      tpu.wait_indirect_dma semaphore(%arg14 : memref<!tpu.dma_semaphore, #tpu.memory_space<semaphore_mem>>) src(%dma_wait3A_359 : memref<20000x128xf32, #tpu.memory_space<hbm>>) dst(%arg12 : memref<80x128xf32, #tpu.memory_space<vmem>>)
      %get3A_360 = arith.constant 5 : i32
      %get3A_361 = arith.index_cast %get3A_360 : i32 to index
      %get3A_362 = arith.constant 0 : index
      %get3A_363 = tpu.vector_load %arg7[%get3A_361, %get3A_362] {strides = array<i32>} : memref<8x80xi32, #tpu.memory_space<vmem>>, vector<16xi32>,
      %mul3A_364 = arith.constant 2 : i32
      %mul3A_365 = vector.broadcast %mul3A_364 : i32 to vector<16xi32>
      %mul3A_366 = arith.muli %get3A_363, %mul3A_365 : vector<16xi32>
      %add3A_367 = vector.broadcast %arg0 : i32 to vector<16xi32>
      %add3A_368 = arith.addi %mul3A_366, %add3A_367 : vector<16xi32>
      %swap3A_369 = arith.constant 0 : index
      %swap3A_370 = tpu.vector_load %arg11[%swap3A_369] {strides = array<i32>} : memref<80xi32, #tpu.memory_space<vmem>>, vector<16xi32>,
      tpu.vector_store %arg11[%swap3A_369], %add3A_368 {strides = array<i32>} : memref<80xi32, #tpu.memory_space<vmem>>, vector<16xi32>,
      %get3A_371 = arith.constant 5 : i32
      %get3A_372 = arith.index_cast %get3A_371 : i32 to index
      %get3A_373 = arith.constant 16 : index
      %get3A_374 = tpu.vector_load %arg7[%get3A_372, %get3A_373] {strides = array<i32>} : memref<8x80xi32, #tpu.memory_space<vmem>>, vector<16xi32>,
      %mul3A_375 = arith.constant 2 : i32
      %mul3A_376 = vector.broadcast %mul3A_375 : i32 to vector<16xi32>
      %mul3A_377 = arith.muli %get3A_374, %mul3A_376 : vector<16xi32>
      %add3A_378 = vector.broadcast %arg0 : i32 to vector<16xi32>
      %add3A_379 = arith.addi %mul3A_377, %add3A_378 : vector<16xi32>
      %swap3A_380 = arith.constant 16 : index
      %swap3A_381 = tpu.vector_load %arg11[%swap3A_380] {strides = array<i32>} : memref<80xi32, #tpu.memory_space<vmem>>, vector<16xi32>,
      tpu.vector_store %arg11[%swap3A_380], %add3A_379 {strides = array<i32>} : memref<80xi32, #tpu.memory_space<vmem>>, vector<16xi32>,
      %get3A_382 = arith.constant 5 : i32
      %get3A_383 = arith.index_cast %get3A_382 : i32 to index
      %get3A_384 = arith.constant 32 : index
      %get3A_385 = tpu.vector_load %arg7[%get3A_383, %get3A_384] {strides = array<i32>} : memref<8x80xi32, #tpu.memory_space<vmem>>, vector<16xi32>,
      %mul3A_386 = arith.constant 2 : i32
      %mul3A_387 = vector.broadcast %mul3A_386 : i32 to vector<16xi32>
      %mul3A_388 = arith.muli %get3A_385, %mul3A_387 : vector<16xi32>
      %add3A_389 = vector.broadcast %arg0 : i32 to vector<16xi32>
      %add3A_390 = arith.addi %mul3A_388, %add3A_389 : vector<16xi32>
      %swap3A_391 = arith.constant 32 : index
      %swap3A_392 = tpu.vector_load %arg11[%swap3A_391] {strides = array<i32>} : memref<80xi32, #tpu.memory_space<vmem>>, vector<16xi32>,
      tpu.vector_store %arg11[%swap3A_391], %add3A_390 {strides = array<i32>} : memref<80xi32, #tpu.memory_space<vmem>>, vector<16xi32>,
      %get3A_393 = arith.constant 5 : i32
      %get3A_394 = arith.index_cast %get3A_393 : i32 to index
      %get3A_395 = arith.constant 48 : index
      %get3A_396 = tpu.vector_load %arg7[%get3A_394, %get3A_395] {strides = array<i32>} : memref<8x80xi32, #tpu.memory_space<vmem>>, vector<16xi32>,
      %mul3A_397 = arith.constant 2 : i32
      %mul3A_398 = vector.broadcast %mul3A_397 : i32 to vector<16xi32>
      %mul3A_399 = arith.muli %get3A_396, %mul3A_398 : vector<16xi32>
      %add3A_400 = vector.broadcast %arg0 : i32 to vector<16xi32>
      %add3A_401 = arith.addi %mul3A_399, %add3A_400 : vector<16xi32>
      %swap3A_402 = arith.constant 48 : index
      %swap3A_403 = tpu.vector_load %arg11[%swap3A_402] {strides = array<i32>} : memref<80xi32, #tpu.memory_space<vmem>>, vector<16xi32>,
      tpu.vector_store %arg11[%swap3A_402], %add3A_401 {strides = array<i32>} : memref<80xi32, #tpu.memory_space<vmem>>, vector<16xi32>,
      %get3A_404 = arith.constant 5 : i32
      %get3A_405 = arith.index_cast %get3A_404 : i32 to index
      %get3A_406 = arith.constant 64 : index
      %get3A_407 = tpu.vector_load %arg7[%get3A_405, %get3A_406] {strides = array<i32>} : memref<8x80xi32, #tpu.memory_space<vmem>>, vector<16xi32>,
      %mul3A_408 = arith.constant 2 : i32
      %mul3A_409 = vector.broadcast %mul3A_408 : i32 to vector<16xi32>
      %mul3A_410 = arith.muli %get3A_407, %mul3A_409 : vector<16xi32>
      %add3A_411 = vector.broadcast %arg0 : i32 to vector<16xi32>
      %add3A_412 = arith.addi %mul3A_410, %add3A_411 : vector<16xi32>
      %swap3A_413 = arith.constant 64 : index
      %swap3A_414 = tpu.vector_load %arg11[%swap3A_413] {strides = array<i32>} : memref<80xi32, #tpu.memory_space<vmem>>, vector<16xi32>,
      tpu.vector_store %arg11[%swap3A_413], %add3A_412 {strides = array<i32>} : memref<80xi32, #tpu.memory_space<vmem>>, vector<16xi32>,
      %dma_start3A_415 = arith.constant 0 : i32
      %dma_start3A_416 = arith.constant 0 : i32
      %dma_start3A_417 = tpu.memref_slice %arg2[%dma_start3A_415, %dma_start3A_416] : memref<20000x128xf32, #tpu.memory_space<hbm>> -> memref<20000x128xf32, #tpu.memory_space<hbm>>
      tpu.enqueue_indirect_dma source(%dma_start3A_417 : memref<20000x128xf32, #tpu.memory_space<hbm>>) target(%arg13 : memref<80x128xf32, #tpu.memory_space<vmem>>) offsets(%arg11 : memref<80xi32, #tpu.memory_space<vmem>>) semaphore(%arg15 : memref<!tpu.dma_semaphore, #tpu.memory_space<semaphore_mem>>)
      %scan3A_418 = arith.constant 0 : i32
      %scan3A_419 = arith.constant 80 : i32
      %scan3A_420 = arith.addi %scan3A_418, %scan3A_419 : i32
      %scan3A_421 = arith.constant 1 : i32
      scf.for %scan3A_567 = %scan3A_418 to %scan3A_420 step %scan3A_421  : i32 {
        %broadcast_in_dim3A = arith.constant 4 : i32
        %broadcast_in_dim3A_568 = vector.broadcast %broadcast_in_dim3A : i32 to vector<16xi32>
        %broadcast_in_dim3A_569 = vector.broadcast %scan3A_567 : i32 to vector<16xi32>
        %gather3A = tpu.vector_load_idx %arg9[%broadcast_in_dim3A_568, %broadcast_in_dim3A_569] : memref<8x80xf32, #tpu.memory_space<vmem>>[vector<16xi32>, vector<16xi32>], vector<16xf32>,
        %get3A_570 = arith.index_cast %scan3A_567 : i32 to index
        %get3A_571 = arith.constant 0 : index
        %get3A_572 = tpu.vector_load %arg12[%get3A_570, %get3A_571] {strides = array<i32>} : memref<80x128xf32, #tpu.memory_space<vmem>>, vector<16xf32>,
        %mul3A_573 = arith.mulf %get3A_572, %gather3A : vector<16xf32>
        %swap3A_574 = arith.index_cast %scan3A_567 : i32 to index
        %swap3A_575 = arith.constant 0 : index
        %swap3A_576 = tpu.vector_load %arg12[%swap3A_574, %swap3A_575] {strides = array<i32>} : memref<80x128xf32, #tpu.memory_space<vmem>>, vector<16xf32>,
        tpu.vector_store %arg12[%swap3A_574, %swap3A_575], %mul3A_573 {strides = array<i32>} : memref<80x128xf32, #tpu.memory_space<vmem>>, vector<16xf32>,
        %get3A_577 = arith.index_cast %scan3A_567 : i32 to index
        %get3A_578 = arith.constant 16 : index
        %get3A_579 = tpu.vector_load %arg12[%get3A_577, %get3A_578] {strides = array<i32>} : memref<80x128xf32, #tpu.memory_space<vmem>>, vector<16xf32>,
        %mul3A_580 = arith.mulf %get3A_579, %gather3A : vector<16xf32>
        %swap3A_581 = arith.index_cast %scan3A_567 : i32 to index
        %swap3A_582 = arith.constant 16 : index
        %swap3A_583 = tpu.vector_load %arg12[%swap3A_581, %swap3A_582] {strides = array<i32>} : memref<80x128xf32, #tpu.memory_space<vmem>>, vector<16xf32>,
        tpu.vector_store %arg12[%swap3A_581, %swap3A_582], %mul3A_580 {strides = array<i32>} : memref<80x128xf32, #tpu.memory_space<vmem>>, vector<16xf32>,
        %get3A_584 = arith.index_cast %scan3A_567 : i32 to index
        %get3A_585 = arith.constant 32 : index
        %get3A_586 = tpu.vector_load %arg12[%get3A_584, %get3A_585] {strides = array<i32>} : memref<80x128xf32, #tpu.memory_space<vmem>>, vector<16xf32>,
        %mul3A_587 = arith.mulf %get3A_586, %gather3A : vector<16xf32>
        %swap3A_588 = arith.index_cast %scan3A_567 : i32 to index
        %swap3A_589 = arith.constant 32 : index
        %swap3A_590 = tpu.vector_load %arg12[%swap3A_588, %swap3A_589] {strides = array<i32>} : memref<80x128xf32, #tpu.memory_space<vmem>>, vector<16xf32>,
        tpu.vector_store %arg12[%swap3A_588, %swap3A_589], %mul3A_587 {strides = array<i32>} : memref<80x128xf32, #tpu.memory_space<vmem>>, vector<16xf32>,
        %get3A_591 = arith.index_cast %scan3A_567 : i32 to index
        %get3A_592 = arith.constant 48 : index
        %get3A_593 = tpu.vector_load %arg12[%get3A_591, %get3A_592] {strides = array<i32>} : memref<80x128xf32, #tpu.memory_space<vmem>>, vector<16xf32>,
        %mul3A_594 = arith.mulf %get3A_593, %gather3A : vector<16xf32>
        %swap3A_595 = arith.index_cast %scan3A_567 : i32 to index
        %swap3A_596 = arith.constant 48 : index
        %swap3A_597 = tpu.vector_load %arg12[%swap3A_595, %swap3A_596] {strides = array<i32>} : memref<80x128xf32, #tpu.memory_space<vmem>>, vector<16xf32>,
        tpu.vector_store %arg12[%swap3A_595, %swap3A_596], %mul3A_594 {strides = array<i32>} : memref<80x128xf32, #tpu.memory_space<vmem>>, vector<16xf32>,
        %get3A_598 = arith.index_cast %scan3A_567 : i32 to index
        %get3A_599 = arith.constant 64 : index
        %get3A_600 = tpu.vector_load %arg12[%get3A_598, %get3A_599] {strides = array<i32>} : memref<80x128xf32, #tpu.memory_space<vmem>>, vector<16xf32>,
        %mul3A_601 = arith.mulf %get3A_600, %gather3A : vector<16xf32>
        %swap3A_602 = arith.index_cast %scan3A_567 : i32 to index
        %swap3A_603 = arith.constant 64 : index
        %swap3A_604 = tpu.vector_load %arg12[%swap3A_602, %swap3A_603] {strides = array<i32>} : memref<80x128xf32, #tpu.memory_space<vmem>>, vector<16xf32>,
        tpu.vector_store %arg12[%swap3A_602, %swap3A_603], %mul3A_601 {strides = array<i32>} : memref<80x128xf32, #tpu.memory_space<vmem>>, vector<16xf32>,
        %get3A_605 = arith.index_cast %scan3A_567 : i32 to index
        %get3A_606 = arith.constant 80 : index
        %get3A_607 = tpu.vector_load %arg12[%get3A_605, %get3A_606] {strides = array<i32>} : memref<80x128xf32, #tpu.memory_space<vmem>>, vector<16xf32>,
        %mul3A_608 = arith.mulf %get3A_607, %gather3A : vector<16xf32>
        %swap3A_609 = arith.index_cast %scan3A_567 : i32 to index
        %swap3A_610 = arith.constant 80 : index
        %swap3A_611 = tpu.vector_load %arg12[%swap3A_609, %swap3A_610] {strides = array<i32>} : memref<80x128xf32, #tpu.memory_space<vmem>>, vector<16xf32>,
        tpu.vector_store %arg12[%swap3A_609, %swap3A_610], %mul3A_608 {strides = array<i32>} : memref<80x128xf32, #tpu.memory_space<vmem>>, vector<16xf32>,
        %get3A_612 = arith.index_cast %scan3A_567 : i32 to index
        %get3A_613 = arith.constant 96 : index
        %get3A_614 = tpu.vector_load %arg12[%get3A_612, %get3A_613] {strides = array<i32>} : memref<80x128xf32, #tpu.memory_space<vmem>>, vector<16xf32>,
        %mul3A_615 = arith.mulf %get3A_614, %gather3A : vector<16xf32>
        %swap3A_616 = arith.index_cast %scan3A_567 : i32 to index
        %swap3A_617 = arith.constant 96 : index
        %swap3A_618 = tpu.vector_load %arg12[%swap3A_616, %swap3A_617] {strides = array<i32>} : memref<80x128xf32, #tpu.memory_space<vmem>>, vector<16xf32>,
        tpu.vector_store %arg12[%swap3A_616, %swap3A_617], %mul3A_615 {strides = array<i32>} : memref<80x128xf32, #tpu.memory_space<vmem>>, vector<16xf32>,
        %get3A_619 = arith.index_cast %scan3A_567 : i32 to index
        %get3A_620 = arith.constant 112 : index
        %get3A_621 = tpu.vector_load %arg12[%get3A_619, %get3A_620] {strides = array<i32>} : memref<80x128xf32, #tpu.memory_space<vmem>>, vector<16xf32>,
        %mul3A_622 = arith.mulf %get3A_621, %gather3A : vector<16xf32>
        %swap3A_623 = arith.index_cast %scan3A_567 : i32 to index
        %swap3A_624 = arith.constant 112 : index
        %swap3A_625 = tpu.vector_load %arg12[%swap3A_623, %swap3A_624] {strides = array<i32>} : memref<80x128xf32, #tpu.memory_space<vmem>>, vector<16xf32>,
        tpu.vector_store %arg12[%swap3A_623, %swap3A_624], %mul3A_622 {strides = array<i32>} : memref<80x128xf32, #tpu.memory_space<vmem>>, vector<16xf32>,
      }
      %scan3A_422 = arith.constant 80 : i32
      %run_scoped3A_423 = arith.constant 4 : i32
      "tpu.region"() ({
        %run_scoped3A_567 = tpu.sem_alloc : memref<!tpu.dma_semaphore, #tpu.memory_space<semaphore_mem>>
        %dma_start3A_568 = arith.constant 0 : i32
        %dma_start3A_569 = tpu.memref_slice %arg8[%run_scoped3A_423, %dma_start3A_568] : memref<8x80xi32, #tpu.memory_space<vmem>> -> memref<1x80xi32, #tpu.memory_space<vmem>>
        %dma_start3A_570 = tpu.memref_squeeze %dma_start3A_569 : memref<1x80xi32, #tpu.memory_space<vmem>> -> memref<80xi32, #tpu.memory_space<vmem>>
        %dma_start3A_571 = arith.constant 0 : i32
        %dma_start3A_572 = arith.constant 0 : i32
        %dma_start3A_573 = tpu.memref_slice %arg16[%dma_start3A_571, %dma_start3A_572] : memref<10240x128xf32, #tpu.memory_space<vmem_shared>> -> memref<10240x128xf32, #tpu.memory_space<vmem_shared>>
        tpu.enqueue_indirect_dma source(%arg12 : memref<80x128xf32, #tpu.memory_space<vmem>>) target(%dma_start3A_573 : memref<10240x128xf32, #tpu.memory_space<vmem_shared>>) offsets(%dma_start3A_570 : memref<80xi32, #tpu.memory_space<vmem>>) semaphore(%run_scoped3A_567 : memref<!tpu.dma_semaphore, #tpu.memory_space<semaphore_mem>>) {add = true}
        %dma_wait3A_574 = arith.constant 0 : i32
        %dma_wait3A_575 = tpu.memref_slice %arg8[%run_scoped3A_423, %dma_wait3A_574] : memref<8x80xi32, #tpu.memory_space<vmem>> -> memref<1x80xi32, #tpu.memory_space<vmem>>
        %dma_wait3A_576 = tpu.memref_squeeze %dma_wait3A_575 : memref<1x80xi32, #tpu.memory_space<vmem>> -> memref<80xi32, #tpu.memory_space<vmem>>
        %dma_wait3A_577 = arith.constant 0 : i32
        %dma_wait3A_578 = arith.constant 0 : i32
        %dma_wait3A_579 = tpu.memref_slice %arg16[%dma_wait3A_577, %dma_wait3A_578] : memref<10240x128xf32, #tpu.memory_space<vmem_shared>> -> memref<10240x128xf32, #tpu.memory_space<vmem_shared>>
        tpu.wait_indirect_dma semaphore(%run_scoped3A_567 : memref<!tpu.dma_semaphore, #tpu.memory_space<semaphore_mem>>) src(%arg12 : memref<80x128xf32, #tpu.memory_space<vmem>>) dst(%dma_wait3A_579 : memref<10240x128xf32, #tpu.memory_space<vmem_shared>>)
        tpu.yield
      }) : () -> ()
      %dma_wait3A_424 = arith.constant 0 : i32
      %dma_wait3A_425 = arith.constant 0 : i32
      %dma_wait3A_426 = tpu.memref_slice %arg2[%dma_wait3A_424, %dma_wait3A_425] : memref<20000x128xf32, #tpu.memory_space<hbm>> -> memref<20000x128xf32, #tpu.memory_space<hbm>>
      tpu.wait_indirect_dma semaphore(%arg15 : memref<!tpu.dma_semaphore, #tpu.memory_space<semaphore_mem>>) src(%dma_wait3A_426 : memref<20000x128xf32, #tpu.memory_space<hbm>>) dst(%arg13 : memref<80x128xf32, #tpu.memory_space<vmem>>)
      %get3A_427 = arith.constant 6 : i32
      %get3A_428 = arith.index_cast %get3A_427 : i32 to index
      %get3A_429 = arith.constant 0 : index
      %get3A_430 = tpu.vector_load %arg7[%get3A_428, %get3A_429] {strides = array<i32>} : memref<8x80xi32, #tpu.memory_space<vmem>>, vector<16xi32>,
      %mul3A_431 = arith.constant 2 : i32
      %mul3A_432 = vector.broadcast %mul3A_431 : i32 to vector<16xi32>
      %mul3A_433 = arith.muli %get3A_430, %mul3A_432 : vector<16xi32>
      %add3A_434 = vector.broadcast %arg0 : i32 to vector<16xi32>
      %add3A_435 = arith.addi %mul3A_433, %add3A_434 : vector<16xi32>
      %swap3A_436 = arith.constant 0 : index
      %swap3A_437 = tpu.vector_load %arg10[%swap3A_436] {strides = array<i32>} : memref<80xi32, #tpu.memory_space<vmem>>, vector<16xi32>,
      tpu.vector_store %arg10[%swap3A_436], %add3A_435 {strides = array<i32>} : memref<80xi32, #tpu.memory_space<vmem>>, vector<16xi32>,
      %get3A_438 = arith.constant 6 : i32
      %get3A_439 = arith.index_cast %get3A_438 : i32 to index
      %get3A_440 = arith.constant 16 : index
      %get3A_441 = tpu.vector_load %arg7[%get3A_439, %get3A_440] {strides = array<i32>} : memref<8x80xi32, #tpu.memory_space<vmem>>, vector<16xi32>,
      %mul3A_442 = arith.constant 2 : i32
      %mul3A_443 = vector.broadcast %mul3A_442 : i32 to vector<16xi32>
      %mul3A_444 = arith.muli %get3A_441, %mul3A_443 : vector<16xi32>
      %add3A_445 = vector.broadcast %arg0 : i32 to vector<16xi32>
      %add3A_446 = arith.addi %mul3A_444, %add3A_445 : vector<16xi32>
      %swap3A_447 = arith.constant 16 : index
      %swap3A_448 = tpu.vector_load %arg10[%swap3A_447] {strides = array<i32>} : memref<80xi32, #tpu.memory_space<vmem>>, vector<16xi32>,
      tpu.vector_store %arg10[%swap3A_447], %add3A_446 {strides = array<i32>} : memref<80xi32, #tpu.memory_space<vmem>>, vector<16xi32>,
      %get3A_449 = arith.constant 6 : i32
      %get3A_450 = arith.index_cast %get3A_449 : i32 to index
      %get3A_451 = arith.constant 32 : index
      %get3A_452 = tpu.vector_load %arg7[%get3A_450, %get3A_451] {strides = array<i32>} : memref<8x80xi32, #tpu.memory_space<vmem>>, vector<16xi32>,
      %mul3A_453 = arith.constant 2 : i32
      %mul3A_454 = vector.broadcast %mul3A_453 : i32 to vector<16xi32>
      %mul3A_455 = arith.muli %get3A_452, %mul3A_454 : vector<16xi32>
      %add3A_456 = vector.broadcast %arg0 : i32 to vector<16xi32>
      %add3A_457 = arith.addi %mul3A_455, %add3A_456 : vector<16xi32>
      %swap3A_458 = arith.constant 32 : index
      %swap3A_459 = tpu.vector_load %arg10[%swap3A_458] {strides = array<i32>} : memref<80xi32, #tpu.memory_space<vmem>>, vector<16xi32>,
      tpu.vector_store %arg10[%swap3A_458], %add3A_457 {strides = array<i32>} : memref<80xi32, #tpu.memory_space<vmem>>, vector<16xi32>,
      %get3A_460 = arith.constant 6 : i32
      %get3A_461 = arith.index_cast %get3A_460 : i32 to index
      %get3A_462 = arith.constant 48 : index
      %get3A_463 = tpu.vector_load %arg7[%get3A_461, %get3A_462] {strides = array<i32>} : memref<8x80xi32, #tpu.memory_space<vmem>>, vector<16xi32>,
      %mul3A_464 = arith.constant 2 : i32
      %mul3A_465 = vector.broadcast %mul3A_464 : i32 to vector<16xi32>
      %mul3A_466 = arith.muli %get3A_463, %mul3A_465 : vector<16xi32>
      %add3A_467 = vector.broadcast %arg0 : i32 to vector<16xi32>
      %add3A_468 = arith.addi %mul3A_466, %add3A_467 : vector<16xi32>
      %swap3A_469 = arith.constant 48 : index
      %swap3A_470 = tpu.vector_load %arg10[%swap3A_469] {strides = array<i32>} : memref<80xi32, #tpu.memory_space<vmem>>, vector<16xi32>,
      tpu.vector_store %arg10[%swap3A_469], %add3A_468 {strides = array<i32>} : memref<80xi32, #tpu.memory_space<vmem>>, vector<16xi32>,
      %get3A_471 = arith.constant 6 : i32
      %get3A_472 = arith.index_cast %get3A_471 : i32 to index
      %get3A_473 = arith.constant 64 : index
      %get3A_474 = tpu.vector_load %arg7[%get3A_472, %get3A_473] {strides = array<i32>} : memref<8x80xi32, #tpu.memory_space<vmem>>, vector<16xi32>,
      %mul3A_475 = arith.constant 2 : i32
      %mul3A_476 = vector.broadcast %mul3A_475 : i32 to vector<16xi32>
      %mul3A_477 = arith.muli %get3A_474, %mul3A_476 : vector<16xi32>
      %add3A_478 = vector.broadcast %arg0 : i32 to vector<16xi32>
      %add3A_479 = arith.addi %mul3A_477, %add3A_478 : vector<16xi32>
      %swap3A_480 = arith.constant 64 : index
      %swap3A_481 = tpu.vector_load %arg10[%swap3A_480] {strides = array<i32>} : memref<80xi32, #tpu.memory_space<vmem>>, vector<16xi32>,
      tpu.vector_store %arg10[%swap3A_480], %add3A_479 {strides = array<i32>} : memref<80xi32, #tpu.memory_space<vmem>>, vector<16xi32>,
      %dma_start3A_482 = arith.constant 0 : i32
      %dma_start3A_483 = arith.constant 0 : i32
      %dma_start3A_484 = tpu.memref_slice %arg2[%dma_start3A_482, %dma_start3A_483] : memref<20000x128xf32, #tpu.memory_space<hbm>> -> memref<20000x128xf32, #tpu.memory_space<hbm>>
      tpu.enqueue_indirect_dma source(%dma_start3A_484 : memref<20000x128xf32, #tpu.memory_space<hbm>>) target(%arg12 : memref<80x128xf32, #tpu.memory_space<vmem>>) offsets(%arg10 : memref<80xi32, #tpu.memory_space<vmem>>) semaphore(%arg14 : memref<!tpu.dma_semaphore, #tpu.memory_space<semaphore_mem>>)
      %scan3A_485 = arith.constant 0 : i32
      %scan3A_486 = arith.constant 80 : i32
      %scan3A_487 = arith.addi %scan3A_485, %scan3A_486 : i32
      %scan3A_488 = arith.constant 1 : i32
      scf.for %scan3A_567 = %scan3A_485 to %scan3A_487 step %scan3A_488  : i32 {
        %broadcast_in_dim3A = arith.constant 5 : i32
        %broadcast_in_dim3A_568 = vector.broadcast %broadcast_in_dim3A : i32 to vector<16xi32>
        %broadcast_in_dim3A_569 = vector.broadcast %scan3A_567 : i32 to vector<16xi32>
        %gather3A = tpu.vector_load_idx %arg9[%broadcast_in_dim3A_568, %broadcast_in_dim3A_569] : memref<8x80xf32, #tpu.memory_space<vmem>>[vector<16xi32>, vector<16xi32>], vector<16xf32>,
        %get3A_570 = arith.index_cast %scan3A_567 : i32 to index
        %get3A_571 = arith.constant 0 : index
        %get3A_572 = tpu.vector_load %arg13[%get3A_570, %get3A_571] {strides = array<i32>} : memref<80x128xf32, #tpu.memory_space<vmem>>, vector<16xf32>,
        %mul3A_573 = arith.mulf %get3A_572, %gather3A : vector<16xf32>
        %swap3A_574 = arith.index_cast %scan3A_567 : i32 to index
        %swap3A_575 = arith.constant 0 : index
        %swap3A_576 = tpu.vector_load %arg13[%swap3A_574, %swap3A_575] {strides = array<i32>} : memref<80x128xf32, #tpu.memory_space<vmem>>, vector<16xf32>,
        tpu.vector_store %arg13[%swap3A_574, %swap3A_575], %mul3A_573 {strides = array<i32>} : memref<80x128xf32, #tpu.memory_space<vmem>>, vector<16xf32>,
        %get3A_577 = arith.index_cast %scan3A_567 : i32 to index
        %get3A_578 = arith.constant 16 : index
        %get3A_579 = tpu.vector_load %arg13[%get3A_577, %get3A_578] {strides = array<i32>} : memref<80x128xf32, #tpu.memory_space<vmem>>, vector<16xf32>,
        %mul3A_580 = arith.mulf %get3A_579, %gather3A : vector<16xf32>
        %swap3A_581 = arith.index_cast %scan3A_567 : i32 to index
        %swap3A_582 = arith.constant 16 : index
        %swap3A_583 = tpu.vector_load %arg13[%swap3A_581, %swap3A_582] {strides = array<i32>} : memref<80x128xf32, #tpu.memory_space<vmem>>, vector<16xf32>,
        tpu.vector_store %arg13[%swap3A_581, %swap3A_582], %mul3A_580 {strides = array<i32>} : memref<80x128xf32, #tpu.memory_space<vmem>>, vector<16xf32>,
        %get3A_584 = arith.index_cast %scan3A_567 : i32 to index
        %get3A_585 = arith.constant 32 : index
        %get3A_586 = tpu.vector_load %arg13[%get3A_584, %get3A_585] {strides = array<i32>} : memref<80x128xf32, #tpu.memory_space<vmem>>, vector<16xf32>,
        %mul3A_587 = arith.mulf %get3A_586, %gather3A : vector<16xf32>
        %swap3A_588 = arith.index_cast %scan3A_567 : i32 to index
        %swap3A_589 = arith.constant 32 : index
        %swap3A_590 = tpu.vector_load %arg13[%swap3A_588, %swap3A_589] {strides = array<i32>} : memref<80x128xf32, #tpu.memory_space<vmem>>, vector<16xf32>,
        tpu.vector_store %arg13[%swap3A_588, %swap3A_589], %mul3A_587 {strides = array<i32>} : memref<80x128xf32, #tpu.memory_space<vmem>>, vector<16xf32>,
        %get3A_591 = arith.index_cast %scan3A_567 : i32 to index
        %get3A_592 = arith.constant 48 : index
        %get3A_593 = tpu.vector_load %arg13[%get3A_591, %get3A_592] {strides = array<i32>} : memref<80x128xf32, #tpu.memory_space<vmem>>, vector<16xf32>,
        %mul3A_594 = arith.mulf %get3A_593, %gather3A : vector<16xf32>
        %swap3A_595 = arith.index_cast %scan3A_567 : i32 to index
        %swap3A_596 = arith.constant 48 : index
        %swap3A_597 = tpu.vector_load %arg13[%swap3A_595, %swap3A_596] {strides = array<i32>} : memref<80x128xf32, #tpu.memory_space<vmem>>, vector<16xf32>,
        tpu.vector_store %arg13[%swap3A_595, %swap3A_596], %mul3A_594 {strides = array<i32>} : memref<80x128xf32, #tpu.memory_space<vmem>>, vector<16xf32>,
        %get3A_598 = arith.index_cast %scan3A_567 : i32 to index
        %get3A_599 = arith.constant 64 : index
        %get3A_600 = tpu.vector_load %arg13[%get3A_598, %get3A_599] {strides = array<i32>} : memref<80x128xf32, #tpu.memory_space<vmem>>, vector<16xf32>,
        %mul3A_601 = arith.mulf %get3A_600, %gather3A : vector<16xf32>
        %swap3A_602 = arith.index_cast %scan3A_567 : i32 to index
        %swap3A_603 = arith.constant 64 : index
        %swap3A_604 = tpu.vector_load %arg13[%swap3A_602, %swap3A_603] {strides = array<i32>} : memref<80x128xf32, #tpu.memory_space<vmem>>, vector<16xf32>,
        tpu.vector_store %arg13[%swap3A_602, %swap3A_603], %mul3A_601 {strides = array<i32>} : memref<80x128xf32, #tpu.memory_space<vmem>>, vector<16xf32>,
        %get3A_605 = arith.index_cast %scan3A_567 : i32 to index
        %get3A_606 = arith.constant 80 : index
        %get3A_607 = tpu.vector_load %arg13[%get3A_605, %get3A_606] {strides = array<i32>} : memref<80x128xf32, #tpu.memory_space<vmem>>, vector<16xf32>,
        %mul3A_608 = arith.mulf %get3A_607, %gather3A : vector<16xf32>
        %swap3A_609 = arith.index_cast %scan3A_567 : i32 to index
        %swap3A_610 = arith.constant 80 : index
        %swap3A_611 = tpu.vector_load %arg13[%swap3A_609, %swap3A_610] {strides = array<i32>} : memref<80x128xf32, #tpu.memory_space<vmem>>, vector<16xf32>,
        tpu.vector_store %arg13[%swap3A_609, %swap3A_610], %mul3A_608 {strides = array<i32>} : memref<80x128xf32, #tpu.memory_space<vmem>>, vector<16xf32>,
        %get3A_612 = arith.index_cast %scan3A_567 : i32 to index
        %get3A_613 = arith.constant 96 : index
        %get3A_614 = tpu.vector_load %arg13[%get3A_612, %get3A_613] {strides = array<i32>} : memref<80x128xf32, #tpu.memory_space<vmem>>, vector<16xf32>,
        %mul3A_615 = arith.mulf %get3A_614, %gather3A : vector<16xf32>
        %swap3A_616 = arith.index_cast %scan3A_567 : i32 to index
        %swap3A_617 = arith.constant 96 : index
        %swap3A_618 = tpu.vector_load %arg13[%swap3A_616, %swap3A_617] {strides = array<i32>} : memref<80x128xf32, #tpu.memory_space<vmem>>, vector<16xf32>,
        tpu.vector_store %arg13[%swap3A_616, %swap3A_617], %mul3A_615 {strides = array<i32>} : memref<80x128xf32, #tpu.memory_space<vmem>>, vector<16xf32>,
        %get3A_619 = arith.index_cast %scan3A_567 : i32 to index
        %get3A_620 = arith.constant 112 : index
        %get3A_621 = tpu.vector_load %arg13[%get3A_619, %get3A_620] {strides = array<i32>} : memref<80x128xf32, #tpu.memory_space<vmem>>, vector<16xf32>,
        %mul3A_622 = arith.mulf %get3A_621, %gather3A : vector<16xf32>
        %swap3A_623 = arith.index_cast %scan3A_567 : i32 to index
        %swap3A_624 = arith.constant 112 : index
        %swap3A_625 = tpu.vector_load %arg13[%swap3A_623, %swap3A_624] {strides = array<i32>} : memref<80x128xf32, #tpu.memory_space<vmem>>, vector<16xf32>,
        tpu.vector_store %arg13[%swap3A_623, %swap3A_624], %mul3A_622 {strides = array<i32>} : memref<80x128xf32, #tpu.memory_space<vmem>>, vector<16xf32>,
      }
      %scan3A_489 = arith.constant 80 : i32
      %run_scoped3A_490 = arith.constant 5 : i32
      "tpu.region"() ({
        %run_scoped3A_567 = tpu.sem_alloc : memref<!tpu.dma_semaphore, #tpu.memory_space<semaphore_mem>>
        %dma_start3A_568 = arith.constant 0 : i32
        %dma_start3A_569 = tpu.memref_slice %arg8[%run_scoped3A_490, %dma_start3A_568] : memref<8x80xi32, #tpu.memory_space<vmem>> -> memref<1x80xi32, #tpu.memory_space<vmem>>
        %dma_start3A_570 = tpu.memref_squeeze %dma_start3A_569 : memref<1x80xi32, #tpu.memory_space<vmem>> -> memref<80xi32, #tpu.memory_space<vmem>>
        %dma_start3A_571 = arith.constant 0 : i32
        %dma_start3A_572 = arith.constant 0 : i32
        %dma_start3A_573 = tpu.memref_slice %arg16[%dma_start3A_571, %dma_start3A_572] : memref<10240x128xf32, #tpu.memory_space<vmem_shared>> -> memref<10240x128xf32, #tpu.memory_space<vmem_shared>>
        tpu.enqueue_indirect_dma source(%arg13 : memref<80x128xf32, #tpu.memory_space<vmem>>) target(%dma_start3A_573 : memref<10240x128xf32, #tpu.memory_space<vmem_shared>>) offsets(%dma_start3A_570 : memref<80xi32, #tpu.memory_space<vmem>>) semaphore(%run_scoped3A_567 : memref<!tpu.dma_semaphore, #tpu.memory_space<semaphore_mem>>) {add = true}
        %dma_wait3A_574 = arith.constant 0 : i32
        %dma_wait3A_575 = tpu.memref_slice %arg8[%run_scoped3A_490, %dma_wait3A_574] : memref<8x80xi32, #tpu.memory_space<vmem>> -> memref<1x80xi32, #tpu.memory_space<vmem>>
        %dma_wait3A_576 = tpu.memref_squeeze %dma_wait3A_575 : memref<1x80xi32, #tpu.memory_space<vmem>> -> memref<80xi32, #tpu.memory_space<vmem>>
        %dma_wait3A_577 = arith.constant 0 : i32
        %dma_wait3A_578 = arith.constant 0 : i32
        %dma_wait3A_579 = tpu.memref_slice %arg16[%dma_wait3A_577, %dma_wait3A_578] : memref<10240x128xf32, #tpu.memory_space<vmem_shared>> -> memref<10240x128xf32, #tpu.memory_space<vmem_shared>>
        tpu.wait_indirect_dma semaphore(%run_scoped3A_567 : memref<!tpu.dma_semaphore, #tpu.memory_space<semaphore_mem>>) src(%arg13 : memref<80x128xf32, #tpu.memory_space<vmem>>) dst(%dma_wait3A_579 : memref<10240x128xf32, #tpu.memory_space<vmem_shared>>)
        tpu.yield
      }) : () -> ()
      %dma_wait3A_491 = arith.constant 0 : i32
      %dma_wait3A_492 = arith.constant 0 : i32
      %dma_wait3A_493 = tpu.memref_slice %arg2[%dma_wait3A_491, %dma_wait3A_492] : memref<20000x128xf32, #tpu.memory_space<hbm>> -> memref<20000x128xf32, #tpu.memory_space<hbm>>
      tpu.wait_indirect_dma semaphore(%arg14 : memref<!tpu.dma_semaphore, #tpu.memory_space<semaphore_mem>>) src(%dma_wait3A_493 : memref<20000x128xf32, #tpu.memory_space<hbm>>) dst(%arg12 : memref<80x128xf32, #tpu.memory_space<vmem>>)
      %get3A_494 = arith.constant 7 : i32
      %get3A_495 = arith.index_cast %get3A_494 : i32 to index
      %get3A_496 = arith.constant 0 : index
      %get3A_497 = tpu.vector_load %arg7[%get3A_495, %get3A_496] {strides = array<i32>} : memref<8x80xi32, #tpu.memory_space<vmem>>, vector<16xi32>,
      %mul3A_498 = arith.constant 2 : i32
      %mul3A_499 = vector.broadcast %mul3A_498 : i32 to vector<16xi32>
      %mul3A_500 = arith.muli %get3A_497, %mul3A_499 : vector<16xi32>
      %add3A_501 = vector.broadcast %arg0 : i32 to vector<16xi32>
      %add3A_502 = arith.addi %mul3A_500, %add3A_501 : vector<16xi32>
      %swap3A_503 = arith.constant 0 : index
      %swap3A_504 = tpu.vector_load %arg11[%swap3A_503] {strides = array<i32>} : memref<80xi32, #tpu.memory_space<vmem>>, vector<16xi32>,
      tpu.vector_store %arg11[%swap3A_503], %add3A_502 {strides = array<i32>} : memref<80xi32, #tpu.memory_space<vmem>>, vector<16xi32>,
      %get3A_505 = arith.constant 7 : i32
      %get3A_506 = arith.index_cast %get3A_505 : i32 to index
      %get3A_507 = arith.constant 16 : index
      %get3A_508 = tpu.vector_load %arg7[%get3A_506, %get3A_507] {strides = array<i32>} : memref<8x80xi32, #tpu.memory_space<vmem>>, vector<16xi32>,
      %mul3A_509 = arith.constant 2 : i32
      %mul3A_510 = vector.broadcast %mul3A_509 : i32 to vector<16xi32>
      %mul3A_511 = arith.muli %get3A_508, %mul3A_510 : vector<16xi32>
      %add3A_512 = vector.broadcast %arg0 : i32 to vector<16xi32>
      %add3A_513 = arith.addi %mul3A_511, %add3A_512 : vector<16xi32>
      %swap3A_514 = arith.constant 16 : index
      %swap3A_515 = tpu.vector_load %arg11[%swap3A_514] {strides = array<i32>} : memref<80xi32, #tpu.memory_space<vmem>>, vector<16xi32>,
      tpu.vector_store %arg11[%swap3A_514], %add3A_513 {strides = array<i32>} : memref<80xi32, #tpu.memory_space<vmem>>, vector<16xi32>,
      %get3A_516 = arith.constant 7 : i32
      %get3A_517 = arith.index_cast %get3A_516 : i32 to index
      %get3A_518 = arith.constant 32 : index
      %get3A_519 = tpu.vector_load %arg7[%get3A_517, %get3A_518] {strides = array<i32>} : memref<8x80xi32, #tpu.memory_space<vmem>>, vector<16xi32>,
      %mul3A_520 = arith.constant 2 : i32
      %mul3A_521 = vector.broadcast %mul3A_520 : i32 to vector<16xi32>
      %mul3A_522 = arith.muli %get3A_519, %mul3A_521 : vector<16xi32>
      %add3A_523 = vector.broadcast %arg0 : i32 to vector<16xi32>
      %add3A_524 = arith.addi %mul3A_522, %add3A_523 : vector<16xi32>
      %swap3A_525 = arith.constant 32 : index
      %swap3A_526 = tpu.vector_load %arg11[%swap3A_525] {strides = array<i32>} : memref<80xi32, #tpu.memory_space<vmem>>, vector<16xi32>,
      tpu.vector_store %arg11[%swap3A_525], %add3A_524 {strides = array<i32>} : memref<80xi32, #tpu.memory_space<vmem>>, vector<16xi32>,
      %get3A_527 = arith.constant 7 : i32
      %get3A_528 = arith.index_cast %get3A_527 : i32 to index
      %get3A_529 = arith.constant 48 : index
      %get3A_530 = tpu.vector_load %arg7[%get3A_528, %get3A_529] {strides = array<i32>} : memref<8x80xi32, #tpu.memory_space<vmem>>, vector<16xi32>,
      %mul3A_531 = arith.constant 2 : i32
      %mul3A_532 = vector.broadcast %mul3A_531 : i32 to vector<16xi32>
      %mul3A_533 = arith.muli %get3A_530, %mul3A_532 : vector<16xi32>
      %add3A_534 = vector.broadcast %arg0 : i32 to vector<16xi32>
      %add3A_535 = arith.addi %mul3A_533, %add3A_534 : vector<16xi32>
      %swap3A_536 = arith.constant 48 : index
      %swap3A_537 = tpu.vector_load %arg11[%swap3A_536] {strides = array<i32>} : memref<80xi32, #tpu.memory_space<vmem>>, vector<16xi32>,
      tpu.vector_store %arg11[%swap3A_536], %add3A_535 {strides = array<i32>} : memref<80xi32, #tpu.memory_space<vmem>>, vector<16xi32>,
      %get3A_538 = arith.constant 7 : i32
      %get3A_539 = arith.index_cast %get3A_538 : i32 to index
      %get3A_540 = arith.constant 64 : index
      %get3A_541 = tpu.vector_load %arg7[%get3A_539, %get3A_540] {strides = array<i32>} : memref<8x80xi32, #tpu.memory_space<vmem>>, vector<16xi32>,
      %mul3A_542 = arith.constant 2 : i32
      %mul3A_543 = vector.broadcast %mul3A_542 : i32 to vector<16xi32>
      %mul3A_544 = arith.muli %get3A_541, %mul3A_543 : vector<16xi32>
      %add3A_545 = vector.broadcast %arg0 : i32 to vector<16xi32>
      %add3A_546 = arith.addi %mul3A_544, %add3A_545 : vector<16xi32>
      %swap3A_547 = arith.constant 64 : index
      %swap3A_548 = tpu.vector_load %arg11[%swap3A_547] {strides = array<i32>} : memref<80xi32, #tpu.memory_space<vmem>>, vector<16xi32>,
      tpu.vector_store %arg11[%swap3A_547], %add3A_546 {strides = array<i32>} : memref<80xi32, #tpu.memory_space<vmem>>, vector<16xi32>,
      %dma_start3A_549 = arith.constant 0 : i32
      %dma_start3A_550 = arith.constant 0 : i32
      %dma_start3A_551 = tpu.memref_slice %arg2[%dma_start3A_549, %dma_start3A_550] : memref<20000x128xf32, #tpu.memory_space<hbm>> -> memref<20000x128xf32, #tpu.memory_space<hbm>>
      tpu.enqueue_indirect_dma source(%dma_start3A_551 : memref<20000x128xf32, #tpu.memory_space<hbm>>) target(%arg13 : memref<80x128xf32, #tpu.memory_space<vmem>>) offsets(%arg11 : memref<80xi32, #tpu.memory_space<vmem>>) semaphore(%arg15 : memref<!tpu.dma_semaphore, #tpu.memory_space<semaphore_mem>>)
      %scan3A_552 = arith.constant 0 : i32
      %scan3A_553 = arith.constant 80 : i32
      %scan3A_554 = arith.addi %scan3A_552, %scan3A_553 : i32
      %scan3A_555 = arith.constant 1 : i32
      scf.for %scan3A_567 = %scan3A_552 to %scan3A_554 step %scan3A_555  : i32 {
        %broadcast_in_dim3A = arith.constant 6 : i32
        %broadcast_in_dim3A_568 = vector.broadcast %broadcast_in_dim3A : i32 to vector<16xi32>
        %broadcast_in_dim3A_569 = vector.broadcast %scan3A_567 : i32 to vector<16xi32>
        %gather3A = tpu.vector_load_idx %arg9[%broadcast_in_dim3A_568, %broadcast_in_dim3A_569] : memref<8x80xf32, #tpu.memory_space<vmem>>[vector<16xi32>, vector<16xi32>], vector<16xf32>,
        %get3A_570 = arith.index_cast %scan3A_567 : i32 to index
        %get3A_571 = arith.constant 0 : index
        %get3A_572 = tpu.vector_load %arg12[%get3A_570, %get3A_571] {strides = array<i32>} : memref<80x128xf32, #tpu.memory_space<vmem>>, vector<16xf32>,
        %mul3A_573 = arith.mulf %get3A_572, %gather3A : vector<16xf32>
        %swap3A_574 = arith.index_cast %scan3A_567 : i32 to index
        %swap3A_575 = arith.constant 0 : index
        %swap3A_576 = tpu.vector_load %arg12[%swap3A_574, %swap3A_575] {strides = array<i32>} : memref<80x128xf32, #tpu.memory_space<vmem>>, vector<16xf32>,
        tpu.vector_store %arg12[%swap3A_574, %swap3A_575], %mul3A_573 {strides = array<i32>} : memref<80x128xf32, #tpu.memory_space<vmem>>, vector<16xf32>,
        %get3A_577 = arith.index_cast %scan3A_567 : i32 to index
        %get3A_578 = arith.constant 16 : index
        %get3A_579 = tpu.vector_load %arg12[%get3A_577, %get3A_578] {strides = array<i32>} : memref<80x128xf32, #tpu.memory_space<vmem>>, vector<16xf32>,
        %mul3A_580 = arith.mulf %get3A_579, %gather3A : vector<16xf32>
        %swap3A_581 = arith.index_cast %scan3A_567 : i32 to index
        %swap3A_582 = arith.constant 16 : index
        %swap3A_583 = tpu.vector_load %arg12[%swap3A_581, %swap3A_582] {strides = array<i32>} : memref<80x128xf32, #tpu.memory_space<vmem>>, vector<16xf32>,
        tpu.vector_store %arg12[%swap3A_581, %swap3A_582], %mul3A_580 {strides = array<i32>} : memref<80x128xf32, #tpu.memory_space<vmem>>, vector<16xf32>,
        %get3A_584 = arith.index_cast %scan3A_567 : i32 to index
        %get3A_585 = arith.constant 32 : index
        %get3A_586 = tpu.vector_load %arg12[%get3A_584, %get3A_585] {strides = array<i32>} : memref<80x128xf32, #tpu.memory_space<vmem>>, vector<16xf32>,
        %mul3A_587 = arith.mulf %get3A_586, %gather3A : vector<16xf32>
        %swap3A_588 = arith.index_cast %scan3A_567 : i32 to index
        %swap3A_589 = arith.constant 32 : index
        %swap3A_590 = tpu.vector_load %arg12[%swap3A_588, %swap3A_589] {strides = array<i32>} : memref<80x128xf32, #tpu.memory_space<vmem>>, vector<16xf32>,
        tpu.vector_store %arg12[%swap3A_588, %swap3A_589], %mul3A_587 {strides = array<i32>} : memref<80x128xf32, #tpu.memory_space<vmem>>, vector<16xf32>,
        %get3A_591 = arith.index_cast %scan3A_567 : i32 to index
        %get3A_592 = arith.constant 48 : index
        %get3A_593 = tpu.vector_load %arg12[%get3A_591, %get3A_592] {strides = array<i32>} : memref<80x128xf32, #tpu.memory_space<vmem>>, vector<16xf32>,
        %mul3A_594 = arith.mulf %get3A_593, %gather3A : vector<16xf32>
        %swap3A_595 = arith.index_cast %scan3A_567 : i32 to index
        %swap3A_596 = arith.constant 48 : index
        %swap3A_597 = tpu.vector_load %arg12[%swap3A_595, %swap3A_596] {strides = array<i32>} : memref<80x128xf32, #tpu.memory_space<vmem>>, vector<16xf32>,
        tpu.vector_store %arg12[%swap3A_595, %swap3A_596], %mul3A_594 {strides = array<i32>} : memref<80x128xf32, #tpu.memory_space<vmem>>, vector<16xf32>,
        %get3A_598 = arith.index_cast %scan3A_567 : i32 to index
        %get3A_599 = arith.constant 64 : index
        %get3A_600 = tpu.vector_load %arg12[%get3A_598, %get3A_599] {strides = array<i32>} : memref<80x128xf32, #tpu.memory_space<vmem>>, vector<16xf32>,
        %mul3A_601 = arith.mulf %get3A_600, %gather3A : vector<16xf32>
        %swap3A_602 = arith.index_cast %scan3A_567 : i32 to index
        %swap3A_603 = arith.constant 64 : index
        %swap3A_604 = tpu.vector_load %arg12[%swap3A_602, %swap3A_603] {strides = array<i32>} : memref<80x128xf32, #tpu.memory_space<vmem>>, vector<16xf32>,
        tpu.vector_store %arg12[%swap3A_602, %swap3A_603], %mul3A_601 {strides = array<i32>} : memref<80x128xf32, #tpu.memory_space<vmem>>, vector<16xf32>,
        %get3A_605 = arith.index_cast %scan3A_567 : i32 to index
        %get3A_606 = arith.constant 80 : index
        %get3A_607 = tpu.vector_load %arg12[%get3A_605, %get3A_606] {strides = array<i32>} : memref<80x128xf32, #tpu.memory_space<vmem>>, vector<16xf32>,
        %mul3A_608 = arith.mulf %get3A_607, %gather3A : vector<16xf32>
        %swap3A_609 = arith.index_cast %scan3A_567 : i32 to index
        %swap3A_610 = arith.constant 80 : index
        %swap3A_611 = tpu.vector_load %arg12[%swap3A_609, %swap3A_610] {strides = array<i32>} : memref<80x128xf32, #tpu.memory_space<vmem>>, vector<16xf32>,
        tpu.vector_store %arg12[%swap3A_609, %swap3A_610], %mul3A_608 {strides = array<i32>} : memref<80x128xf32, #tpu.memory_space<vmem>>, vector<16xf32>,
        %get3A_612 = arith.index_cast %scan3A_567 : i32 to index
        %get3A_613 = arith.constant 96 : index
        %get3A_614 = tpu.vector_load %arg12[%get3A_612, %get3A_613] {strides = array<i32>} : memref<80x128xf32, #tpu.memory_space<vmem>>, vector<16xf32>,
        %mul3A_615 = arith.mulf %get3A_614, %gather3A : vector<16xf32>
        %swap3A_616 = arith.index_cast %scan3A_567 : i32 to index
        %swap3A_617 = arith.constant 96 : index
        %swap3A_618 = tpu.vector_load %arg12[%swap3A_616, %swap3A_617] {strides = array<i32>} : memref<80x128xf32, #tpu.memory_space<vmem>>, vector<16xf32>,
        tpu.vector_store %arg12[%swap3A_616, %swap3A_617], %mul3A_615 {strides = array<i32>} : memref<80x128xf32, #tpu.memory_space<vmem>>, vector<16xf32>,
        %get3A_619 = arith.index_cast %scan3A_567 : i32 to index
        %get3A_620 = arith.constant 112 : index
        %get3A_621 = tpu.vector_load %arg12[%get3A_619, %get3A_620] {strides = array<i32>} : memref<80x128xf32, #tpu.memory_space<vmem>>, vector<16xf32>,
        %mul3A_622 = arith.mulf %get3A_621, %gather3A : vector<16xf32>
        %swap3A_623 = arith.index_cast %scan3A_567 : i32 to index
        %swap3A_624 = arith.constant 112 : index
        %swap3A_625 = tpu.vector_load %arg12[%swap3A_623, %swap3A_624] {strides = array<i32>} : memref<80x128xf32, #tpu.memory_space<vmem>>, vector<16xf32>,
        tpu.vector_store %arg12[%swap3A_623, %swap3A_624], %mul3A_622 {strides = array<i32>} : memref<80x128xf32, #tpu.memory_space<vmem>>, vector<16xf32>,
      }
      %scan3A_556 = arith.constant 80 : i32
      %run_scoped3A_557 = arith.constant 6 : i32
      "tpu.region"() ({
        %run_scoped3A_567 = tpu.sem_alloc : memref<!tpu.dma_semaphore, #tpu.memory_space<semaphore_mem>>
        %dma_start3A_568 = arith.constant 0 : i32
        %dma_start3A_569 = tpu.memref_slice %arg8[%run_scoped3A_557, %dma_start3A_568] : memref<8x80xi32, #tpu.memory_space<vmem>> -> memref<1x80xi32, #tpu.memory_space<vmem>>
        %dma_start3A_570 = tpu.memref_squeeze %dma_start3A_569 : memref<1x80xi32, #tpu.memory_space<vmem>> -> memref<80xi32, #tpu.memory_space<vmem>>
        %dma_start3A_571 = arith.constant 0 : i32
        %dma_start3A_572 = arith.constant 0 : i32
        %dma_start3A_573 = tpu.memref_slice %arg16[%dma_start3A_571, %dma_start3A_572] : memref<10240x128xf32, #tpu.memory_space<vmem_shared>> -> memref<10240x128xf32, #tpu.memory_space<vmem_shared>>
        tpu.enqueue_indirect_dma source(%arg12 : memref<80x128xf32, #tpu.memory_space<vmem>>) target(%dma_start3A_573 : memref<10240x128xf32, #tpu.memory_space<vmem_shared>>) offsets(%dma_start3A_570 : memref<80xi32, #tpu.memory_space<vmem>>) semaphore(%run_scoped3A_567 : memref<!tpu.dma_semaphore, #tpu.memory_space<semaphore_mem>>) {add = true}
        %dma_wait3A_574 = arith.constant 0 : i32
        %dma_wait3A_575 = tpu.memref_slice %arg8[%run_scoped3A_557, %dma_wait3A_574] : memref<8x80xi32, #tpu.memory_space<vmem>> -> memref<1x80xi32, #tpu.memory_space<vmem>>
        %dma_wait3A_576 = tpu.memref_squeeze %dma_wait3A_575 : memref<1x80xi32, #tpu.memory_space<vmem>> -> memref<80xi32, #tpu.memory_space<vmem>>
        %dma_wait3A_577 = arith.constant 0 : i32
        %dma_wait3A_578 = arith.constant 0 : i32
        %dma_wait3A_579 = tpu.memref_slice %arg16[%dma_wait3A_577, %dma_wait3A_578] : memref<10240x128xf32, #tpu.memory_space<vmem_shared>> -> memref<10240x128xf32, #tpu.memory_space<vmem_shared>>
        tpu.wait_indirect_dma semaphore(%run_scoped3A_567 : memref<!tpu.dma_semaphore, #tpu.memory_space<semaphore_mem>>) src(%arg12 : memref<80x128xf32, #tpu.memory_space<vmem>>) dst(%dma_wait3A_579 : memref<10240x128xf32, #tpu.memory_space<vmem_shared>>)
        tpu.yield
      }) : () -> ()
      %dma_wait3A_558 = arith.constant 0 : i32
      %dma_wait3A_559 = arith.constant 0 : i32
      %dma_wait3A_560 = tpu.memref_slice %arg2[%dma_wait3A_558, %dma_wait3A_559] : memref<20000x128xf32, #tpu.memory_space<hbm>> -> memref<20000x128xf32, #tpu.memory_space<hbm>>
      tpu.wait_indirect_dma semaphore(%arg15 : memref<!tpu.dma_semaphore, #tpu.memory_space<semaphore_mem>>) src(%dma_wait3A_560 : memref<20000x128xf32, #tpu.memory_space<hbm>>) dst(%arg13 : memref<80x128xf32, #tpu.memory_space<vmem>>)
      %scan3A_561 = arith.constant 0 : i32
      %scan3A_562 = arith.constant 80 : i32
      %scan3A_563 = arith.addi %scan3A_561, %scan3A_562 : i32
      %scan3A_564 = arith.constant 1 : i32
      scf.for %scan3A_567 = %scan3A_561 to %scan3A_563 step %scan3A_564  : i32 {
        %broadcast_in_dim3A = arith.constant 7 : i32
        %broadcast_in_dim3A_568 = vector.broadcast %broadcast_in_dim3A : i32 to vector<16xi32>
        %broadcast_in_dim3A_569 = vector.broadcast %scan3A_567 : i32 to vector<16xi32>
        %gather3A = tpu.vector_load_idx %arg9[%broadcast_in_dim3A_568, %broadcast_in_dim3A_569] : memref<8x80xf32, #tpu.memory_space<vmem>>[vector<16xi32>, vector<16xi32>], vector<16xf32>,
        %get3A_570 = arith.index_cast %scan3A_567 : i32 to index
        %get3A_571 = arith.constant 0 : index
        %get3A_572 = tpu.vector_load %arg13[%get3A_570, %get3A_571] {strides = array<i32>} : memref<80x128xf32, #tpu.memory_space<vmem>>, vector<16xf32>,
        %mul3A_573 = arith.mulf %get3A_572, %gather3A : vector<16xf32>
        %swap3A_574 = arith.index_cast %scan3A_567 : i32 to index
        %swap3A_575 = arith.constant 0 : index
        %swap3A_576 = tpu.vector_load %arg13[%swap3A_574, %swap3A_575] {strides = array<i32>} : memref<80x128xf32, #tpu.memory_space<vmem>>, vector<16xf32>,
        tpu.vector_store %arg13[%swap3A_574, %swap3A_575], %mul3A_573 {strides = array<i32>} : memref<80x128xf32, #tpu.memory_space<vmem>>, vector<16xf32>,
        %get3A_577 = arith.index_cast %scan3A_567 : i32 to index
        %get3A_578 = arith.constant 16 : index
        %get3A_579 = tpu.vector_load %arg13[%get3A_577, %get3A_578] {strides = array<i32>} : memref<80x128xf32, #tpu.memory_space<vmem>>, vector<16xf32>,
        %mul3A_580 = arith.mulf %get3A_579, %gather3A : vector<16xf32>
        %swap3A_581 = arith.index_cast %scan3A_567 : i32 to index
        %swap3A_582 = arith.constant 16 : index
        %swap3A_583 = tpu.vector_load %arg13[%swap3A_581, %swap3A_582] {strides = array<i32>} : memref<80x128xf32, #tpu.memory_space<vmem>>, vector<16xf32>,
        tpu.vector_store %arg13[%swap3A_581, %swap3A_582], %mul3A_580 {strides = array<i32>} : memref<80x128xf32, #tpu.memory_space<vmem>>, vector<16xf32>,
        %get3A_584 = arith.index_cast %scan3A_567 : i32 to index
        %get3A_585 = arith.constant 32 : index
        %get3A_586 = tpu.vector_load %arg13[%get3A_584, %get3A_585] {strides = array<i32>} : memref<80x128xf32, #tpu.memory_space<vmem>>, vector<16xf32>,
        %mul3A_587 = arith.mulf %get3A_586, %gather3A : vector<16xf32>
        %swap3A_588 = arith.index_cast %scan3A_567 : i32 to index
        %swap3A_589 = arith.constant 32 : index
        %swap3A_590 = tpu.vector_load %arg13[%swap3A_588, %swap3A_589] {strides = array<i32>} : memref<80x128xf32, #tpu.memory_space<vmem>>, vector<16xf32>,
        tpu.vector_store %arg13[%swap3A_588, %swap3A_589], %mul3A_587 {strides = array<i32>} : memref<80x128xf32, #tpu.memory_space<vmem>>, vector<16xf32>,
        %get3A_591 = arith.index_cast %scan3A_567 : i32 to index
        %get3A_592 = arith.constant 48 : index
        %get3A_593 = tpu.vector_load %arg13[%get3A_591, %get3A_592] {strides = array<i32>} : memref<80x128xf32, #tpu.memory_space<vmem>>, vector<16xf32>,
        %mul3A_594 = arith.mulf %get3A_593, %gather3A : vector<16xf32>
        %swap3A_595 = arith.index_cast %scan3A_567 : i32 to index
        %swap3A_596 = arith.constant 48 : index
        %swap3A_597 = tpu.vector_load %arg13[%swap3A_595, %swap3A_596] {strides = array<i32>} : memref<80x128xf32, #tpu.memory_space<vmem>>, vector<16xf32>,
        tpu.vector_store %arg13[%swap3A_595, %swap3A_596], %mul3A_594 {strides = array<i32>} : memref<80x128xf32, #tpu.memory_space<vmem>>, vector<16xf32>,
        %get3A_598 = arith.index_cast %scan3A_567 : i32 to index
        %get3A_599 = arith.constant 64 : index
        %get3A_600 = tpu.vector_load %arg13[%get3A_598, %get3A_599] {strides = array<i32>} : memref<80x128xf32, #tpu.memory_space<vmem>>, vector<16xf32>,
        %mul3A_601 = arith.mulf %get3A_600, %gather3A : vector<16xf32>
        %swap3A_602 = arith.index_cast %scan3A_567 : i32 to index
        %swap3A_603 = arith.constant 64 : index
        %swap3A_604 = tpu.vector_load %arg13[%swap3A_602, %swap3A_603] {strides = array<i32>} : memref<80x128xf32, #tpu.memory_space<vmem>>, vector<16xf32>,
        tpu.vector_store %arg13[%swap3A_602, %swap3A_603], %mul3A_601 {strides = array<i32>} : memref<80x128xf32, #tpu.memory_space<vmem>>, vector<16xf32>,
        %get3A_605 = arith.index_cast %scan3A_567 : i32 to index
        %get3A_606 = arith.constant 80 : index
        %get3A_607 = tpu.vector_load %arg13[%get3A_605, %get3A_606] {strides = array<i32>} : memref<80x128xf32, #tpu.memory_space<vmem>>, vector<16xf32>,
        %mul3A_608 = arith.mulf %get3A_607, %gather3A : vector<16xf32>
        %swap3A_609 = arith.index_cast %scan3A_567 : i32 to index
        %swap3A_610 = arith.constant 80 : index
        %swap3A_611 = tpu.vector_load %arg13[%swap3A_609, %swap3A_610] {strides = array<i32>} : memref<80x128xf32, #tpu.memory_space<vmem>>, vector<16xf32>,
        tpu.vector_store %arg13[%swap3A_609, %swap3A_610], %mul3A_608 {strides = array<i32>} : memref<80x128xf32, #tpu.memory_space<vmem>>, vector<16xf32>,
        %get3A_612 = arith.index_cast %scan3A_567 : i32 to index
        %get3A_613 = arith.constant 96 : index
        %get3A_614 = tpu.vector_load %arg13[%get3A_612, %get3A_613] {strides = array<i32>} : memref<80x128xf32, #tpu.memory_space<vmem>>, vector<16xf32>,
        %mul3A_615 = arith.mulf %get3A_614, %gather3A : vector<16xf32>
        %swap3A_616 = arith.index_cast %scan3A_567 : i32 to index
        %swap3A_617 = arith.constant 96 : index
        %swap3A_618 = tpu.vector_load %arg13[%swap3A_616, %swap3A_617] {strides = array<i32>} : memref<80x128xf32, #tpu.memory_space<vmem>>, vector<16xf32>,
        tpu.vector_store %arg13[%swap3A_616, %swap3A_617], %mul3A_615 {strides = array<i32>} : memref<80x128xf32, #tpu.memory_space<vmem>>, vector<16xf32>,
        %get3A_619 = arith.index_cast %scan3A_567 : i32 to index
        %get3A_620 = arith.constant 112 : index
        %get3A_621 = tpu.vector_load %arg13[%get3A_619, %get3A_620] {strides = array<i32>} : memref<80x128xf32, #tpu.memory_space<vmem>>, vector<16xf32>,
        %mul3A_622 = arith.mulf %get3A_621, %gather3A : vector<16xf32>
        %swap3A_623 = arith.index_cast %scan3A_567 : i32 to index
        %swap3A_624 = arith.constant 112 : index
        %swap3A_625 = tpu.vector_load %arg13[%swap3A_623, %swap3A_624] {strides = array<i32>} : memref<80x128xf32, #tpu.memory_space<vmem>>, vector<16xf32>,
        tpu.vector_store %arg13[%swap3A_623, %swap3A_624], %mul3A_622 {strides = array<i32>} : memref<80x128xf32, #tpu.memory_space<vmem>>, vector<16xf32>,
      }
      %scan3A_565 = arith.constant 80 : i32
      %run_scoped3A_566 = arith.constant 7 : i32
      "tpu.region"() ({
        %run_scoped3A_567 = tpu.sem_alloc : memref<!tpu.dma_semaphore, #tpu.memory_space<semaphore_mem>>
        %dma_start3A_568 = arith.constant 0 : i32
        %dma_start3A_569 = tpu.memref_slice %arg8[%run_scoped3A_566, %dma_start3A_568] : memref<8x80xi32, #tpu.memory_space<vmem>> -> memref<1x80xi32, #tpu.memory_space<vmem>>
        %dma_start3A_570 = tpu.memref_squeeze %dma_start3A_569 : memref<1x80xi32, #tpu.memory_space<vmem>> -> memref<80xi32, #tpu.memory_space<vmem>>
        %dma_start3A_571 = arith.constant 0 : i32
        %dma_start3A_572 = arith.constant 0 : i32
        %dma_start3A_573 = tpu.memref_slice %arg16[%dma_start3A_571, %dma_start3A_572] : memref<10240x128xf32, #tpu.memory_space<vmem_shared>> -> memref<10240x128xf32, #tpu.memory_space<vmem_shared>>
        tpu.enqueue_indirect_dma source(%arg13 : memref<80x128xf32, #tpu.memory_space<vmem>>) target(%dma_start3A_573 : memref<10240x128xf32, #tpu.memory_space<vmem_shared>>) offsets(%dma_start3A_570 : memref<80xi32, #tpu.memory_space<vmem>>) semaphore(%run_scoped3A_567 : memref<!tpu.dma_semaphore, #tpu.memory_space<semaphore_mem>>) {add = true}
        %dma_wait3A_574 = arith.constant 0 : i32
        %dma_wait3A_575 = tpu.memref_slice %arg8[%run_scoped3A_566, %dma_wait3A_574] : memref<8x80xi32, #tpu.memory_space<vmem>> -> memref<1x80xi32, #tpu.memory_space<vmem>>
        %dma_wait3A_576 = tpu.memref_squeeze %dma_wait3A_575 : memref<1x80xi32, #tpu.memory_space<vmem>> -> memref<80xi32, #tpu.memory_space<vmem>>
        %dma_wait3A_577 = arith.constant 0 : i32
        %dma_wait3A_578 = arith.constant 0 : i32
        %dma_wait3A_579 = tpu.memref_slice %arg16[%dma_wait3A_577, %dma_wait3A_578] : memref<10240x128xf32, #tpu.memory_space<vmem_shared>> -> memref<10240x128xf32, #tpu.memory_space<vmem_shared>>
        tpu.wait_indirect_dma semaphore(%run_scoped3A_567 : memref<!tpu.dma_semaphore, #tpu.memory_space<semaphore_mem>>) src(%arg13 : memref<80x128xf32, #tpu.memory_space<vmem>>) dst(%dma_wait3A_579 : memref<10240x128xf32, #tpu.memory_space<vmem_shared>>)
        tpu.yield
      }) : () -> ()
    }
    %scan3A_27 = arith.constant 17 : i32
    %barrier3A_28 = arith.constant 0 : index
    tpu.barrier barrier_id(%barrier3A_28)
    %mul3A_29 = arith.constant 128 : i32
    %mul3A_30 = arith.muli %arg0, %mul3A_29 : i32
    "tpu.region"() ({
      %run_scoped3A = tpu.sem_alloc : memref<!tpu.dma_semaphore, #tpu.memory_space<semaphore_mem>>
      %dma_start3A = tpu.memref_slice %arg6[%multiple_of3A, %mul3A_30] : memref<10240x256xf32, #tpu.memory_space<hbm>> -> memref<640x128xf32, #tpu.memory_space<hbm>>
      %dma_start3A_31 = arith.constant 0 : i32
      %dma_start3A_32 = tpu.memref_slice %arg16[%multiple_of3A, %dma_start3A_31] : memref<10240x128xf32, #tpu.memory_space<vmem_shared>> -> memref<640x128xf32, #tpu.memory_space<vmem_shared>>
      tpu.enqueue_dma source(%dma_start3A_32 : memref<640x128xf32, #tpu.memory_space<vmem_shared>>) target(%dma_start3A : memref<640x128xf32, #tpu.memory_space<hbm>>) target_semaphore(%run_scoped3A : memref<!tpu.dma_semaphore, #tpu.memory_space<semaphore_mem>>)
      %dma_wait3A = tpu.memref_slice %arg6[%multiple_of3A, %mul3A_30] : memref<10240x256xf32, #tpu.memory_space<hbm>> -> memref<640x128xf32, #tpu.memory_space<hbm>>
      %dma_wait3A_33 = arith.constant 0 : i32
      %dma_wait3A_34 = tpu.memref_slice %arg16[%multiple_of3A, %dma_wait3A_33] : memref<10240x128xf32, #tpu.memory_space<vmem_shared>> -> memref<640x128xf32, #tpu.memory_space<vmem_shared>>
      tpu.wait_dma2 semaphore(%run_scoped3A : memref<!tpu.dma_semaphore, #tpu.memory_space<semaphore_mem>>) src(%dma_wait3A_34 : memref<640x128xf32, #tpu.memory_space<vmem_shared>>) dst(%dma_wait3A : memref<640x128xf32, #tpu.memory_space<hbm>>)
      tpu.yield
    }) : () -> ()
    return
  }
}

module attributes {stable_mosaic.version = 14 : i64} {
  func.func @_mm_body(%arg0: i32, %arg1: memref<1000x128xf32, #tpu.memory_space<vmem>>, %arg2: memref<128x256xf32, #tpu.memory_space<vmem>>, %arg3: memref<1000x256xf32, #tpu.memory_space<vmem>>) attributes {dimension_semantics = [#tpu.dimension_semantics<arbitrary>], iteration_bounds = array<i64: 10>, scalar_prefetch = 0 : i64, scratch_operands = 0 : i64, tpu.core_type = #tpu.core_type<tc>, window_params = [{transform_indices = @transform_0, window_bounds = array<i64: 1000, 128>}, {pipeline_mode = #tpu.pipeline_mode<synchronous>, transform_indices = @transform_1, window_bounds = array<i64: 128, 256>}, {transform_indices = @transform_2, window_bounds = array<i64: 1000, 256>}]} {
    %get3A = arith.constant 0 : index
    %get3A_0 = arith.constant 0 : index
    %get3A_1 = vector.load %arg1[%get3A, %get3A_0] : memref<1000x128xf32, #tpu.memory_space<vmem>>, vector<1000x128xf32>
    %get3A_2 = arith.constant 0 : index
    %get3A_3 = arith.constant 0 : index
    %get3A_4 = vector.load %arg2[%get3A_2, %get3A_3] : memref<128x256xf32, #tpu.memory_space<vmem>>, vector<128x256xf32>
    %dot_general3A = arith.constant dense<0.000000e+00> : vector<1000x256xf32>
    %dot_general3A_5 = tpu.matmul %get3A_1, %get3A_4, %dot_general3A {dimension_numbers = #tpu.dot_dimension_numbers<[1], [0], [0], [1], [0, 0, 1, 1], [], []>, transpose_lhs_hint = false} : vector<1000x128xf32>, vector<128x256xf32>, vector<1000x256xf32> -> vector<1000x256xf32>
    %swap3A = arith.constant 0 : index
    %swap3A_6 = arith.constant 0 : index
    %swap3A_7 = vector.load %arg3[%swap3A, %swap3A_6] : memref<1000x256xf32, #tpu.memory_space<vmem>>, vector<1000x256xf32>
    tpu.vector_store %arg3[%swap3A, %swap3A_6], %dot_general3A_5 {strides = array<i32>} : memref<1000x256xf32, #tpu.memory_space<vmem>>, vector<1000x256xf32>,
    return
  }
  func.func @transform_0(%arg0: i32) -> (i32, i32) {
    %c0_i32 = arith.constant 0 : i32
    %c0_i32_0 = arith.constant 0 : i32
    return %arg0, %c0_i32 : i32, i32
  }
  func.func @transform_1(%arg0: i32) -> (i32, i32) {
    %c0_i32 = arith.constant 0 : i32
    %c0_i32_0 = arith.constant 0 : i32
    %c0_i32_1 = arith.constant 0 : i32
    return %c0_i32, %c0_i32_0 : i32, i32
  }
  func.func @transform_2(%arg0: i32) -> (i32, i32) {
    %c0_i32 = arith.constant 0 : i32
    %c0_i32_0 = arith.constant 0 : i32
    return %arg0, %c0_i32 : i32, i32
  }
}

module attributes {stable_mosaic.version = 14 : i64} {
  func.func @_fuse_body(%arg0: i32, %arg1: memref<1000x256xf32, #tpu.memory_space<vmem>>, %arg2: memref<1x256xf32, #tpu.memory_space<vmem>>, %arg3: memref<256x256xf32, #tpu.memory_space<vmem>>, %arg4: memref<1000x256xf32, #tpu.memory_space<vmem>>) attributes {dimension_semantics = [#tpu.dimension_semantics<arbitrary>], iteration_bounds = array<i64: 10>, scalar_prefetch = 0 : i64, scratch_operands = 0 : i64, tpu.core_type = #tpu.core_type<tc>, window_params = [{transform_indices = @transform_0, window_bounds = array<i64: 1000, 256>}, {pipeline_mode = #tpu.pipeline_mode<synchronous>, transform_indices = @transform_1, window_bounds = array<i64: 1, 256>}, {pipeline_mode = #tpu.pipeline_mode<synchronous>, transform_indices = @transform_2, window_bounds = array<i64: 256, 256>}, {transform_indices = @transform_3, window_bounds = array<i64: 1000, 256>}]} {
    %get3A = arith.constant 0 : index
    %get3A_0 = arith.constant 0 : index
    %get3A_1 = vector.load %arg1[%get3A, %get3A_0] : memref<1000x256xf32, #tpu.memory_space<vmem>>, vector<1000x256xf32>
    %get3A_2 = arith.constant 0 : index
    %get3A_3 = arith.constant 0 : index
    %get3A_4 = vector.load %arg2[%get3A_2, %get3A_3] : memref<1x256xf32, #tpu.memory_space<vmem>>, vector<1x256xf32>
    %add3A = vector.broadcast %get3A_4 : vector<1x256xf32> to vector<1000x256xf32>
    %add3A_5 = arith.addf %get3A_1, %add3A : vector<1000x256xf32>
    %max3A = arith.constant 0.000000e+00 : f32
    %max3A_6 = vector.broadcast %max3A : f32 to vector<1000x256xf32>
    %max3A_7 = arith.maximumf %add3A_5, %max3A_6 : vector<1000x256xf32>
    %get3A_8 = arith.constant 0 : index
    %get3A_9 = arith.constant 0 : index
    %get3A_10 = vector.load %arg3[%get3A_8, %get3A_9] : memref<256x256xf32, #tpu.memory_space<vmem>>, vector<256x256xf32>
    %dot_general3A = arith.constant dense<0.000000e+00> : vector<1000x256xf32>
    %dot_general3A_11 = tpu.matmul %max3A_7, %get3A_10, %dot_general3A {dimension_numbers = #tpu.dot_dimension_numbers<[1], [0], [0], [1], [0, 0, 1, 1], [], []>, transpose_lhs_hint = false} : vector<1000x256xf32>, vector<256x256xf32>, vector<1000x256xf32> -> vector<1000x256xf32>
    %swap3A = arith.constant 0 : index
    %swap3A_12 = arith.constant 0 : index
    %swap3A_13 = vector.load %arg4[%swap3A, %swap3A_12] : memref<1000x256xf32, #tpu.memory_space<vmem>>, vector<1000x256xf32>
    tpu.vector_store %arg4[%swap3A, %swap3A_12], %dot_general3A_11 {strides = array<i32>} : memref<1000x256xf32, #tpu.memory_space<vmem>>, vector<1000x256xf32>,
    return
  }
  func.func @transform_0(%arg0: i32) -> (i32, i32) {
    %c0_i32 = arith.constant 0 : i32
    %c0_i32_0 = arith.constant 0 : i32
    return %arg0, %c0_i32 : i32, i32
  }
  func.func @transform_1(%arg0: i32) -> (i32, i32) {
    %c0_i32 = arith.constant 0 : i32
    %c0_i32_0 = arith.constant 0 : i32
    %c0_i32_1 = arith.constant 0 : i32
    return %c0_i32, %c0_i32_0 : i32, i32
  }
  func.func @transform_2(%arg0: i32) -> (i32, i32) {
    %c0_i32 = arith.constant 0 : i32
    %c0_i32_0 = arith.constant 0 : i32
    %c0_i32_1 = arith.constant 0 : i32
    return %c0_i32, %c0_i32_0 : i32, i32
  }
  func.func @transform_3(%arg0: i32) -> (i32, i32) {
    %c0_i32 = arith.constant 0 : i32
    %c0_i32_0 = arith.constant 0 : i32
    return %arg0, %c0_i32 : i32, i32
  }
}

module attributes {stable_mosaic.version = 14 : i64} {
  func.func @_final_body(%arg0: i32, %arg1: memref<1000x256xf32, #tpu.memory_space<vmem>>, %arg2: memref<1x256xf32, #tpu.memory_space<vmem>>, %arg3: memref<256x256xf32, #tpu.memory_space<vmem>>, %arg4: memref<1x256xf32, #tpu.memory_space<vmem>>, %arg5: memref<256x16xf32, #tpu.memory_space<vmem>>, %arg6: memref<1x16xf32, #tpu.memory_space<vmem>>, %arg7: memref<16x16xf32, #tpu.memory_space<vmem>>, %arg8: memref<1x16xf32, #tpu.memory_space<vmem>>) attributes {dimension_semantics = [#tpu.dimension_semantics<arbitrary>], iteration_bounds = array<i64: 10>, scalar_prefetch = 0 : i64, scratch_operands = 0 : i64, tpu.core_type = #tpu.core_type<tc>, window_params = [{transform_indices = @transform_0, window_bounds = array<i64: 1000, 256>}, {pipeline_mode = #tpu.pipeline_mode<synchronous>, transform_indices = @transform_1, window_bounds = array<i64: 1, 256>}, {pipeline_mode = #tpu.pipeline_mode<synchronous>, transform_indices = @transform_2, window_bounds = array<i64: 256, 256>}, {pipeline_mode = #tpu.pipeline_mode<synchronous>, transform_indices = @transform_3, window_bounds = array<i64: 1, 256>}, {pipeline_mode = #tpu.pipeline_mode<synchronous>, transform_indices = @transform_4, window_bounds = array<i64: 256, 16>}, {pipeline_mode = #tpu.pipeline_mode<synchronous>, transform_indices = @transform_5, window_bounds = array<i64: 1, 16>}, {pipeline_mode = #tpu.pipeline_mode<synchronous>, transform_indices = @transform_6, window_bounds = array<i64: 16, 16>}, {pipeline_mode = #tpu.pipeline_mode<synchronous>, transform_indices = @transform_7, window_bounds = array<i64: 1, 16>}]} {
    %get3A = arith.constant 0 : index
    %get3A_0 = arith.constant 0 : index
    %get3A_1 = vector.load %arg1[%get3A, %get3A_0] : memref<1000x256xf32, #tpu.memory_space<vmem>>, vector<1000x256xf32>
    %get3A_2 = arith.constant 0 : index
    %get3A_3 = arith.constant 0 : index
    %get3A_4 = vector.load %arg2[%get3A_2, %get3A_3] : memref<1x256xf32, #tpu.memory_space<vmem>>, vector<1x256xf32>
    %add3A = vector.broadcast %get3A_4 : vector<1x256xf32> to vector<1000x256xf32>
    %add3A_5 = arith.addf %get3A_1, %add3A : vector<1000x256xf32>
    %max3A = arith.constant 0.000000e+00 : f32
    %max3A_6 = vector.broadcast %max3A : f32 to vector<1000x256xf32>
    %max3A_7 = arith.maximumf %add3A_5, %max3A_6 : vector<1000x256xf32>
    %get3A_8 = arith.constant 0 : index
    %get3A_9 = arith.constant 0 : index
    %get3A_10 = vector.load %arg3[%get3A_8, %get3A_9] : memref<256x256xf32, #tpu.memory_space<vmem>>, vector<256x256xf32>
    %dot_general3A = arith.constant dense<0.000000e+00> : vector<1000x256xf32>
    %dot_general3A_11 = tpu.matmul %max3A_7, %get3A_10, %dot_general3A {dimension_numbers = #tpu.dot_dimension_numbers<[1], [0], [0], [1], [0, 0, 1, 1], [], []>, transpose_lhs_hint = false} : vector<1000x256xf32>, vector<256x256xf32>, vector<1000x256xf32> -> vector<1000x256xf32>
    %get3A_12 = arith.constant 0 : index
    %get3A_13 = arith.constant 0 : index
    %get3A_14 = vector.load %arg4[%get3A_12, %get3A_13] : memref<1x256xf32, #tpu.memory_space<vmem>>, vector<1x256xf32>
    %add3A_15 = vector.broadcast %get3A_14 : vector<1x256xf32> to vector<1000x256xf32>
    %add3A_16 = arith.addf %dot_general3A_11, %add3A_15 : vector<1000x256xf32>
    %get3A_17 = arith.constant 0 : index
    %get3A_18 = arith.constant 0 : index
    %get3A_19 = vector.load %arg5[%get3A_17, %get3A_18] : memref<256x16xf32, #tpu.memory_space<vmem>>, vector<256x16xf32>
    %dot_general3A_20 = arith.constant dense<0.000000e+00> : vector<1000x16xf32>
    %dot_general3A_21 = tpu.matmul %add3A_16, %get3A_19, %dot_general3A_20 {dimension_numbers = #tpu.dot_dimension_numbers<[1], [0], [0], [1], [0, 0, 1, 1], [], []>, transpose_lhs_hint = false} : vector<1000x256xf32>, vector<256x16xf32>, vector<1000x16xf32> -> vector<1000x16xf32>
    %get3A_22 = arith.constant 0 : index
    %get3A_23 = arith.constant 0 : index
    %get3A_24 = vector.load %arg6[%get3A_22, %get3A_23] : memref<1x16xf32, #tpu.memory_space<vmem>>, vector<1x16xf32>
    %add3A_25 = vector.broadcast %get3A_24 : vector<1x16xf32> to vector<1000x16xf32>
    %add3A_26 = arith.addf %dot_general3A_21, %add3A_25 : vector<1000x16xf32>
    %reduce_max3A = arith.constant dense<0xFF800000> : vector<1000xf32>
    %reduce_max3A_27 = vector.multi_reduction <maximumf>, %add3A_26, %reduce_max3A [1] : vector<1000x16xf32> to vector<1000xf32>
    %broadcast_in_dim3A = vector.shape_cast %reduce_max3A_27 : vector<1000xf32> to vector<1000x1xf32>
    %sub3A = vector.broadcast %broadcast_in_dim3A : vector<1000x1xf32> to vector<1000x16xf32>
    %sub3A_28 = arith.subf %add3A_26, %sub3A : vector<1000x16xf32>
    %exp3A = math.exp %sub3A_28 : vector<1000x16xf32>
    %reduce_sum3A = arith.constant dense<0.000000e+00> : vector<1000xf32>
    %reduce_sum3A_29 = vector.multi_reduction <add>, %exp3A, %reduce_sum3A [1] : vector<1000x16xf32> to vector<1000xf32>
    %broadcast_in_dim3A_30 = vector.shape_cast %reduce_sum3A_29 : vector<1000xf32> to vector<1000x1xf32>
    %div3A = vector.broadcast %broadcast_in_dim3A_30 : vector<1000x1xf32> to vector<1000x16xf32>
    %div3A_31 = arith.divf %exp3A, %div3A : vector<1000x16xf32>
    %eq3A = arith.constant 0 : i32
    %eq3A_32 = arith.cmpi eq, %arg0, %eq3A : i32
    %convert_element_type3A = arith.extui %eq3A_32 : i1 to i32
    %cond3A = arith.constant 0 : i32
    %cond3A_33 = arith.cmpi ne, %convert_element_type3A, %cond3A : i32
    scf.if %cond3A_33 {
      %broadcast_in_dim3A_52 = arith.constant 0.000000e+00 : f32
      %broadcast_in_dim3A_53 = vector.broadcast %broadcast_in_dim3A_52 : f32 to vector<16x16xf32>
      %swap3A_54 = arith.constant 0 : index
      %swap3A_55 = arith.constant 0 : index
      %swap3A_56 = vector.load %arg7[%swap3A_54, %swap3A_55] : memref<16x16xf32, #tpu.memory_space<vmem>>, vector<16x16xf32>
      tpu.vector_store %arg7[%swap3A_54, %swap3A_55], %broadcast_in_dim3A_53 {strides = array<i32>} : memref<16x16xf32, #tpu.memory_space<vmem>>, vector<16x16xf32>,
      %broadcast_in_dim3A_57 = arith.constant 0.000000e+00 : f32
      %broadcast_in_dim3A_58 = vector.broadcast %broadcast_in_dim3A_57 : f32 to vector<1x16xf32>
      %swap3A_59 = arith.constant 0 : index
      %swap3A_60 = arith.constant 0 : index
      %swap3A_61 = vector.load %arg8[%swap3A_59, %swap3A_60] : memref<1x16xf32, #tpu.memory_space<vmem>>, vector<1x16xf32>
      tpu.vector_store %arg8[%swap3A_59, %swap3A_60], %broadcast_in_dim3A_58 {strides = array<i32>} : memref<1x16xf32, #tpu.memory_space<vmem>>, vector<1x16xf32>,
    } else {
    }
    %get3A_34 = arith.constant 0 : index
    %get3A_35 = arith.constant 0 : index
    %get3A_36 = vector.load %arg7[%get3A_34, %get3A_35] : memref<16x16xf32, #tpu.memory_space<vmem>>, vector<16x16xf32>
    %dot_general3A_37 = arith.constant dense<0.000000e+00> : vector<16x16xf32>
    %dot_general3A_38 = tpu.matmul %div3A_31, %div3A_31, %dot_general3A_37 {dimension_numbers = #tpu.dot_dimension_numbers<[0], [0], [1], [1], [0, 1, 1, 1], [], []>, transpose_lhs_hint = false} : vector<1000x16xf32>, vector<1000x16xf32>, vector<16x16xf32> -> vector<16x16xf32>
    %add3A_39 = arith.addf %get3A_36, %dot_general3A_38 : vector<16x16xf32>
    %swap3A = arith.constant 0 : index
    %swap3A_40 = arith.constant 0 : index
    %swap3A_41 = vector.load %arg7[%swap3A, %swap3A_40] : memref<16x16xf32, #tpu.memory_space<vmem>>, vector<16x16xf32>
    tpu.vector_store %arg7[%swap3A, %swap3A_40], %add3A_39 {strides = array<i32>} : memref<16x16xf32, #tpu.memory_space<vmem>>, vector<16x16xf32>,
    %get3A_42 = arith.constant 0 : index
    %get3A_43 = arith.constant 0 : index
    %get3A_44 = vector.load %arg8[%get3A_42, %get3A_43] : memref<1x16xf32, #tpu.memory_space<vmem>>, vector<1x16xf32>
    %reduce_sum3A_45 = arith.constant dense<0.000000e+00> : vector<16xf32>
    %reduce_sum3A_46 = vector.multi_reduction <add>, %div3A_31, %reduce_sum3A_45 [0] : vector<1000x16xf32> to vector<16xf32>
    %broadcast_in_dim3A_47 = vector.shape_cast %reduce_sum3A_46 : vector<16xf32> to vector<1x16xf32>
    %add3A_48 = arith.addf %get3A_44, %broadcast_in_dim3A_47 : vector<1x16xf32>
    %swap3A_49 = arith.constant 0 : index
    %swap3A_50 = arith.constant 0 : index
    %swap3A_51 = vector.load %arg8[%swap3A_49, %swap3A_50] : memref<1x16xf32, #tpu.memory_space<vmem>>, vector<1x16xf32>
    tpu.vector_store %arg8[%swap3A_49, %swap3A_50], %add3A_48 {strides = array<i32>} : memref<1x16xf32, #tpu.memory_space<vmem>>, vector<1x16xf32>,
    return
  }
  func.func @transform_0(%arg0: i32) -> (i32, i32) {
    %c0_i32 = arith.constant 0 : i32
    %c0_i32_0 = arith.constant 0 : i32
    return %arg0, %c0_i32 : i32, i32
  }
  func.func @transform_1(%arg0: i32) -> (i32, i32) {
    %c0_i32 = arith.constant 0 : i32
    %c0_i32_0 = arith.constant 0 : i32
    %c0_i32_1 = arith.constant 0 : i32
    return %c0_i32, %c0_i32_0 : i32, i32
  }
  func.func @transform_2(%arg0: i32) -> (i32, i32) {
    %c0_i32 = arith.constant 0 : i32
    %c0_i32_0 = arith.constant 0 : i32
    %c0_i32_1 = arith.constant 0 : i32
    return %c0_i32, %c0_i32_0 : i32, i32
  }
  func.func @transform_3(%arg0: i32) -> (i32, i32) {
    %c0_i32 = arith.constant 0 : i32
    %c0_i32_0 = arith.constant 0 : i32
    %c0_i32_1 = arith.constant 0 : i32
    return %c0_i32, %c0_i32_0 : i32, i32
  }
  func.func @transform_4(%arg0: i32) -> (i32, i32) {
    %c0_i32 = arith.constant 0 : i32
    %c0_i32_0 = arith.constant 0 : i32
    %c0_i32_1 = arith.constant 0 : i32
    return %c0_i32, %c0_i32_0 : i32, i32
  }
  func.func @transform_5(%arg0: i32) -> (i32, i32) {
    %c0_i32 = arith.constant 0 : i32
    %c0_i32_0 = arith.constant 0 : i32
    %c0_i32_1 = arith.constant 0 : i32
    return %c0_i32, %c0_i32_0 : i32, i32
  }
  func.func @transform_6(%arg0: i32) -> (i32, i32) {
    %c0_i32 = arith.constant 0 : i32
    %c0_i32_0 = arith.constant 0 : i32
    %c0_i32_1 = arith.constant 0 : i32
    return %c0_i32, %c0_i32_0 : i32, i32
  }
  func.func @transform_7(%arg0: i32) -> (i32, i32) {
    %c0_i32 = arith.constant 0 : i32
    %c0_i32_0 = arith.constant 0 : i32
    %c0_i32_1 = arith.constant 0 : i32
    return %c0_i32, %c0_i32_0 : i32, i32
  }
}

</mosaic_0001>

<sc_bundles>
// kernel: kernel.11.cloned.1.call-start
scs
__scs_entry_jumppad:
0x0: {  	(pc) =	sbr.rel $0x88, $3  }
0x1: {  	(tag) =	ssettag $0x0;
	lr =	simm.s32 $0x1  }
0x2: {  	[smem:$0x3F96] =	sst lr;
	_ =	strace $0xD0000000  }
0x3: {  	_ = 	snop  }
0x4: {  	_ = 	snop  }
0x5: {  	_ = 	snop  }
0x6: {  	_ = 	snop  }
0x7: {  	_ = 	snop  }
__scs_overlays_trampoline_lowered:
0x8: {  	[smem:$0x3FA5] =	sst s0  }
0x9: {  	[smem:$0x3FA6] =	sst s1  }
0xa: {  	[smem:$0x3FA7] =	sst s2  }
0xb: {  	[smem:$0x3FA8] =	sst s3  }
0xc: {  	[smem:$0x3FA9] =	sst s4  }
0xd: {  	[smem:$0x3FAA] =	sst s5  }
0xe: {  	[smem:$0x3FAB] =	sst s6  }
0xf: {  	[smem:$0x3FAC] =	sst s7  }
0x10: {  	[smem:$0x3FAD] =	sst s8  }
0x11: {  	[smem:$0x3FAE] =	sst s9;
	s0 =	simm.s32 @!p0 $0x0  }
0x12: {  	s1 =	sld [smem:$0x3F94];
	s0 =	simm.s32 @p0 $0x1  }
0x13: {  	[smem:$0x3FAF] =	sst s0;
	s0 =	simm.s32 @!p1 $0x0  }
0x14: {  	s2 =	sld [smem:$0x3F93];
	s0 =	simm.s32 @p1 $0x1  }
0x15: {  	[smem:$0x3FB0] =	sst s0;
	s0 =	simm.s32 @!p2 $0x0  }
0x16: {  	s3 =	sld [smem:$0x3FDB];
	s0 =	simm.s32 @p2 $0x1  }
0x17: {  	s4 =	simm.s32 $0x1BF5;
	[smem:$0x3FB2] =	sst s0  }
0x18: {  	s0 =	sld [smem:$0x3F95];
	_ =	swait.ge [sflag:s4], $0x0  }
0x19: {  	s7 =	sld [smem:$0x3F96]  }
0x1a: {  	s8 =	sadd.s32 $0xFFFFE003, lr  }
0x1b: {  	s9 =	sadd.s32 $0xFFFFFEF7, lr;
	s5 =	simm.s32 $0xFFFFFFFF;
	p2 =	slt.u32 s8, $0xFFFFF086  }
0x1c: {  	p1 =	slt.u32 s9, $0xF7A;
	s5 =	simm.s32 @!p2 $0x0  }
0x1d: {  	s5 =	simm.s32 @p1 $0x1;
	p0 =	seq.s32 s7, s2  }
0x1e: {  	s7 =	smul.u32 @!p0 $0xF7A, s2;
	p2 =	seq.s32 @!p0 s5, $0x0  }
0x1f: {  	s9 =	smul.u32 $0xF7A, s1;
	s8 =	simm.s32 @!p0 $0x1BF5;
	p2 =	por !p2, p0  }
0x20: {  	[sflag:s8] =	ssyncset.s32 @!p0 $0xFFFFF086;
	s6 =	sadd.s32 @!p0 s3, s7;
	s7 =	simm.s32 @!p0 $0x108  }
0x21: {  	s3 =	sadd.s32 s3, s9;
	s6 =	sadd.s32 @!p0 $0x88, s6;
	s7 =	simm.s32 @p2 $0x1082  }
0x22: {  	[simem:s7], [sflag:s8] =	dma.local @!p0 [hbm:s6], $0xF7A  }
0x23: {  	s9 =	sor.u32 $0xD0000000, s2;
	s6 =	simm.s32 $0x108;
	_ =	swait.ge @!p0 [sflag:s8], $0x0  }
0x24: {  	s3 =	sadd.s32 $0x88, s3;
	s6 =	simm.s32 @!p1 $0x1082;
	[sflag:s4] =	ssyncset.s32 $0xFFFFF086  }
0x25: {  	[simem:s6], [sflag:s4] =	dma.local [hbm:s3], $0xF7A  }
0x26: {  	[smem:$0x3F96] =	sst s1;
	(tag) =	ssettag s2;
	_ =	strace s9  }
0x27: {  	s1 =	sld [smem:$0x3FA6]  }
0x28: {  	s2 =	sld [smem:$0x3FA7]  }
0x29: {  	s4 =	sld [smem:$0x3FA9]  }
0x2a: {  	p0 =	seq.s32 s5, $0x0;
	s5 =	sld [smem:$0x3FAA]  }
0x2b: {  	s6 =	sld [smem:$0x3FAB]  }
0x2c: {  	s7 =	sld [smem:$0x3FAC]  }
0x2d: {  	s3 =	simm.s32 $0x108;
	s8 =	sld [smem:$0x3FAD]  }
0x2e: {  	s3 =	simm.s32 @!p0 $0x1082;
	s9 =	sld [smem:$0x3FAE]  }
0x2f: {  	lr =	sadd.s32 s0, s3;
	s0 =	sld [smem:$0x3FA5]  }
0x30: {  	s3 =	sld [smem:$0x3FA8]  }
0x31: {  	[smem:$0x3FB1] =	sst s10  }
0x32: {  	s10 =	sld [smem:$0x3FAF];
	_ =	sdelay $0x3  }
0x33: {  	p0 =	seq.s32 s10, $0x1;
	s10 =	sld [smem:$0x3FB1];
	_ =	sdelay $0x3  }
0x34: {  	[smem:$0x3FB1] =	sst s10  }
0x35: {  	s10 =	sld [smem:$0x3FB0];
	_ =	sdelay $0x3  }
0x36: {  	p1 =	seq.s32 s10, $0x1;
	s10 =	sld [smem:$0x3FB1];
	_ =	sdelay $0x3  }
0x37: {  	[smem:$0x3FB1] =	sst s10  }
0x38: {  	s10 =	sld [smem:$0x3FB2]  }
0x39: {  	_ = 	snop;
	(pc) =	sbr.ind lr, $3  }
0x3a: {  	_ = 	snop  }
0x3b: {  	_ = 	snop  }
0x3c: {  	p2 =	seq.s32 s10, $0x1;
	s10 =	sld [smem:$0x3FB1]  }
0x3d: {  	_ =	shalt  }
0x3e: {  	_ =	shalt  }
0x3f: {  	_ =	shalt  }
0x40: {  	_ =	shalt  }
0x41: {  	_ =	shalt  }
0x42: {  	_ =	shalt  }
0x43: {  	_ =	shalt  }
0x44: {  	_ =	shalt  }
0x45: {  	_ =	shalt  }
0x46: {  	_ =	shalt  }
0x47: {  	_ =	shalt  }
0x48: {  	_ =	shalt  }
0x49: {  	_ =	shalt  }
0x4a: {  	_ =	shalt  }
0x4b: {  	_ =	shalt  }
0x4c: {  	_ =	shalt  }
0x4d: {  	_ =	shalt  }
0x4e: {  	_ =	shalt  }
0x4f: {  	_ =	shalt  }
0x50: {  	_ =	shalt  }
0x51: {  	_ =	shalt  }
0x52: {  	_ =	shalt  }
0x53: {  	_ =	shalt  }
0x54: {  	_ =	shalt  }
0x55: {  	_ =	shalt  }
0x56: {  	_ =	shalt  }
0x57: {  	_ =	shalt  }
0x58: {  	_ =	shalt  }
0x59: {  	_ =	shalt  }
0x5a: {  	_ =	shalt  }
0x5b: {  	_ =	shalt  }
0x5c: {  	_ =	shalt  }
0x5d: {  	_ =	shalt  }
0x5e: {  	_ =	shalt  }
0x5f: {  	_ =	shalt  }
0x60: {  	_ =	shalt  }
0x61: {  	_ =	shalt  }
0x62: {  	_ =	shalt  }
0x63: {  	_ =	shalt  }
0x64: {  	_ =	shalt  }
0x65: {  	_ =	shalt  }
0x66: {  	_ =	shalt  }
0x67: {  	_ =	shalt  }
0x68: {  	_ =	shalt  }
0x69: {  	_ =	shalt  }
0x6a: {  	_ =	shalt  }
0x6b: {  	_ =	shalt  }
0x6c: {  	_ =	shalt  }
0x6d: {  	_ =	shalt  }
0x6e: {  	_ =	shalt  }
0x6f: {  	_ =	shalt  }
0x70: {  	_ =	shalt  }
0x71: {  	_ =	shalt  }
0x72: {  	_ =	shalt  }
0x73: {  	_ =	shalt  }
0x74: {  	_ =	shalt  }
0x75: {  	_ =	shalt  }
0x76: {  	_ =	shalt  }
0x77: {  	_ =	shalt  }
0x78: {  	_ =	shalt  }
0x79: {  	_ =	shalt  }
0x7a: {  	_ =	shalt  }
0x7b: {  	_ =	shalt  }
0x7c: {  	_ =	shalt  }
0x7d: {  	_ =	shalt  }
0x7e: {  	_ =	shalt  }
0x7f: {  	_ =	shalt  }
0x80: {  	_ =	shalt  }
0x81: {  	_ =	shalt  }
0x82: {  	_ =	shalt  }
0x83: {  	_ =	shalt  }
0x84: {  	_ =	shalt  }
0x85: {  	_ =	shalt  }
0x86: {  	_ =	shalt  }
0x87: {  	_ =	shalt  }
.Lfunc_end0:
.L_simem_size_0:
called_computation.1_lowered:
.L_overlay_start_0:
0x88: {  	s2 =	sld [smem:$0x3FD9]  }
0x89: {  	s3 =	sld [smem:$0x3FFE];
	_ =	sdelay $0x1  }
0x8a: {  	s1 =	srdreg.scid  }
0x8b: {  	s0 =	sand.u32 $0x1, s1  }
0x8c: {  	s16 =	sshll.u32 s0, $0xA;
	s2 =	sadd.s32 s3, s2  }
0x8d: {  	s2 =	sadd.s32 s2, s16  }
0x8e: {  	[smem:$0x3FBD] =	sst s2  }
0x8f: {  	_ = 	snop  }
0x90: {  	(tm) =	ssettm $0x1  }
0x91: {  	s17 =	sld [smem:$0x3FFB];
	_ =	sdelay $0x3  }
0x92: {  	_ =	strace s17  }
0x93: {  	s2 =	sld [smem:$0x3FFC];
	_ =	sdelay $0x3  }
0x94: {  	_ =	strace s2  }
0x95: {  	s2 =	sld [smem:$0x3FFD];
	_ =	sdelay $0x3  }
0x96: {  	_ =	strace s2  }
0x97: {  	_ =	strace $0x8FFFFFFF  }
0x98: {  	s18 =	sld [smem:$0x3FDB];
	_ =	sdelay $0x1  }
0x99: {  	s19 =	simm.s32 $_scs_section_size  }
0x9a: {  	s4 =	simm.s32 $_size__tile_overlayer_lowered;
	s5 =	simm.s32 $_tile_overlayer_lowered  }
0x9b: {  	s22 =	simm.s32 $0x1BFF;
	s21 =	sshll.u32 s5, $0x1;
	s2 =	sadd.s32 s19, s18  }
0x9c: {  	s6 =	simm.s32 $0x0;
	s20 =	sshll.u32 s4, $0x1;
	s4 =	sadd.s32 s21, s2  }
0x9d: {  	[timem:s6], [sflag:s22] =	dma.local [hbm:s4], s20  }
0x9e: {  	_ =	swait.ge [sflag:s22], s20  }
0x9f: {  	s3 =	ssub.s32 $0x0, s20;
	[sflag:s22] =	ssyncset.done $0x0  }
0xa0: {  	[sflag:s22] =	ssyncadd.s32 s3;
	_ =	sdelay $0x1  }
0xa1: {  	s23 =	simm.s32 $0x1B8B  }
0xa2: {  	_ =	swait.ge [sflag:s23], $0x1  }
0xa3: {  	[sflag:s23] =	ssyncset.done $0x0  }
0xa4: {  	s25 =	simm.s32 $0x1B8E;
	s24 =	sld [smem:$0x3FFE];
	[sflag:s23] =	ssyncadd.s32 $0xFFFFFFFF  }
0xa5: {  	s26 =	simm.s32 $execute0_lowered;
	[smem:$0x3FD2] =	sst s25  }
0xa6: {  	s4 =	sshll.u32 s26, $0x1;
	_ =	strace $0x80000049;
	[dreg:$0x1] =	wrdreg $0xFFFFFFFF  }
0xa7: {  	s28 =	simm.s32 $_size_execute0_lowered;
	s2 =	sadd.s32 s2, s4;
	[dreg:$0x0] =	wrdreg $0x0  }
0xa8: {  	s4 =	sshll.u32 s28, $0x1;
	[dreg:$0x2] =	wrdreg s2  }
0xa9: {  	[dreg:$0x3] =	wrdreg s4  }
0xaa: {  	[dreg:$0x4] =	wrdreg $0xC0  }
0xab: {  	_ =	task [dreg:s6], $0x5FFFF  }
0xac: {  	[dreg:$0x1] =	wrdreg $0xFFFFFFFF  }
0xad: {  	[dreg:$0x0] =	wrdreg $0x60  }
0xae: {  	[dreg:$0x2] =	wrdreg s24  }
0xaf: {  	[dreg:$0x3] =	wrdreg $0x5D000  }
0xb0: {  	[dreg:$0x4] =	wrdreg $0x9  }
0xb1: {  	_ =	task.clear_ibuf [dreg:s6], $0x5FFFF;
	_ =	strace $0x90000049  }
0xb2: {  	s29 =	simm.s32 $0x9;
	_ =	strace $0x8000004B  }
0xb3: {  	_ =	swait.ge [sflag:s29], $0x1  }
0xb4: {  	[sflag:s29] =	ssyncadd.s32 $0xFFFFFFFF  }
0xb5: {  	_ =	strace $0x9000004B  }
0xb6: {  	_ =	sfence  }
0xb7: {  	s30 =	sld [smem:$0x0];
	_ =	sdelay $0x2  }
0xb8: {  	s31 =	sshll.u32 s1, $0xD;
	s1 =	sshrl.u32 s1, $0x2  }
0xb9: {  	s3 =	sand.u32 $0x4000, s31;
	s1 =	sadd.s32 s1, s30  }
0xba: {  	s0 =	sor.u32 s3, s0;
	s1 =	sshll.u32 s1, $0x11  }
0xbb: {  	s0 =	sor.u32 s1, s0  }
0xbc: {  	s0 =	sadd.s32 $0x8F2B, s0  }
0xbd: {  	[sflag:s0] =	ssyncadd.remote.s32 $0x1  }
0xbe: {  	_ =	sfence.sel $0xFFFF  }
0xbf: {  	[dreg:$0x0] =	wrdreg $0xFFFFFFFF;
	(pc) =	sbr.abs _section_cstart, $3  }
0xc0: {  	[dreg:$0x1] =	wrdreg $0xFFFFFFFF  }
0xc1: {  	_ =	task.clear_ibuf [dreg:s6], $0x2FFFF;
	_ =	strace $0x9FFFFFFF  }
0xc2: {  	(tm) =	ssettm $0x7FFFFFFF  }
0xc3: {  	_ =	shalt  }
tec
execute0_lowered:
.L_overlay_start_1:
0x0: {  	(tag) =	ssettag $0x1  }
0x1: {  	s0 =	rddreg [dreg:$0x0]  }
0x2: {  	s1 =	rddreg [dreg:$0x1]  }
0x3: {  	s2 =	simm.s32 $0x0;
	s3 =	srdreg.scid;
	s11 =	stileid.u32  }
0x4: {  	s28 =	simm.s32 $0x3500;
	s29 =	simm.s32 $0x2;
	s30 =	simm.s32 $0x480  }
0x5: {  	s31 =	simm.s32 $0x500;
	[smem:$0x7FF] =	sst s2;
	s4 =	sadd.s32 $0x32800, s0  }
0x6: {  	s5 =	sadd.s32 $0x21800, s0;
	s12 =	sand.u32 $0x1, s3;
	s9 =	smul.u32 $0x50000, s11  }
0x7: {  	s17 =	smul.u32 $0x28000, s11;
	s6 =	sadd.s32 $0x2A000, s0;
	s7 =	sadd.s32 $0x19000, s0  }
0x8: {  	s16 =	smul.u32 $0x11, s11;
	s8 =	sshll.u32 s12, $0xA;
	s9 =	sshrl.u32 s9, $0x2  }
0x9: {  	s11 =	simm.s32 $0x780;
	s3 =	sor.u32 s8, s17;
	s8 =	sadd.s32 s9, s1  }
0xa: {  	_ =	strace $0x8000004A;
	s18 =	ssub.s32 $0x2, s12;
	s9 =	sadd.s32 $0x2800, s8  }
0xb: {  	s10 =	sshrl.u32 s18, $0x1;
	s20 =	sadd.s32 $0x5000, s8;
	[dreg:$0x3] =	wrdreg s9  }
0xc: {  	s3 =	sshrl.u32 s3, $0x3;
	s21 =	sadd.s32 $0x7800, s8;
	[dreg:$0x4] =	wrdreg s20  }
0xd: {  	s19 =	ssub.s32 s18, s10;
	s22 =	sadd.s32 $0xA000, s8;
	[dreg:$0x5] =	wrdreg s21  }
0xe: {  	s10 =	simm.s32 $0x700;
	s23 =	sadd.s32 $0xC800, s8;
	[dreg:$0x6] =	wrdreg s22  }
0xf: {  	s0 =	sadd.s32 s3, s0;
	s24 =	sadd.s32 $0xF000, s8;
	[dreg:$0x7] =	wrdreg s23  }
0x10: {  	s25 =	sadd.s32 $0x11800, s8;
	s26 =	smax.u32 s19, $0x1;
	[dreg:$0x8] =	wrdreg s24  }
0x11: {  	s19 =	simm.s32 $0xD00;
	s3 =	simm.s32 $0x600;
	[dreg:$0x9] =	wrdreg s25  }
0x12: {  	s0 =	sadd.s32 $0x80A00, s0;
	[dreg:$0xb] =	wrdreg s26;
	s20 =	simm.s32 $0x3  }
0x13: {  	s21 =	simm.s32 $0x400;
	s22 =	simm.s32 $0x800;
	s23 =	simm.s32 $0x50  }
0x14: {  	s24 =	simm.s32 $0xC00;
	s25 =	simm.s32 $0x1;
	s26 =	simm.s32 $0xC80  }
0x15: {  	v1 =	vimm.f32 $0.0e+00;
	v0 =	vmov s12;
	s9 =	simm.s32 $0x680;
	[dreg:$0xa] =	wrdreg s0;
	s0 =	simm.s32 $0x580  }
.LBB2_1:
0x16: {  	s12 =	simm.s32 $0x0;
	s13 =	simm.s32 $0x200  }
.LBB2_2:
0x17: {  	p0 =	sne.s32 s13, $0x9E00;
	[tilespmem:s12+$0xD70] =	vst v1  }
0x18: {  	[tilespmem:s12+$0xD00] =	vst v1  }
0x19: {  	[tilespmem:s12+$0xD10] =	vst v1  }
.Ltmp0:
0x1a: {  	[tilespmem:s12+$0xD20] =	vst v1;
	(pc) =	sbr.rel @p0 .LBB2_2-.Ltmp0, $4  }
0x1b: {  	[tilespmem:s12+$0xD30] =	vst v1  }
0x1c: {  	[tilespmem:s12+$0xD40] =	vst v1  }
0x1d: {  	[tilespmem:s12+$0xD50] =	vst v1  }
0x1e: {  	[tilespmem:s12+$0xD60] =	vst v1;
	s12 =	sshra.s32 s13, $0x2;
	s13 =	sadd.s32 $0x200, s13  }
0x1f: {  	[tilespmem:s12+$0xD70] =	vst v1  }
0x20: {  	[tilespmem:s12+$0xD00] =	vst v1  }
0x21: {  	[tilespmem:s12+$0xD10] =	vst v1  }
0x22: {  	[tilespmem:s12+$0xD20] =	vst v1  }
0x23: {  	[tilespmem:s12+$0xD30] =	vst v1  }
0x24: {  	[tilespmem:s12+$0xD40] =	vst v1  }
0x25: {  	[tilespmem:s12+$0xD50] =	vst v1  }
0x26: {  	[tilespmem:s12+$0xD60] =	vst v1  }
0x27: {  	[spmem:s8] =	stream.linear.scatter [tilespmem:s19], [sflag:$0x3], $0x2800, $0x38;
	[tilespmem:$0x19D00] =	vst v63  }
0x28: {  	_ =	swait.ge [sflag:s20], $0x2800  }
0x29: {  	[sflag:s20] =	ssyncset.done $0x0  }
0x2a: {  	s17 =	rddreg [dreg:$0x3];
	[sflag:s20] =	ssyncadd.s32 $0xFFFFD800  }
0x2b: {  	[spmem:s17] =	stream.linear.scatter [tilespmem:s19], [sflag:$0x3], $0x2800, $0x38;
	[tilespmem:$0x19D00] =	vst v63  }
0x2c: {  	_ =	swait.ge [sflag:s20], $0x2800  }
0x2d: {  	[sflag:s20] =	ssyncset.done $0x0  }
0x2e: {  	s18 =	rddreg [dreg:$0x4];
	[sflag:s20] =	ssyncadd.s32 $0xFFFFD800  }
0x2f: {  	[spmem:s18] =	stream.linear.scatter [tilespmem:s19], [sflag:$0x3], $0x2800, $0x38;
	[tilespmem:$0x19D00] =	vst v63  }
0x30: {  	_ =	swait.ge [sflag:s20], $0x2800  }
0x31: {  	[sflag:s20] =	ssyncset.done $0x0  }
0x32: {  	s13 =	rddreg [dreg:$0x5];
	[sflag:s20] =	ssyncadd.s32 $0xFFFFD800  }
0x33: {  	[spmem:s13] =	stream.linear.scatter [tilespmem:s19], [sflag:$0x3], $0x2800, $0x38;
	[tilespmem:$0x19D00] =	vst v63  }
0x34: {  	_ =	swait.ge [sflag:s20], $0x2800  }
0x35: {  	[sflag:s20] =	ssyncset.done $0x0  }
0x36: {  	s14 =	rddreg [dreg:$0x6];
	[sflag:s20] =	ssyncadd.s32 $0xFFFFD800  }
0x37: {  	[spmem:s14] =	stream.linear.scatter [tilespmem:s19], [sflag:$0x3], $0x2800, $0x38;
	[tilespmem:$0x19D00] =	vst v63  }
0x38: {  	_ =	swait.ge [sflag:s20], $0x2800  }
0x39: {  	[sflag:s20] =	ssyncset.done $0x0  }
0x3a: {  	s15 =	rddreg [dreg:$0x7];
	[sflag:s20] =	ssyncadd.s32 $0xFFFFD800  }
0x3b: {  	[spmem:s15] =	stream.linear.scatter [tilespmem:s19], [sflag:$0x3], $0x2800, $0x38;
	[tilespmem:$0x19D00] =	vst v63  }
0x3c: {  	_ =	swait.ge [sflag:s20], $0x2800  }
0x3d: {  	[sflag:s20] =	ssyncset.done $0x0  }
0x3e: {  	s17 =	rddreg [dreg:$0x8];
	[sflag:s20] =	ssyncadd.s32 $0xFFFFD800  }
0x3f: {  	[spmem:s17] =	stream.linear.scatter [tilespmem:s19], [sflag:$0x3], $0x2800, $0x38;
	[tilespmem:$0x19D00] =	vst v63  }
0x40: {  	_ =	swait.ge [sflag:s20], $0x2800  }
0x41: {  	[sflag:s20] =	ssyncset.done $0x0  }
0x42: {  	s18 =	rddreg [dreg:$0x9];
	[sflag:s20] =	ssyncadd.s32 $0xFFFFD800  }
0x43: {  	[spmem:s18] =	stream.linear.scatter [tilespmem:s19], [sflag:$0x3], $0x2800, $0x38;
	[tilespmem:$0x19D00] =	vst v63  }
0x44: {  	_ =	swait.ge [sflag:s20], $0x2800  }
0x45: {  	[sflag:s20] =	ssyncset.done $0x0  }
0x46: {  	[sflag:s20] =	ssyncadd.s32 $0xFFFFD800  }
0x47: {  	s12 =	simm.s32 $0x0;
	s13 =	simm.s32 $0x0;
	[bflag:$0x0] =	sbarrier.arrive $0xFFFF  }
.LBB2_4:
0x48: {  	s14 =	sadd.s32 s16, s13  }
0x49: {  	s14 =	sshll.u32 s14, $0x7  }
0x4a: {  	s15 =	sadd.s32 s5, s14  }
0x4b: {  	[tilespmem:s12], [sflag:$0x3] =	stream.linear.gather [hbm4b:s15+s12], $0x400, $0x38;
	[tilespmem:$0x19D00] =	vst v63  }
0x4c: {  	_ =	swait.ge [sflag:s20], $0x400  }
0x4d: {  	[sflag:s20] =	ssyncset.done $0x0  }
0x4e: {  	s18 =	sadd.s32 s6, s14;
	[sflag:s20] =	ssyncadd.s32 $0xFFFFFC00  }
0x4f: {  	[tilespmem:s21], [sflag:$0x3] =	stream.linear.gather [hbm4b:s18+s12], $0x400, $0x38;
	[tilespmem:$0x19D00] =	vst v63  }
0x50: {  	_ =	swait.ge [sflag:s20], $0x400  }
0x51: {  	[sflag:s20] =	ssyncset.done $0x0  }
0x52: {  	s14 =	sadd.s32 s7, s14;
	[sflag:s20] =	ssyncadd.s32 $0xFFFFFC00  }
0x53: {  	[tilespmem:s22], [sflag:$0x3] =	stream.linear.gather [hbm4b:s14+s12], $0x400, $0x38;
	[tilespmem:$0x19D00] =	vst v63  }
0x54: {  	_ =	swait.ge [sflag:s20], $0x400  }
0x55: {  	[sflag:s20] =	ssyncset.done $0x0  }
0x56: {  	[sflag:s20] =	ssyncadd.s32 $0xFFFFFC00  }
0x57: {  	v2 =	vld [tilespmem:$0x0]  }
0x58: {  	v3 =	vld [tilespmem:$0x10]  }
0x59: {  	v4 =	vld [tilespmem:$0x20]  }
0x5a: {  	v5 =	vld [tilespmem:$0x30]  }
0x5b: {  	v6 =	vld [tilespmem:$0x40]  }
0x5c: {  	v2 =	vshll.u32 v2, $0x1  }
0x5d: {  	v3 =	vshll.u32 v3, $0x1;
	v2 =	vor.u32 v0, v2  }
0x5e: {  	[tilespmem:$0xC00] =	vst v2;
	v2 =	vor.u32 v0, v3;
	v3 =	vshll.u32 v4, $0x1  }
0x5f: {  	[tilespmem:$0xC10] =	vst v2;
	v2 =	vor.u32 v0, v3;
	v3 =	vshll.u32 v5, $0x1  }
0x60: {  	[tilespmem:$0xC20] =	vst v2;
	v2 =	vor.u32 v0, v3;
	v3 =	vshll.u32 v6, $0x1  }
0x61: {  	[tilespmem:$0xC30] =	vst v2;
	v2 =	vor.u32 v0, v3  }
0x62: {  	[tilespmem:$0xC40] =	vst v2  }
0x63: {  	[tilespmem:s19], [sflag:$0x1] =	stream.indirect.gather [hbm4b:s4+s23], $0x80, s24, s23, $0xb8;
	[tilespmem:$0x19D00] =	vst v63  }
0x64: {  	_ =	swait.ge [sflag:s25], $0x2800  }
0x65: {  	[sflag:s25] =	ssyncset.done $0x0  }
0x66: {  	[sflag:s25] =	ssyncadd.s32 $0xFFFFD800  }
0x67: {  	v2 =	vld [tilespmem:$0x80]  }
0x68: {  	v3 =	vld [tilespmem:$0x90]  }
0x69: {  	v4 =	vld [tilespmem:$0xA0]  }
0x6a: {  	v5 =	vld [tilespmem:$0xB0]  }
0x6b: {  	v6 =	vld [tilespmem:$0xC0]  }
0x6c: {  	v2 =	vshll.u32 v2, $0x1  }
0x6d: {  	v3 =	vshll.u32 v3, $0x1;
	v2 =	vor.u32 v0, v2  }
0x6e: {  	[tilespmem:$0xC80] =	vst v2;
	v2 =	vor.u32 v0, v3;
	v3 =	vshll.u32 v4, $0x1  }
0x6f: {  	[tilespmem:$0xC90] =	vst v2;
	v2 =	vor.u32 v0, v3;
	v3 =	vshll.u32 v5, $0x1  }
0x70: {  	[tilespmem:$0xCA0] =	vst v2;
	v2 =	vor.u32 v0, v3;
	v3 =	vshll.u32 v6, $0x1  }
0x71: {  	[tilespmem:$0xCB0] =	vst v2;
	v2 =	vor.u32 v0, v3  }
0x72: {  	s14 =	simm.s32 $0xD40;
	[tilespmem:$0xCC0] =	vst v2;
	v2 =	vmov s12  }
0x73: {  	[tilespmem:s28], [sflag:$0x2] =	stream.indirect.gather [hbm4b:s4+s23], $0x80, s26, s23, $0xb8;
	[tilespmem:$0x19D00] =	vst v63  }
0x74: {  	v6 =	vld [tilespmem:s14+$0x30]  }
0x75: {  	v9 =	vld [tilespmem:s14+$0x10]  }
0x76: {  	v7 =	vld [tilespmem:s14+$0xFFFFFFC0]  }
0x77: {  	v3 =	vld.idx.msk [tilespmem:v2+s22+$0x0], $0xffff  }
0x78: {  	v11 =	vld [tilespmem:s14+$0xFFFFFFE0]  }
0x79: {  	v4 =	vld [tilespmem:s14+$0x20]  }
0x7a: {  	v5 =	vld [tilespmem:s14+$0xFFFFFFD0]  }
0x7b: {  	v2 =	vld [tilespmem:s14+$0xFFFFFFF0]  }
0x7c: {  	v10 =	vmul.f32 v6, v3;
	v6 =	vld [tilespmem:s14+$0x0]  }
0x7d: {  	v8 =	vmul.f32 v7, v3  }
0x7e: {  	s17 =	simm.s32 $0xD40;
	s15 =	simm.s32 $0x1;
	v7 =	vmul.f32 v11, v3;
	v9 =	vmul.f32 v9, v3  }
.LBB2_5:
0x7f: {  	p0 =	sne.s32 s15, $0x4F  }
0x80: {  	v5 =	vmul.f32 v5, v3;
	v4 =	vmul.f32 v4, v3;
	[tilespmem:s14+$0x30] =	vst v10;
	s17 =	sadd.s32 $0x80, s17;
	s18 =	smov.u32 s15;
	s15 =	sadd.s32 $0x1, s15  }
0x81: {  	[tilespmem:s14+$0xFFFFFFC0] =	vst v8;
	v8 =	vmul.f32 v2, v3;
	v3 =	vmul.f32 v6, v3  }
0x82: {  	[tilespmem:s14+$0x10] =	vst v9  }
0x83: {  	v6 =	vmov s18;
	[tilespmem:s14+$0xFFFFFFE0] =	vst v7  }
0x84: {  	v2 =	vld [tilespmem:s17+$0xFFFFFFF0];
	[tilespmem:s14+$0xFFFFFFF0] =	vst v8  }
0x85: {  	v7 =	vld [tilespmem:s17+$0x30];
	[tilespmem:s14+$0x0] =	vst v3  }
0x86: {  	v9 =	vld [tilespmem:s17+$0x10];
	[tilespmem:s14+$0x20] =	vst v4  }
0x87: {  	v8 =	vld [tilespmem:s17+$0xFFFFFFC0];
	[tilespmem:s14+$0xFFFFFFD0] =	vst v5;
	s14 =	smov.u32 s17  }
0x88: {  	v3 =	vld.idx.msk [tilespmem:v6+s22+$0x0], $0xffff  }
0x89: {  	v11 =	vld [tilespmem:s17+$0xFFFFFFE0]  }
0x8a: {  	v4 =	vld [tilespmem:s17+$0x20]  }
.Ltmp1:
0x8b: {  	v5 =	vld [tilespmem:s17+$0xFFFFFFD0];
	(pc) =	sbr.rel @p0 .LBB2_5-.Ltmp1, $3  }
0x8c: {  	v6 =	vld [tilespmem:s17+$0x0];
	_ =	sdelay $0x1  }
0x8d: {  	v8 =	vmul.f32 v8, v3;
	v10 =	vmul.f32 v7, v3  }
0x8e: {  	v9 =	vmul.f32 v9, v3;
	v7 =	vmul.f32 v11, v3  }
0x8f: {  	[tilespmem:s14+$0x30] =	vst v10  }
0x90: {  	[tilespmem:s14+$0xFFFFFFC0] =	vst v8  }
0x91: {  	v2 =	vmul.f32 v2, v3;
	[tilespmem:s14+$0x10] =	vst v9  }
0x92: {  	v4 =	vmul.f32 v4, v3;
	[tilespmem:s14+$0xFFFFFFE0] =	vst v7  }
0x93: {  	v6 =	vmul.f32 v6, v3;
	[tilespmem:s14+$0xFFFFFFF0] =	vst v2  }
0x94: {  	v2 =	vmul.f32 v5, v3;
	[tilespmem:s14+$0x20] =	vst v4  }
0x95: {  	[tilespmem:s14+$0x0] =	vst v6  }
0x96: {  	[tilespmem:s14+$0xFFFFFFD0] =	vst v2  }
0x97: {  	[spmem:s1] =	stream.indirect.scatter.add.f32 [tilespmem:s19], [sflag:$0x3], $0x80, s21, s23, $0xb8;
	[tilespmem:$0x19D00] =	vst v63  }
0x98: {  	_ =	swait.ge [sflag:s20], $0x2800  }
0x99: {  	[sflag:s20] =	ssyncset.done $0x0  }
0x9a: {  	[sflag:s20] =	ssyncadd.s32 $0xFFFFD800  }
0x9b: {  	_ =	swait.ge [sflag:s29], $0x2800  }
0x9c: {  	[sflag:s29] =	ssyncset.done $0x0  }
0x9d: {  	[sflag:s29] =	ssyncadd.s32 $0xFFFFD800  }
0x9e: {  	v2 =	vld [tilespmem:$0x100]  }
0x9f: {  	v3 =	vld [tilespmem:$0x110]  }
0xa0: {  	v4 =	vld [tilespmem:$0x120]  }
0xa1: {  	v5 =	vld [tilespmem:$0x130]  }
0xa2: {  	v6 =	vld [tilespmem:$0x140]  }
0xa3: {  	v2 =	vshll.u32 v2, $0x1  }
0xa4: {  	v3 =	vshll.u32 v3, $0x1;
	v2 =	vor.u32 v0, v2  }
0xa5: {  	s18 =	simm.s32 $0x0;
	[tilespmem:$0xC00] =	vst v2;
	v2 =	vor.u32 v0, v3;
	v3 =	vshll.u32 v4, $0x1  }
0xa6: {  	v4 =	vmov s18;
	[tilespmem:$0xC10] =	vst v2;
	v2 =	vor.u32 v0, v3;
	v3 =	vshll.u32 v5, $0x1  }
0xa7: {  	v4 =	vand.u32 $0x7F, v4;
	[tilespmem:$0xC20] =	vst v2;
	v2 =	vor.u32 v0, v3;
	v3 =	vshll.u32 v6, $0x1  }
0xa8: {  	[tilespmem:$0xC30] =	vst v2;
	v2 =	vor.u32 v0, v3;
	v3 =	vor.u32 $0x80, v4  }
0xa9: {  	[tilespmem:$0xC40] =	vst v2;
	v2 =	vbroadcast v3, $0x0  }
0xaa: {  	s14 =	simm.s32 $0x3540  }
0xab: {  	[tilespmem:s19], [sflag:$0x1] =	stream.indirect.gather [hbm4b:s4+s23], $0x80, s24, s23, $0xb8;
	[tilespmem:$0x19D00] =	vst v63  }
0xac: {  	v6 =	vld [tilespmem:s14+$0x30]  }
0xad: {  	v9 =	vld [tilespmem:s14+$0x10]  }
0xae: {  	v7 =	vld [tilespmem:s14+$0xFFFFFFC0]  }
0xaf: {  	v3 =	vld.idx.msk [tilespmem:v2+s22+$0x0], $0xffff  }
0xb0: {  	v12 =	vld [tilespmem:s14+$0xFFFFFFE0]  }
0xb1: {  	v4 =	vld [tilespmem:s14+$0x20]  }
0xb2: {  	v5 =	vld [tilespmem:s14+$0xFFFFFFD0]  }
0xb3: {  	v2 =	vld [tilespmem:s14+$0xFFFFFFF0]  }
0xb4: {  	v10 =	vmul.f32 v6, v3;
	v6 =	vld [tilespmem:s14+$0x0]  }
0xb5: {  	s15 =	simm.s32 $0x1;
	v8 =	vmul.f32 v7, v3  }
0xb6: {  	s17 =	simm.s32 $0x2;
	v11 =	vmov s15;
	s15 =	simm.s32 $0x3540;
	v7 =	vmul.f32 v12, v3;
	v9 =	vmul.f32 v9, v3  }
.LBB2_7:
0xb7: {  	p0 =	sne.s32 s17, $0x4F  }
0xb8: {  	v11 =	vand.u32 $0x7F, v11;
	v5 =	vmul.f32 v5, v3;
	v4 =	vmul.f32 v4, v3;
	[tilespmem:s14+$0x30] =	vst v10;
	s15 =	sadd.s32 $0x80, s15;
	s18 =	smov.u32 s17;
	s17 =	sadd.s32 $0x1, s17  }
0xb9: {  	v10 =	vor.u32 $0x80, v11;
	[tilespmem:s14+$0xFFFFFFC0] =	vst v8;
	v8 =	vmul.f32 v2, v3;
	v3 =	vmul.f32 v6, v3  }
0xba: {  	v6 =	vbroadcast v10, $0x0;
	[tilespmem:s14+$0x10] =	vst v9  }
0xbb: {  	[tilespmem:s14+$0xFFFFFFE0] =	vst v7  }
0xbc: {  	v2 =	vld [tilespmem:s15+$0xFFFFFFF0];
	[tilespmem:s14+$0xFFFFFFF0] =	vst v8  }
0xbd: {  	v7 =	vld [tilespmem:s15+$0x30];
	[tilespmem:s14+$0x0] =	vst v3  }
0xbe: {  	v9 =	vld [tilespmem:s15+$0x10];
	[tilespmem:s14+$0x20] =	vst v4  }
0xbf: {  	v8 =	vld [tilespmem:s15+$0xFFFFFFC0];
	[tilespmem:s14+$0xFFFFFFD0] =	vst v5;
	s14 =	smov.u32 s15  }
0xc0: {  	v3 =	vld.idx.msk [tilespmem:v6+s22+$0x0], $0xffff  }
0xc1: {  	v12 =	vld [tilespmem:s15+$0xFFFFFFE0]  }
0xc2: {  	v4 =	vld [tilespmem:s15+$0x20]  }
.Ltmp2:
0xc3: {  	v5 =	vld [tilespmem:s15+$0xFFFFFFD0];
	(pc) =	sbr.rel @p0 .LBB2_7-.Ltmp2, $3  }
0xc4: {  	v6 =	vld [tilespmem:s15+$0x0];
	_ =	sdelay $0x1  }
0xc5: {  	v8 =	vmul.f32 v8, v3;
	v10 =	vmul.f32 v7, v3  }
0xc6: {  	v11 =	vmov s18;
	v9 =	vmul.f32 v9, v3;
	v7 =	vmul.f32 v12, v3  }
0xc7: {  	[tilespmem:s14+$0xFFFFFFC0] =	vst v8;
	v8 =	vand.u32 $0x7F, v11  }
0xc8: {  	[tilespmem:s14+$0x30] =	vst v10;
	v8 =	vor.u32 $0x80, v8  }
0xc9: {  	v2 =	vmul.f32 v2, v3;
	[tilespmem:s14+$0xFFFFFFE0] =	vst v7;
	v7 =	vbroadcast v8, $0x0  }
0xca: {  	s15 =	sadd.s32 $0x80, s15;
	[tilespmem:s14+$0x10] =	vst v9;
	v6 =	vmul.f32 v6, v3  }
0xcb: {  	v4 =	vmul.f32 v4, v3;
	v8 =	vld [tilespmem:s15+$0xFFFFFFF0];
	[tilespmem:s14+$0xFFFFFFF0] =	vst v2  }
0xcc: {  	v3 =	vmul.f32 v5, v3;
	v2 =	vld [tilespmem:s15+$0x30];
	[tilespmem:s14+$0x0] =	vst v6  }
0xcd: {  	v5 =	vld [tilespmem:s15+$0x10];
	[tilespmem:s14+$0x20] =	vst v4  }
0xce: {  	v4 =	vld [tilespmem:s15+$0xFFFFFFC0];
	[tilespmem:s14+$0xFFFFFFD0] =	vst v3  }
0xcf: {  	v3 =	vld.idx.msk [tilespmem:v7+s22+$0x0], $0xffff;
	_ =	sdelay $0x2  }
0xd0: {  	v6 =	vld [tilespmem:s15+$0xFFFFFFE0];
	_ =	sdelay $0x1  }
0xd1: {  	v7 =	vld [tilespmem:s15+$0x0];
	v2 =	vmul.f32 v2, v3  }
0xd2: {  	v9 =	vld [tilespmem:s15+$0x20];
	v4 =	vmul.f32 v4, v3  }
0xd3: {  	v10 =	vld [tilespmem:s15+$0xFFFFFFD0];
	v5 =	vmul.f32 v5, v3;
	[tilespmem:s15+$0x30] =	vst v2  }
0xd4: {  	v2 =	vmul.f32 v6, v3;
	[tilespmem:s15+$0xFFFFFFC0] =	vst v4  }
0xd5: {  	v4 =	vmul.f32 v8, v3;
	[tilespmem:s15+$0x10] =	vst v5  }
0xd6: {  	v5 =	vmul.f32 v7, v3;
	[tilespmem:s15+$0xFFFFFFE0] =	vst v2  }
0xd7: {  	v2 =	vmul.f32 v9, v3;
	[tilespmem:s15+$0xFFFFFFF0] =	vst v4  }
0xd8: {  	v3 =	vmul.f32 v10, v3;
	[tilespmem:s15+$0x0] =	vst v5  }
0xd9: {  	[tilespmem:s15+$0x20] =	vst v2  }
0xda: {  	[tilespmem:s15+$0xFFFFFFD0] =	vst v3  }
0xdb: {  	[spmem:s1] =	stream.indirect.scatter.add.f32 [tilespmem:s28], [sflag:$0x3], $0x80, s30, s23, $0xb8;
	[tilespmem:$0x19D00] =	vst v63  }
0xdc: {  	_ =	swait.ge [sflag:s20], $0x2800  }
0xdd: {  	[sflag:s20] =	ssyncset.done $0x0  }
0xde: {  	[sflag:s20] =	ssyncadd.s32 $0xFFFFD800  }
0xdf: {  	_ =	swait.ge [sflag:s25], $0x2800  }
0xe0: {  	[sflag:s25] =	ssyncset.done $0x0  }
0xe1: {  	[sflag:s25] =	ssyncadd.s32 $0xFFFFD800  }
0xe2: {  	v2 =	vld [tilespmem:$0x180]  }
0xe3: {  	v3 =	vld [tilespmem:$0x190]  }
0xe4: {  	v4 =	vld [tilespmem:$0x1A0]  }
0xe5: {  	v5 =	vld [tilespmem:$0x1B0]  }
0xe6: {  	v6 =	vld [tilespmem:$0x1C0]  }
0xe7: {  	v2 =	vshll.u32 v2, $0x1  }
0xe8: {  	v3 =	vshll.u32 v3, $0x1;
	v2 =	vor.u32 v0, v2  }
0xe9: {  	s17 =	simm.s32 $0x0;
	[tilespmem:$0xC80] =	vst v2;
	v2 =	vor.u32 v0, v3;
	v3 =	vshll.u32 v4, $0x1  }
0xea: {  	v4 =	vmov s17;
	[tilespmem:$0xC90] =	vst v2;
	v2 =	vor.u32 v0, v3;
	v3 =	vshll.u32 v5, $0x1  }
0xeb: {  	v4 =	vand.u32 $0x7F, v4;
	[tilespmem:$0xCA0] =	vst v2;
	v2 =	vor.u32 v0, v3;
	v3 =	vshll.u32 v6, $0x1  }
0xec: {  	[tilespmem:$0xCB0] =	vst v2;
	v2 =	vor.u32 v0, v3;
	v3 =	vor.u32 $0x100, v4  }
0xed: {  	[tilespmem:$0xCC0] =	vst v2;
	v2 =	vbroadcast v3, $0x0  }
0xee: {  	s14 =	simm.s32 $0xD40  }
0xef: {  	[tilespmem:s28], [sflag:$0x2] =	stream.indirect.gather [hbm4b:s4+s23], $0x80, s26, s23, $0xb8;
	[tilespmem:$0x19D00] =	vst v63  }
0xf0: {  	v6 =	vld [tilespmem:s14+$0x30]  }
0xf1: {  	v9 =	vld [tilespmem:s14+$0x10]  }
0xf2: {  	v7 =	vld [tilespmem:s14+$0xFFFFFFC0]  }
0xf3: {  	v3 =	vld.idx.msk [tilespmem:v2+s22+$0x0], $0xffff  }
0xf4: {  	v12 =	vld [tilespmem:s14+$0xFFFFFFE0]  }
0xf5: {  	v4 =	vld [tilespmem:s14+$0x20]  }
0xf6: {  	v5 =	vld [tilespmem:s14+$0xFFFFFFD0]  }
0xf7: {  	v2 =	vld [tilespmem:s14+$0xFFFFFFF0]  }
0xf8: {  	v10 =	vmul.f32 v6, v3;
	v6 =	vld [tilespmem:s14+$0x0]  }
0xf9: {  	s18 =	simm.s32 $0x1;
	v8 =	vmul.f32 v7, v3  }
0xfa: {  	v11 =	vmov s18;
	s15 =	simm.s32 $0xD40;
	s17 =	simm.s32 $0x2;
	v7 =	vmul.f32 v12, v3;
	v9 =	vmul.f32 v9, v3  }
.LBB2_9:
0xfb: {  	p0 =	sne.s32 s17, $0x4F  }
0xfc: {  	v11 =	vand.u32 $0x7F, v11;
	v5 =	vmul.f32 v5, v3;
	v4 =	vmul.f32 v4, v3;
	[tilespmem:s14+$0x30] =	vst v10;
	s15 =	sadd.s32 $0x80, s15;
	s18 =	smov.u32 s17;
	s17 =	sadd.s32 $0x1, s17  }
0xfd: {  	v10 =	vor.u32 $0x100, v11;
	[tilespmem:s14+$0xFFFFFFC0] =	vst v8;
	v8 =	vmul.f32 v2, v3;
	v3 =	vmul.f32 v6, v3  }
0xfe: {  	v6 =	vbroadcast v10, $0x0;
	[tilespmem:s14+$0x10] =	vst v9  }
0xff: {  	[tilespmem:s14+$0xFFFFFFE0] =	vst v7  }
0x100: {  	v2 =	vld [tilespmem:s15+$0xFFFFFFF0];
	[tilespmem:s14+$0xFFFFFFF0] =	vst v8  }
0x101: {  	v7 =	vld [tilespmem:s15+$0x30];
	[tilespmem:s14+$0x0] =	vst v3  }
0x102: {  	v9 =	vld [tilespmem:s15+$0x10];
	[tilespmem:s14+$0x20] =	vst v4  }
0x103: {  	v8 =	vld [tilespmem:s15+$0xFFFFFFC0];
	[tilespmem:s14+$0xFFFFFFD0] =	vst v5;
	s14 =	smov.u32 s15  }
0x104: {  	v3 =	vld.idx.msk [tilespmem:v6+s22+$0x0], $0xffff  }
0x105: {  	v12 =	vld [tilespmem:s15+$0xFFFFFFE0]  }
0x106: {  	v4 =	vld [tilespmem:s15+$0x20]  }
.Ltmp3:
0x107: {  	v5 =	vld [tilespmem:s15+$0xFFFFFFD0];
	(pc) =	sbr.rel @p0 .LBB2_9-.Ltmp3, $3  }
0x108: {  	v6 =	vld [tilespmem:s15+$0x0];
	_ =	sdelay $0x1  }
0x109: {  	v8 =	vmul.f32 v8, v3;
	v10 =	vmul.f32 v7, v3  }
0x10a: {  	v11 =	vmov s18;
	v9 =	vmul.f32 v9, v3;
	v7 =	vmul.f32 v12, v3  }
0x10b: {  	[tilespmem:s14+$0xFFFFFFC0] =	vst v8;
	v8 =	vand.u32 $0x7F, v11  }
0x10c: {  	[tilespmem:s14+$0x30] =	vst v10;
	v8 =	vor.u32 $0x100, v8  }
0x10d: {  	v2 =	vmul.f32 v2, v3;
	[tilespmem:s14+$0xFFFFFFE0] =	vst v7;
	v7 =	vbroadcast v8, $0x0  }
0x10e: {  	s15 =	sadd.s32 $0x80, s15;
	[tilespmem:s14+$0x10] =	vst v9;
	v6 =	vmul.f32 v6, v3  }
0x10f: {  	v4 =	vmul.f32 v4, v3;
	v8 =	vld [tilespmem:s15+$0xFFFFFFF0];
	[tilespmem:s14+$0xFFFFFFF0] =	vst v2  }
0x110: {  	v3 =	vmul.f32 v5, v3;
	v2 =	vld [tilespmem:s15+$0x30];
	[tilespmem:s14+$0x0] =	vst v6  }
0x111: {  	v5 =	vld [tilespmem:s15+$0x10];
	[tilespmem:s14+$0x20] =	vst v4  }
0x112: {  	v4 =	vld [tilespmem:s15+$0xFFFFFFC0];
	[tilespmem:s14+$0xFFFFFFD0] =	vst v3  }
0x113: {  	v3 =	vld.idx.msk [tilespmem:v7+s22+$0x0], $0xffff;
	_ =	sdelay $0x2  }
0x114: {  	v6 =	vld [tilespmem:s15+$0xFFFFFFE0];
	_ =	sdelay $0x1  }
0x115: {  	v7 =	vld [tilespmem:s15+$0x0];
	v2 =	vmul.f32 v2, v3  }
0x116: {  	v9 =	vld [tilespmem:s15+$0x20];
	v4 =	vmul.f32 v4, v3  }
0x117: {  	v10 =	vld [tilespmem:s15+$0xFFFFFFD0];
	v5 =	vmul.f32 v5, v3;
	[tilespmem:s15+$0x30] =	vst v2  }
0x118: {  	v2 =	vmul.f32 v6, v3;
	[tilespmem:s15+$0xFFFFFFC0] =	vst v4  }
0x119: {  	v4 =	vmul.f32 v8, v3;
	[tilespmem:s15+$0x10] =	vst v5  }
0x11a: {  	v5 =	vmul.f32 v7, v3;
	[tilespmem:s15+$0xFFFFFFE0] =	vst v2  }
0x11b: {  	v2 =	vmul.f32 v9, v3;
	[tilespmem:s15+$0xFFFFFFF0] =	vst v4  }
0x11c: {  	v3 =	vmul.f32 v10, v3;
	[tilespmem:s15+$0x0] =	vst v5  }
0x11d: {  	[tilespmem:s15+$0x20] =	vst v2  }
0x11e: {  	[tilespmem:s15+$0xFFFFFFD0] =	vst v3  }
0x11f: {  	[spmem:s1] =	stream.indirect.scatter.add.f32 [tilespmem:s19], [sflag:$0x3], $0x80, s31, s23, $0xb8;
	[tilespmem:$0x19D00] =	vst v63  }
0x120: {  	_ =	swait.ge [sflag:s20], $0x2800  }
0x121: {  	[sflag:s20] =	ssyncset.done $0x0  }
0x122: {  	[sflag:s20] =	ssyncadd.s32 $0xFFFFD800  }
0x123: {  	_ =	swait.ge [sflag:s29], $0x2800  }
0x124: {  	[sflag:s29] =	ssyncset.done $0x0  }
0x125: {  	[sflag:s29] =	ssyncadd.s32 $0xFFFFD800  }
0x126: {  	v2 =	vld [tilespmem:$0x200]  }
0x127: {  	v3 =	vld [tilespmem:$0x210]  }
0x128: {  	v4 =	vld [tilespmem:$0x220]  }
0x129: {  	v5 =	vld [tilespmem:$0x230]  }
0x12a: {  	v6 =	vld [tilespmem:$0x240]  }
0x12b: {  	v2 =	vshll.u32 v2, $0x1  }
0x12c: {  	v3 =	vshll.u32 v3, $0x1;
	v2 =	vor.u32 v0, v2  }
0x12d: {  	s17 =	simm.s32 $0x0;
	[tilespmem:$0xC00] =	vst v2;
	v2 =	vor.u32 v0, v3;
	v3 =	vshll.u32 v4, $0x1  }
0x12e: {  	v4 =	vmov s17;
	[tilespmem:$0xC10] =	vst v2;
	v2 =	vor.u32 v0, v3;
	v3 =	vshll.u32 v5, $0x1  }
0x12f: {  	v4 =	vand.u32 $0x7F, v4;
	[tilespmem:$0xC20] =	vst v2;
	v2 =	vor.u32 v0, v3;
	v3 =	vshll.u32 v6, $0x1  }
0x130: {  	[tilespmem:$0xC30] =	vst v2;
	v2 =	vor.u32 v0, v3;
	v3 =	vor.u32 $0x180, v4  }
0x131: {  	[tilespmem:$0xC40] =	vst v2;
	v2 =	vbroadcast v3, $0x0  }
0x132: {  	s14 =	simm.s32 $0x3540  }
0x133: {  	[tilespmem:s19], [sflag:$0x1] =	stream.indirect.gather [hbm4b:s4+s23], $0x80, s24, s23, $0xb8;
	[tilespmem:$0x19D00] =	vst v63  }
0x134: {  	v6 =	vld [tilespmem:s14+$0x30]  }
0x135: {  	v9 =	vld [tilespmem:s14+$0x10]  }
0x136: {  	v7 =	vld [tilespmem:s14+$0xFFFFFFC0]  }
0x137: {  	v3 =	vld.idx.msk [tilespmem:v2+s22+$0x0], $0xffff  }
0x138: {  	v12 =	vld [tilespmem:s14+$0xFFFFFFE0]  }
0x139: {  	v4 =	vld [tilespmem:s14+$0x20]  }
0x13a: {  	v5 =	vld [tilespmem:s14+$0xFFFFFFD0]  }
0x13b: {  	v2 =	vld [tilespmem:s14+$0xFFFFFFF0]  }
0x13c: {  	v10 =	vmul.f32 v6, v3;
	v6 =	vld [tilespmem:s14+$0x0]  }
0x13d: {  	s18 =	simm.s32 $0x1;
	v8 =	vmul.f32 v7, v3  }
0x13e: {  	v11 =	vmov s18;
	s15 =	simm.s32 $0x3540;
	s17 =	simm.s32 $0x2;
	v7 =	vmul.f32 v12, v3;
	v9 =	vmul.f32 v9, v3  }
.LBB2_11:
0x13f: {  	p0 =	sne.s32 s17, $0x4F  }
0x140: {  	v11 =	vand.u32 $0x7F, v11;
	v5 =	vmul.f32 v5, v3;
	v4 =	vmul.f32 v4, v3;
	[tilespmem:s14+$0x30] =	vst v10;
	s15 =	sadd.s32 $0x80, s15;
	s18 =	smov.u32 s17;
	s17 =	sadd.s32 $0x1, s17  }
0x141: {  	v10 =	vor.u32 $0x180, v11;
	[tilespmem:s14+$0xFFFFFFC0] =	vst v8;
	v8 =	vmul.f32 v2, v3;
	v3 =	vmul.f32 v6, v3  }
0x142: {  	v6 =	vbroadcast v10, $0x0;
	[tilespmem:s14+$0x10] =	vst v9  }
0x143: {  	[tilespmem:s14+$0xFFFFFFE0] =	vst v7  }
0x144: {  	v2 =	vld [tilespmem:s15+$0xFFFFFFF0];
	[tilespmem:s14+$0xFFFFFFF0] =	vst v8  }
0x145: {  	v7 =	vld [tilespmem:s15+$0x30];
	[tilespmem:s14+$0x0] =	vst v3  }
0x146: {  	v9 =	vld [tilespmem:s15+$0x10];
	[tilespmem:s14+$0x20] =	vst v4  }
0x147: {  	v8 =	vld [tilespmem:s15+$0xFFFFFFC0];
	[tilespmem:s14+$0xFFFFFFD0] =	vst v5;
	s14 =	smov.u32 s15  }
0x148: {  	v3 =	vld.idx.msk [tilespmem:v6+s22+$0x0], $0xffff  }
0x149: {  	v12 =	vld [tilespmem:s15+$0xFFFFFFE0]  }
0x14a: {  	v4 =	vld [tilespmem:s15+$0x20]  }
.Ltmp4:
0x14b: {  	v5 =	vld [tilespmem:s15+$0xFFFFFFD0];
	(pc) =	sbr.rel @p0 .LBB2_11-.Ltmp4, $3  }
0x14c: {  	v6 =	vld [tilespmem:s15+$0x0];
	_ =	sdelay $0x1  }
0x14d: {  	v8 =	vmul.f32 v8, v3;
	v10 =	vmul.f32 v7, v3  }
0x14e: {  	v11 =	vmov s18;
	v9 =	vmul.f32 v9, v3;
	v7 =	vmul.f32 v12, v3  }
0x14f: {  	[tilespmem:s14+$0xFFFFFFC0] =	vst v8;
	v8 =	vand.u32 $0x7F, v11  }
0x150: {  	[tilespmem:s14+$0x30] =	vst v10;
	v8 =	vor.u32 $0x180, v8  }
0x151: {  	v2 =	vmul.f32 v2, v3;
	[tilespmem:s14+$0xFFFFFFE0] =	vst v7;
	v7 =	vbroadcast v8, $0x0  }
0x152: {  	s15 =	sadd.s32 $0x80, s15;
	[tilespmem:s14+$0x10] =	vst v9;
	v6 =	vmul.f32 v6, v3  }
0x153: {  	v4 =	vmul.f32 v4, v3;
	v8 =	vld [tilespmem:s15+$0xFFFFFFF0];
	[tilespmem:s14+$0xFFFFFFF0] =	vst v2  }
0x154: {  	v3 =	vmul.f32 v5, v3;
	v2 =	vld [tilespmem:s15+$0x30];
	[tilespmem:s14+$0x0] =	vst v6  }
0x155: {  	v5 =	vld [tilespmem:s15+$0x10];
	[tilespmem:s14+$0x20] =	vst v4  }
0x156: {  	v4 =	vld [tilespmem:s15+$0xFFFFFFC0];
	[tilespmem:s14+$0xFFFFFFD0] =	vst v3  }
0x157: {  	v3 =	vld.idx.msk [tilespmem:v7+s22+$0x0], $0xffff;
	_ =	sdelay $0x2  }
0x158: {  	v6 =	vld [tilespmem:s15+$0xFFFFFFE0];
	_ =	sdelay $0x1  }
0x159: {  	v7 =	vld [tilespmem:s15+$0x0];
	v2 =	vmul.f32 v2, v3  }
0x15a: {  	v9 =	vld [tilespmem:s15+$0x20];
	v4 =	vmul.f32 v4, v3  }
0x15b: {  	v10 =	vld [tilespmem:s15+$0xFFFFFFD0];
	v5 =	vmul.f32 v5, v3;
	[tilespmem:s15+$0x30] =	vst v2  }
0x15c: {  	v2 =	vmul.f32 v6, v3;
	[tilespmem:s15+$0xFFFFFFC0] =	vst v4  }
0x15d: {  	v4 =	vmul.f32 v8, v3;
	[tilespmem:s15+$0x10] =	vst v5  }
0x15e: {  	v5 =	vmul.f32 v7, v3;
	[tilespmem:s15+$0xFFFFFFE0] =	vst v2  }
0x15f: {  	v2 =	vmul.f32 v9, v3;
	[tilespmem:s15+$0xFFFFFFF0] =	vst v4  }
0x160: {  	v3 =	vmul.f32 v10, v3;
	[tilespmem:s15+$0x0] =	vst v5  }
0x161: {  	[tilespmem:s15+$0x20] =	vst v2  }
0x162: {  	[tilespmem:s15+$0xFFFFFFD0] =	vst v3  }
0x163: {  	[spmem:s1] =	stream.indirect.scatter.add.f32 [tilespmem:s28], [sflag:$0x3], $0x80, s0, s23, $0xb8;
	[tilespmem:$0x19D00] =	vst v63  }
0x164: {  	_ =	swait.ge [sflag:s20], $0x2800  }
0x165: {  	[sflag:s20] =	ssyncset.done $0x0  }
0x166: {  	[sflag:s20] =	ssyncadd.s32 $0xFFFFD800  }
0x167: {  	_ =	swait.ge [sflag:s25], $0x2800  }
0x168: {  	[sflag:s25] =	ssyncset.done $0x0  }
0x169: {  	[sflag:s25] =	ssyncadd.s32 $0xFFFFD800  }
0x16a: {  	v2 =	vld [tilespmem:$0x280]  }
0x16b: {  	v3 =	vld [tilespmem:$0x290]  }
0x16c: {  	v4 =	vld [tilespmem:$0x2A0]  }
0x16d: {  	v5 =	vld [tilespmem:$0x2B0]  }
0x16e: {  	v6 =	vld [tilespmem:$0x2C0]  }
0x16f: {  	v2 =	vshll.u32 v2, $0x1  }
0x170: {  	v3 =	vshll.u32 v3, $0x1;
	v2 =	vor.u32 v0, v2  }
0x171: {  	s17 =	simm.s32 $0x0;
	[tilespmem:$0xC80] =	vst v2;
	v2 =	vor.u32 v0, v3;
	v3 =	vshll.u32 v4, $0x1  }
0x172: {  	v4 =	vmov s17;
	[tilespmem:$0xC90] =	vst v2;
	v2 =	vor.u32 v0, v3;
	v3 =	vshll.u32 v5, $0x1  }
0x173: {  	v4 =	vand.u32 $0x7F, v4;
	[tilespmem:$0xCA0] =	vst v2;
	v2 =	vor.u32 v0, v3;
	v3 =	vshll.u32 v6, $0x1  }
0x174: {  	[tilespmem:$0xCB0] =	vst v2;
	v2 =	vor.u32 v0, v3;
	v3 =	vor.u32 $0x200, v4  }
0x175: {  	[tilespmem:$0xCC0] =	vst v2;
	v2 =	vbroadcast v3, $0x0  }
0x176: {  	s14 =	simm.s32 $0xD40  }
0x177: {  	[tilespmem:s28], [sflag:$0x2] =	stream.indirect.gather [hbm4b:s4+s23], $0x80, s26, s23, $0xb8;
	[tilespmem:$0x19D00] =	vst v63  }
0x178: {  	v6 =	vld [tilespmem:s14+$0x30]  }
0x179: {  	v9 =	vld [tilespmem:s14+$0x10]  }
0x17a: {  	v7 =	vld [tilespmem:s14+$0xFFFFFFC0]  }
0x17b: {  	v3 =	vld.idx.msk [tilespmem:v2+s22+$0x0], $0xffff  }
0x17c: {  	v12 =	vld [tilespmem:s14+$0xFFFFFFE0]  }
0x17d: {  	v4 =	vld [tilespmem:s14+$0x20]  }
0x17e: {  	v5 =	vld [tilespmem:s14+$0xFFFFFFD0]  }
0x17f: {  	v2 =	vld [tilespmem:s14+$0xFFFFFFF0]  }
0x180: {  	v10 =	vmul.f32 v6, v3;
	v6 =	vld [tilespmem:s14+$0x0]  }
0x181: {  	s18 =	simm.s32 $0x1;
	v8 =	vmul.f32 v7, v3  }
0x182: {  	v11 =	vmov s18;
	s15 =	simm.s32 $0xD40;
	s17 =	simm.s32 $0x2;
	v7 =	vmul.f32 v12, v3;
	v9 =	vmul.f32 v9, v3  }
.LBB2_13:
0x183: {  	p0 =	sne.s32 s17, $0x4F  }
0x184: {  	v11 =	vand.u32 $0x7F, v11;
	v5 =	vmul.f32 v5, v3;
	v4 =	vmul.f32 v4, v3;
	[tilespmem:s14+$0x30] =	vst v10;
	s15 =	sadd.s32 $0x80, s15;
	s18 =	smov.u32 s17;
	s17 =	sadd.s32 $0x1, s17  }
0x185: {  	v10 =	vor.u32 $0x200, v11;
	[tilespmem:s14+$0xFFFFFFC0] =	vst v8;
	v8 =	vmul.f32 v2, v3;
	v3 =	vmul.f32 v6, v3  }
0x186: {  	v6 =	vbroadcast v10, $0x0;
	[tilespmem:s14+$0x10] =	vst v9  }
0x187: {  	[tilespmem:s14+$0xFFFFFFE0] =	vst v7  }
0x188: {  	v2 =	vld [tilespmem:s15+$0xFFFFFFF0];
	[tilespmem:s14+$0xFFFFFFF0] =	vst v8  }
0x189: {  	v7 =	vld [tilespmem:s15+$0x30];
	[tilespmem:s14+$0x0] =	vst v3  }
0x18a: {  	v9 =	vld [tilespmem:s15+$0x10];
	[tilespmem:s14+$0x20] =	vst v4  }
0x18b: {  	v8 =	vld [tilespmem:s15+$0xFFFFFFC0];
	[tilespmem:s14+$0xFFFFFFD0] =	vst v5;
	s14 =	smov.u32 s15  }
0x18c: {  	v3 =	vld.idx.msk [tilespmem:v6+s22+$0x0], $0xffff  }
0x18d: {  	v12 =	vld [tilespmem:s15+$0xFFFFFFE0]  }
0x18e: {  	v4 =	vld [tilespmem:s15+$0x20]  }
.Ltmp5:
0x18f: {  	v5 =	vld [tilespmem:s15+$0xFFFFFFD0];
	(pc) =	sbr.rel @p0 .LBB2_13-.Ltmp5, $3  }
0x190: {  	v6 =	vld [tilespmem:s15+$0x0];
	_ =	sdelay $0x1  }
0x191: {  	v8 =	vmul.f32 v8, v3;
	v10 =	vmul.f32 v7, v3  }
0x192: {  	v11 =	vmov s18;
	v9 =	vmul.f32 v9, v3;
	v7 =	vmul.f32 v12, v3  }
0x193: {  	[tilespmem:s14+$0xFFFFFFC0] =	vst v8;
	v8 =	vand.u32 $0x7F, v11  }
0x194: {  	[tilespmem:s14+$0x30] =	vst v10;
	v8 =	vor.u32 $0x200, v8  }
0x195: {  	v2 =	vmul.f32 v2, v3;
	[tilespmem:s14+$0xFFFFFFE0] =	vst v7;
	v7 =	vbroadcast v8, $0x0  }
0x196: {  	s15 =	sadd.s32 $0x80, s15;
	[tilespmem:s14+$0x10] =	vst v9;
	v6 =	vmul.f32 v6, v3  }
0x197: {  	v4 =	vmul.f32 v4, v3;
	v8 =	vld [tilespmem:s15+$0xFFFFFFF0];
	[tilespmem:s14+$0xFFFFFFF0] =	vst v2  }
0x198: {  	v3 =	vmul.f32 v5, v3;
	v2 =	vld [tilespmem:s15+$0x30];
	[tilespmem:s14+$0x0] =	vst v6  }
0x199: {  	v5 =	vld [tilespmem:s15+$0x10];
	[tilespmem:s14+$0x20] =	vst v4  }
0x19a: {  	v4 =	vld [tilespmem:s15+$0xFFFFFFC0];
	[tilespmem:s14+$0xFFFFFFD0] =	vst v3  }
0x19b: {  	v3 =	vld.idx.msk [tilespmem:v7+s22+$0x0], $0xffff;
	_ =	sdelay $0x2  }
0x19c: {  	v6 =	vld [tilespmem:s15+$0xFFFFFFE0];
	_ =	sdelay $0x1  }
0x19d: {  	v7 =	vld [tilespmem:s15+$0x0];
	v2 =	vmul.f32 v2, v3  }
0x19e: {  	v9 =	vld [tilespmem:s15+$0x20];
	v4 =	vmul.f32 v4, v3  }
0x19f: {  	v10 =	vld [tilespmem:s15+$0xFFFFFFD0];
	v5 =	vmul.f32 v5, v3;
	[tilespmem:s15+$0x30] =	vst v2  }
0x1a0: {  	v2 =	vmul.f32 v6, v3;
	[tilespmem:s15+$0xFFFFFFC0] =	vst v4  }
0x1a1: {  	v4 =	vmul.f32 v8, v3;
	[tilespmem:s15+$0x10] =	vst v5  }
0x1a2: {  	v5 =	vmul.f32 v7, v3;
	[tilespmem:s15+$0xFFFFFFE0] =	vst v2  }
0x1a3: {  	v2 =	vmul.f32 v9, v3;
	[tilespmem:s15+$0xFFFFFFF0] =	vst v4  }
0x1a4: {  	v3 =	vmul.f32 v10, v3;
	[tilespmem:s15+$0x0] =	vst v5  }
0x1a5: {  	[tilespmem:s15+$0x20] =	vst v2  }
0x1a6: {  	[tilespmem:s15+$0xFFFFFFD0] =	vst v3  }
0x1a7: {  	[spmem:s1] =	stream.indirect.scatter.add.f32 [tilespmem:s19], [sflag:$0x3], $0x80, s3, s23, $0xb8;
	[tilespmem:$0x19D00] =	vst v63  }
0x1a8: {  	_ =	swait.ge [sflag:s20], $0x2800  }
0x1a9: {  	[sflag:s20] =	ssyncset.done $0x0  }
0x1aa: {  	[sflag:s20] =	ssyncadd.s32 $0xFFFFD800  }
0x1ab: {  	_ =	swait.ge [sflag:s29], $0x2800  }
0x1ac: {  	[sflag:s29] =	ssyncset.done $0x0  }
0x1ad: {  	[sflag:s29] =	ssyncadd.s32 $0xFFFFD800  }
0x1ae: {  	v2 =	vld [tilespmem:$0x300]  }
0x1af: {  	v3 =	vld [tilespmem:$0x310]  }
0x1b0: {  	v4 =	vld [tilespmem:$0x320]  }
0x1b1: {  	v5 =	vld [tilespmem:$0x330]  }
0x1b2: {  	v6 =	vld [tilespmem:$0x340]  }
0x1b3: {  	v2 =	vshll.u32 v2, $0x1  }
0x1b4: {  	v3 =	vshll.u32 v3, $0x1;
	v2 =	vor.u32 v0, v2  }
0x1b5: {  	s17 =	simm.s32 $0x0;
	[tilespmem:$0xC00] =	vst v2;
	v2 =	vor.u32 v0, v3;
	v3 =	vshll.u32 v4, $0x1  }
0x1b6: {  	v4 =	vmov s17;
	[tilespmem:$0xC10] =	vst v2;
	v2 =	vor.u32 v0, v3;
	v3 =	vshll.u32 v5, $0x1  }
0x1b7: {  	v4 =	vand.u32 $0x7F, v4;
	[tilespmem:$0xC20] =	vst v2;
	v2 =	vor.u32 v0, v3;
	v3 =	vshll.u32 v6, $0x1  }
0x1b8: {  	[tilespmem:$0xC30] =	vst v2;
	v2 =	vor.u32 v0, v3;
	v3 =	vor.u32 $0x280, v4  }
0x1b9: {  	[tilespmem:$0xC40] =	vst v2;
	v2 =	vbroadcast v3, $0x0  }
0x1ba: {  	s14 =	simm.s32 $0x3540  }
0x1bb: {  	[tilespmem:s19], [sflag:$0x1] =	stream.indirect.gather [hbm4b:s4+s23], $0x80, s24, s23, $0xb8;
	[tilespmem:$0x19D00] =	vst v63  }
0x1bc: {  	v6 =	vld [tilespmem:s14+$0x30]  }
0x1bd: {  	v9 =	vld [tilespmem:s14+$0x10]  }
0x1be: {  	v7 =	vld [tilespmem:s14+$0xFFFFFFC0]  }
0x1bf: {  	v3 =	vld.idx.msk [tilespmem:v2+s22+$0x0], $0xffff  }
0x1c0: {  	v12 =	vld [tilespmem:s14+$0xFFFFFFE0]  }
0x1c1: {  	v4 =	vld [tilespmem:s14+$0x20]  }
0x1c2: {  	v5 =	vld [tilespmem:s14+$0xFFFFFFD0]  }
0x1c3: {  	v2 =	vld [tilespmem:s14+$0xFFFFFFF0]  }
0x1c4: {  	v10 =	vmul.f32 v6, v3;
	v6 =	vld [tilespmem:s14+$0x0]  }
0x1c5: {  	s18 =	simm.s32 $0x1;
	v8 =	vmul.f32 v7, v3  }
0x1c6: {  	v11 =	vmov s18;
	s15 =	simm.s32 $0x3540;
	s17 =	simm.s32 $0x2;
	v7 =	vmul.f32 v12, v3;
	v9 =	vmul.f32 v9, v3  }
.LBB2_15:
0x1c7: {  	p0 =	sne.s32 s17, $0x4F  }
0x1c8: {  	v11 =	vand.u32 $0x7F, v11;
	v5 =	vmul.f32 v5, v3;
	v4 =	vmul.f32 v4, v3;
	[tilespmem:s14+$0x30] =	vst v10;
	s15 =	sadd.s32 $0x80, s15;
	s18 =	smov.u32 s17;
	s17 =	sadd.s32 $0x1, s17  }
0x1c9: {  	v10 =	vor.u32 $0x280, v11;
	[tilespmem:s14+$0xFFFFFFC0] =	vst v8;
	v8 =	vmul.f32 v2, v3;
	v3 =	vmul.f32 v6, v3  }
0x1ca: {  	v6 =	vbroadcast v10, $0x0;
	[tilespmem:s14+$0x10] =	vst v9  }
0x1cb: {  	[tilespmem:s14+$0xFFFFFFE0] =	vst v7  }
0x1cc: {  	v2 =	vld [tilespmem:s15+$0xFFFFFFF0];
	[tilespmem:s14+$0xFFFFFFF0] =	vst v8  }
0x1cd: {  	v7 =	vld [tilespmem:s15+$0x30];
	[tilespmem:s14+$0x0] =	vst v3  }
0x1ce: {  	v9 =	vld [tilespmem:s15+$0x10];
	[tilespmem:s14+$0x20] =	vst v4  }
0x1cf: {  	v8 =	vld [tilespmem:s15+$0xFFFFFFC0];
	[tilespmem:s14+$0xFFFFFFD0] =	vst v5;
	s14 =	smov.u32 s15  }
0x1d0: {  	v3 =	vld.idx.msk [tilespmem:v6+s22+$0x0], $0xffff  }
0x1d1: {  	v12 =	vld [tilespmem:s15+$0xFFFFFFE0]  }
0x1d2: {  	v4 =	vld [tilespmem:s15+$0x20]  }
.Ltmp6:
0x1d3: {  	v5 =	vld [tilespmem:s15+$0xFFFFFFD0];
	(pc) =	sbr.rel @p0 .LBB2_15-.Ltmp6, $3  }
0x1d4: {  	v6 =	vld [tilespmem:s15+$0x0];
	_ =	sdelay $0x1  }
0x1d5: {  	v8 =	vmul.f32 v8, v3;
	v10 =	vmul.f32 v7, v3  }
0x1d6: {  	v11 =	vmov s18;
	v9 =	vmul.f32 v9, v3;
	v7 =	vmul.f32 v12, v3  }
0x1d7: {  	[tilespmem:s14+$0xFFFFFFC0] =	vst v8;
	v8 =	vand.u32 $0x7F, v11  }
0x1d8: {  	[tilespmem:s14+$0x30] =	vst v10;
	v8 =	vor.u32 $0x280, v8  }
0x1d9: {  	v2 =	vmul.f32 v2, v3;
	[tilespmem:s14+$0xFFFFFFE0] =	vst v7;
	v7 =	vbroadcast v8, $0x0  }
0x1da: {  	s15 =	sadd.s32 $0x80, s15;
	[tilespmem:s14+$0x10] =	vst v9;
	v6 =	vmul.f32 v6, v3  }
0x1db: {  	v4 =	vmul.f32 v4, v3;
	v8 =	vld [tilespmem:s15+$0xFFFFFFF0];
	[tilespmem:s14+$0xFFFFFFF0] =	vst v2  }
0x1dc: {  	v3 =	vmul.f32 v5, v3;
	v2 =	vld [tilespmem:s15+$0x30];
	[tilespmem:s14+$0x0] =	vst v6  }
0x1dd: {  	v5 =	vld [tilespmem:s15+$0x10];
	[tilespmem:s14+$0x20] =	vst v4  }
0x1de: {  	v4 =	vld [tilespmem:s15+$0xFFFFFFC0];
	[tilespmem:s14+$0xFFFFFFD0] =	vst v3  }
0x1df: {  	v3 =	vld.idx.msk [tilespmem:v7+s22+$0x0], $0xffff;
	_ =	sdelay $0x2  }
0x1e0: {  	v6 =	vld [tilespmem:s15+$0xFFFFFFE0];
	_ =	sdelay $0x1  }
0x1e1: {  	v7 =	vld [tilespmem:s15+$0x0];
	v2 =	vmul.f32 v2, v3  }
0x1e2: {  	v9 =	vld [tilespmem:s15+$0x20];
	v4 =	vmul.f32 v4, v3  }
0x1e3: {  	v10 =	vld [tilespmem:s15+$0xFFFFFFD0];
	v5 =	vmul.f32 v5, v3;
	[tilespmem:s15+$0x30] =	vst v2  }
0x1e4: {  	v2 =	vmul.f32 v6, v3;
	[tilespmem:s15+$0xFFFFFFC0] =	vst v4  }
0x1e5: {  	v4 =	vmul.f32 v8, v3;
	[tilespmem:s15+$0x10] =	vst v5  }
0x1e6: {  	v5 =	vmul.f32 v7, v3;
	[tilespmem:s15+$0xFFFFFFE0] =	vst v2  }
0x1e7: {  	v2 =	vmul.f32 v9, v3;
	[tilespmem:s15+$0xFFFFFFF0] =	vst v4  }
0x1e8: {  	v3 =	vmul.f32 v10, v3;
	[tilespmem:s15+$0x0] =	vst v5  }
0x1e9: {  	[tilespmem:s15+$0x20] =	vst v2  }
0x1ea: {  	[tilespmem:s15+$0xFFFFFFD0] =	vst v3  }
0x1eb: {  	[spmem:s1] =	stream.indirect.scatter.add.f32 [tilespmem:s28], [sflag:$0x3], $0x80, s9, s23, $0xb8;
	[tilespmem:$0x19D00] =	vst v63  }
0x1ec: {  	_ =	swait.ge [sflag:s20], $0x2800  }
0x1ed: {  	[sflag:s20] =	ssyncset.done $0x0  }
0x1ee: {  	[sflag:s20] =	ssyncadd.s32 $0xFFFFD800  }
0x1ef: {  	_ =	swait.ge [sflag:s25], $0x2800  }
0x1f0: {  	[sflag:s25] =	ssyncset.done $0x0  }
0x1f1: {  	[sflag:s25] =	ssyncadd.s32 $0xFFFFD800  }
0x1f2: {  	v2 =	vld [tilespmem:$0x380]  }
0x1f3: {  	v3 =	vld [tilespmem:$0x390]  }
0x1f4: {  	v4 =	vld [tilespmem:$0x3A0]  }
0x1f5: {  	v5 =	vld [tilespmem:$0x3B0]  }
0x1f6: {  	v6 =	vld [tilespmem:$0x3C0]  }
0x1f7: {  	v2 =	vshll.u32 v2, $0x1  }
0x1f8: {  	v3 =	vshll.u32 v3, $0x1;
	v2 =	vor.u32 v0, v2  }
0x1f9: {  	s17 =	simm.s32 $0x0;
	[tilespmem:$0xC80] =	vst v2;
	v2 =	vor.u32 v0, v3;
	v3 =	vshll.u32 v4, $0x1  }
0x1fa: {  	v4 =	vmov s17;
	[tilespmem:$0xC90] =	vst v2;
	v2 =	vor.u32 v0, v3;
	v3 =	vshll.u32 v5, $0x1  }
0x1fb: {  	v4 =	vand.u32 $0x7F, v4;
	[tilespmem:$0xCA0] =	vst v2;
	v2 =	vor.u32 v0, v3;
	v3 =	vshll.u32 v6, $0x1  }
0x1fc: {  	[tilespmem:$0xCB0] =	vst v2;
	v2 =	vor.u32 v0, v3;
	v3 =	vor.u32 $0x300, v4  }
0x1fd: {  	[tilespmem:$0xCC0] =	vst v2;
	v2 =	vbroadcast v3, $0x0  }
0x1fe: {  	s14 =	simm.s32 $0xD40  }
0x1ff: {  	[tilespmem:s28], [sflag:$0x2] =	stream.indirect.gather [hbm4b:s4+s23], $0x80, s26, s23, $0xb8;
	[tilespmem:$0x19D00] =	vst v63  }
0x200: {  	v6 =	vld [tilespmem:s14+$0x30]  }
0x201: {  	v9 =	vld [tilespmem:s14+$0x10]  }
0x202: {  	v7 =	vld [tilespmem:s14+$0xFFFFFFC0]  }
0x203: {  	v3 =	vld.idx.msk [tilespmem:v2+s22+$0x0], $0xffff  }
0x204: {  	v12 =	vld [tilespmem:s14+$0xFFFFFFE0]  }
0x205: {  	v4 =	vld [tilespmem:s14+$0x20]  }
0x206: {  	v5 =	vld [tilespmem:s14+$0xFFFFFFD0]  }
0x207: {  	v2 =	vld [tilespmem:s14+$0xFFFFFFF0]  }
0x208: {  	v10 =	vmul.f32 v6, v3;
	v6 =	vld [tilespmem:s14+$0x0]  }
0x209: {  	s18 =	simm.s32 $0x1;
	v8 =	vmul.f32 v7, v3  }
0x20a: {  	v11 =	vmov s18;
	s15 =	simm.s32 $0xD40;
	s17 =	simm.s32 $0x2;
	v7 =	vmul.f32 v12, v3;
	v9 =	vmul.f32 v9, v3  }
.LBB2_17:
0x20b: {  	p0 =	sne.s32 s17, $0x4F  }
0x20c: {  	v11 =	vand.u32 $0x7F, v11;
	v5 =	vmul.f32 v5, v3;
	v4 =	vmul.f32 v4, v3;
	[tilespmem:s14+$0x30] =	vst v10;
	s15 =	sadd.s32 $0x80, s15;
	s18 =	smov.u32 s17;
	s17 =	sadd.s32 $0x1, s17  }
0x20d: {  	v10 =	vor.u32 $0x300, v11;
	[tilespmem:s14+$0xFFFFFFC0] =	vst v8;
	v8 =	vmul.f32 v2, v3;
	v3 =	vmul.f32 v6, v3  }
0x20e: {  	v6 =	vbroadcast v10, $0x0;
	[tilespmem:s14+$0x10] =	vst v9  }
0x20f: {  	[tilespmem:s14+$0xFFFFFFE0] =	vst v7  }
0x210: {  	v2 =	vld [tilespmem:s15+$0xFFFFFFF0];
	[tilespmem:s14+$0xFFFFFFF0] =	vst v8  }
0x211: {  	v7 =	vld [tilespmem:s15+$0x30];
	[tilespmem:s14+$0x0] =	vst v3  }
0x212: {  	v9 =	vld [tilespmem:s15+$0x10];
	[tilespmem:s14+$0x20] =	vst v4  }
0x213: {  	v8 =	vld [tilespmem:s15+$0xFFFFFFC0];
	[tilespmem:s14+$0xFFFFFFD0] =	vst v5;
	s14 =	smov.u32 s15  }
0x214: {  	v3 =	vld.idx.msk [tilespmem:v6+s22+$0x0], $0xffff  }
0x215: {  	v12 =	vld [tilespmem:s15+$0xFFFFFFE0]  }
0x216: {  	v4 =	vld [tilespmem:s15+$0x20]  }
.Ltmp7:
0x217: {  	v5 =	vld [tilespmem:s15+$0xFFFFFFD0];
	(pc) =	sbr.rel @p0 .LBB2_17-.Ltmp7, $3  }
0x218: {  	v6 =	vld [tilespmem:s15+$0x0];
	_ =	sdelay $0x1  }
0x219: {  	v8 =	vmul.f32 v8, v3;
	v10 =	vmul.f32 v7, v3  }
0x21a: {  	v11 =	vmov s18;
	v9 =	vmul.f32 v9, v3;
	v7 =	vmul.f32 v12, v3  }
0x21b: {  	[tilespmem:s14+$0xFFFFFFC0] =	vst v8;
	v8 =	vand.u32 $0x7F, v11  }
0x21c: {  	[tilespmem:s14+$0x30] =	vst v10;
	v8 =	vor.u32 $0x300, v8  }
0x21d: {  	v2 =	vmul.f32 v2, v3;
	[tilespmem:s14+$0xFFFFFFE0] =	vst v7;
	v7 =	vbroadcast v8, $0x0  }
0x21e: {  	s15 =	sadd.s32 $0x80, s15;
	[tilespmem:s14+$0x10] =	vst v9;
	v6 =	vmul.f32 v6, v3  }
0x21f: {  	v4 =	vmul.f32 v4, v3;
	v8 =	vld [tilespmem:s15+$0xFFFFFFF0];
	[tilespmem:s14+$0xFFFFFFF0] =	vst v2  }
0x220: {  	v3 =	vmul.f32 v5, v3;
	v2 =	vld [tilespmem:s15+$0x30];
	[tilespmem:s14+$0x0] =	vst v6  }
0x221: {  	v5 =	vld [tilespmem:s15+$0x10];
	[tilespmem:s14+$0x20] =	vst v4  }
0x222: {  	v4 =	vld [tilespmem:s15+$0xFFFFFFC0];
	[tilespmem:s14+$0xFFFFFFD0] =	vst v3  }
0x223: {  	v3 =	vld.idx.msk [tilespmem:v7+s22+$0x0], $0xffff;
	_ =	sdelay $0x2  }
0x224: {  	v6 =	vld [tilespmem:s15+$0xFFFFFFE0];
	_ =	sdelay $0x1  }
0x225: {  	v7 =	vld [tilespmem:s15+$0x0];
	v2 =	vmul.f32 v2, v3  }
0x226: {  	v9 =	vld [tilespmem:s15+$0x20];
	v4 =	vmul.f32 v4, v3  }
0x227: {  	v10 =	vld [tilespmem:s15+$0xFFFFFFD0];
	v5 =	vmul.f32 v5, v3;
	[tilespmem:s15+$0x30] =	vst v2  }
0x228: {  	v2 =	vmul.f32 v6, v3;
	[tilespmem:s15+$0xFFFFFFC0] =	vst v4  }
0x229: {  	v4 =	vmul.f32 v8, v3;
	[tilespmem:s15+$0x10] =	vst v5  }
0x22a: {  	v5 =	vmul.f32 v7, v3;
	[tilespmem:s15+$0xFFFFFFE0] =	vst v2  }
0x22b: {  	v2 =	vmul.f32 v9, v3;
	[tilespmem:s15+$0xFFFFFFF0] =	vst v4  }
0x22c: {  	v3 =	vmul.f32 v10, v3;
	[tilespmem:s15+$0x0] =	vst v5  }
0x22d: {  	[tilespmem:s15+$0x20] =	vst v2  }
0x22e: {  	s17 =	simm.s32 $0x0;
	[tilespmem:s15+$0xFFFFFFD0] =	vst v3  }
0x22f: {  	[spmem:s1] =	stream.indirect.scatter.add.f32 [tilespmem:s19], [sflag:$0x3], $0x80, s10, s23, $0xb8;
	[tilespmem:$0x19D00] =	vst v63  }
0x230: {  	v2 =	vmov s17;
	_ =	swait.ge [sflag:s20], $0x2800  }
0x231: {  	v2 =	vand.u32 $0x7F, v2;
	[sflag:s20] =	ssyncset.done $0x0  }
0x232: {  	v2 =	vor.u32 $0x380, v2;
	[sflag:s20] =	ssyncadd.s32 $0xFFFFD800  }
0x233: {  	v2 =	vbroadcast v2, $0x0;
	_ =	swait.ge [sflag:s29], $0x2800  }
0x234: {  	[sflag:s29] =	ssyncset.done $0x0  }
0x235: {  	s14 =	simm.s32 $0x3540;
	[sflag:s29] =	ssyncadd.s32 $0xFFFFD800  }
0x236: {  	v6 =	vld [tilespmem:s14+$0x30]  }
0x237: {  	v9 =	vld [tilespmem:s14+$0x10]  }
0x238: {  	v7 =	vld [tilespmem:s14+$0xFFFFFFC0]  }
0x239: {  	v3 =	vld.idx.msk [tilespmem:v2+s22+$0x0], $0xffff  }
0x23a: {  	v12 =	vld [tilespmem:s14+$0xFFFFFFE0]  }
0x23b: {  	v4 =	vld [tilespmem:s14+$0x20]  }
0x23c: {  	v5 =	vld [tilespmem:s14+$0xFFFFFFD0]  }
0x23d: {  	v2 =	vld [tilespmem:s14+$0xFFFFFFF0]  }
0x23e: {  	v10 =	vmul.f32 v6, v3;
	v6 =	vld [tilespmem:s14+$0x0]  }
0x23f: {  	s18 =	simm.s32 $0x1;
	v8 =	vmul.f32 v7, v3  }
0x240: {  	v11 =	vmov s18;
	s17 =	simm.s32 $0x2;
	s15 =	simm.s32 $0x3540;
	v7 =	vmul.f32 v12, v3;
	v9 =	vmul.f32 v9, v3  }
.LBB2_19:
0x241: {  	p0 =	sne.s32 s17, $0x4F  }
0x242: {  	v11 =	vand.u32 $0x7F, v11;
	v5 =	vmul.f32 v5, v3;
	v4 =	vmul.f32 v4, v3;
	[tilespmem:s14+$0x30] =	vst v10;
	s15 =	sadd.s32 $0x80, s15;
	s18 =	smov.u32 s17;
	s17 =	sadd.s32 $0x1, s17  }
0x243: {  	v10 =	vor.u32 $0x380, v11;
	[tilespmem:s14+$0xFFFFFFC0] =	vst v8;
	v8 =	vmul.f32 v2, v3;
	v3 =	vmul.f32 v6, v3  }
0x244: {  	v6 =	vbroadcast v10, $0x0;
	[tilespmem:s14+$0x10] =	vst v9  }
0x245: {  	[tilespmem:s14+$0xFFFFFFE0] =	vst v7  }
0x246: {  	v2 =	vld [tilespmem:s15+$0xFFFFFFF0];
	[tilespmem:s14+$0xFFFFFFF0] =	vst v8  }
0x247: {  	v7 =	vld [tilespmem:s15+$0x30];
	[tilespmem:s14+$0x0] =	vst v3  }
0x248: {  	v9 =	vld [tilespmem:s15+$0x10];
	[tilespmem:s14+$0x20] =	vst v4  }
0x249: {  	v8 =	vld [tilespmem:s15+$0xFFFFFFC0];
	[tilespmem:s14+$0xFFFFFFD0] =	vst v5;
	s14 =	smov.u32 s15  }
0x24a: {  	v3 =	vld.idx.msk [tilespmem:v6+s22+$0x0], $0xffff  }
0x24b: {  	v12 =	vld [tilespmem:s15+$0xFFFFFFE0]  }
0x24c: {  	v4 =	vld [tilespmem:s15+$0x20]  }
.Ltmp8:
0x24d: {  	v5 =	vld [tilespmem:s15+$0xFFFFFFD0];
	(pc) =	sbr.rel @p0 .LBB2_19-.Ltmp8, $3  }
0x24e: {  	v6 =	vld [tilespmem:s15+$0x0];
	_ =	sdelay $0x1  }
0x24f: {  	v8 =	vmul.f32 v8, v3;
	v10 =	vmul.f32 v7, v3  }
0x250: {  	v11 =	vmov s18;
	v9 =	vmul.f32 v9, v3;
	v7 =	vmul.f32 v12, v3  }
0x251: {  	[tilespmem:s14+$0x30] =	vst v10;
	v55 =	vand.u32 $0x7F, v11  }
0x252: {  	[tilespmem:s14+$0xFFFFFFC0] =	vst v8;
	v8 =	vor.u32 $0x380, v55  }
0x253: {  	v2 =	vmul.f32 v2, v3;
	[tilespmem:s14+$0x10] =	vst v9;
	v56 =	vbroadcast v8, $0x0  }
0x254: {  	s15 =	sadd.s32 $0x80, s15;
	[tilespmem:s14+$0xFFFFFFE0] =	vst v7;
	v6 =	vmul.f32 v6, v3  }
0x255: {  	v4 =	vmul.f32 v4, v3;
	v3 =	vmul.f32 v5, v3;
	v57 =	vld [tilespmem:s15+$0xFFFFFFF0];
	[tilespmem:s14+$0xFFFFFFF0] =	vst v2  }
0x256: {  	v2 =	vld [tilespmem:s15+$0x30];
	[tilespmem:s14+$0x0] =	vst v6  }
0x257: {  	v59 =	vld [tilespmem:s15+$0xFFFFFFC0];
	[tilespmem:s14+$0xFFFFFFD0] =	vst v3  }
0x258: {  	v58 =	vld [tilespmem:s15+$0x10];
	[tilespmem:s14+$0x20] =	vst v4  }
0x259: {  	v3 =	vld.idx.msk [tilespmem:v56+s22+$0x0], $0xffff;
	_ =	sdelay $0x3  }
0x25a: {  	v6 =	vld [tilespmem:s15+$0xFFFFFFE0]  }
0x25b: {  	v60 =	vld [tilespmem:s15+$0x0];
	v2 =	vmul.f32 v2, v3  }
0x25c: {  	v9 =	vld [tilespmem:s15+$0x20];
	v4 =	vmul.f32 v59, v3  }
0x25d: {  	v61 =	vld [tilespmem:s15+$0xFFFFFFD0];
	v5 =	vmul.f32 v58, v3;
	[tilespmem:s15+$0x30] =	vst v2  }
0x25e: {  	v62 =	vmul.f32 v57, v3;
	[tilespmem:s15+$0xFFFFFFC0] =	vst v4  }
0x25f: {  	v2 =	vmul.f32 v6, v3;
	[tilespmem:s15+$0x10] =	vst v5  }
0x260: {  	v63 =	vmul.f32 v60, v3;
	[tilespmem:s15+$0xFFFFFFF0] =	vst v62  }
0x261: {  	[tilespmem:s15+$0xFFFFFFE0] =	vst v2;
	v2 =	vmul.f32 v9, v3  }
0x262: {  	s13 =	sadd.s32 $0x1, s13;
	[tilespmem:s15+$0x0] =	vst v63;
	v3 =	vmul.f32 v61, v3  }
0x263: {  	p0 =	sne.s32 s13, $0x11;
	[tilespmem:s15+$0x20] =	vst v2  }
.Ltmp9:
0x264: {  	[tilespmem:s15+$0xFFFFFFD0] =	vst v3;
	(pc) =	sbr.rel @p0 .LBB2_4-.Ltmp9, $4  }
0x265: {  	[spmem:s1] =	stream.indirect.scatter.add.f32 [tilespmem:s28], [sflag:$0x3], $0x80, s11, s23, $0xb8;
	[tilespmem:$0x19D00] =	vst v63  }
0x266: {  	_ =	swait.ge [sflag:s20], $0x2800  }
0x267: {  	[sflag:s20] =	ssyncset.done $0x0  }
0x268: {  	[sflag:s20] =	ssyncadd.s32 $0xFFFFD800  }
0x269: {  	s12 =	stileid.u32;
	[bflag:$0x0] =	sbarrier.arrive $0xFFFF;
	s13 =	sshrl.u32 s8, $0x3  }
0x26a: {  	s15 =	simm.s32 $0x8;
	s17 =	simm.s32 $0x100;
	s12 =	sshll.u32 s12, $0x6  }
0x26b: {  	s18 =	simm.s32 $0x80;
	s14 =	rddreg [dreg:$0xa];
	s12 =	sor.u32 $0x1C03, s12  }
0x26c: {  	[hbm:s14@s17], [sflag:s12] =	dma.strided [spmem:s13@s18], $0x2800, s15, $0x10   }
0x26d: {  	_ =	swait.ge [sflag:s20], $0x2800  }
0x26e: {  	s2 =	sadd.s32 $0x1, s2;
	s18 =	rddreg [dreg:$0xb]  }
0x26f: {  	p0 =	sne.s32 s2, s18  }
.Ltmp10:
0x270: {  	_ = 	snop;
	(pc) =	sbr.rel @p0 .LBB2_1-.Ltmp10, $3  }
0x271: {  	_ =	sdelay $0x1  }
0x272: {  	[sflag:s20] =	ssyncset.done $0x0  }
0x273: {  	[sflag:s20] =	ssyncadd.s32 $0xFFFFD800  }
0x274: {  	_ =	sfence.sel $0x180000  }
0x275: {  	[bflag:$0x0] =	sbarrier.arrive $0xFFFF  }
0x276: {  	_ =	strace $0x9000004A  }
0x277: {  	s0 =	stileid.u32;
	[bflag:$0x2] =	sbarrier.arrive $0xFFFF  }
0x278: {  	p0 =	sne.s32 s0, $0x0;
	s0 =	rddreg [dreg:$0x2]  }
0x279: {  	s0 =	sadd.s32 @!p0 $0x100000, s0  }
0x27a: {  	[sflag:s0] =	ssyncadd.tile.s32 @!p0 $0x1;
	_ =	shalt  }
.Lfunc_end2:
_tile_overlayer_lowered:
.L_overlay_start_2:
0x27b: {  	(tag) =	ssettag $0x2  }
0x27c: {  	s0 =	rddreg [dreg:$0x0];
	s2 =	stileid.u32  }
0x27d: {  	s1 =	rddreg [dreg:$0x1];
	p0 =	sne.s32 s2, $0x0  }
0x27e: {  	s3 =	rddreg [dreg:$0x2];
	[bflag:$0x3] =	sbarrier.arrive $0xFFFF;
	s2 =	simm.s32 @!p0 $0x1C03  }
0x27f: {  	[timem:s3], [sflag:s2] =	dma.local @!p0 [hbm:s0], s1  }
0x280: {  	s0 =	simm.s32 @!p0 $0x3  }
0x281: {  	_ =	swait.ge @!p0 [sflag:s0], s1  }
0x282: {  	s1 =	ssub.s32 @!p0 $0x0, s1;
	[sflag:s0] =	ssyncset.done @!p0 $0x0  }
0x283: {  	[sflag:s0] =	ssyncadd.s32 @!p0 s1  }
0x284: {  	[bflag:$0x3] =	sbarrier.arrive $0xFFFF  }
0x285: {  	_ =	shalt  }

// kernel: kernel.14.cloned.1.call-start
scs
__scs_entry_jumppad:
0x0: {  	(pc) =	sbr.rel $0x88, $3  }
0x1: {  	(tag) =	ssettag $0x0;
	lr =	simm.s32 $0x1  }
0x2: {  	[smem:$0x3F96] =	sst lr;
	_ =	strace $0xD0000000  }
0x3: {  	_ = 	snop  }
0x4: {  	_ = 	snop  }
0x5: {  	_ = 	snop  }
0x6: {  	_ = 	snop  }
0x7: {  	_ = 	snop  }
__scs_overlays_trampoline_lowered:
0x8: {  	[smem:$0x3FA5] =	sst s0  }
0x9: {  	[smem:$0x3FA6] =	sst s1  }
0xa: {  	[smem:$0x3FA7] =	sst s2  }
0xb: {  	[smem:$0x3FA8] =	sst s3  }
0xc: {  	[smem:$0x3FA9] =	sst s4  }
0xd: {  	[smem:$0x3FAA] =	sst s5  }
0xe: {  	[smem:$0x3FAB] =	sst s6  }
0xf: {  	[smem:$0x3FAC] =	sst s7  }
0x10: {  	[smem:$0x3FAD] =	sst s8  }
0x11: {  	[smem:$0x3FAE] =	sst s9;
	s0 =	simm.s32 @!p0 $0x0  }
0x12: {  	s1 =	sld [smem:$0x3F94];
	s0 =	simm.s32 @p0 $0x1  }
0x13: {  	[smem:$0x3FAF] =	sst s0;
	s0 =	simm.s32 @!p1 $0x0  }
0x14: {  	s2 =	sld [smem:$0x3F93];
	s0 =	simm.s32 @p1 $0x1  }
0x15: {  	[smem:$0x3FB0] =	sst s0;
	s0 =	simm.s32 @!p2 $0x0  }
0x16: {  	s3 =	sld [smem:$0x3FDB];
	s0 =	simm.s32 @p2 $0x1  }
0x17: {  	s4 =	simm.s32 $0x1BF5;
	[smem:$0x3FB2] =	sst s0  }
0x18: {  	s0 =	sld [smem:$0x3F95];
	_ =	swait.ge [sflag:s4], $0x0  }
0x19: {  	s7 =	sld [smem:$0x3F96]  }
0x1a: {  	s8 =	sadd.s32 $0xFFFFE003, lr  }
0x1b: {  	s9 =	sadd.s32 $0xFFFFFEF7, lr;
	s5 =	simm.s32 $0xFFFFFFFF;
	p2 =	slt.u32 s8, $0xFFFFF086  }
0x1c: {  	p1 =	slt.u32 s9, $0xF7A;
	s5 =	simm.s32 @!p2 $0x0  }
0x1d: {  	s5 =	simm.s32 @p1 $0x1;
	p0 =	seq.s32 s7, s2  }
0x1e: {  	s7 =	smul.u32 @!p0 $0xF7A, s2;
	p2 =	seq.s32 @!p0 s5, $0x0  }
0x1f: {  	s9 =	smul.u32 $0xF7A, s1;
	s8 =	simm.s32 @!p0 $0x1BF5;
	p2 =	por !p2, p0  }
0x20: {  	[sflag:s8] =	ssyncset.s32 @!p0 $0xFFFFF086;
	s6 =	sadd.s32 @!p0 s3, s7;
	s7 =	simm.s32 @!p0 $0x108  }
0x21: {  	s3 =	sadd.s32 s3, s9;
	s6 =	sadd.s32 @!p0 $0x88, s6;
	s7 =	simm.s32 @p2 $0x1082  }
0x22: {  	[simem:s7], [sflag:s8] =	dma.local @!p0 [hbm:s6], $0xF7A  }
0x23: {  	s9 =	sor.u32 $0xD0000000, s2;
	s6 =	simm.s32 $0x108;
	_ =	swait.ge @!p0 [sflag:s8], $0x0  }
0x24: {  	s3 =	sadd.s32 $0x88, s3;
	s6 =	simm.s32 @!p1 $0x1082;
	[sflag:s4] =	ssyncset.s32 $0xFFFFF086  }
0x25: {  	[simem:s6], [sflag:s4] =	dma.local [hbm:s3], $0xF7A  }
0x26: {  	[smem:$0x3F96] =	sst s1;
	(tag) =	ssettag s2;
	_ =	strace s9  }
0x27: {  	s1 =	sld [smem:$0x3FA6]  }
0x28: {  	s2 =	sld [smem:$0x3FA7]  }
0x29: {  	s4 =	sld [smem:$0x3FA9]  }
0x2a: {  	p0 =	seq.s32 s5, $0x0;
	s5 =	sld [smem:$0x3FAA]  }
0x2b: {  	s6 =	sld [smem:$0x3FAB]  }
0x2c: {  	s7 =	sld [smem:$0x3FAC]  }
0x2d: {  	s3 =	simm.s32 $0x108;
	s8 =	sld [smem:$0x3FAD]  }
0x2e: {  	s3 =	simm.s32 @!p0 $0x1082;
	s9 =	sld [smem:$0x3FAE]  }
0x2f: {  	lr =	sadd.s32 s0, s3;
	s0 =	sld [smem:$0x3FA5]  }
0x30: {  	s3 =	sld [smem:$0x3FA8]  }
0x31: {  	[smem:$0x3FB1] =	sst s10  }
0x32: {  	s10 =	sld [smem:$0x3FAF];
	_ =	sdelay $0x3  }
0x33: {  	p0 =	seq.s32 s10, $0x1;
	s10 =	sld [smem:$0x3FB1];
	_ =	sdelay $0x3  }
0x34: {  	[smem:$0x3FB1] =	sst s10  }
0x35: {  	s10 =	sld [smem:$0x3FB0];
	_ =	sdelay $0x3  }
0x36: {  	p1 =	seq.s32 s10, $0x1;
	s10 =	sld [smem:$0x3FB1];
	_ =	sdelay $0x3  }
0x37: {  	[smem:$0x3FB1] =	sst s10  }
0x38: {  	s10 =	sld [smem:$0x3FB2]  }
0x39: {  	_ = 	snop;
	(pc) =	sbr.ind lr, $3  }
0x3a: {  	_ = 	snop  }
0x3b: {  	_ = 	snop  }
0x3c: {  	p2 =	seq.s32 s10, $0x1;
	s10 =	sld [smem:$0x3FB1]  }
0x3d: {  	_ =	shalt  }
0x3e: {  	_ =	shalt  }
0x3f: {  	_ =	shalt  }
0x40: {  	_ =	shalt  }
0x41: {  	_ =	shalt  }
0x42: {  	_ =	shalt  }
0x43: {  	_ =	shalt  }
0x44: {  	_ =	shalt  }
0x45: {  	_ =	shalt  }
0x46: {  	_ =	shalt  }
0x47: {  	_ =	shalt  }
0x48: {  	_ =	shalt  }
0x49: {  	_ =	shalt  }
0x4a: {  	_ =	shalt  }
0x4b: {  	_ =	shalt  }
0x4c: {  	_ =	shalt  }
0x4d: {  	_ =	shalt  }
0x4e: {  	_ =	shalt  }
0x4f: {  	_ =	shalt  }
0x50: {  	_ =	shalt  }
0x51: {  	_ =	shalt  }
0x52: {  	_ =	shalt  }
0x53: {  	_ =	shalt  }
0x54: {  	_ =	shalt  }
0x55: {  	_ =	shalt  }
0x56: {  	_ =	shalt  }
0x57: {  	_ =	shalt  }
0x58: {  	_ =	shalt  }
0x59: {  	_ =	shalt  }
0x5a: {  	_ =	shalt  }
0x5b: {  	_ =	shalt  }
0x5c: {  	_ =	shalt  }
0x5d: {  	_ =	shalt  }
0x5e: {  	_ =	shalt  }
0x5f: {  	_ =	shalt  }
0x60: {  	_ =	shalt  }
0x61: {  	_ =	shalt  }
0x62: {  	_ =	shalt  }
0x63: {  	_ =	shalt  }
0x64: {  	_ =	shalt  }
0x65: {  	_ =	shalt  }
0x66: {  	_ =	shalt  }
0x67: {  	_ =	shalt  }
0x68: {  	_ =	shalt  }
0x69: {  	_ =	shalt  }
0x6a: {  	_ =	shalt  }
0x6b: {  	_ =	shalt  }
0x6c: {  	_ =	shalt  }
0x6d: {  	_ =	shalt  }
0x6e: {  	_ =	shalt  }
0x6f: {  	_ =	shalt  }
0x70: {  	_ =	shalt  }
0x71: {  	_ =	shalt  }
0x72: {  	_ =	shalt  }
0x73: {  	_ =	shalt  }
0x74: {  	_ =	shalt  }
0x75: {  	_ =	shalt  }
0x76: {  	_ =	shalt  }
0x77: {  	_ =	shalt  }
0x78: {  	_ =	shalt  }
0x79: {  	_ =	shalt  }
0x7a: {  	_ =	shalt  }
0x7b: {  	_ =	shalt  }
0x7c: {  	_ =	shalt  }
0x7d: {  	_ =	shalt  }
0x7e: {  	_ =	shalt  }
0x7f: {  	_ =	shalt  }
0x80: {  	_ =	shalt  }
0x81: {  	_ =	shalt  }
0x82: {  	_ =	shalt  }
0x83: {  	_ =	shalt  }
0x84: {  	_ =	shalt  }
0x85: {  	_ =	shalt  }
0x86: {  	_ =	shalt  }
0x87: {  	_ =	shalt  }
.Lfunc_end0:
.L_simem_size_0:
called_computation.2_lowered:
.L_overlay_start_0:
0x88: {  	s2 =	sld [smem:$0x3FD9]  }
0x89: {  	s3 =	sld [smem:$0x3FFE];
	_ =	sdelay $0x1  }
0x8a: {  	s1 =	srdreg.scid  }
0x8b: {  	s0 =	sand.u32 $0x1, s1  }
0x8c: {  	s16 =	sshll.u32 s0, $0xA;
	s2 =	sadd.s32 s3, s2  }
0x8d: {  	s2 =	sadd.s32 s2, s16  }
0x8e: {  	[smem:$0x3FBD] =	sst s2  }
0x8f: {  	_ = 	snop  }
0x90: {  	(tm) =	ssettm $0x1  }
0x91: {  	s17 =	sld [smem:$0x3FFB];
	_ =	sdelay $0x3  }
0x92: {  	_ =	strace s17  }
0x93: {  	s2 =	sld [smem:$0x3FFC];
	_ =	sdelay $0x3  }
0x94: {  	_ =	strace s2  }
0x95: {  	s2 =	sld [smem:$0x3FFD];
	_ =	sdelay $0x3  }
0x96: {  	_ =	strace s2  }
0x97: {  	_ =	strace $0x8FFFFFFF  }
0x98: {  	s18 =	sld [smem:$0x3FDB];
	_ =	sdelay $0x1  }
0x99: {  	s19 =	simm.s32 $_scs_section_size  }
0x9a: {  	s4 =	simm.s32 $_size__tile_overlayer_lowered;
	s5 =	simm.s32 $_tile_overlayer_lowered  }
0x9b: {  	s22 =	simm.s32 $0x1BFF;
	s21 =	sshll.u32 s5, $0x1;
	s2 =	sadd.s32 s19, s18  }
0x9c: {  	s6 =	simm.s32 $0x0;
	s20 =	sshll.u32 s4, $0x1;
	s4 =	sadd.s32 s21, s2  }
0x9d: {  	[timem:s6], [sflag:s22] =	dma.local [hbm:s4], s20  }
0x9e: {  	_ =	swait.ge [sflag:s22], s20  }
0x9f: {  	s3 =	ssub.s32 $0x0, s20;
	[sflag:s22] =	ssyncset.done $0x0  }
0xa0: {  	[sflag:s22] =	ssyncadd.s32 s3;
	_ =	sdelay $0x1  }
0xa1: {  	s23 =	simm.s32 $0x1B8B  }
0xa2: {  	_ =	swait.ge [sflag:s23], $0x1  }
0xa3: {  	[sflag:s23] =	ssyncset.done $0x0  }
0xa4: {  	s25 =	simm.s32 $0x1B8E;
	s24 =	sld [smem:$0x3FFE];
	[sflag:s23] =	ssyncadd.s32 $0xFFFFFFFF  }
0xa5: {  	s26 =	simm.s32 $execute0_lowered;
	[smem:$0x3FD2] =	sst s25  }
0xa6: {  	s4 =	sshll.u32 s26, $0x1;
	_ =	strace $0x8000004C;
	[dreg:$0x1] =	wrdreg $0xFFFFFFFF  }
0xa7: {  	s28 =	simm.s32 $_size_execute0_lowered;
	s2 =	sadd.s32 s2, s4;
	[dreg:$0x0] =	wrdreg $0x0  }
0xa8: {  	s4 =	sshll.u32 s28, $0x1;
	[dreg:$0x2] =	wrdreg s2  }
0xa9: {  	[dreg:$0x3] =	wrdreg s4  }
0xaa: {  	[dreg:$0x4] =	wrdreg $0xC0  }
0xab: {  	_ =	task [dreg:s6], $0x5FFFF  }
0xac: {  	[dreg:$0x1] =	wrdreg $0xFFFFFFFF  }
0xad: {  	[dreg:$0x0] =	wrdreg $0x60  }
0xae: {  	[dreg:$0x2] =	wrdreg s24  }
0xaf: {  	[dreg:$0x3] =	wrdreg $0x5D000  }
0xb0: {  	[dreg:$0x4] =	wrdreg $0x9  }
0xb1: {  	_ =	task.clear_ibuf [dreg:s6], $0x5FFFF;
	_ =	strace $0x9000004C  }
0xb2: {  	s29 =	simm.s32 $0x9;
	_ =	strace $0x8000004E  }
0xb3: {  	_ =	swait.ge [sflag:s29], $0x1  }
0xb4: {  	[sflag:s29] =	ssyncadd.s32 $0xFFFFFFFF  }
0xb5: {  	_ =	strace $0x9000004E  }
0xb6: {  	_ =	sfence  }
0xb7: {  	s30 =	sld [smem:$0x0];
	_ =	sdelay $0x2  }
0xb8: {  	s31 =	sshll.u32 s1, $0xD;
	s1 =	sshrl.u32 s1, $0x2  }
0xb9: {  	s3 =	sand.u32 $0x4000, s31;
	s1 =	sadd.s32 s1, s30  }
0xba: {  	s0 =	sor.u32 s3, s0;
	s1 =	sshll.u32 s1, $0x11  }
0xbb: {  	s0 =	sor.u32 s1, s0  }
0xbc: {  	s0 =	sadd.s32 $0x8F2B, s0  }
0xbd: {  	[sflag:s0] =	ssyncadd.remote.s32 $0x1  }
0xbe: {  	_ =	sfence.sel $0xFFFF  }
0xbf: {  	[dreg:$0x0] =	wrdreg $0xFFFFFFFF;
	(pc) =	sbr.abs _section_cstart, $3  }
0xc0: {  	[dreg:$0x1] =	wrdreg $0xFFFFFFFF  }
0xc1: {  	_ =	task.clear_ibuf [dreg:s6], $0x2FFFF;
	_ =	strace $0x9FFFFFFF  }
0xc2: {  	(tm) =	ssettm $0x7FFFFFFF  }
0xc3: {  	_ =	shalt  }
tec
execute0_lowered:
.L_overlay_start_1:
0x0: {  	(tag) =	ssettag $0x1  }
0x1: {  	s0 =	rddreg [dreg:$0x0]  }
0x2: {  	s1 =	rddreg [dreg:$0x1]  }
0x3: {  	s2 =	simm.s32 $0x0;
	s3 =	srdreg.scid;
	s11 =	stileid.u32  }
0x4: {  	s28 =	simm.s32 $0x3500;
	s29 =	simm.s32 $0x2;
	s30 =	simm.s32 $0x480  }
0x5: {  	s31 =	simm.s32 $0x500;
	[smem:$0x7FF] =	sst s2;
	s4 =	sadd.s32 $0x32800, s0  }
0x6: {  	s5 =	sadd.s32 $0x21800, s0;
	s12 =	sand.u32 $0x1, s3;
	s9 =	smul.u32 $0x50000, s11  }
0x7: {  	s17 =	smul.u32 $0x28000, s11;
	s6 =	sadd.s32 $0x2A000, s0;
	s7 =	sadd.s32 $0x19000, s0  }
0x8: {  	s16 =	smul.u32 $0x11, s11;
	s8 =	sshll.u32 s12, $0xA;
	s9 =	sshrl.u32 s9, $0x2  }
0x9: {  	s11 =	simm.s32 $0x780;
	s3 =	sor.u32 s8, s17;
	s8 =	sadd.s32 s9, s1  }
0xa: {  	_ =	strace $0x8000004D;
	s18 =	ssub.s32 $0x2, s12;
	s9 =	sadd.s32 $0x2800, s8  }
0xb: {  	s10 =	sshrl.u32 s18, $0x1;
	s20 =	sadd.s32 $0x5000, s8;
	[dreg:$0x3] =	wrdreg s9  }
0xc: {  	s3 =	sshrl.u32 s3, $0x3;
	s21 =	sadd.s32 $0x7800, s8;
	[dreg:$0x4] =	wrdreg s20  }
0xd: {  	s19 =	ssub.s32 s18, s10;
	s22 =	sadd.s32 $0xA000, s8;
	[dreg:$0x5] =	wrdreg s21  }
0xe: {  	s10 =	simm.s32 $0x700;
	s23 =	sadd.s32 $0xC800, s8;
	[dreg:$0x6] =	wrdreg s22  }
0xf: {  	s0 =	sadd.s32 s3, s0;
	s24 =	sadd.s32 $0xF000, s8;
	[dreg:$0x7] =	wrdreg s23  }
0x10: {  	s25 =	sadd.s32 $0x11800, s8;
	s26 =	smax.u32 s19, $0x1;
	[dreg:$0x8] =	wrdreg s24  }
0x11: {  	s19 =	simm.s32 $0xD00;
	s3 =	simm.s32 $0x600;
	[dreg:$0x9] =	wrdreg s25  }
0x12: {  	s0 =	sadd.s32 $0x80A00, s0;
	[dreg:$0xb] =	wrdreg s26;
	s20 =	simm.s32 $0x3  }
0x13: {  	s21 =	simm.s32 $0x400;
	s22 =	simm.s32 $0x800;
	s23 =	simm.s32 $0x50  }
0x14: {  	s24 =	simm.s32 $0xC00;
	s25 =	simm.s32 $0x1;
	s26 =	simm.s32 $0xC80  }
0x15: {  	v1 =	vimm.f32 $0.0e+00;
	v0 =	vmov s12;
	s9 =	simm.s32 $0x680;
	[dreg:$0xa] =	wrdreg s0;
	s0 =	simm.s32 $0x580  }
.LBB2_1:
0x16: {  	s12 =	simm.s32 $0x0;
	s13 =	simm.s32 $0x200  }
.LBB2_2:
0x17: {  	p0 =	sne.s32 s13, $0x9E00;
	[tilespmem:s12+$0xD70] =	vst v1  }
0x18: {  	[tilespmem:s12+$0xD00] =	vst v1  }
0x19: {  	[tilespmem:s12+$0xD10] =	vst v1  }
.Ltmp0:
0x1a: {  	[tilespmem:s12+$0xD20] =	vst v1;
	(pc) =	sbr.rel @p0 .LBB2_2-.Ltmp0, $4  }
0x1b: {  	[tilespmem:s12+$0xD30] =	vst v1  }
0x1c: {  	[tilespmem:s12+$0xD40] =	vst v1  }
0x1d: {  	[tilespmem:s12+$0xD50] =	vst v1  }
0x1e: {  	[tilespmem:s12+$0xD60] =	vst v1;
	s12 =	sshra.s32 s13, $0x2;
	s13 =	sadd.s32 $0x200, s13  }
0x1f: {  	[tilespmem:s12+$0xD70] =	vst v1  }
0x20: {  	[tilespmem:s12+$0xD00] =	vst v1  }
0x21: {  	[tilespmem:s12+$0xD10] =	vst v1  }
0x22: {  	[tilespmem:s12+$0xD20] =	vst v1  }
0x23: {  	[tilespmem:s12+$0xD30] =	vst v1  }
0x24: {  	[tilespmem:s12+$0xD40] =	vst v1  }
0x25: {  	[tilespmem:s12+$0xD50] =	vst v1  }
0x26: {  	[tilespmem:s12+$0xD60] =	vst v1  }
0x27: {  	[spmem:s8] =	stream.linear.scatter [tilespmem:s19], [sflag:$0x3], $0x2800, $0x38;
	[tilespmem:$0x19D00] =	vst v63  }
0x28: {  	_ =	swait.ge [sflag:s20], $0x2800  }
0x29: {  	[sflag:s20] =	ssyncset.done $0x0  }
0x2a: {  	s17 =	rddreg [dreg:$0x3];
	[sflag:s20] =	ssyncadd.s32 $0xFFFFD800  }
0x2b: {  	[spmem:s17] =	stream.linear.scatter [tilespmem:s19], [sflag:$0x3], $0x2800, $0x38;
	[tilespmem:$0x19D00] =	vst v63  }
0x2c: {  	_ =	swait.ge [sflag:s20], $0x2800  }
0x2d: {  	[sflag:s20] =	ssyncset.done $0x0  }
0x2e: {  	s18 =	rddreg [dreg:$0x4];
	[sflag:s20] =	ssyncadd.s32 $0xFFFFD800  }
0x2f: {  	[spmem:s18] =	stream.linear.scatter [tilespmem:s19], [sflag:$0x3], $0x2800, $0x38;
	[tilespmem:$0x19D00] =	vst v63  }
0x30: {  	_ =	swait.ge [sflag:s20], $0x2800  }
0x31: {  	[sflag:s20] =	ssyncset.done $0x0  }
0x32: {  	s13 =	rddreg [dreg:$0x5];
	[sflag:s20] =	ssyncadd.s32 $0xFFFFD800  }
0x33: {  	[spmem:s13] =	stream.linear.scatter [tilespmem:s19], [sflag:$0x3], $0x2800, $0x38;
	[tilespmem:$0x19D00] =	vst v63  }
0x34: {  	_ =	swait.ge [sflag:s20], $0x2800  }
0x35: {  	[sflag:s20] =	ssyncset.done $0x0  }
0x36: {  	s14 =	rddreg [dreg:$0x6];
	[sflag:s20] =	ssyncadd.s32 $0xFFFFD800  }
0x37: {  	[spmem:s14] =	stream.linear.scatter [tilespmem:s19], [sflag:$0x3], $0x2800, $0x38;
	[tilespmem:$0x19D00] =	vst v63  }
0x38: {  	_ =	swait.ge [sflag:s20], $0x2800  }
0x39: {  	[sflag:s20] =	ssyncset.done $0x0  }
0x3a: {  	s15 =	rddreg [dreg:$0x7];
	[sflag:s20] =	ssyncadd.s32 $0xFFFFD800  }
0x3b: {  	[spmem:s15] =	stream.linear.scatter [tilespmem:s19], [sflag:$0x3], $0x2800, $0x38;
	[tilespmem:$0x19D00] =	vst v63  }
0x3c: {  	_ =	swait.ge [sflag:s20], $0x2800  }
0x3d: {  	[sflag:s20] =	ssyncset.done $0x0  }
0x3e: {  	s17 =	rddreg [dreg:$0x8];
	[sflag:s20] =	ssyncadd.s32 $0xFFFFD800  }
0x3f: {  	[spmem:s17] =	stream.linear.scatter [tilespmem:s19], [sflag:$0x3], $0x2800, $0x38;
	[tilespmem:$0x19D00] =	vst v63  }
0x40: {  	_ =	swait.ge [sflag:s20], $0x2800  }
0x41: {  	[sflag:s20] =	ssyncset.done $0x0  }
0x42: {  	s18 =	rddreg [dreg:$0x9];
	[sflag:s20] =	ssyncadd.s32 $0xFFFFD800  }
0x43: {  	[spmem:s18] =	stream.linear.scatter [tilespmem:s19], [sflag:$0x3], $0x2800, $0x38;
	[tilespmem:$0x19D00] =	vst v63  }
0x44: {  	_ =	swait.ge [sflag:s20], $0x2800  }
0x45: {  	[sflag:s20] =	ssyncset.done $0x0  }
0x46: {  	[sflag:s20] =	ssyncadd.s32 $0xFFFFD800  }
0x47: {  	s12 =	simm.s32 $0x0;
	s13 =	simm.s32 $0x0;
	[bflag:$0x0] =	sbarrier.arrive $0xFFFF  }
.LBB2_4:
0x48: {  	s14 =	sadd.s32 s16, s13  }
0x49: {  	s14 =	sshll.u32 s14, $0x7  }
0x4a: {  	s15 =	sadd.s32 s5, s14  }
0x4b: {  	[tilespmem:s12], [sflag:$0x3] =	stream.linear.gather [hbm4b:s15+s12], $0x400, $0x38;
	[tilespmem:$0x19D00] =	vst v63  }
0x4c: {  	_ =	swait.ge [sflag:s20], $0x400  }
0x4d: {  	[sflag:s20] =	ssyncset.done $0x0  }
0x4e: {  	s18 =	sadd.s32 s6, s14;
	[sflag:s20] =	ssyncadd.s32 $0xFFFFFC00  }
0x4f: {  	[tilespmem:s21], [sflag:$0x3] =	stream.linear.gather [hbm4b:s18+s12], $0x400, $0x38;
	[tilespmem:$0x19D00] =	vst v63  }
0x50: {  	_ =	swait.ge [sflag:s20], $0x400  }
0x51: {  	[sflag:s20] =	ssyncset.done $0x0  }
0x52: {  	s14 =	sadd.s32 s7, s14;
	[sflag:s20] =	ssyncadd.s32 $0xFFFFFC00  }
0x53: {  	[tilespmem:s22], [sflag:$0x3] =	stream.linear.gather [hbm4b:s14+s12], $0x400, $0x38;
	[tilespmem:$0x19D00] =	vst v63  }
0x54: {  	_ =	swait.ge [sflag:s20], $0x400  }
0x55: {  	[sflag:s20] =	ssyncset.done $0x0  }
0x56: {  	[sflag:s20] =	ssyncadd.s32 $0xFFFFFC00  }
0x57: {  	v2 =	vld [tilespmem:$0x0]  }
0x58: {  	v3 =	vld [tilespmem:$0x10]  }
0x59: {  	v4 =	vld [tilespmem:$0x20]  }
0x5a: {  	v5 =	vld [tilespmem:$0x30]  }
0x5b: {  	v6 =	vld [tilespmem:$0x40]  }
0x5c: {  	v2 =	vshll.u32 v2, $0x1  }
0x5d: {  	v3 =	vshll.u32 v3, $0x1;
	v2 =	vor.u32 v0, v2  }
0x5e: {  	[tilespmem:$0xC00] =	vst v2;
	v2 =	vor.u32 v0, v3;
	v3 =	vshll.u32 v4, $0x1  }
0x5f: {  	[tilespmem:$0xC10] =	vst v2;
	v2 =	vor.u32 v0, v3;
	v3 =	vshll.u32 v5, $0x1  }
0x60: {  	[tilespmem:$0xC20] =	vst v2;
	v2 =	vor.u32 v0, v3;
	v3 =	vshll.u32 v6, $0x1  }
0x61: {  	[tilespmem:$0xC30] =	vst v2;
	v2 =	vor.u32 v0, v3  }
0x62: {  	[tilespmem:$0xC40] =	vst v2  }
0x63: {  	[tilespmem:s19], [sflag:$0x1] =	stream.indirect.gather [hbm4b:s4+s23], $0x80, s24, s23, $0xb8;
	[tilespmem:$0x19D00] =	vst v63  }
0x64: {  	_ =	swait.ge [sflag:s25], $0x2800  }
0x65: {  	[sflag:s25] =	ssyncset.done $0x0  }
0x66: {  	[sflag:s25] =	ssyncadd.s32 $0xFFFFD800  }
0x67: {  	v2 =	vld [tilespmem:$0x80]  }
0x68: {  	v3 =	vld [tilespmem:$0x90]  }
0x69: {  	v4 =	vld [tilespmem:$0xA0]  }
0x6a: {  	v5 =	vld [tilespmem:$0xB0]  }
0x6b: {  	v6 =	vld [tilespmem:$0xC0]  }
0x6c: {  	v2 =	vshll.u32 v2, $0x1  }
0x6d: {  	v3 =	vshll.u32 v3, $0x1;
	v2 =	vor.u32 v0, v2  }
0x6e: {  	[tilespmem:$0xC80] =	vst v2;
	v2 =	vor.u32 v0, v3;
	v3 =	vshll.u32 v4, $0x1  }
0x6f: {  	[tilespmem:$0xC90] =	vst v2;
	v2 =	vor.u32 v0, v3;
	v3 =	vshll.u32 v5, $0x1  }
0x70: {  	[tilespmem:$0xCA0] =	vst v2;
	v2 =	vor.u32 v0, v3;
	v3 =	vshll.u32 v6, $0x1  }
0x71: {  	[tilespmem:$0xCB0] =	vst v2;
	v2 =	vor.u32 v0, v3  }
0x72: {  	s14 =	simm.s32 $0xD40;
	[tilespmem:$0xCC0] =	vst v2;
	v2 =	vmov s12  }
0x73: {  	[tilespmem:s28], [sflag:$0x2] =	stream.indirect.gather [hbm4b:s4+s23], $0x80, s26, s23, $0xb8;
	[tilespmem:$0x19D00] =	vst v63  }
0x74: {  	v6 =	vld [tilespmem:s14+$0x30]  }
0x75: {  	v9 =	vld [tilespmem:s14+$0x10]  }
0x76: {  	v7 =	vld [tilespmem:s14+$0xFFFFFFC0]  }
0x77: {  	v3 =	vld.idx.msk [tilespmem:v2+s22+$0x0], $0xffff  }
0x78: {  	v11 =	vld [tilespmem:s14+$0xFFFFFFE0]  }
0x79: {  	v4 =	vld [tilespmem:s14+$0x20]  }
0x7a: {  	v5 =	vld [tilespmem:s14+$0xFFFFFFD0]  }
0x7b: {  	v2 =	vld [tilespmem:s14+$0xFFFFFFF0]  }
0x7c: {  	v10 =	vmul.f32 v6, v3;
	v6 =	vld [tilespmem:s14+$0x0]  }
0x7d: {  	v8 =	vmul.f32 v7, v3  }
0x7e: {  	s17 =	simm.s32 $0xD40;
	s15 =	simm.s32 $0x1;
	v7 =	vmul.f32 v11, v3;
	v9 =	vmul.f32 v9, v3  }
.LBB2_5:
0x7f: {  	p0 =	sne.s32 s15, $0x4F  }
0x80: {  	v5 =	vmul.f32 v5, v3;
	v4 =	vmul.f32 v4, v3;
	[tilespmem:s14+$0x30] =	vst v10;
	s17 =	sadd.s32 $0x80, s17;
	s18 =	smov.u32 s15;
	s15 =	sadd.s32 $0x1, s15  }
0x81: {  	[tilespmem:s14+$0xFFFFFFC0] =	vst v8;
	v8 =	vmul.f32 v2, v3;
	v3 =	vmul.f32 v6, v3  }
0x82: {  	[tilespmem:s14+$0x10] =	vst v9  }
0x83: {  	v6 =	vmov s18;
	[tilespmem:s14+$0xFFFFFFE0] =	vst v7  }
0x84: {  	v2 =	vld [tilespmem:s17+$0xFFFFFFF0];
	[tilespmem:s14+$0xFFFFFFF0] =	vst v8  }
0x85: {  	v7 =	vld [tilespmem:s17+$0x30];
	[tilespmem:s14+$0x0] =	vst v3  }
0x86: {  	v9 =	vld [tilespmem:s17+$0x10];
	[tilespmem:s14+$0x20] =	vst v4  }
0x87: {  	v8 =	vld [tilespmem:s17+$0xFFFFFFC0];
	[tilespmem:s14+$0xFFFFFFD0] =	vst v5;
	s14 =	smov.u32 s17  }
0x88: {  	v3 =	vld.idx.msk [tilespmem:v6+s22+$0x0], $0xffff  }
0x89: {  	v11 =	vld [tilespmem:s17+$0xFFFFFFE0]  }
0x8a: {  	v4 =	vld [tilespmem:s17+$0x20]  }
.Ltmp1:
0x8b: {  	v5 =	vld [tilespmem:s17+$0xFFFFFFD0];
	(pc) =	sbr.rel @p0 .LBB2_5-.Ltmp1, $3  }
0x8c: {  	v6 =	vld [tilespmem:s17+$0x0];
	_ =	sdelay $0x1  }
0x8d: {  	v8 =	vmul.f32 v8, v3;
	v10 =	vmul.f32 v7, v3  }
0x8e: {  	v9 =	vmul.f32 v9, v3;
	v7 =	vmul.f32 v11, v3  }
0x8f: {  	[tilespmem:s14+$0x30] =	vst v10  }
0x90: {  	[tilespmem:s14+$0xFFFFFFC0] =	vst v8  }
0x91: {  	v2 =	vmul.f32 v2, v3;
	[tilespmem:s14+$0x10] =	vst v9  }
0x92: {  	v4 =	vmul.f32 v4, v3;
	[tilespmem:s14+$0xFFFFFFE0] =	vst v7  }
0x93: {  	v6 =	vmul.f32 v6, v3;
	[tilespmem:s14+$0xFFFFFFF0] =	vst v2  }
0x94: {  	v2 =	vmul.f32 v5, v3;
	[tilespmem:s14+$0x20] =	vst v4  }
0x95: {  	[tilespmem:s14+$0x0] =	vst v6  }
0x96: {  	[tilespmem:s14+$0xFFFFFFD0] =	vst v2  }
0x97: {  	[spmem:s1] =	stream.indirect.scatter.add.f32 [tilespmem:s19], [sflag:$0x3], $0x80, s21, s23, $0xb8;
	[tilespmem:$0x19D00] =	vst v63  }
0x98: {  	_ =	swait.ge [sflag:s20], $0x2800  }
0x99: {  	[sflag:s20] =	ssyncset.done $0x0  }
0x9a: {  	[sflag:s20] =	ssyncadd.s32 $0xFFFFD800  }
0x9b: {  	_ =	swait.ge [sflag:s29], $0x2800  }
0x9c: {  	[sflag:s29] =	ssyncset.done $0x0  }
0x9d: {  	[sflag:s29] =	ssyncadd.s32 $0xFFFFD800  }
0x9e: {  	v2 =	vld [tilespmem:$0x100]  }
0x9f: {  	v3 =	vld [tilespmem:$0x110]  }
0xa0: {  	v4 =	vld [tilespmem:$0x120]  }
0xa1: {  	v5 =	vld [tilespmem:$0x130]  }
0xa2: {  	v6 =	vld [tilespmem:$0x140]  }
0xa3: {  	v2 =	vshll.u32 v2, $0x1  }
0xa4: {  	v3 =	vshll.u32 v3, $0x1;
	v2 =	vor.u32 v0, v2  }
0xa5: {  	s18 =	simm.s32 $0x0;
	[tilespmem:$0xC00] =	vst v2;
	v2 =	vor.u32 v0, v3;
	v3 =	vshll.u32 v4, $0x1  }
0xa6: {  	v4 =	vmov s18;
	[tilespmem:$0xC10] =	vst v2;
	v2 =	vor.u32 v0, v3;
	v3 =	vshll.u32 v5, $0x1  }
0xa7: {  	v4 =	vand.u32 $0x7F, v4;
	[tilespmem:$0xC20] =	vst v2;
	v2 =	vor.u32 v0, v3;
	v3 =	vshll.u32 v6, $0x1  }
0xa8: {  	[tilespmem:$0xC30] =	vst v2;
	v2 =	vor.u32 v0, v3;
	v3 =	vor.u32 $0x80, v4  }
0xa9: {  	[tilespmem:$0xC40] =	vst v2;
	v2 =	vbroadcast v3, $0x0  }
0xaa: {  	s14 =	simm.s32 $0x3540  }
0xab: {  	[tilespmem:s19], [sflag:$0x1] =	stream.indirect.gather [hbm4b:s4+s23], $0x80, s24, s23, $0xb8;
	[tilespmem:$0x19D00] =	vst v63  }
0xac: {  	v6 =	vld [tilespmem:s14+$0x30]  }
0xad: {  	v9 =	vld [tilespmem:s14+$0x10]  }
0xae: {  	v7 =	vld [tilespmem:s14+$0xFFFFFFC0]  }
0xaf: {  	v3 =	vld.idx.msk [tilespmem:v2+s22+$0x0], $0xffff  }
0xb0: {  	v12 =	vld [tilespmem:s14+$0xFFFFFFE0]  }
0xb1: {  	v4 =	vld [tilespmem:s14+$0x20]  }
0xb2: {  	v5 =	vld [tilespmem:s14+$0xFFFFFFD0]  }
0xb3: {  	v2 =	vld [tilespmem:s14+$0xFFFFFFF0]  }
0xb4: {  	v10 =	vmul.f32 v6, v3;
	v6 =	vld [tilespmem:s14+$0x0]  }
0xb5: {  	s15 =	simm.s32 $0x1;
	v8 =	vmul.f32 v7, v3  }
0xb6: {  	s17 =	simm.s32 $0x2;
	v11 =	vmov s15;
	s15 =	simm.s32 $0x3540;
	v7 =	vmul.f32 v12, v3;
	v9 =	vmul.f32 v9, v3  }
.LBB2_7:
0xb7: {  	p0 =	sne.s32 s17, $0x4F  }
0xb8: {  	v11 =	vand.u32 $0x7F, v11;
	v5 =	vmul.f32 v5, v3;
	v4 =	vmul.f32 v4, v3;
	[tilespmem:s14+$0x30] =	vst v10;
	s15 =	sadd.s32 $0x80, s15;
	s18 =	smov.u32 s17;
	s17 =	sadd.s32 $0x1, s17  }
0xb9: {  	v10 =	vor.u32 $0x80, v11;
	[tilespmem:s14+$0xFFFFFFC0] =	vst v8;
	v8 =	vmul.f32 v2, v3;
	v3 =	vmul.f32 v6, v3  }
0xba: {  	v6 =	vbroadcast v10, $0x0;
	[tilespmem:s14+$0x10] =	vst v9  }
0xbb: {  	[tilespmem:s14+$0xFFFFFFE0] =	vst v7  }
0xbc: {  	v2 =	vld [tilespmem:s15+$0xFFFFFFF0];
	[tilespmem:s14+$0xFFFFFFF0] =	vst v8  }
0xbd: {  	v7 =	vld [tilespmem:s15+$0x30];
	[tilespmem:s14+$0x0] =	vst v3  }
0xbe: {  	v9 =	vld [tilespmem:s15+$0x10];
	[tilespmem:s14+$0x20] =	vst v4  }
0xbf: {  	v8 =	vld [tilespmem:s15+$0xFFFFFFC0];
	[tilespmem:s14+$0xFFFFFFD0] =	vst v5;
	s14 =	smov.u32 s15  }
0xc0: {  	v3 =	vld.idx.msk [tilespmem:v6+s22+$0x0], $0xffff  }
0xc1: {  	v12 =	vld [tilespmem:s15+$0xFFFFFFE0]  }
0xc2: {  	v4 =	vld [tilespmem:s15+$0x20]  }
.Ltmp2:
0xc3: {  	v5 =	vld [tilespmem:s15+$0xFFFFFFD0];
	(pc) =	sbr.rel @p0 .LBB2_7-.Ltmp2, $3  }
0xc4: {  	v6 =	vld [tilespmem:s15+$0x0];
	_ =	sdelay $0x1  }
0xc5: {  	v8 =	vmul.f32 v8, v3;
	v10 =	vmul.f32 v7, v3  }
0xc6: {  	v11 =	vmov s18;
	v9 =	vmul.f32 v9, v3;
	v7 =	vmul.f32 v12, v3  }
0xc7: {  	[tilespmem:s14+$0xFFFFFFC0] =	vst v8;
	v8 =	vand.u32 $0x7F, v11  }
0xc8: {  	[tilespmem:s14+$0x30] =	vst v10;
	v8 =	vor.u32 $0x80, v8  }
0xc9: {  	v2 =	vmul.f32 v2, v3;
	[tilespmem:s14+$0xFFFFFFE0] =	vst v7;
	v7 =	vbroadcast v8, $0x0  }
0xca: {  	s15 =	sadd.s32 $0x80, s15;
	[tilespmem:s14+$0x10] =	vst v9;
	v6 =	vmul.f32 v6, v3  }
0xcb: {  	v4 =	vmul.f32 v4, v3;
	v8 =	vld [tilespmem:s15+$0xFFFFFFF0];
	[tilespmem:s14+$0xFFFFFFF0] =	vst v2  }
0xcc: {  	v3 =	vmul.f32 v5, v3;
	v2 =	vld [tilespmem:s15+$0x30];
	[tilespmem:s14+$0x0] =	vst v6  }
0xcd: {  	v5 =	vld [tilespmem:s15+$0x10];
	[tilespmem:s14+$0x20] =	vst v4  }
0xce: {  	v4 =	vld [tilespmem:s15+$0xFFFFFFC0];
	[tilespmem:s14+$0xFFFFFFD0] =	vst v3  }
0xcf: {  	v3 =	vld.idx.msk [tilespmem:v7+s22+$0x0], $0xffff;
	_ =	sdelay $0x2  }
0xd0: {  	v6 =	vld [tilespmem:s15+$0xFFFFFFE0];
	_ =	sdelay $0x1  }
0xd1: {  	v7 =	vld [tilespmem:s15+$0x0];
	v2 =	vmul.f32 v2, v3  }
0xd2: {  	v9 =	vld [tilespmem:s15+$0x20];
	v4 =	vmul.f32 v4, v3  }
0xd3: {  	v10 =	vld [tilespmem:s15+$0xFFFFFFD0];
	v5 =	vmul.f32 v5, v3;
	[tilespmem:s15+$0x30] =	vst v2  }
0xd4: {  	v2 =	vmul.f32 v6, v3;
	[tilespmem:s15+$0xFFFFFFC0] =	vst v4  }
0xd5: {  	v4 =	vmul.f32 v8, v3;
	[tilespmem:s15+$0x10] =	vst v5  }
0xd6: {  	v5 =	vmul.f32 v7, v3;
	[tilespmem:s15+$0xFFFFFFE0] =	vst v2  }
0xd7: {  	v2 =	vmul.f32 v9, v3;
	[tilespmem:s15+$0xFFFFFFF0] =	vst v4  }
0xd8: {  	v3 =	vmul.f32 v10, v3;
	[tilespmem:s15+$0x0] =	vst v5  }
0xd9: {  	[tilespmem:s15+$0x20] =	vst v2  }
0xda: {  	[tilespmem:s15+$0xFFFFFFD0] =	vst v3  }
0xdb: {  	[spmem:s1] =	stream.indirect.scatter.add.f32 [tilespmem:s28], [sflag:$0x3], $0x80, s30, s23, $0xb8;
	[tilespmem:$0x19D00] =	vst v63  }
0xdc: {  	_ =	swait.ge [sflag:s20], $0x2800  }
0xdd: {  	[sflag:s20] =	ssyncset.done $0x0  }
0xde: {  	[sflag:s20] =	ssyncadd.s32 $0xFFFFD800  }
0xdf: {  	_ =	swait.ge [sflag:s25], $0x2800  }
0xe0: {  	[sflag:s25] =	ssyncset.done $0x0  }
0xe1: {  	[sflag:s25] =	ssyncadd.s32 $0xFFFFD800  }
0xe2: {  	v2 =	vld [tilespmem:$0x180]  }
0xe3: {  	v3 =	vld [tilespmem:$0x190]  }
0xe4: {  	v4 =	vld [tilespmem:$0x1A0]  }
0xe5: {  	v5 =	vld [tilespmem:$0x1B0]  }
0xe6: {  	v6 =	vld [tilespmem:$0x1C0]  }
0xe7: {  	v2 =	vshll.u32 v2, $0x1  }
0xe8: {  	v3 =	vshll.u32 v3, $0x1;
	v2 =	vor.u32 v0, v2  }
0xe9: {  	s17 =	simm.s32 $0x0;
	[tilespmem:$0xC80] =	vst v2;
	v2 =	vor.u32 v0, v3;
	v3 =	vshll.u32 v4, $0x1  }
0xea: {  	v4 =	vmov s17;
	[tilespmem:$0xC90] =	vst v2;
	v2 =	vor.u32 v0, v3;
	v3 =	vshll.u32 v5, $0x1  }
0xeb: {  	v4 =	vand.u32 $0x7F, v4;
	[tilespmem:$0xCA0] =	vst v2;
	v2 =	vor.u32 v0, v3;
	v3 =	vshll.u32 v6, $0x1  }
0xec: {  	[tilespmem:$0xCB0] =	vst v2;
	v2 =	vor.u32 v0, v3;
	v3 =	vor.u32 $0x100, v4  }
0xed: {  	[tilespmem:$0xCC0] =	vst v2;
	v2 =	vbroadcast v3, $0x0  }
0xee: {  	s14 =	simm.s32 $0xD40  }
0xef: {  	[tilespmem:s28], [sflag:$0x2] =	stream.indirect.gather [hbm4b:s4+s23], $0x80, s26, s23, $0xb8;
	[tilespmem:$0x19D00] =	vst v63  }
0xf0: {  	v6 =	vld [tilespmem:s14+$0x30]  }
0xf1: {  	v9 =	vld [tilespmem:s14+$0x10]  }
0xf2: {  	v7 =	vld [tilespmem:s14+$0xFFFFFFC0]  }
0xf3: {  	v3 =	vld.idx.msk [tilespmem:v2+s22+$0x0], $0xffff  }
0xf4: {  	v12 =	vld [tilespmem:s14+$0xFFFFFFE0]  }
0xf5: {  	v4 =	vld [tilespmem:s14+$0x20]  }
0xf6: {  	v5 =	vld [tilespmem:s14+$0xFFFFFFD0]  }
0xf7: {  	v2 =	vld [tilespmem:s14+$0xFFFFFFF0]  }
0xf8: {  	v10 =	vmul.f32 v6, v3;
	v6 =	vld [tilespmem:s14+$0x0]  }
0xf9: {  	s18 =	simm.s32 $0x1;
	v8 =	vmul.f32 v7, v3  }
0xfa: {  	v11 =	vmov s18;
	s15 =	simm.s32 $0xD40;
	s17 =	simm.s32 $0x2;
	v7 =	vmul.f32 v12, v3;
	v9 =	vmul.f32 v9, v3  }
.LBB2_9:
0xfb: {  	p0 =	sne.s32 s17, $0x4F  }
0xfc: {  	v11 =	vand.u32 $0x7F, v11;
	v5 =	vmul.f32 v5, v3;
	v4 =	vmul.f32 v4, v3;
	[tilespmem:s14+$0x30] =	vst v10;
	s15 =	sadd.s32 $0x80, s15;
	s18 =	smov.u32 s17;
	s17 =	sadd.s32 $0x1, s17  }
0xfd: {  	v10 =	vor.u32 $0x100, v11;
	[tilespmem:s14+$0xFFFFFFC0] =	vst v8;
	v8 =	vmul.f32 v2, v3;
	v3 =	vmul.f32 v6, v3  }
0xfe: {  	v6 =	vbroadcast v10, $0x0;
	[tilespmem:s14+$0x10] =	vst v9  }
0xff: {  	[tilespmem:s14+$0xFFFFFFE0] =	vst v7  }
0x100: {  	v2 =	vld [tilespmem:s15+$0xFFFFFFF0];
	[tilespmem:s14+$0xFFFFFFF0] =	vst v8  }
0x101: {  	v7 =	vld [tilespmem:s15+$0x30];
	[tilespmem:s14+$0x0] =	vst v3  }
0x102: {  	v9 =	vld [tilespmem:s15+$0x10];
	[tilespmem:s14+$0x20] =	vst v4  }
0x103: {  	v8 =	vld [tilespmem:s15+$0xFFFFFFC0];
	[tilespmem:s14+$0xFFFFFFD0] =	vst v5;
	s14 =	smov.u32 s15  }
0x104: {  	v3 =	vld.idx.msk [tilespmem:v6+s22+$0x0], $0xffff  }
0x105: {  	v12 =	vld [tilespmem:s15+$0xFFFFFFE0]  }
0x106: {  	v4 =	vld [tilespmem:s15+$0x20]  }
.Ltmp3:
0x107: {  	v5 =	vld [tilespmem:s15+$0xFFFFFFD0];
	(pc) =	sbr.rel @p0 .LBB2_9-.Ltmp3, $3  }
0x108: {  	v6 =	vld [tilespmem:s15+$0x0];
	_ =	sdelay $0x1  }
0x109: {  	v8 =	vmul.f32 v8, v3;
	v10 =	vmul.f32 v7, v3  }
0x10a: {  	v11 =	vmov s18;
	v9 =	vmul.f32 v9, v3;
	v7 =	vmul.f32 v12, v3  }
0x10b: {  	[tilespmem:s14+$0xFFFFFFC0] =	vst v8;
	v8 =	vand.u32 $0x7F, v11  }
0x10c: {  	[tilespmem:s14+$0x30] =	vst v10;
	v8 =	vor.u32 $0x100, v8  }
0x10d: {  	v2 =	vmul.f32 v2, v3;
	[tilespmem:s14+$0xFFFFFFE0] =	vst v7;
	v7 =	vbroadcast v8, $0x0  }
0x10e: {  	s15 =	sadd.s32 $0x80, s15;
	[tilespmem:s14+$0x10] =	vst v9;
	v6 =	vmul.f32 v6, v3  }
0x10f: {  	v4 =	vmul.f32 v4, v3;
	v8 =	vld [tilespmem:s15+$0xFFFFFFF0];
	[tilespmem:s14+$0xFFFFFFF0] =	vst v2  }
0x110: {  	v3 =	vmul.f32 v5, v3;
	v2 =	vld [tilespmem:s15+$0x30];
	[tilespmem:s14+$0x0] =	vst v6  }
0x111: {  	v5 =	vld [tilespmem:s15+$0x10];
	[tilespmem:s14+$0x20] =	vst v4  }
0x112: {  	v4 =	vld [tilespmem:s15+$0xFFFFFFC0];
	[tilespmem:s14+$0xFFFFFFD0] =	vst v3  }
0x113: {  	v3 =	vld.idx.msk [tilespmem:v7+s22+$0x0], $0xffff;
	_ =	sdelay $0x2  }
0x114: {  	v6 =	vld [tilespmem:s15+$0xFFFFFFE0];
	_ =	sdelay $0x1  }
0x115: {  	v7 =	vld [tilespmem:s15+$0x0];
	v2 =	vmul.f32 v2, v3  }
0x116: {  	v9 =	vld [tilespmem:s15+$0x20];
	v4 =	vmul.f32 v4, v3  }
0x117: {  	v10 =	vld [tilespmem:s15+$0xFFFFFFD0];
	v5 =	vmul.f32 v5, v3;
	[tilespmem:s15+$0x30] =	vst v2  }
0x118: {  	v2 =	vmul.f32 v6, v3;
	[tilespmem:s15+$0xFFFFFFC0] =	vst v4  }
0x119: {  	v4 =	vmul.f32 v8, v3;
	[tilespmem:s15+$0x10] =	vst v5  }
0x11a: {  	v5 =	vmul.f32 v7, v3;
	[tilespmem:s15+$0xFFFFFFE0] =	vst v2  }
0x11b: {  	v2 =	vmul.f32 v9, v3;
	[tilespmem:s15+$0xFFFFFFF0] =	vst v4  }
0x11c: {  	v3 =	vmul.f32 v10, v3;
	[tilespmem:s15+$0x0] =	vst v5  }
0x11d: {  	[tilespmem:s15+$0x20] =	vst v2  }
0x11e: {  	[tilespmem:s15+$0xFFFFFFD0] =	vst v3  }
0x11f: {  	[spmem:s1] =	stream.indirect.scatter.add.f32 [tilespmem:s19], [sflag:$0x3], $0x80, s31, s23, $0xb8;
	[tilespmem:$0x19D00] =	vst v63  }
0x120: {  	_ =	swait.ge [sflag:s20], $0x2800  }
0x121: {  	[sflag:s20] =	ssyncset.done $0x0  }
0x122: {  	[sflag:s20] =	ssyncadd.s32 $0xFFFFD800  }
0x123: {  	_ =	swait.ge [sflag:s29], $0x2800  }
0x124: {  	[sflag:s29] =	ssyncset.done $0x0  }
0x125: {  	[sflag:s29] =	ssyncadd.s32 $0xFFFFD800  }
0x126: {  	v2 =	vld [tilespmem:$0x200]  }
0x127: {  	v3 =	vld [tilespmem:$0x210]  }
0x128: {  	v4 =	vld [tilespmem:$0x220]  }
0x129: {  	v5 =	vld [tilespmem:$0x230]  }
0x12a: {  	v6 =	vld [tilespmem:$0x240]  }
0x12b: {  	v2 =	vshll.u32 v2, $0x1  }
0x12c: {  	v3 =	vshll.u32 v3, $0x1;
	v2 =	vor.u32 v0, v2  }
0x12d: {  	s17 =	simm.s32 $0x0;
	[tilespmem:$0xC00] =	vst v2;
	v2 =	vor.u32 v0, v3;
	v3 =	vshll.u32 v4, $0x1  }
0x12e: {  	v4 =	vmov s17;
	[tilespmem:$0xC10] =	vst v2;
	v2 =	vor.u32 v0, v3;
	v3 =	vshll.u32 v5, $0x1  }
0x12f: {  	v4 =	vand.u32 $0x7F, v4;
	[tilespmem:$0xC20] =	vst v2;
	v2 =	vor.u32 v0, v3;
	v3 =	vshll.u32 v6, $0x1  }
0x130: {  	[tilespmem:$0xC30] =	vst v2;
	v2 =	vor.u32 v0, v3;
	v3 =	vor.u32 $0x180, v4  }
0x131: {  	[tilespmem:$0xC40] =	vst v2;
	v2 =	vbroadcast v3, $0x0  }
0x132: {  	s14 =	simm.s32 $0x3540  }
0x133: {  	[tilespmem:s19], [sflag:$0x1] =	stream.indirect.gather [hbm4b:s4+s23], $0x80, s24, s23, $0xb8;
	[tilespmem:$0x19D00] =	vst v63  }
0x134: {  	v6 =	vld [tilespmem:s14+$0x30]  }
0x135: {  	v9 =	vld [tilespmem:s14+$0x10]  }
0x136: {  	v7 =	vld [tilespmem:s14+$0xFFFFFFC0]  }
0x137: {  	v3 =	vld.idx.msk [tilespmem:v2+s22+$0x0], $0xffff  }
0x138: {  	v12 =	vld [tilespmem:s14+$0xFFFFFFE0]  }
0x139: {  	v4 =	vld [tilespmem:s14+$0x20]  }
0x13a: {  	v5 =	vld [tilespmem:s14+$0xFFFFFFD0]  }
0x13b: {  	v2 =	vld [tilespmem:s14+$0xFFFFFFF0]  }
0x13c: {  	v10 =	vmul.f32 v6, v3;
	v6 =	vld [tilespmem:s14+$0x0]  }
0x13d: {  	s18 =	simm.s32 $0x1;
	v8 =	vmul.f32 v7, v3  }
0x13e: {  	v11 =	vmov s18;
	s15 =	simm.s32 $0x3540;
	s17 =	simm.s32 $0x2;
	v7 =	vmul.f32 v12, v3;
	v9 =	vmul.f32 v9, v3  }
.LBB2_11:
0x13f: {  	p0 =	sne.s32 s17, $0x4F  }
0x140: {  	v11 =	vand.u32 $0x7F, v11;
	v5 =	vmul.f32 v5, v3;
	v4 =	vmul.f32 v4, v3;
	[tilespmem:s14+$0x30] =	vst v10;
	s15 =	sadd.s32 $0x80, s15;
	s18 =	smov.u32 s17;
	s17 =	sadd.s32 $0x1, s17  }
0x141: {  	v10 =	vor.u32 $0x180, v11;
	[tilespmem:s14+$0xFFFFFFC0] =	vst v8;
	v8 =	vmul.f32 v2, v3;
	v3 =	vmul.f32 v6, v3  }
0x142: {  	v6 =	vbroadcast v10, $0x0;
	[tilespmem:s14+$0x10] =	vst v9  }
0x143: {  	[tilespmem:s14+$0xFFFFFFE0] =	vst v7  }
0x144: {  	v2 =	vld [tilespmem:s15+$0xFFFFFFF0];
	[tilespmem:s14+$0xFFFFFFF0] =	vst v8  }
0x145: {  	v7 =	vld [tilespmem:s15+$0x30];
	[tilespmem:s14+$0x0] =	vst v3  }
0x146: {  	v9 =	vld [tilespmem:s15+$0x10];
	[tilespmem:s14+$0x20] =	vst v4  }
0x147: {  	v8 =	vld [tilespmem:s15+$0xFFFFFFC0];
	[tilespmem:s14+$0xFFFFFFD0] =	vst v5;
	s14 =	smov.u32 s15  }
0x148: {  	v3 =	vld.idx.msk [tilespmem:v6+s22+$0x0], $0xffff  }
0x149: {  	v12 =	vld [tilespmem:s15+$0xFFFFFFE0]  }
0x14a: {  	v4 =	vld [tilespmem:s15+$0x20]  }
.Ltmp4:
0x14b: {  	v5 =	vld [tilespmem:s15+$0xFFFFFFD0];
	(pc) =	sbr.rel @p0 .LBB2_11-.Ltmp4, $3  }
0x14c: {  	v6 =	vld [tilespmem:s15+$0x0];
	_ =	sdelay $0x1  }
0x14d: {  	v8 =	vmul.f32 v8, v3;
	v10 =	vmul.f32 v7, v3  }
0x14e: {  	v11 =	vmov s18;
	v9 =	vmul.f32 v9, v3;
	v7 =	vmul.f32 v12, v3  }
0x14f: {  	[tilespmem:s14+$0xFFFFFFC0] =	vst v8;
	v8 =	vand.u32 $0x7F, v11  }
0x150: {  	[tilespmem:s14+$0x30] =	vst v10;
	v8 =	vor.u32 $0x180, v8  }
0x151: {  	v2 =	vmul.f32 v2, v3;
	[tilespmem:s14+$0xFFFFFFE0] =	vst v7;
	v7 =	vbroadcast v8, $0x0  }
0x152: {  	s15 =	sadd.s32 $0x80, s15;
	[tilespmem:s14+$0x10] =	vst v9;
	v6 =	vmul.f32 v6, v3  }
0x153: {  	v4 =	vmul.f32 v4, v3;
	v8 =	vld [tilespmem:s15+$0xFFFFFFF0];
	[tilespmem:s14+$0xFFFFFFF0] =	vst v2  }
0x154: {  	v3 =	vmul.f32 v5, v3;
	v2 =	vld [tilespmem:s15+$0x30];
	[tilespmem:s14+$0x0] =	vst v6  }
0x155: {  	v5 =	vld [tilespmem:s15+$0x10];
	[tilespmem:s14+$0x20] =	vst v4  }
0x156: {  	v4 =	vld [tilespmem:s15+$0xFFFFFFC0];
	[tilespmem:s14+$0xFFFFFFD0] =	vst v3  }
0x157: {  	v3 =	vld.idx.msk [tilespmem:v7+s22+$0x0], $0xffff;
	_ =	sdelay $0x2  }
0x158: {  	v6 =	vld [tilespmem:s15+$0xFFFFFFE0];
	_ =	sdelay $0x1  }
0x159: {  	v7 =	vld [tilespmem:s15+$0x0];
	v2 =	vmul.f32 v2, v3  }
0x15a: {  	v9 =	vld [tilespmem:s15+$0x20];
	v4 =	vmul.f32 v4, v3  }
0x15b: {  	v10 =	vld [tilespmem:s15+$0xFFFFFFD0];
	v5 =	vmul.f32 v5, v3;
	[tilespmem:s15+$0x30] =	vst v2  }
0x15c: {  	v2 =	vmul.f32 v6, v3;
	[tilespmem:s15+$0xFFFFFFC0] =	vst v4  }
0x15d: {  	v4 =	vmul.f32 v8, v3;
	[tilespmem:s15+$0x10] =	vst v5  }
0x15e: {  	v5 =	vmul.f32 v7, v3;
	[tilespmem:s15+$0xFFFFFFE0] =	vst v2  }
0x15f: {  	v2 =	vmul.f32 v9, v3;
	[tilespmem:s15+$0xFFFFFFF0] =	vst v4  }
0x160: {  	v3 =	vmul.f32 v10, v3;
	[tilespmem:s15+$0x0] =	vst v5  }
0x161: {  	[tilespmem:s15+$0x20] =	vst v2  }
0x162: {  	[tilespmem:s15+$0xFFFFFFD0] =	vst v3  }
0x163: {  	[spmem:s1] =	stream.indirect.scatter.add.f32 [tilespmem:s28], [sflag:$0x3], $0x80, s0, s23, $0xb8;
	[tilespmem:$0x19D00] =	vst v63  }
0x164: {  	_ =	swait.ge [sflag:s20], $0x2800  }
0x165: {  	[sflag:s20] =	ssyncset.done $0x0  }
0x166: {  	[sflag:s20] =	ssyncadd.s32 $0xFFFFD800  }
0x167: {  	_ =	swait.ge [sflag:s25], $0x2800  }
0x168: {  	[sflag:s25] =	ssyncset.done $0x0  }
0x169: {  	[sflag:s25] =	ssyncadd.s32 $0xFFFFD800  }
0x16a: {  	v2 =	vld [tilespmem:$0x280]  }
0x16b: {  	v3 =	vld [tilespmem:$0x290]  }
0x16c: {  	v4 =	vld [tilespmem:$0x2A0]  }
0x16d: {  	v5 =	vld [tilespmem:$0x2B0]  }
0x16e: {  	v6 =	vld [tilespmem:$0x2C0]  }
0x16f: {  	v2 =	vshll.u32 v2, $0x1  }
0x170: {  	v3 =	vshll.u32 v3, $0x1;
	v2 =	vor.u32 v0, v2  }
0x171: {  	s17 =	simm.s32 $0x0;
	[tilespmem:$0xC80] =	vst v2;
	v2 =	vor.u32 v0, v3;
	v3 =	vshll.u32 v4, $0x1  }
0x172: {  	v4 =	vmov s17;
	[tilespmem:$0xC90] =	vst v2;
	v2 =	vor.u32 v0, v3;
	v3 =	vshll.u32 v5, $0x1  }
0x173: {  	v4 =	vand.u32 $0x7F, v4;
	[tilespmem:$0xCA0] =	vst v2;
	v2 =	vor.u32 v0, v3;
	v3 =	vshll.u32 v6, $0x1  }
0x174: {  	[tilespmem:$0xCB0] =	vst v2;
	v2 =	vor.u32 v0, v3;
	v3 =	vor.u32 $0x200, v4  }
0x175: {  	[tilespmem:$0xCC0] =	vst v2;
	v2 =	vbroadcast v3, $0x0  }
0x176: {  	s14 =	simm.s32 $0xD40  }
0x177: {  	[tilespmem:s28], [sflag:$0x2] =	stream.indirect.gather [hbm4b:s4+s23], $0x80, s26, s23, $0xb8;
	[tilespmem:$0x19D00] =	vst v63  }
0x178: {  	v6 =	vld [tilespmem:s14+$0x30]  }
0x179: {  	v9 =	vld [tilespmem:s14+$0x10]  }
0x17a: {  	v7 =	vld [tilespmem:s14+$0xFFFFFFC0]  }
0x17b: {  	v3 =	vld.idx.msk [tilespmem:v2+s22+$0x0], $0xffff  }
0x17c: {  	v12 =	vld [tilespmem:s14+$0xFFFFFFE0]  }
0x17d: {  	v4 =	vld [tilespmem:s14+$0x20]  }
0x17e: {  	v5 =	vld [tilespmem:s14+$0xFFFFFFD0]  }
0x17f: {  	v2 =	vld [tilespmem:s14+$0xFFFFFFF0]  }
0x180: {  	v10 =	vmul.f32 v6, v3;
	v6 =	vld [tilespmem:s14+$0x0]  }
0x181: {  	s18 =	simm.s32 $0x1;
	v8 =	vmul.f32 v7, v3  }
0x182: {  	v11 =	vmov s18;
	s15 =	simm.s32 $0xD40;
	s17 =	simm.s32 $0x2;
	v7 =	vmul.f32 v12, v3;
	v9 =	vmul.f32 v9, v3  }
.LBB2_13:
0x183: {  	p0 =	sne.s32 s17, $0x4F  }
0x184: {  	v11 =	vand.u32 $0x7F, v11;
	v5 =	vmul.f32 v5, v3;
	v4 =	vmul.f32 v4, v3;
	[tilespmem:s14+$0x30] =	vst v10;
	s15 =	sadd.s32 $0x80, s15;
	s18 =	smov.u32 s17;
	s17 =	sadd.s32 $0x1, s17  }
0x185: {  	v10 =	vor.u32 $0x200, v11;
	[tilespmem:s14+$0xFFFFFFC0] =	vst v8;
	v8 =	vmul.f32 v2, v3;
	v3 =	vmul.f32 v6, v3  }
0x186: {  	v6 =	vbroadcast v10, $0x0;
	[tilespmem:s14+$0x10] =	vst v9  }
0x187: {  	[tilespmem:s14+$0xFFFFFFE0] =	vst v7  }
0x188: {  	v2 =	vld [tilespmem:s15+$0xFFFFFFF0];
	[tilespmem:s14+$0xFFFFFFF0] =	vst v8  }
0x189: {  	v7 =	vld [tilespmem:s15+$0x30];
	[tilespmem:s14+$0x0] =	vst v3  }
0x18a: {  	v9 =	vld [tilespmem:s15+$0x10];
	[tilespmem:s14+$0x20] =	vst v4  }
0x18b: {  	v8 =	vld [tilespmem:s15+$0xFFFFFFC0];
	[tilespmem:s14+$0xFFFFFFD0] =	vst v5;
	s14 =	smov.u32 s15  }
0x18c: {  	v3 =	vld.idx.msk [tilespmem:v6+s22+$0x0], $0xffff  }
0x18d: {  	v12 =	vld [tilespmem:s15+$0xFFFFFFE0]  }
0x18e: {  	v4 =	vld [tilespmem:s15+$0x20]  }
.Ltmp5:
0x18f: {  	v5 =	vld [tilespmem:s15+$0xFFFFFFD0];
	(pc) =	sbr.rel @p0 .LBB2_13-.Ltmp5, $3  }
0x190: {  	v6 =	vld [tilespmem:s15+$0x0];
	_ =	sdelay $0x1  }
0x191: {  	v8 =	vmul.f32 v8, v3;
	v10 =	vmul.f32 v7, v3  }
0x192: {  	v11 =	vmov s18;
	v9 =	vmul.f32 v9, v3;
	v7 =	vmul.f32 v12, v3  }
0x193: {  	[tilespmem:s14+$0xFFFFFFC0] =	vst v8;
	v8 =	vand.u32 $0x7F, v11  }
0x194: {  	[tilespmem:s14+$0x30] =	vst v10;
	v8 =	vor.u32 $0x200, v8  }
0x195: {  	v2 =	vmul.f32 v2, v3;
	[tilespmem:s14+$0xFFFFFFE0] =	vst v7;
	v7 =	vbroadcast v8, $0x0  }
0x196: {  	s15 =	sadd.s32 $0x80, s15;
	[tilespmem:s14+$0x10] =	vst v9;
	v6 =	vmul.f32 v6, v3  }
0x197: {  	v4 =	vmul.f32 v4, v3;
	v8 =	vld [tilespmem:s15+$0xFFFFFFF0];
	[tilespmem:s14+$0xFFFFFFF0] =	vst v2  }
0x198: {  	v3 =	vmul.f32 v5, v3;
	v2 =	vld [tilespmem:s15+$0x30];
	[tilespmem:s14+$0x0] =	vst v6  }
0x199: {  	v5 =	vld [tilespmem:s15+$0x10];
	[tilespmem:s14+$0x20] =	vst v4  }
0x19a: {  	v4 =	vld [tilespmem:s15+$0xFFFFFFC0];
	[tilespmem:s14+$0xFFFFFFD0] =	vst v3  }
0x19b: {  	v3 =	vld.idx.msk [tilespmem:v7+s22+$0x0], $0xffff;
	_ =	sdelay $0x2  }
0x19c: {  	v6 =	vld [tilespmem:s15+$0xFFFFFFE0];
	_ =	sdelay $0x1  }
0x19d: {  	v7 =	vld [tilespmem:s15+$0x0];
	v2 =	vmul.f32 v2, v3  }
0x19e: {  	v9 =	vld [tilespmem:s15+$0x20];
	v4 =	vmul.f32 v4, v3  }
0x19f: {  	v10 =	vld [tilespmem:s15+$0xFFFFFFD0];
	v5 =	vmul.f32 v5, v3;
	[tilespmem:s15+$0x30] =	vst v2  }
0x1a0: {  	v2 =	vmul.f32 v6, v3;
	[tilespmem:s15+$0xFFFFFFC0] =	vst v4  }
0x1a1: {  	v4 =	vmul.f32 v8, v3;
	[tilespmem:s15+$0x10] =	vst v5  }
0x1a2: {  	v5 =	vmul.f32 v7, v3;
	[tilespmem:s15+$0xFFFFFFE0] =	vst v2  }
0x1a3: {  	v2 =	vmul.f32 v9, v3;
	[tilespmem:s15+$0xFFFFFFF0] =	vst v4  }
0x1a4: {  	v3 =	vmul.f32 v10, v3;
	[tilespmem:s15+$0x0] =	vst v5  }
0x1a5: {  	[tilespmem:s15+$0x20] =	vst v2  }
0x1a6: {  	[tilespmem:s15+$0xFFFFFFD0] =	vst v3  }
0x1a7: {  	[spmem:s1] =	stream.indirect.scatter.add.f32 [tilespmem:s19], [sflag:$0x3], $0x80, s3, s23, $0xb8;
	[tilespmem:$0x19D00] =	vst v63  }
0x1a8: {  	_ =	swait.ge [sflag:s20], $0x2800  }
0x1a9: {  	[sflag:s20] =	ssyncset.done $0x0  }
0x1aa: {  	[sflag:s20] =	ssyncadd.s32 $0xFFFFD800  }
0x1ab: {  	_ =	swait.ge [sflag:s29], $0x2800  }
0x1ac: {  	[sflag:s29] =	ssyncset.done $0x0  }
0x1ad: {  	[sflag:s29] =	ssyncadd.s32 $0xFFFFD800  }
0x1ae: {  	v2 =	vld [tilespmem:$0x300]  }
0x1af: {  	v3 =	vld [tilespmem:$0x310]  }
0x1b0: {  	v4 =	vld [tilespmem:$0x320]  }
0x1b1: {  	v5 =	vld [tilespmem:$0x330]  }
0x1b2: {  	v6 =	vld [tilespmem:$0x340]  }
0x1b3: {  	v2 =	vshll.u32 v2, $0x1  }
0x1b4: {  	v3 =	vshll.u32 v3, $0x1;
	v2 =	vor.u32 v0, v2  }
0x1b5: {  	s17 =	simm.s32 $0x0;
	[tilespmem:$0xC00] =	vst v2;
	v2 =	vor.u32 v0, v3;
	v3 =	vshll.u32 v4, $0x1  }
0x1b6: {  	v4 =	vmov s17;
	[tilespmem:$0xC10] =	vst v2;
	v2 =	vor.u32 v0, v3;
	v3 =	vshll.u32 v5, $0x1  }
0x1b7: {  	v4 =	vand.u32 $0x7F, v4;
	[tilespmem:$0xC20] =	vst v2;
	v2 =	vor.u32 v0, v3;
	v3 =	vshll.u32 v6, $0x1  }
0x1b8: {  	[tilespmem:$0xC30] =	vst v2;
	v2 =	vor.u32 v0, v3;
	v3 =	vor.u32 $0x280, v4  }
0x1b9: {  	[tilespmem:$0xC40] =	vst v2;
	v2 =	vbroadcast v3, $0x0  }
0x1ba: {  	s14 =	simm.s32 $0x3540  }
0x1bb: {  	[tilespmem:s19], [sflag:$0x1] =	stream.indirect.gather [hbm4b:s4+s23], $0x80, s24, s23, $0xb8;
	[tilespmem:$0x19D00] =	vst v63  }
0x1bc: {  	v6 =	vld [tilespmem:s14+$0x30]  }
0x1bd: {  	v9 =	vld [tilespmem:s14+$0x10]  }
0x1be: {  	v7 =	vld [tilespmem:s14+$0xFFFFFFC0]  }
0x1bf: {  	v3 =	vld.idx.msk [tilespmem:v2+s22+$0x0], $0xffff  }
0x1c0: {  	v12 =	vld [tilespmem:s14+$0xFFFFFFE0]  }
0x1c1: {  	v4 =	vld [tilespmem:s14+$0x20]  }
0x1c2: {  	v5 =	vld [tilespmem:s14+$0xFFFFFFD0]  }
0x1c3: {  	v2 =	vld [tilespmem:s14+$0xFFFFFFF0]  }
0x1c4: {  	v10 =	vmul.f32 v6, v3;
	v6 =	vld [tilespmem:s14+$0x0]  }
0x1c5: {  	s18 =	simm.s32 $0x1;
	v8 =	vmul.f32 v7, v3  }
0x1c6: {  	v11 =	vmov s18;
	s15 =	simm.s32 $0x3540;
	s17 =	simm.s32 $0x2;
	v7 =	vmul.f32 v12, v3;
	v9 =	vmul.f32 v9, v3  }
.LBB2_15:
0x1c7: {  	p0 =	sne.s32 s17, $0x4F  }
0x1c8: {  	v11 =	vand.u32 $0x7F, v11;
	v5 =	vmul.f32 v5, v3;
	v4 =	vmul.f32 v4, v3;
	[tilespmem:s14+$0x30] =	vst v10;
	s15 =	sadd.s32 $0x80, s15;
	s18 =	smov.u32 s17;
	s17 =	sadd.s32 $0x1, s17  }
0x1c9: {  	v10 =	vor.u32 $0x280, v11;
	[tilespmem:s14+$0xFFFFFFC0] =	vst v8;
	v8 =	vmul.f32 v2, v3;
	v3 =	vmul.f32 v6, v3  }
0x1ca: {  	v6 =	vbroadcast v10, $0x0;
	[tilespmem:s14+$0x10] =	vst v9  }
0x1cb: {  	[tilespmem:s14+$0xFFFFFFE0] =	vst v7  }
0x1cc: {  	v2 =	vld [tilespmem:s15+$0xFFFFFFF0];
	[tilespmem:s14+$0xFFFFFFF0] =	vst v8  }
0x1cd: {  	v7 =	vld [tilespmem:s15+$0x30];
	[tilespmem:s14+$0x0] =	vst v3  }
0x1ce: {  	v9 =	vld [tilespmem:s15+$0x10];
	[tilespmem:s14+$0x20] =	vst v4  }
0x1cf: {  	v8 =	vld [tilespmem:s15+$0xFFFFFFC0];
	[tilespmem:s14+$0xFFFFFFD0] =	vst v5;
	s14 =	smov.u32 s15  }
0x1d0: {  	v3 =	vld.idx.msk [tilespmem:v6+s22+$0x0], $0xffff  }
0x1d1: {  	v12 =	vld [tilespmem:s15+$0xFFFFFFE0]  }
0x1d2: {  	v4 =	vld [tilespmem:s15+$0x20]  }
.Ltmp6:
0x1d3: {  	v5 =	vld [tilespmem:s15+$0xFFFFFFD0];
	(pc) =	sbr.rel @p0 .LBB2_15-.Ltmp6, $3  }
0x1d4: {  	v6 =	vld [tilespmem:s15+$0x0];
	_ =	sdelay $0x1  }
0x1d5: {  	v8 =	vmul.f32 v8, v3;
	v10 =	vmul.f32 v7, v3  }
0x1d6: {  	v11 =	vmov s18;
	v9 =	vmul.f32 v9, v3;
	v7 =	vmul.f32 v12, v3  }
0x1d7: {  	[tilespmem:s14+$0xFFFFFFC0] =	vst v8;
	v8 =	vand.u32 $0x7F, v11  }
0x1d8: {  	[tilespmem:s14+$0x30] =	vst v10;
	v8 =	vor.u32 $0x280, v8  }
0x1d9: {  	v2 =	vmul.f32 v2, v3;
	[tilespmem:s14+$0xFFFFFFE0] =	vst v7;
	v7 =	vbroadcast v8, $0x0  }
0x1da: {  	s15 =	sadd.s32 $0x80, s15;
	[tilespmem:s14+$0x10] =	vst v9;
	v6 =	vmul.f32 v6, v3  }
0x1db: {  	v4 =	vmul.f32 v4, v3;
	v8 =	vld [tilespmem:s15+$0xFFFFFFF0];
	[tilespmem:s14+$0xFFFFFFF0] =	vst v2  }
0x1dc: {  	v3 =	vmul.f32 v5, v3;
	v2 =	vld [tilespmem:s15+$0x30];
	[tilespmem:s14+$0x0] =	vst v6  }
0x1dd: {  	v5 =	vld [tilespmem:s15+$0x10];
	[tilespmem:s14+$0x20] =	vst v4  }
0x1de: {  	v4 =	vld [tilespmem:s15+$0xFFFFFFC0];
	[tilespmem:s14+$0xFFFFFFD0] =	vst v3  }
0x1df: {  	v3 =	vld.idx.msk [tilespmem:v7+s22+$0x0], $0xffff;
	_ =	sdelay $0x2  }
0x1e0: {  	v6 =	vld [tilespmem:s15+$0xFFFFFFE0];
	_ =	sdelay $0x1  }
0x1e1: {  	v7 =	vld [tilespmem:s15+$0x0];
	v2 =	vmul.f32 v2, v3  }
0x1e2: {  	v9 =	vld [tilespmem:s15+$0x20];
	v4 =	vmul.f32 v4, v3  }
0x1e3: {  	v10 =	vld [tilespmem:s15+$0xFFFFFFD0];
	v5 =	vmul.f32 v5, v3;
	[tilespmem:s15+$0x30] =	vst v2  }
0x1e4: {  	v2 =	vmul.f32 v6, v3;
	[tilespmem:s15+$0xFFFFFFC0] =	vst v4  }
0x1e5: {  	v4 =	vmul.f32 v8, v3;
	[tilespmem:s15+$0x10] =	vst v5  }
0x1e6: {  	v5 =	vmul.f32 v7, v3;
	[tilespmem:s15+$0xFFFFFFE0] =	vst v2  }
0x1e7: {  	v2 =	vmul.f32 v9, v3;
	[tilespmem:s15+$0xFFFFFFF0] =	vst v4  }
0x1e8: {  	v3 =	vmul.f32 v10, v3;
	[tilespmem:s15+$0x0] =	vst v5  }
0x1e9: {  	[tilespmem:s15+$0x20] =	vst v2  }
0x1ea: {  	[tilespmem:s15+$0xFFFFFFD0] =	vst v3  }
0x1eb: {  	[spmem:s1] =	stream.indirect.scatter.add.f32 [tilespmem:s28], [sflag:$0x3], $0x80, s9, s23, $0xb8;
	[tilespmem:$0x19D00] =	vst v63  }
0x1ec: {  	_ =	swait.ge [sflag:s20], $0x2800  }
0x1ed: {  	[sflag:s20] =	ssyncset.done $0x0  }
0x1ee: {  	[sflag:s20] =	ssyncadd.s32 $0xFFFFD800  }
0x1ef: {  	_ =	swait.ge [sflag:s25], $0x2800  }
0x1f0: {  	[sflag:s25] =	ssyncset.done $0x0  }
0x1f1: {  	[sflag:s25] =	ssyncadd.s32 $0xFFFFD800  }
0x1f2: {  	v2 =	vld [tilespmem:$0x380]  }
0x1f3: {  	v3 =	vld [tilespmem:$0x390]  }
0x1f4: {  	v4 =	vld [tilespmem:$0x3A0]  }
0x1f5: {  	v5 =	vld [tilespmem:$0x3B0]  }
0x1f6: {  	v6 =	vld [tilespmem:$0x3C0]  }
0x1f7: {  	v2 =	vshll.u32 v2, $0x1  }
0x1f8: {  	v3 =	vshll.u32 v3, $0x1;
	v2 =	vor.u32 v0, v2  }
0x1f9: {  	s17 =	simm.s32 $0x0;
	[tilespmem:$0xC80] =	vst v2;
	v2 =	vor.u32 v0, v3;
	v3 =	vshll.u32 v4, $0x1  }
0x1fa: {  	v4 =	vmov s17;
	[tilespmem:$0xC90] =	vst v2;
	v2 =	vor.u32 v0, v3;
	v3 =	vshll.u32 v5, $0x1  }
0x1fb: {  	v4 =	vand.u32 $0x7F, v4;
	[tilespmem:$0xCA0] =	vst v2;
	v2 =	vor.u32 v0, v3;
	v3 =	vshll.u32 v6, $0x1  }
0x1fc: {  	[tilespmem:$0xCB0] =	vst v2;
	v2 =	vor.u32 v0, v3;
	v3 =	vor.u32 $0x300, v4  }
0x1fd: {  	[tilespmem:$0xCC0] =	vst v2;
	v2 =	vbroadcast v3, $0x0  }
0x1fe: {  	s14 =	simm.s32 $0xD40  }
0x1ff: {  	[tilespmem:s28], [sflag:$0x2] =	stream.indirect.gather [hbm4b:s4+s23], $0x80, s26, s23, $0xb8;
	[tilespmem:$0x19D00] =	vst v63  }
0x200: {  	v6 =	vld [tilespmem:s14+$0x30]  }
0x201: {  	v9 =	vld [tilespmem:s14+$0x10]  }
0x202: {  	v7 =	vld [tilespmem:s14+$0xFFFFFFC0]  }
0x203: {  	v3 =	vld.idx.msk [tilespmem:v2+s22+$0x0], $0xffff  }
0x204: {  	v12 =	vld [tilespmem:s14+$0xFFFFFFE0]  }
0x205: {  	v4 =	vld [tilespmem:s14+$0x20]  }
0x206: {  	v5 =	vld [tilespmem:s14+$0xFFFFFFD0]  }
0x207: {  	v2 =	vld [tilespmem:s14+$0xFFFFFFF0]  }
0x208: {  	v10 =	vmul.f32 v6, v3;
	v6 =	vld [tilespmem:s14+$0x0]  }
0x209: {  	s18 =	simm.s32 $0x1;
	v8 =	vmul.f32 v7, v3  }
0x20a: {  	v11 =	vmov s18;
	s15 =	simm.s32 $0xD40;
	s17 =	simm.s32 $0x2;
	v7 =	vmul.f32 v12, v3;
	v9 =	vmul.f32 v9, v3  }
.LBB2_17:
0x20b: {  	p0 =	sne.s32 s17, $0x4F  }
0x20c: {  	v11 =	vand.u32 $0x7F, v11;
	v5 =	vmul.f32 v5, v3;
	v4 =	vmul.f32 v4, v3;
	[tilespmem:s14+$0x30] =	vst v10;
	s15 =	sadd.s32 $0x80, s15;
	s18 =	smov.u32 s17;
	s17 =	sadd.s32 $0x1, s17  }
0x20d: {  	v10 =	vor.u32 $0x300, v11;
	[tilespmem:s14+$0xFFFFFFC0] =	vst v8;
	v8 =	vmul.f32 v2, v3;
	v3 =	vmul.f32 v6, v3  }
0x20e: {  	v6 =	vbroadcast v10, $0x0;
	[tilespmem:s14+$0x10] =	vst v9  }
0x20f: {  	[tilespmem:s14+$0xFFFFFFE0] =	vst v7  }
0x210: {  	v2 =	vld [tilespmem:s15+$0xFFFFFFF0];
	[tilespmem:s14+$0xFFFFFFF0] =	vst v8  }
0x211: {  	v7 =	vld [tilespmem:s15+$0x30];
	[tilespmem:s14+$0x0] =	vst v3  }
0x212: {  	v9 =	vld [tilespmem:s15+$0x10];
	[tilespmem:s14+$0x20] =	vst v4  }
0x213: {  	v8 =	vld [tilespmem:s15+$0xFFFFFFC0];
	[tilespmem:s14+$0xFFFFFFD0] =	vst v5;
	s14 =	smov.u32 s15  }
0x214: {  	v3 =	vld.idx.msk [tilespmem:v6+s22+$0x0], $0xffff  }
0x215: {  	v12 =	vld [tilespmem:s15+$0xFFFFFFE0]  }
0x216: {  	v4 =	vld [tilespmem:s15+$0x20]  }
.Ltmp7:
0x217: {  	v5 =	vld [tilespmem:s15+$0xFFFFFFD0];
	(pc) =	sbr.rel @p0 .LBB2_17-.Ltmp7, $3  }
0x218: {  	v6 =	vld [tilespmem:s15+$0x0];
	_ =	sdelay $0x1  }
0x219: {  	v8 =	vmul.f32 v8, v3;
	v10 =	vmul.f32 v7, v3  }
0x21a: {  	v11 =	vmov s18;
	v9 =	vmul.f32 v9, v3;
	v7 =	vmul.f32 v12, v3  }
0x21b: {  	[tilespmem:s14+$0xFFFFFFC0] =	vst v8;
	v8 =	vand.u32 $0x7F, v11  }
0x21c: {  	[tilespmem:s14+$0x30] =	vst v10;
	v8 =	vor.u32 $0x300, v8  }
0x21d: {  	v2 =	vmul.f32 v2, v3;
	[tilespmem:s14+$0xFFFFFFE0] =	vst v7;
	v7 =	vbroadcast v8, $0x0  }
0x21e: {  	s15 =	sadd.s32 $0x80, s15;
	[tilespmem:s14+$0x10] =	vst v9;
	v6 =	vmul.f32 v6, v3  }
0x21f: {  	v4 =	vmul.f32 v4, v3;
	v8 =	vld [tilespmem:s15+$0xFFFFFFF0];
	[tilespmem:s14+$0xFFFFFFF0] =	vst v2  }
0x220: {  	v3 =	vmul.f32 v5, v3;
	v2 =	vld [tilespmem:s15+$0x30];
	[tilespmem:s14+$0x0] =	vst v6  }
0x221: {  	v5 =	vld [tilespmem:s15+$0x10];
	[tilespmem:s14+$0x20] =	vst v4  }
0x222: {  	v4 =	vld [tilespmem:s15+$0xFFFFFFC0];
	[tilespmem:s14+$0xFFFFFFD0] =	vst v3  }
0x223: {  	v3 =	vld.idx.msk [tilespmem:v7+s22+$0x0], $0xffff;
	_ =	sdelay $0x2  }
0x224: {  	v6 =	vld [tilespmem:s15+$0xFFFFFFE0];
	_ =	sdelay $0x1  }
0x225: {  	v7 =	vld [tilespmem:s15+$0x0];
	v2 =	vmul.f32 v2, v3  }
0x226: {  	v9 =	vld [tilespmem:s15+$0x20];
	v4 =	vmul.f32 v4, v3  }
0x227: {  	v10 =	vld [tilespmem:s15+$0xFFFFFFD0];
	v5 =	vmul.f32 v5, v3;
	[tilespmem:s15+$0x30] =	vst v2  }
0x228: {  	v2 =	vmul.f32 v6, v3;
	[tilespmem:s15+$0xFFFFFFC0] =	vst v4  }
0x229: {  	v4 =	vmul.f32 v8, v3;
	[tilespmem:s15+$0x10] =	vst v5  }
0x22a: {  	v5 =	vmul.f32 v7, v3;
	[tilespmem:s15+$0xFFFFFFE0] =	vst v2  }
0x22b: {  	v2 =	vmul.f32 v9, v3;
	[tilespmem:s15+$0xFFFFFFF0] =	vst v4  }
0x22c: {  	v3 =	vmul.f32 v10, v3;
	[tilespmem:s15+$0x0] =	vst v5  }
0x22d: {  	[tilespmem:s15+$0x20] =	vst v2  }
0x22e: {  	s17 =	simm.s32 $0x0;
	[tilespmem:s15+$0xFFFFFFD0] =	vst v3  }
0x22f: {  	[spmem:s1] =	stream.indirect.scatter.add.f32 [tilespmem:s19], [sflag:$0x3], $0x80, s10, s23, $0xb8;
	[tilespmem:$0x19D00] =	vst v63  }
0x230: {  	v2 =	vmov s17;
	_ =	swait.ge [sflag:s20], $0x2800  }
0x231: {  	v2 =	vand.u32 $0x7F, v2;
	[sflag:s20] =	ssyncset.done $0x0  }
0x232: {  	v2 =	vor.u32 $0x380, v2;
	[sflag:s20] =	ssyncadd.s32 $0xFFFFD800  }
0x233: {  	v2 =	vbroadcast v2, $0x0;
	_ =	swait.ge [sflag:s29], $0x2800  }
0x234: {  	[sflag:s29] =	ssyncset.done $0x0  }
0x235: {  	s14 =	simm.s32 $0x3540;
	[sflag:s29] =	ssyncadd.s32 $0xFFFFD800  }
0x236: {  	v6 =	vld [tilespmem:s14+$0x30]  }
0x237: {  	v9 =	vld [tilespmem:s14+$0x10]  }
0x238: {  	v7 =	vld [tilespmem:s14+$0xFFFFFFC0]  }
0x239: {  	v3 =	vld.idx.msk [tilespmem:v2+s22+$0x0], $0xffff  }
0x23a: {  	v12 =	vld [tilespmem:s14+$0xFFFFFFE0]  }
0x23b: {  	v4 =	vld [tilespmem:s14+$0x20]  }
0x23c: {  	v5 =	vld [tilespmem:s14+$0xFFFFFFD0]  }
0x23d: {  	v2 =	vld [tilespmem:s14+$0xFFFFFFF0]  }
0x23e: {  	v10 =	vmul.f32 v6, v3;
	v6 =	vld [tilespmem:s14+$0x0]  }
0x23f: {  	s18 =	simm.s32 $0x1;
	v8 =	vmul.f32 v7, v3  }
0x240: {  	v11 =	vmov s18;
	s17 =	simm.s32 $0x2;
	s15 =	simm.s32 $0x3540;
	v7 =	vmul.f32 v12, v3;
	v9 =	vmul.f32 v9, v3  }
.LBB2_19:
0x241: {  	p0 =	sne.s32 s17, $0x4F  }
0x242: {  	v11 =	vand.u32 $0x7F, v11;
	v5 =	vmul.f32 v5, v3;
	v4 =	vmul.f32 v4, v3;
	[tilespmem:s14+$0x30] =	vst v10;
	s15 =	sadd.s32 $0x80, s15;
	s18 =	smov.u32 s17;
	s17 =	sadd.s32 $0x1, s17  }
0x243: {  	v10 =	vor.u32 $0x380, v11;
	[tilespmem:s14+$0xFFFFFFC0] =	vst v8;
	v8 =	vmul.f32 v2, v3;
	v3 =	vmul.f32 v6, v3  }
0x244: {  	v6 =	vbroadcast v10, $0x0;
	[tilespmem:s14+$0x10] =	vst v9  }
0x245: {  	[tilespmem:s14+$0xFFFFFFE0] =	vst v7  }
0x246: {  	v2 =	vld [tilespmem:s15+$0xFFFFFFF0];
	[tilespmem:s14+$0xFFFFFFF0] =	vst v8  }
0x247: {  	v7 =	vld [tilespmem:s15+$0x30];
	[tilespmem:s14+$0x0] =	vst v3  }
0x248: {  	v9 =	vld [tilespmem:s15+$0x10];
	[tilespmem:s14+$0x20] =	vst v4  }
0x249: {  	v8 =	vld [tilespmem:s15+$0xFFFFFFC0];
	[tilespmem:s14+$0xFFFFFFD0] =	vst v5;
	s14 =	smov.u32 s15  }
0x24a: {  	v3 =	vld.idx.msk [tilespmem:v6+s22+$0x0], $0xffff  }
0x24b: {  	v12 =	vld [tilespmem:s15+$0xFFFFFFE0]  }
0x24c: {  	v4 =	vld [tilespmem:s15+$0x20]  }
.Ltmp8:
0x24d: {  	v5 =	vld [tilespmem:s15+$0xFFFFFFD0];
	(pc) =	sbr.rel @p0 .LBB2_19-.Ltmp8, $3  }
0x24e: {  	v6 =	vld [tilespmem:s15+$0x0];
	_ =	sdelay $0x1  }
0x24f: {  	v8 =	vmul.f32 v8, v3;
	v10 =	vmul.f32 v7, v3  }
0x250: {  	v11 =	vmov s18;
	v9 =	vmul.f32 v9, v3;
	v7 =	vmul.f32 v12, v3  }
0x251: {  	[tilespmem:s14+$0x30] =	vst v10;
	v55 =	vand.u32 $0x7F, v11  }
0x252: {  	[tilespmem:s14+$0xFFFFFFC0] =	vst v8;
	v8 =	vor.u32 $0x380, v55  }
0x253: {  	v2 =	vmul.f32 v2, v3;
	[tilespmem:s14+$0x10] =	vst v9;
	v56 =	vbroadcast v8, $0x0  }
0x254: {  	s15 =	sadd.s32 $0x80, s15;
	[tilespmem:s14+$0xFFFFFFE0] =	vst v7;
	v6 =	vmul.f32 v6, v3  }
0x255: {  	v4 =	vmul.f32 v4, v3;
	v3 =	vmul.f32 v5, v3;
	v57 =	vld [tilespmem:s15+$0xFFFFFFF0];
	[tilespmem:s14+$0xFFFFFFF0] =	vst v2  }
0x256: {  	v2 =	vld [tilespmem:s15+$0x30];
	[tilespmem:s14+$0x0] =	vst v6  }
0x257: {  	v59 =	vld [tilespmem:s15+$0xFFFFFFC0];
	[tilespmem:s14+$0xFFFFFFD0] =	vst v3  }
0x258: {  	v58 =	vld [tilespmem:s15+$0x10];
	[tilespmem:s14+$0x20] =	vst v4  }
0x259: {  	v3 =	vld.idx.msk [tilespmem:v56+s22+$0x0], $0xffff;
	_ =	sdelay $0x3  }
0x25a: {  	v6 =	vld [tilespmem:s15+$0xFFFFFFE0]  }
0x25b: {  	v60 =	vld [tilespmem:s15+$0x0];
	v2 =	vmul.f32 v2, v3  }
0x25c: {  	v9 =	vld [tilespmem:s15+$0x20];
	v4 =	vmul.f32 v59, v3  }
0x25d: {  	v61 =	vld [tilespmem:s15+$0xFFFFFFD0];
	v5 =	vmul.f32 v58, v3;
	[tilespmem:s15+$0x30] =	vst v2  }
0x25e: {  	v62 =	vmul.f32 v57, v3;
	[tilespmem:s15+$0xFFFFFFC0] =	vst v4  }
0x25f: {  	v2 =	vmul.f32 v6, v3;
	[tilespmem:s15+$0x10] =	vst v5  }
0x260: {  	v63 =	vmul.f32 v60, v3;
	[tilespmem:s15+$0xFFFFFFF0] =	vst v62  }
0x261: {  	[tilespmem:s15+$0xFFFFFFE0] =	vst v2;
	v2 =	vmul.f32 v9, v3  }
0x262: {  	s13 =	sadd.s32 $0x1, s13;
	[tilespmem:s15+$0x0] =	vst v63;
	v3 =	vmul.f32 v61, v3  }
0x263: {  	p0 =	sne.s32 s13, $0x11;
	[tilespmem:s15+$0x20] =	vst v2  }
.Ltmp9:
0x264: {  	[tilespmem:s15+$0xFFFFFFD0] =	vst v3;
	(pc) =	sbr.rel @p0 .LBB2_4-.Ltmp9, $4  }
0x265: {  	[spmem:s1] =	stream.indirect.scatter.add.f32 [tilespmem:s28], [sflag:$0x3], $0x80, s11, s23, $0xb8;
	[tilespmem:$0x19D00] =	vst v63  }
0x266: {  	_ =	swait.ge [sflag:s20], $0x2800  }
0x267: {  	[sflag:s20] =	ssyncset.done $0x0  }
0x268: {  	[sflag:s20] =	ssyncadd.s32 $0xFFFFD800  }
0x269: {  	s12 =	stileid.u32;
	[bflag:$0x0] =	sbarrier.arrive $0xFFFF;
	s13 =	sshrl.u32 s8, $0x3  }
0x26a: {  	s15 =	simm.s32 $0x8;
	s17 =	simm.s32 $0x100;
	s12 =	sshll.u32 s12, $0x6  }
0x26b: {  	s18 =	simm.s32 $0x80;
	s14 =	rddreg [dreg:$0xa];
	s12 =	sor.u32 $0x1C03, s12  }
0x26c: {  	[hbm:s14@s17], [sflag:s12] =	dma.strided [spmem:s13@s18], $0x2800, s15, $0x10   }
0x26d: {  	_ =	swait.ge [sflag:s20], $0x2800  }
0x26e: {  	s2 =	sadd.s32 $0x1, s2;
	s18 =	rddreg [dreg:$0xb]  }
0x26f: {  	p0 =	sne.s32 s2, s18  }
.Ltmp10:
0x270: {  	_ = 	snop;
	(pc) =	sbr.rel @p0 .LBB2_1-.Ltmp10, $3  }
0x271: {  	_ =	sdelay $0x1  }
0x272: {  	[sflag:s20] =	ssyncset.done $0x0  }
0x273: {  	[sflag:s20] =	ssyncadd.s32 $0xFFFFD800  }
0x274: {  	_ =	sfence.sel $0x180000  }
0x275: {  	[bflag:$0x0] =	sbarrier.arrive $0xFFFF  }
0x276: {  	_ =	strace $0x9000004D  }
0x277: {  	s0 =	stileid.u32;
	[bflag:$0x2] =	sbarrier.arrive $0xFFFF  }
0x278: {  	p0 =	sne.s32 s0, $0x0;
	s0 =	rddreg [dreg:$0x2]  }
0x279: {  	s0 =	sadd.s32 @!p0 $0x100000, s0  }
0x27a: {  	[sflag:s0] =	ssyncadd.tile.s32 @!p0 $0x1;
	_ =	shalt  }
.Lfunc_end2:
_tile_overlayer_lowered:
.L_overlay_start_2:
0x27b: {  	(tag) =	ssettag $0x2  }
0x27c: {  	s0 =	rddreg [dreg:$0x0];
	s2 =	stileid.u32  }
0x27d: {  	s1 =	rddreg [dreg:$0x1];
	p0 =	sne.s32 s2, $0x0  }
0x27e: {  	s3 =	rddreg [dreg:$0x2];
	[bflag:$0x3] =	sbarrier.arrive $0xFFFF;
	s2 =	simm.s32 @!p0 $0x1C03  }
0x27f: {  	[timem:s3], [sflag:s2] =	dma.local @!p0 [hbm:s0], s1  }
0x280: {  	s0 =	simm.s32 @!p0 $0x3  }
0x281: {  	_ =	swait.ge @!p0 [sflag:s0], s1  }
0x282: {  	s1 =	ssub.s32 @!p0 $0x0, s1;
	[sflag:s0] =	ssyncset.done @!p0 $0x0  }
0x283: {  	[sflag:s0] =	ssyncadd.s32 @!p0 s1  }
0x284: {  	[bflag:$0x3] =	sbarrier.arrive $0xFFFF  }
0x285: {  	_ =	shalt  }

// kernel: kernel.8.cloned.1.call-start
scs
__scs_entry_jumppad:
0x0: {  	(pc) =	sbr.rel $0x88, $3  }
0x1: {  	(tag) =	ssettag $0x0;
	lr =	simm.s32 $0x1  }
0x2: {  	[smem:$0x3F96] =	sst lr;
	_ =	strace $0xD0000000  }
0x3: {  	_ = 	snop  }
0x4: {  	_ = 	snop  }
0x5: {  	_ = 	snop  }
0x6: {  	_ = 	snop  }
0x7: {  	_ = 	snop  }
__scs_overlays_trampoline_lowered:
0x8: {  	[smem:$0x3FA5] =	sst s0  }
0x9: {  	[smem:$0x3FA6] =	sst s1  }
0xa: {  	[smem:$0x3FA7] =	sst s2  }
0xb: {  	[smem:$0x3FA8] =	sst s3  }
0xc: {  	[smem:$0x3FA9] =	sst s4  }
0xd: {  	[smem:$0x3FAA] =	sst s5  }
0xe: {  	[smem:$0x3FAB] =	sst s6  }
0xf: {  	[smem:$0x3FAC] =	sst s7  }
0x10: {  	[smem:$0x3FAD] =	sst s8  }
0x11: {  	[smem:$0x3FAE] =	sst s9;
	s0 =	simm.s32 @!p0 $0x0  }
0x12: {  	s1 =	sld [smem:$0x3F94];
	s0 =	simm.s32 @p0 $0x1  }
0x13: {  	[smem:$0x3FAF] =	sst s0;
	s0 =	simm.s32 @!p1 $0x0  }
0x14: {  	s2 =	sld [smem:$0x3F93];
	s0 =	simm.s32 @p1 $0x1  }
0x15: {  	[smem:$0x3FB0] =	sst s0;
	s0 =	simm.s32 @!p2 $0x0  }
0x16: {  	s3 =	sld [smem:$0x3FDB];
	s0 =	simm.s32 @p2 $0x1  }
0x17: {  	s4 =	simm.s32 $0x1BF5;
	[smem:$0x3FB2] =	sst s0  }
0x18: {  	s0 =	sld [smem:$0x3F95];
	_ =	swait.ge [sflag:s4], $0x0  }
0x19: {  	s7 =	sld [smem:$0x3F96]  }
0x1a: {  	s8 =	sadd.s32 $0xFFFFE003, lr  }
0x1b: {  	s9 =	sadd.s32 $0xFFFFFEF7, lr;
	s5 =	simm.s32 $0xFFFFFFFF;
	p2 =	slt.u32 s8, $0xFFFFF086  }
0x1c: {  	p1 =	slt.u32 s9, $0xF7A;
	s5 =	simm.s32 @!p2 $0x0  }
0x1d: {  	s5 =	simm.s32 @p1 $0x1;
	p0 =	seq.s32 s7, s2  }
0x1e: {  	s7 =	smul.u32 @!p0 $0xF7A, s2;
	p2 =	seq.s32 @!p0 s5, $0x0  }
0x1f: {  	s9 =	smul.u32 $0xF7A, s1;
	s8 =	simm.s32 @!p0 $0x1BF5;
	p2 =	por !p2, p0  }
0x20: {  	[sflag:s8] =	ssyncset.s32 @!p0 $0xFFFFF086;
	s6 =	sadd.s32 @!p0 s3, s7;
	s7 =	simm.s32 @!p0 $0x108  }
0x21: {  	s3 =	sadd.s32 s3, s9;
	s6 =	sadd.s32 @!p0 $0x88, s6;
	s7 =	simm.s32 @p2 $0x1082  }
0x22: {  	[simem:s7], [sflag:s8] =	dma.local @!p0 [hbm:s6], $0xF7A  }
0x23: {  	s9 =	sor.u32 $0xD0000000, s2;
	s6 =	simm.s32 $0x108;
	_ =	swait.ge @!p0 [sflag:s8], $0x0  }
0x24: {  	s3 =	sadd.s32 $0x88, s3;
	s6 =	simm.s32 @!p1 $0x1082;
	[sflag:s4] =	ssyncset.s32 $0xFFFFF086  }
0x25: {  	[simem:s6], [sflag:s4] =	dma.local [hbm:s3], $0xF7A  }
0x26: {  	[smem:$0x3F96] =	sst s1;
	(tag) =	ssettag s2;
	_ =	strace s9  }
0x27: {  	s1 =	sld [smem:$0x3FA6]  }
0x28: {  	s2 =	sld [smem:$0x3FA7]  }
0x29: {  	s4 =	sld [smem:$0x3FA9]  }
0x2a: {  	p0 =	seq.s32 s5, $0x0;
	s5 =	sld [smem:$0x3FAA]  }
0x2b: {  	s6 =	sld [smem:$0x3FAB]  }
0x2c: {  	s7 =	sld [smem:$0x3FAC]  }
0x2d: {  	s3 =	simm.s32 $0x108;
	s8 =	sld [smem:$0x3FAD]  }
0x2e: {  	s3 =	simm.s32 @!p0 $0x1082;
	s9 =	sld [smem:$0x3FAE]  }
0x2f: {  	lr =	sadd.s32 s0, s3;
	s0 =	sld [smem:$0x3FA5]  }
0x30: {  	s3 =	sld [smem:$0x3FA8]  }
0x31: {  	[smem:$0x3FB1] =	sst s10  }
0x32: {  	s10 =	sld [smem:$0x3FAF];
	_ =	sdelay $0x3  }
0x33: {  	p0 =	seq.s32 s10, $0x1;
	s10 =	sld [smem:$0x3FB1];
	_ =	sdelay $0x3  }
0x34: {  	[smem:$0x3FB1] =	sst s10  }
0x35: {  	s10 =	sld [smem:$0x3FB0];
	_ =	sdelay $0x3  }
0x36: {  	p1 =	seq.s32 s10, $0x1;
	s10 =	sld [smem:$0x3FB1];
	_ =	sdelay $0x3  }
0x37: {  	[smem:$0x3FB1] =	sst s10  }
0x38: {  	s10 =	sld [smem:$0x3FB2]  }
0x39: {  	_ = 	snop;
	(pc) =	sbr.ind lr, $3  }
0x3a: {  	_ = 	snop  }
0x3b: {  	_ = 	snop  }
0x3c: {  	p2 =	seq.s32 s10, $0x1;
	s10 =	sld [smem:$0x3FB1]  }
0x3d: {  	_ =	shalt  }
0x3e: {  	_ =	shalt  }
0x3f: {  	_ =	shalt  }
0x40: {  	_ =	shalt  }
0x41: {  	_ =	shalt  }
0x42: {  	_ =	shalt  }
0x43: {  	_ =	shalt  }
0x44: {  	_ =	shalt  }
0x45: {  	_ =	shalt  }
0x46: {  	_ =	shalt  }
0x47: {  	_ =	shalt  }
0x48: {  	_ =	shalt  }
0x49: {  	_ =	shalt  }
0x4a: {  	_ =	shalt  }
0x4b: {  	_ =	shalt  }
0x4c: {  	_ =	shalt  }
0x4d: {  	_ =	shalt  }
0x4e: {  	_ =	shalt  }
0x4f: {  	_ =	shalt  }
0x50: {  	_ =	shalt  }
0x51: {  	_ =	shalt  }
0x52: {  	_ =	shalt  }
0x53: {  	_ =	shalt  }
0x54: {  	_ =	shalt  }
0x55: {  	_ =	shalt  }
0x56: {  	_ =	shalt  }
0x57: {  	_ =	shalt  }
0x58: {  	_ =	shalt  }
0x59: {  	_ =	shalt  }
0x5a: {  	_ =	shalt  }
0x5b: {  	_ =	shalt  }
0x5c: {  	_ =	shalt  }
0x5d: {  	_ =	shalt  }
0x5e: {  	_ =	shalt  }
0x5f: {  	_ =	shalt  }
0x60: {  	_ =	shalt  }
0x61: {  	_ =	shalt  }
0x62: {  	_ =	shalt  }
0x63: {  	_ =	shalt  }
0x64: {  	_ =	shalt  }
0x65: {  	_ =	shalt  }
0x66: {  	_ =	shalt  }
0x67: {  	_ =	shalt  }
0x68: {  	_ =	shalt  }
0x69: {  	_ =	shalt  }
0x6a: {  	_ =	shalt  }
0x6b: {  	_ =	shalt  }
0x6c: {  	_ =	shalt  }
0x6d: {  	_ =	shalt  }
0x6e: {  	_ =	shalt  }
0x6f: {  	_ =	shalt  }
0x70: {  	_ =	shalt  }
0x71: {  	_ =	shalt  }
0x72: {  	_ =	shalt  }
0x73: {  	_ =	shalt  }
0x74: {  	_ =	shalt  }
0x75: {  	_ =	shalt  }
0x76: {  	_ =	shalt  }
0x77: {  	_ =	shalt  }
0x78: {  	_ =	shalt  }
0x79: {  	_ =	shalt  }
0x7a: {  	_ =	shalt  }
0x7b: {  	_ =	shalt  }
0x7c: {  	_ =	shalt  }
0x7d: {  	_ =	shalt  }
0x7e: {  	_ =	shalt  }
0x7f: {  	_ =	shalt  }
0x80: {  	_ =	shalt  }
0x81: {  	_ =	shalt  }
0x82: {  	_ =	shalt  }
0x83: {  	_ =	shalt  }
0x84: {  	_ =	shalt  }
0x85: {  	_ =	shalt  }
0x86: {  	_ =	shalt  }
0x87: {  	_ =	shalt  }
.Lfunc_end0:
.L_simem_size_0:
called_computation_lowered:
.L_overlay_start_0:
0x88: {  	s2 =	sld [smem:$0x3FD9]  }
0x89: {  	s3 =	sld [smem:$0x3FFE];
	_ =	sdelay $0x1  }
0x8a: {  	s1 =	srdreg.scid  }
0x8b: {  	s0 =	sand.u32 $0x1, s1  }
0x8c: {  	s16 =	sshll.u32 s0, $0xA;
	s2 =	sadd.s32 s3, s2  }
0x8d: {  	s2 =	sadd.s32 s2, s16  }
0x8e: {  	[smem:$0x3FBD] =	sst s2  }
0x8f: {  	_ = 	snop  }
0x90: {  	(tm) =	ssettm $0x1  }
0x91: {  	s17 =	sld [smem:$0x3FFB];
	_ =	sdelay $0x3  }
0x92: {  	_ =	strace s17  }
0x93: {  	s2 =	sld [smem:$0x3FFC];
	_ =	sdelay $0x3  }
0x94: {  	_ =	strace s2  }
0x95: {  	s2 =	sld [smem:$0x3FFD];
	_ =	sdelay $0x3  }
0x96: {  	_ =	strace s2  }
0x97: {  	_ =	strace $0x8FFFFFFF  }
0x98: {  	s18 =	sld [smem:$0x3FDB];
	_ =	sdelay $0x1  }
0x99: {  	s19 =	simm.s32 $_scs_section_size  }
0x9a: {  	s4 =	simm.s32 $_size__tile_overlayer_lowered;
	s5 =	simm.s32 $_tile_overlayer_lowered  }
0x9b: {  	s22 =	simm.s32 $0x1BFF;
	s21 =	sshll.u32 s5, $0x1;
	s2 =	sadd.s32 s19, s18  }
0x9c: {  	s6 =	simm.s32 $0x0;
	s20 =	sshll.u32 s4, $0x1;
	s4 =	sadd.s32 s21, s2  }
0x9d: {  	[timem:s6], [sflag:s22] =	dma.local [hbm:s4], s20  }
0x9e: {  	_ =	swait.ge [sflag:s22], s20  }
0x9f: {  	s3 =	ssub.s32 $0x0, s20;
	[sflag:s22] =	ssyncset.done $0x0  }
0xa0: {  	[sflag:s22] =	ssyncadd.s32 s3;
	_ =	sdelay $0x1  }
0xa1: {  	s23 =	simm.s32 $0x1B8B  }
0xa2: {  	_ =	swait.ge [sflag:s23], $0x1  }
0xa3: {  	[sflag:s23] =	ssyncset.done $0x0  }
0xa4: {  	s25 =	simm.s32 $0x1B8E;
	s24 =	sld [smem:$0x3FFE];
	[sflag:s23] =	ssyncadd.s32 $0xFFFFFFFF  }
0xa5: {  	s26 =	simm.s32 $execute0_lowered;
	[smem:$0x3FD2] =	sst s25  }
0xa6: {  	s4 =	sshll.u32 s26, $0x1;
	_ =	strace $0x80000046;
	[dreg:$0x1] =	wrdreg $0xFFFFFFFF  }
0xa7: {  	s28 =	simm.s32 $_size_execute0_lowered;
	s2 =	sadd.s32 s2, s4;
	[dreg:$0x0] =	wrdreg $0x0  }
0xa8: {  	s4 =	sshll.u32 s28, $0x1;
	[dreg:$0x2] =	wrdreg s2  }
0xa9: {  	[dreg:$0x3] =	wrdreg s4  }
0xaa: {  	[dreg:$0x4] =	wrdreg $0xC0  }
0xab: {  	_ =	task [dreg:s6], $0x5FFFF  }
0xac: {  	[dreg:$0x1] =	wrdreg $0xFFFFFFFF  }
0xad: {  	[dreg:$0x0] =	wrdreg $0x60  }
0xae: {  	[dreg:$0x2] =	wrdreg s24  }
0xaf: {  	[dreg:$0x3] =	wrdreg $0x152800  }
0xb0: {  	[dreg:$0x4] =	wrdreg $0x155000  }
0xb1: {  	[dreg:$0x5] =	wrdreg $0x9  }
0xb2: {  	_ =	task.clear_ibuf [dreg:s6], $0x6FFFF;
	_ =	strace $0x90000046  }
0xb3: {  	s29 =	simm.s32 $0x9;
	_ =	strace $0x80000048  }
0xb4: {  	_ =	swait.ge [sflag:s29], $0x1  }
0xb5: {  	[sflag:s29] =	ssyncadd.s32 $0xFFFFFFFF  }
0xb6: {  	_ =	strace $0x90000048  }
0xb7: {  	_ =	sfence  }
0xb8: {  	s30 =	sld [smem:$0x0];
	_ =	sdelay $0x2  }
0xb9: {  	s31 =	sshll.u32 s1, $0xD;
	s1 =	sshrl.u32 s1, $0x2  }
0xba: {  	s3 =	sand.u32 $0x4000, s31;
	s1 =	sadd.s32 s1, s30  }
0xbb: {  	s0 =	sor.u32 s3, s0;
	s1 =	sshll.u32 s1, $0x11  }
0xbc: {  	s0 =	sor.u32 s1, s0  }
0xbd: {  	s0 =	sadd.s32 $0x8F2B, s0  }
0xbe: {  	[sflag:s0] =	ssyncadd.remote.s32 $0x1  }
0xbf: {  	_ =	sfence.sel $0xFFFF  }
0xc0: {  	[dreg:$0x0] =	wrdreg $0xFFFFFFFF;
	(pc) =	sbr.abs _section_cstart, $3  }
0xc1: {  	[dreg:$0x1] =	wrdreg $0xFFFFFFFF  }
0xc2: {  	_ =	task.clear_ibuf [dreg:s6], $0x2FFFF;
	_ =	strace $0x9FFFFFFF  }
0xc3: {  	(tm) =	ssettm $0x7FFFFFFF  }
tec
execute0_lowered:
.L_overlay_start_1:
0x0: {  	(tag) =	ssettag $0x1  }
0x1: {  	s4 =	rddreg [dreg:$0x0]  }
0x2: {  	s1 =	rddreg [dreg:$0x1]  }
0x3: {  	s2 =	rddreg [dreg:$0x2]  }
0x4: {  	s0 =	rddreg [dreg:$0x3];
	s3 =	simm.s32 $0x0  }
0x5: {  	s12 =	stileid.u32;
	s5 =	srdreg.scid;
	s15 =	simm.s32 $0x50  }
0x6: {  	s16 =	simm.s32 $0x12800;
	s17 =	simm.s32 $0x10000;
	s18 =	simm.s32 $0xC000  }
0x7: {  	s19 =	simm.s32 $0x0;
	[smem:$0x7FF] =	sst s3;
	s9 =	sshll.u32 s12, $0xB  }
0x8: {  	s10 =	sand.u32 $0x1, s5;
	s11 =	sadd.s32 $0x19000, s4;
	s8 =	smul.u32 $0x280, s12  }
0x9: {  	s14 =	sshll.u32 s12, $0x7;
	p0 =	sne.s32 s12, $0x0;
	s12 =	simm.s32 $0x1  }
0xa: {  	_ =	strace $0x80000047;
	s6 =	sadd.s32 s9, s4;
	s5 =	ssub.s32 $0x2, s10  }
.Ltmp0:
0xb: {  	p1 =	seq.s32 s10, $0x1;
	s31 =	sadd.s32 s14, s11;
	(pc) =	sbr.rel .LBB2_1-.Ltmp0, $4  }
0xc: {  	s9 =	sadd.s32 s11, s9;
	s14 =	simm.s32 $0x8000;
	s30 =	sshrl.u32 s5, $0x1  }
0xd: {  	s4 =	sadd.s32 $0x1000, s6;
	s7 =	sadd.s32 s8, s1;
	s8 =	sadd.s32 s8, s2  }
0xe: {  	s10 =	sadd.s32 $0x8000, s31;
	s13 =	ssub.s32 s5, s30;
	s5 =	sadd.s32 $0x9000, s6  }
0xf: {  	v0 =	vimm.f32 $0.0e+00;
	s6 =	sadd.s32 $0x11000, s6;
	s11 =	smax.u32 s13, $0x1;
	s13 =	simm.s32 $0x4000  }
.LBB2_11:
0x10: {  	v1 =	vld [tilespmem:$0x12800]  }
0x11: {  	v2 =	vld [tilespmem:$0x12810]  }
0x12: {  	v3 =	vld [tilespmem:$0x12820]  }
0x13: {  	v4 =	vld [tilespmem:$0x12830]  }
0x14: {  	v5 =	vld [tilespmem:$0x12840]  }
0x15: {  	v6 =	vld [tilespmem:$0x12850];
	v1 =	vmul.f32 v1, v1  }
0x16: {  	v7 =	vld [tilespmem:$0x12860];
	v2 =	vmul.f32 v2, v2  }
0x17: {  	[tilespmem:$0xC000] =	vst v1;
	v1 =	vmul.f32 v3, v3;
	v3 =	vld [tilespmem:$0x12870]  }
0x18: {  	v38 =	vld [tilespmem:$0x12880];
	[tilespmem:$0xC010] =	vst v2;
	v2 =	vmul.f32 v4, v4  }
0x19: {  	v39 =	vld [tilespmem:$0x12890];
	[tilespmem:$0xC020] =	vst v1;
	v1 =	vmul.f32 v5, v5  }
0x1a: {  	v40 =	vld [tilespmem:$0x128A0];
	[tilespmem:$0xC030] =	vst v2;
	v2 =	vmul.f32 v6, v6  }
0x1b: {  	v41 =	vld [tilespmem:$0x128B0];
	[tilespmem:$0xC040] =	vst v1;
	v1 =	vmul.f32 v7, v7  }
0x1c: {  	[tilespmem:$0xC080] =	vst v2;
	v2 =	vmul.f32 v3, v3;
	v3 =	vld [tilespmem:$0x128C0]  }
0x1d: {  	v42 =	vld [tilespmem:$0x128D0];
	[tilespmem:$0xC090] =	vst v1;
	v1 =	vmul.f32 v38, v38  }
0x1e: {  	v43 =	vld [tilespmem:$0x128E0];
	[tilespmem:$0xC0A0] =	vst v2;
	v2 =	vmul.f32 v39, v39  }
0x1f: {  	v44 =	vld [tilespmem:$0x128F0];
	[tilespmem:$0xC0B0] =	vst v1;
	v1 =	vmul.f32 v40, v40  }
0x20: {  	v45 =	vld [tilespmem:$0x12900];
	[tilespmem:$0xC0C0] =	vst v2;
	v2 =	vmul.f32 v41, v41  }
0x21: {  	[tilespmem:$0xC100] =	vst v1;
	v1 =	vmul.f32 v3, v3;
	v3 =	vld [tilespmem:$0x12910]  }
0x22: {  	v46 =	vld [tilespmem:$0x12920];
	[tilespmem:$0xC110] =	vst v2;
	v2 =	vmul.f32 v42, v42  }
0x23: {  	v47 =	vld [tilespmem:$0x12930];
	[tilespmem:$0xC120] =	vst v1;
	v1 =	vmul.f32 v43, v43  }
0x24: {  	v48 =	vld [tilespmem:$0x12940];
	[tilespmem:$0xC130] =	vst v2;
	v2 =	vmul.f32 v44, v44  }
0x25: {  	v49 =	vld [tilespmem:$0x12950];
	[tilespmem:$0xC140] =	vst v1;
	v1 =	vmul.f32 v45, v45  }
0x26: {  	[tilespmem:$0xC180] =	vst v2;
	v2 =	vmul.f32 v3, v3;
	v3 =	vld [tilespmem:$0x12960]  }
0x27: {  	v50 =	vld [tilespmem:$0x12970];
	[tilespmem:$0xC190] =	vst v1;
	v1 =	vmul.f32 v46, v46  }
0x28: {  	v51 =	vld [tilespmem:$0x12980];
	[tilespmem:$0xC1A0] =	vst v2;
	v2 =	vmul.f32 v47, v47  }
0x29: {  	v52 =	vld [tilespmem:$0x12990];
	[tilespmem:$0xC1B0] =	vst v1;
	v1 =	vmul.f32 v48, v48  }
0x2a: {  	v53 =	vld [tilespmem:$0x129A0];
	[tilespmem:$0xC1C0] =	vst v2;
	v2 =	vmul.f32 v49, v49  }
0x2b: {  	[tilespmem:$0xC200] =	vst v1;
	v1 =	vmul.f32 v3, v3;
	v3 =	vld [tilespmem:$0x129B0]  }
0x2c: {  	v54 =	vld [tilespmem:$0x129C0];
	[tilespmem:$0xC210] =	vst v2;
	v2 =	vmul.f32 v50, v50  }
0x2d: {  	v55 =	vld [tilespmem:$0x129D0];
	[tilespmem:$0xC220] =	vst v1;
	v1 =	vmul.f32 v51, v51  }
0x2e: {  	v56 =	vld [tilespmem:$0x129E0];
	[tilespmem:$0xC230] =	vst v2;
	v2 =	vmul.f32 v52, v52  }
0x2f: {  	v57 =	vld [tilespmem:$0x129F0];
	[tilespmem:$0xC240] =	vst v1;
	v1 =	vmul.f32 v53, v53  }
0x30: {  	[tilespmem:$0xC280] =	vst v2;
	v2 =	vmul.f32 v3, v3;
	v3 =	vld [tilespmem:$0x12A00]  }
0x31: {  	v58 =	vld [tilespmem:$0x12A10];
	[tilespmem:$0xC290] =	vst v1;
	v1 =	vmul.f32 v54, v54  }
0x32: {  	v59 =	vld [tilespmem:$0x12A20];
	[tilespmem:$0xC2A0] =	vst v2;
	v2 =	vmul.f32 v55, v55  }
0x33: {  	v60 =	vld [tilespmem:$0x12A30];
	[tilespmem:$0xC2B0] =	vst v1;
	v1 =	vmul.f32 v56, v56  }
0x34: {  	v61 =	vld [tilespmem:$0x12A40];
	[tilespmem:$0xC2C0] =	vst v2;
	v2 =	vmul.f32 v57, v57  }
0x35: {  	[tilespmem:$0xC300] =	vst v1;
	v1 =	vmul.f32 v3, v3;
	v3 =	vld [tilespmem:$0x12A50]  }
0x36: {  	v62 =	vld [tilespmem:$0x12A60];
	[tilespmem:$0xC310] =	vst v2;
	v2 =	vmul.f32 v58, v58  }
0x37: {  	v63 =	vld [tilespmem:$0x12A70];
	[tilespmem:$0xC320] =	vst v1;
	v1 =	vmul.f32 v59, v59  }
0x38: {  	[tilespmem:$0xC330] =	vst v2;
	v2 =	vmul.f32 v60, v60  }
0x39: {  	[tilespmem:$0xC340] =	vst v1;
	v1 =	vmul.f32 v61, v61  }
0x3a: {  	[tilespmem:$0xC380] =	vst v2;
	v2 =	vmul.f32 v3, v3  }
0x3b: {  	[tilespmem:$0xC390] =	vst v1;
	v1 =	vmul.f32 v62, v62  }
0x3c: {  	[tilespmem:$0xC3A0] =	vst v2;
	v2 =	vmul.f32 v63, v63  }
0x3d: {  	[tilespmem:$0xC3B0] =	vst v1  }
0x3e: {  	[tilespmem:$0xC3C0] =	vst v2  }
0x3f: {  	[hbm4b:s10+s3] =	stream.linear.scatter [tilespmem:s18], [sflag:$0x1], $0x400, $0x38;
	[tilespmem:$0x15780] =	vst v63  }
0x40: {  	_ =	swait.ge [sflag:s12], $0x400  }
0x41: {  	[sflag:s12] =	ssyncset.done $0x0  }
0x42: {  	[sflag:s12] =	ssyncadd.s32 $0xFFFFFC00  }
.LBB2_12:
0x43: {  	s19 =	sadd.s32 $0x1, s19  }
0x44: {  	p2 =	sne.s32 s19, s11  }
.Ltmp1:
0x45: {  	_ = 	snop;
	(pc) =	sbr.rel @!p2 .LBB2_13-.Ltmp1, $1  }
0x46: {  	_ =	sdelay $0x3  }
.LBB2_1:
0x47: {  	s20 =	simm.s32 $0x40;
	s21 =	simm.s32 $0x0  }
.LBB2_2:
0x48: {  	p2 =	sne.s32 s20, $0x9FC0;
	[tilespmem:s21+$0x12A80] =	vst v0;
	s21 =	smov.u32 s20;
	s20 =	sadd.s32 $0x40, s20  }
.Ltmp2:
0x49: {  	(pc) =	sbr.rel @p2 .LBB2_2-.Ltmp2, $2  }
0x4a: {  	_ =	sdelay $0x2  }
0x4b: {  	s21 =	sshra.s32 s21, $0x2  }
0x4c: {  	[tilespmem:s21+$0x12A80] =	vst v0;
	s20 =	simm.s32 @!p0 $0x12A80  }
0x4d: {  	[spmem:s1] =	stream.linear.scatter @!p0 [tilespmem:s20], [sflag:$0x1], $0x2800, $0x38;
	[tilespmem:$0x15780] =	vst v63  }
0x4e: {  	s20 =	simm.s32 @!p0 $0x1  }
0x4f: {  	_ =	swait.ge @!p0 [sflag:s20], $0x2800  }
0x50: {  	[sflag:s20] =	ssyncset.done @!p0 $0x0  }
0x51: {  	[sflag:s20] =	ssyncadd.s32 @!p0 $0xFFFFD800  }
0x52: {  	s29 =	simm.s32 $0x0;
	[bflag:$0x0] =	sbarrier.arrive $0xFFFF  }
0x53: {  	[tilespmem:s29], [sflag:$0x1] =	stream.linear.gather [hbm4b:s4+s29], $0x4000, $0x38;
	[tilespmem:$0x15780] =	vst v63  }
0x54: {  	_ =	swait.ge [sflag:s12], $0x4000  }
0x55: {  	[sflag:s12] =	ssyncset.done $0x0  }
0x56: {  	[sflag:s12] =	ssyncadd.s32 $0xFFFFC000  }
0x57: {  	[tilespmem:s13], [sflag:$0x1] =	stream.linear.gather [hbm4b:s5+s29], $0x4000, $0x38;
	[tilespmem:$0x15780] =	vst v63  }
0x58: {  	_ =	swait.ge [sflag:s12], $0x4000  }
0x59: {  	[sflag:s12] =	ssyncset.done $0x0  }
0x5a: {  	[sflag:s12] =	ssyncadd.s32 $0xFFFFC000  }
0x5b: {  	[tilespmem:s14], [sflag:$0x1] =	stream.linear.gather [hbm4b:s6+s29], $0x4000, $0x38;
	[tilespmem:$0x15780] =	vst v63  }
0x5c: {  	_ =	swait.ge [sflag:s12], $0x4000  }
0x5d: {  	[sflag:s12] =	ssyncset.done $0x0  }
0x5e: {  	s30 =	simm.s32 $0x8000;
	s31 =	simm.s32 $0x4000;
	[sflag:s12] =	ssyncadd.s32 $0xFFFFC000  }
0x5f: {  	[spmem:s1] =	stream.indirect.scatter.add.f32 [tilespmem:s30], [sflag:$0x1], $0x1, s31, s15, $0xb8;
	[tilespmem:$0x15780] =	vst v63  }
0x60: {  	s20 =	simm.s32 $0x200;
	_ =	swait.ge [sflag:s12], $0x50  }
.LBB2_4:
0x61: {  	s21 =	sshra.s32 s20, $0x2  }
0x62: {  	[sflag:s12] =	ssyncset.done $0x0;
	p2 =	sne.s32 s20, $0xFE00;
	s22 =	sadd.s32 $0x8000, s21  }
.Ltmp3:
0x63: {  	s21 =	sadd.s32 $0x4000, s21;
	[sflag:s12] =	ssyncadd.s32 $0xFFFFFFB0;
	(pc) =	sbr.rel @p2 .LBB2_4-.Ltmp3, $3  }
0x64: {  	[spmem:s1] =	stream.indirect.scatter.add.f32 [tilespmem:s22], [sflag:$0x1], $0x1, s21, s15, $0xb8;
	[tilespmem:$0x15780] =	vst v63  }
0x65: {  	s20 =	sadd.s32 $0x200, s20;
	_ =	sdelay $0x1  }
0x66: {  	_ =	swait.ge [sflag:s12], $0x50  }
0x67: {  	[sflag:s12] =	ssyncset.done $0x0  }
0x68: {  	[sflag:s12] =	ssyncadd.s32 $0xFFFFFFB0  }
0x69: {  	[bflag:$0x0] =	sbarrier.arrive $0xFFFF  }
0x6a: {  	[tilespmem:s16], [sflag:$0x1] =	stream.linear.gather [spmem:s7], $0x280, $0x38;
	[tilespmem:$0x15780] =	vst v63  }
0x6b: {  	_ =	swait.ge [sflag:s12], $0x280  }
0x6c: {  	[sflag:s12] =	ssyncset.done $0x0  }
0x6d: {  	s20 =	simm.s32 $0x0;
	s21 =	simm.s32 $0x40;
	[sflag:s12] =	ssyncadd.s32 $0xFFFFFD80  }
.LBB2_6:
0x6e: {  	p2 =	sne.s32 s21, $0x9C0;
	v1 =	vld [tilespmem:s20+$0x12800];
	_ =	sdelay $0x4  }
0x6f: {  	v1 =	vadd.f32 $1.000000000e+00, v1;
	_ =	sdelay $0x1  }
0x70: {  	v2 =	vshra.s32 v1, $0x1;
	v1 =	vmul.f32 $5.000000000e-01, v1  }
0x71: {  	v2 =	vsub.s32 $0x5F3759DF, v2  }
0x72: {  	v3 =	vmul.f32 v2, v1;
	_ =	sdelay $0x1  }
0x73: {  	v3 =	vmul.f32 v2, v3;
	_ =	sdelay $0x1  }
0x74: {  	v3 =	vsub.f32 $1.500000000e+00, v3;
	_ =	sdelay $0x1  }
0x75: {  	v2 =	vmul.f32 v2, v3;
	_ =	sdelay $0x1  }
0x76: {  	v3 =	vmul.f32 v2, v1;
	_ =	sdelay $0x1  }
0x77: {  	v3 =	vmul.f32 v3, v2;
	_ =	sdelay $0x1  }
0x78: {  	v3 =	vsub.f32 $1.500000000e+00, v3;
	_ =	sdelay $0x1  }
0x79: {  	v2 =	vmul.f32 v3, v2;
	_ =	sdelay $0x1  }
0x7a: {  	v1 =	vmul.f32 v2, v1;
	_ =	sdelay $0x1  }
0x7b: {  	v1 =	vmul.f32 v1, v2;
	_ =	sdelay $0x1  }
.Ltmp4:
0x7c: {  	v1 =	vsub.f32 $1.500000000e+00, v1;
	(pc) =	sbr.rel @p2 .LBB2_6-.Ltmp4, $3  }
0x7d: {  	_ = 	snop  }
0x7e: {  	v1 =	vmul.f32 v1, v2;
	_ =	sdelay $0x1  }
0x7f: {  	[tilespmem:s20+$0x12800] =	vst v1;
	s20 =	sshra.s32 s21, $0x2;
	s21 =	sadd.s32 $0x40, s21  }
0x80: {  	v1 =	vld [tilespmem:s20+$0x12800];
	_ =	sdelay $0x4  }
0x81: {  	v1 =	vadd.f32 $1.000000000e+00, v1;
	_ =	sdelay $0x1  }
0x82: {  	v2 =	vshra.s32 v1, $0x1;
	v1 =	vmul.f32 $5.000000000e-01, v1  }
0x83: {  	v2 =	vsub.s32 $0x5F3759DF, v2  }
0x84: {  	v3 =	vmul.f32 v2, v1;
	_ =	sdelay $0x1  }
0x85: {  	v3 =	vmul.f32 v2, v3;
	_ =	sdelay $0x1  }
0x86: {  	v3 =	vsub.f32 $1.500000000e+00, v3;
	_ =	sdelay $0x1  }
0x87: {  	v2 =	vmul.f32 v2, v3;
	_ =	sdelay $0x1  }
0x88: {  	v3 =	vmul.f32 v2, v1;
	_ =	sdelay $0x1  }
0x89: {  	v3 =	vmul.f32 v3, v2;
	_ =	sdelay $0x1  }
0x8a: {  	v3 =	vsub.f32 $1.500000000e+00, v3;
	_ =	sdelay $0x1  }
0x8b: {  	v2 =	vmul.f32 v3, v2;
	_ =	sdelay $0x1  }
0x8c: {  	v1 =	vmul.f32 v2, v1;
	_ =	sdelay $0x1  }
0x8d: {  	v1 =	vmul.f32 v1, v2;
	_ =	sdelay $0x1  }
0x8e: {  	v1 =	vsub.f32 $1.500000000e+00, v1;
	_ =	sdelay $0x1  }
0x8f: {  	v1 =	vmul.f32 v1, v2;
	_ =	sdelay $0x1  }
0x90: {  	[tilespmem:s20+$0x12800] =	vst v1  }
0x91: {  	[spmem:s8] =	stream.linear.scatter [tilespmem:s16], [sflag:$0x1], $0x280, $0x38;
	[tilespmem:$0x15780] =	vst v63  }
0x92: {  	_ =	swait.ge [sflag:s12], $0x280  }
0x93: {  	[sflag:s12] =	ssyncset.done $0x0  }
0x94: {  	[sflag:s12] =	ssyncadd.s32 $0xFFFFFD80  }
.Ltmp5:
0x95: {  	[bflag:$0x0] =	sbarrier.arrive $0xFFFF;
	(pc) =	sbr.rel @p1 .LBB2_11-.Ltmp5, $4  }
0x96: {  	[tilespmem:s17], [sflag:$0x1] =	stream.linear.gather [spmem:s2], $0x2800, $0x38;
	[tilespmem:$0x15780] =	vst v63  }
0x97: {  	_ =	swait.ge [sflag:s12], $0x2800  }
0x98: {  	[sflag:s12] =	ssyncset.done $0x0  }
0x99: {  	[sflag:s12] =	ssyncadd.s32 $0xFFFFD800  }
0x9a: {  	s20 =	simm.s32 $0x0  }
0x9b: {  	v1 =	vld [tilespmem:s20+$0x0];
	_ =	sdelay $0x1  }
0x9c: {  	v2 =	vld [tilespmem:s20+$0x4000];
	_ =	sdelay $0x4  }
0x9d: {  	v3 =	vld [tilespmem:s20+$0x8000]  }
0x9e: {  	v1 =	vld.idx.msk [tilespmem:v1+s17+$0x0], $0xffff  }
0x9f: {  	v4 =	vld [tilespmem:s20+$0x10]  }
0xa0: {  	v2 =	vld.idx.msk [tilespmem:v2+s17+$0x0], $0xffff  }
0xa1: {  	v5 =	vld [tilespmem:s20+$0x4010];
	_ =	sdelay $0x1  }
0xa2: {  	v1 =	vmul.f32 v1, v3;
	_ =	sdelay $0x1  }
0xa3: {  	v1 =	vmul.f32 v2, v1;
	_ =	sdelay $0x1  }
0xa4: {  	v2 =	vld [tilespmem:s20+$0x8010];
	[tilespmem:s20+$0xC000] =	vst v1  }
0xa5: {  	v1 =	vld.idx.msk [tilespmem:v4+s17+$0x0], $0xffff  }
0xa6: {  	v3 =	vld.idx.msk [tilespmem:v5+s17+$0x0], $0xffff  }
0xa7: {  	v4 =	vld [tilespmem:s20+$0x20]  }
0xa8: {  	v5 =	vld [tilespmem:s20+$0x4020];
	_ =	sdelay $0x1  }
0xa9: {  	v1 =	vmul.f32 v1, v2;
	_ =	sdelay $0x1  }
0xaa: {  	v1 =	vmul.f32 v3, v1;
	_ =	sdelay $0x1  }
0xab: {  	v2 =	vld [tilespmem:s20+$0x8020];
	[tilespmem:s20+$0xC010] =	vst v1  }
0xac: {  	v1 =	vld.idx.msk [tilespmem:v4+s17+$0x0], $0xffff  }
0xad: {  	v3 =	vld.idx.msk [tilespmem:v5+s17+$0x0], $0xffff  }
0xae: {  	v4 =	vld [tilespmem:s20+$0x30]  }
0xaf: {  	v5 =	vld [tilespmem:s20+$0x4030];
	_ =	sdelay $0x1  }
0xb0: {  	v1 =	vmul.f32 v1, v2;
	_ =	sdelay $0x1  }
0xb1: {  	v1 =	vmul.f32 v3, v1;
	_ =	sdelay $0x1  }
0xb2: {  	v2 =	vld [tilespmem:s20+$0x8030];
	[tilespmem:s20+$0xC020] =	vst v1  }
0xb3: {  	v1 =	vld.idx.msk [tilespmem:v4+s17+$0x0], $0xffff  }
0xb4: {  	v3 =	vld.idx.msk [tilespmem:v5+s17+$0x0], $0xffff  }
0xb5: {  	v4 =	vld [tilespmem:s20+$0x40]  }
0xb6: {  	v5 =	vld [tilespmem:s20+$0x4040];
	_ =	sdelay $0x1  }
0xb7: {  	v1 =	vmul.f32 v1, v2;
	_ =	sdelay $0x1  }
0xb8: {  	v1 =	vmul.f32 v3, v1;
	_ =	sdelay $0x1  }
0xb9: {  	[tilespmem:s20+$0xC030] =	vst v1;
	v1 =	vld [tilespmem:s20+$0x8040]  }
0xba: {  	v3 =	vld.idx.msk [tilespmem:v4+s17+$0x0], $0xffff  }
0xbb: {  	s22 =	simm.s32 $0x80;
	s21 =	simm.s32 $0x400;
	v2 =	vld.idx.msk [tilespmem:v5+s17+$0x0], $0xffff  }
.LBB2_9:
0xbc: {  	p2 =	sne.s32 s21, $0xFE00;
	v4 =	vld [tilespmem:s22+$0x0]  }
0xbd: {  	v5 =	vld [tilespmem:s22+$0x4000];
	_ =	sdelay $0x1  }
0xbe: {  	v1 =	vmul.f32 v3, v1;
	_ =	sdelay $0x1  }
0xbf: {  	v1 =	vmul.f32 v2, v1;
	_ =	sdelay $0x1  }
0xc0: {  	v2 =	vld [tilespmem:s22+$0x8000];
	[tilespmem:s20+$0xC040] =	vst v1;
	s20 =	smov.u32 s22  }
0xc1: {  	v1 =	vld.idx.msk [tilespmem:v4+s17+$0x0], $0xffff  }
0xc2: {  	v3 =	vld.idx.msk [tilespmem:v5+s17+$0x0], $0xffff;
	_ =	sdelay $0x1  }
0xc3: {  	v4 =	vld [tilespmem:s20+$0x10];
	_ =	sdelay $0x1  }
0xc4: {  	v5 =	vld [tilespmem:s20+$0x4010]  }
0xc5: {  	v1 =	vmul.f32 v1, v2;
	_ =	sdelay $0x1  }
0xc6: {  	v1 =	vmul.f32 v3, v1;
	_ =	sdelay $0x1  }
0xc7: {  	[tilespmem:s20+$0xC000] =	vst v1  }
0xc8: {  	v1 =	vld.idx.msk [tilespmem:v4+s17+$0x0], $0xffff  }
0xc9: {  	v2 =	vld [tilespmem:s20+$0x8010]  }
0xca: {  	v3 =	vld.idx.msk [tilespmem:v5+s17+$0x0], $0xffff  }
0xcb: {  	v4 =	vld [tilespmem:s20+$0x20];
	_ =	sdelay $0x1  }
0xcc: {  	v5 =	vld [tilespmem:s20+$0x4020]  }
0xcd: {  	v1 =	vmul.f32 v1, v2;
	_ =	sdelay $0x1  }
0xce: {  	v1 =	vmul.f32 v3, v1;
	_ =	sdelay $0x1  }
0xcf: {  	[tilespmem:s20+$0xC010] =	vst v1  }
0xd0: {  	v1 =	vld.idx.msk [tilespmem:v4+s17+$0x0], $0xffff  }
0xd1: {  	v2 =	vld [tilespmem:s20+$0x8020]  }
0xd2: {  	v3 =	vld.idx.msk [tilespmem:v5+s17+$0x0], $0xffff  }
0xd3: {  	v4 =	vld [tilespmem:s20+$0x30];
	_ =	sdelay $0x1  }
0xd4: {  	v5 =	vld [tilespmem:s20+$0x4030]  }
0xd5: {  	v1 =	vmul.f32 v1, v2;
	_ =	sdelay $0x1  }
0xd6: {  	v1 =	vmul.f32 v3, v1;
	_ =	sdelay $0x1  }
0xd7: {  	[tilespmem:s20+$0xC020] =	vst v1  }
0xd8: {  	v1 =	vld.idx.msk [tilespmem:v4+s17+$0x0], $0xffff  }
0xd9: {  	v2 =	vld [tilespmem:s20+$0x8030]  }
0xda: {  	v3 =	vld.idx.msk [tilespmem:v5+s17+$0x0], $0xffff  }
0xdb: {  	v4 =	vld [tilespmem:s20+$0x40]  }
0xdc: {  	v5 =	vld [tilespmem:s20+$0x4040];
	_ =	sdelay $0x1  }
0xdd: {  	v1 =	vmul.f32 v1, v2;
	_ =	sdelay $0x1  }
0xde: {  	v1 =	vmul.f32 v3, v1  }
.Ltmp6:
0xdf: {  	(pc) =	sbr.rel @p2 .LBB2_9-.Ltmp6, $4  }
0xe0: {  	[tilespmem:s20+$0xC030] =	vst v1;
	v1 =	vld [tilespmem:s20+$0x8040]  }
0xe1: {  	v3 =	vld.idx.msk [tilespmem:v4+s17+$0x0], $0xffff  }
0xe2: {  	v2 =	vld.idx.msk [tilespmem:v5+s17+$0x0], $0xffff  }
0xe3: {  	s22 =	sshra.s32 s21, $0x2;
	s21 =	sadd.s32 $0x200, s21  }
0xe4: {  	v4 =	vld [tilespmem:s22+$0x0];
	_ =	sdelay $0x1  }
0xe5: {  	v5 =	vld [tilespmem:s22+$0x4000]  }
0xe6: {  	v1 =	vmul.f32 v3, v1;
	_ =	sdelay $0x1  }
0xe7: {  	v1 =	vmul.f32 v2, v1;
	_ =	sdelay $0x1  }
0xe8: {  	v2 =	vld [tilespmem:s22+$0x8000];
	[tilespmem:s20+$0xC040] =	vst v1  }
0xe9: {  	v1 =	vld.idx.msk [tilespmem:v4+s17+$0x0], $0xffff  }
0xea: {  	v56 =	vld [tilespmem:s22+$0x10]  }
0xeb: {  	v3 =	vld.idx.msk [tilespmem:v5+s17+$0x0], $0xffff;
	_ =	sdelay $0x1  }
0xec: {  	v57 =	vld [tilespmem:s22+$0x4010]  }
0xed: {  	v1 =	vmul.f32 v1, v2;
	_ =	sdelay $0x1  }
0xee: {  	v1 =	vmul.f32 v3, v1;
	_ =	sdelay $0x1  }
0xef: {  	v2 =	vld [tilespmem:s22+$0x8010];
	[tilespmem:s22+$0xC000] =	vst v1  }
0xf0: {  	v1 =	vld.idx.msk [tilespmem:v56+s17+$0x0], $0xffff  }
0xf1: {  	v58 =	vld [tilespmem:s22+$0x20]  }
0xf2: {  	v3 =	vld.idx.msk [tilespmem:v57+s17+$0x0], $0xffff;
	_ =	sdelay $0x1  }
0xf3: {  	v59 =	vld [tilespmem:s22+$0x4020]  }
0xf4: {  	v1 =	vmul.f32 v1, v2;
	_ =	sdelay $0x1  }
0xf5: {  	v1 =	vmul.f32 v3, v1;
	_ =	sdelay $0x1  }
0xf6: {  	v2 =	vld [tilespmem:s22+$0x8020];
	[tilespmem:s22+$0xC010] =	vst v1  }
0xf7: {  	v1 =	vld.idx.msk [tilespmem:v58+s17+$0x0], $0xffff  }
0xf8: {  	v60 =	vld [tilespmem:s22+$0x30]  }
0xf9: {  	v3 =	vld.idx.msk [tilespmem:v59+s17+$0x0], $0xffff;
	_ =	sdelay $0x1  }
0xfa: {  	v61 =	vld [tilespmem:s22+$0x4030]  }
0xfb: {  	v1 =	vmul.f32 v1, v2;
	_ =	sdelay $0x1  }
0xfc: {  	v1 =	vmul.f32 v3, v1;
	_ =	sdelay $0x1  }
0xfd: {  	v2 =	vld [tilespmem:s22+$0x8030];
	[tilespmem:s22+$0xC020] =	vst v1  }
0xfe: {  	v1 =	vld.idx.msk [tilespmem:v60+s17+$0x0], $0xffff  }
0xff: {  	v62 =	vld [tilespmem:s22+$0x40]  }
0x100: {  	v3 =	vld.idx.msk [tilespmem:v61+s17+$0x0], $0xffff;
	_ =	sdelay $0x1  }
0x101: {  	v63 =	vld [tilespmem:s22+$0x4040]  }
0x102: {  	v1 =	vmul.f32 v1, v2;
	_ =	sdelay $0x1  }
0x103: {  	v1 =	vmul.f32 v3, v1;
	_ =	sdelay $0x1  }
0x104: {  	[tilespmem:s22+$0xC030] =	vst v1;
	v1 =	vld [tilespmem:s22+$0x8040]  }
0x105: {  	v2 =	vld.idx.msk [tilespmem:v62+s17+$0x0], $0xffff;
	_ =	sdelay $0x1  }
0x106: {  	v3 =	vld.idx.msk [tilespmem:v63+s17+$0x0], $0xffff;
	_ =	sdelay $0x2  }
0x107: {  	v1 =	vmul.f32 v2, v1;
	_ =	sdelay $0x1  }
0x108: {  	v1 =	vmul.f32 v3, v1;
	_ =	sdelay $0x1  }
.Ltmp7:
0x109: {  	[tilespmem:s22+$0xC040] =	vst v1;
	(pc) =	sbr.rel .LBB2_12-.Ltmp7, $4  }
0x10a: {  	[hbm4b:s9+s3] =	stream.linear.scatter [tilespmem:s18], [sflag:$0x1], $0x4000, $0x38;
	[tilespmem:$0x15780] =	vst v63  }
0x10b: {  	_ =	swait.ge [sflag:s12], $0x4000  }
0x10c: {  	[sflag:s12] =	ssyncset.done $0x0  }
0x10d: {  	[sflag:s12] =	ssyncadd.s32 $0xFFFFC000  }
.LBB2_13:
0x10e: {  	_ =	sfence.sel $0x180000  }
0x10f: {  	[bflag:$0x0] =	sbarrier.arrive $0xFFFF  }
0x110: {  	_ =	strace $0x90000047  }
0x111: {  	s0 =	sadd.s32 @!p0 $0x100000, s0;
	[bflag:$0x2] =	sbarrier.arrive $0xFFFF  }
0x112: {  	[sflag:s0] =	ssyncadd.tile.s32 @!p0 $0x1;
	_ =	shalt  }
.Lfunc_end2:
_tile_overlayer_lowered:
.L_overlay_start_2:
0x113: {  	(tag) =	ssettag $0x2  }
0x114: {  	s0 =	rddreg [dreg:$0x0];
	s2 =	stileid.u32  }
0x115: {  	s1 =	rddreg [dreg:$0x1];
	p0 =	sne.s32 s2, $0x0  }
0x116: {  	s3 =	rddreg [dreg:$0x2];
	[bflag:$0x3] =	sbarrier.arrive $0xFFFF;
	s2 =	simm.s32 @!p0 $0x1C01  }
0x117: {  	[timem:s3], [sflag:s2] =	dma.local @!p0 [hbm:s0], s1  }
0x118: {  	s0 =	simm.s32 @!p0 $0x1  }
0x119: {  	_ =	swait.ge @!p0 [sflag:s0], s1  }
0x11a: {  	s1 =	ssub.s32 @!p0 $0x0, s1;
	[sflag:s0] =	ssyncset.done @!p0 $0x0  }
0x11b: {  	[sflag:s0] =	ssyncadd.s32 @!p0 s1  }
0x11c: {  	[bflag:$0x3] =	sbarrier.arrive $0xFFFF  }
0x11d: {  	_ =	shalt  }

</sc_bundles>
